<compile_context>
chip_gen: v7x
topology: tpu7x:2x2x1
jax: 0.10.2.dev20260603
libtpu: 0.0.44.dev20260713+nightly
codegen_flags: <defaults>
</compile_context>

<pallas_src>
import functools
import math

import jax
import jax.numpy as jnp
from jax import lax
from jax.experimental import pallas as pl
from jax.experimental.pallas import tpu as pltpu
from jax.experimental.pallas import tpu_sc as plsc

VOCAB = 100000
D = 768
B = 4
S = 4096
N = B * S
SCALE = math.sqrt(float(D))

_info = plsc.get_sparse_core_info()
NC = _info.num_cores
NS = _info.num_subcores
NW = NC * NS
S_W = S // NW
R = 32
NCH = S_W // R
LANES = 16
JV = D // LANES


def _sc_embed(x_flat, table, pe_s):
    mesh = plsc.VectorSubcoreMesh(core_axis_name="c", subcore_axis_name="s")

    @functools.partial(
        pl.kernel,
        mesh=mesh,
        out_type=jax.ShapeDtypeStruct((N, D), jnp.float32),
        scratch_types=[
            pltpu.VMEM((B * S_W,), jnp.int32),
            pltpu.VMEM((2, R, D), jnp.float32),
            pltpu.VMEM((R, D), jnp.float32),
            pltpu.SemaphoreType.DMA,
            pltpu.SemaphoreType.DMA,
            pltpu.SemaphoreType.DMA,
        ],
    )
    def k(idx_hbm, table_hbm, pe_hbm, out_hbm,
          idx_v, rows_v, pe_v, g_sem, o0, o1):
        wid = lax.axis_index("s") * NC + lax.axis_index("c")
        sbase = wid * S_W
        o_sem = (o0, o1)

        def drain_out(par):
            pltpu.make_async_copy(
                rows_v.at[par], out_hbm.at[pl.ds(0, R)], o_sem[par]).wait()

        for b in range(B):
            pltpu.sync_copy(
                idx_hbm.at[pl.ds(b * S + sbase, S_W)],
                idx_v.at[pl.ds(b * S_W, S_W)])

        def chunk(sc, _):
            pltpu.sync_copy(pe_hbm.at[pl.ds(sbase + sc * R, R)], pe_v)
            for b in range(B):
                par = b % 2
                if b < 2:
                    pl.when(sc >= 1)(lambda par=par: drain_out(par))
                else:
                    drain_out(par)
                pltpu.async_copy(
                    table_hbm.at[idx_v.at[pl.ds(b * S_W + sc * R, R)]],
                    rows_v.at[par], g_sem).wait()

                def row(r, _, par=par):
                    for j in range(JV):
                        sl = pl.ds(j * LANES, LANES)
                        rows_v[par, r, sl] = (
                            rows_v[par, r, sl] * SCALE + pe_v[r, sl])
                    return 0

                lax.fori_loop(0, R, row, 0)
                pltpu.async_copy(
                    rows_v.at[par],
                    out_hbm.at[pl.ds(b * S + sbase + sc * R, R)], o_sem[par])
            return 0

        lax.fori_loop(0, NCH, chunk, 0)
        drain_out(0)
        drain_out(1)

    return k(x_flat, table, pe_s)


def kernel(x, table, pe):
    out = _sc_embed(x.reshape(N), table, pe[:S])
    return out.reshape(B, S, D)

# --- scband reference (transcript-rebuilt; emitter-appended) ---
"""Pipeline reference for scband-embeddings-52553219834240 (READ-ONLY COPY).

The authoritative reference and input builder live on the scoring server;
editing this copy changes nothing except your own understanding.
"""

import jax, jax.numpy as jnp
import numpy as np
import math

VOCAB = 100000
D_MODEL = 768
MAX_LEN = 5000
B = 4
S = 4096


def _make_pe():
    position = np.arange(0, MAX_LEN, dtype=np.float32)[:, None]
    div_term = np.exp(np.arange(0, D_MODEL, 2, dtype=np.float32) * (-math.log(10000.0) / D_MODEL))
    pe = np.zeros((MAX_LEN, D_MODEL), dtype=np.float32)
    pe[:, 0::2] = np.sin(position * div_term)
    pe[:, 1::2] = np.cos(position * div_term)
    return jnp.asarray(pe)


def setup_inputs(seed: int = 0) -> dict:
    key = jax.random.key(seed)
    k1, k2 = jax.random.split(key)
    x = jax.random.randint(k1, (B, S), 0, VOCAB, dtype=jnp.int32)
    table = jax.random.normal(k2, (VOCAB, D_MODEL), dtype=jnp.float32) * 0.02
    pe = _make_pe()
    return {"x": x, "table": table, "pe": pe}


def reference(x, table, pe):
    # token embedding lookup (gather) scaled by sqrt(d_model)
    emb = jnp.take(table, x, axis=0) * math.sqrt(D_MODEL)
    # add positional encoding for the first seq_len positions
    out = emb + pe[None, : x.shape[1], :]
    # dropout_rate = 0.0 -> identity
    return out

if __name__ == "__main__":
    import jax
    _d = setup_inputs()
    print(jax.jit(kernel)(*tuple(_d.values())))

</pallas_src>

<mosaic_0001>
#map = affine_map<(d0, d1) -> (0)>
#map1 = affine_map<(d0, d1) -> (0, 0)>
module attributes {stable_mosaic.version = 14 : i64} {
  func.func @k(%arg0: i32, %arg1: i32, %arg2: memref<16384xi32, #tpu.memory_space<hbm>>, %arg3: memref<100000x768xf32, #tpu.memory_space<hbm>>, %arg4: memref<4096x768xf32, #tpu.memory_space<hbm>>, %arg5: memref<16384x768xf32, #tpu.memory_space<hbm>>, %arg6: memref<512xi32, #tpu.memory_space<vmem>>, %arg7: memref<2x32x768xf32, #tpu.memory_space<vmem>>, %arg8: memref<32x768xf32, #tpu.memory_space<vmem>>, %arg9: memref<!tpu.dma_semaphore, #tpu.memory_space<semaphore_mem>>, %arg10: memref<!tpu.dma_semaphore, #tpu.memory_space<semaphore_mem>>, %arg11: memref<!tpu.dma_semaphore, #tpu.memory_space<semaphore_mem>>) attributes {dimension_semantics = [#tpu.dimension_semantics<core_parallel>, #tpu.dimension_semantics<subcore_parallel>], iteration_bounds = array<i64: 2, 16>, scalar_prefetch = 0 : i64, scratch_operands = 6 : i64, tpu.core_type = #tpu.core_type<sc_vector_subcore>, window_params = [{transform_indices = #map}, {transform_indices = #map1}, {transform_indices = #map1}, {transform_indices = #map1}]} {
    %mul3A = arith.constant 2 : i32
    %mul3A_0 = arith.muli %arg1, %mul3A : i32
    %add3A = arith.addi %mul3A_0, %arg0 : i32
    %mul3A_1 = arith.constant 128 : i32
    %mul3A_2 = arith.muli %add3A, %mul3A_1 : i32
    %add3A_3 = arith.constant 0 : i32
    %add3A_4 = arith.addi %add3A_3, %mul3A_2 : i32
    "tpu.region"() ({
      %run_scoped3A = tpu.sem_alloc : memref<!tpu.dma_semaphore, #tpu.memory_space<semaphore_mem>>
      %dma_start3A = arith.constant 0 : i32
      %dma_start3A_46 = tpu.memref_slice %arg6[%dma_start3A] : memref<512xi32, #tpu.memory_space<vmem>> -> memref<128xi32, #tpu.memory_space<vmem>>
      %dma_start3A_47 = tpu.memref_slice %arg2[%add3A_4] : memref<16384xi32, #tpu.memory_space<hbm>> -> memref<128xi32, #tpu.memory_space<hbm>>
      %dma_start3A_48 = arith.constant 0 : i32
      %dma_start3A_49 = tpu.memref_slice %arg6[%dma_start3A_48] : memref<512xi32, #tpu.memory_space<vmem>> -> memref<128xi32, #tpu.memory_space<vmem>>
      %dma_start3A_50 = tpu.memref_slice %arg2[%add3A_4] : memref<16384xi32, #tpu.memory_space<hbm>> -> memref<128xi32, #tpu.memory_space<hbm>>
      tpu.enqueue_dma source(%dma_start3A_50 : memref<128xi32, #tpu.memory_space<hbm>>) target(%dma_start3A_49 : memref<128xi32, #tpu.memory_space<vmem>>) target_semaphore(%run_scoped3A : memref<!tpu.dma_semaphore, #tpu.memory_space<semaphore_mem>>)
      %dma_wait3A_51 = arith.constant 0 : i32
      %dma_wait3A_52 = tpu.memref_slice %arg6[%dma_wait3A_51] : memref<512xi32, #tpu.memory_space<vmem>> -> memref<128xi32, #tpu.memory_space<vmem>>
      %dma_wait3A_53 = tpu.memref_slice %arg2[%add3A_4] : memref<16384xi32, #tpu.memory_space<hbm>> -> memref<128xi32, #tpu.memory_space<hbm>>
      %dma_wait3A_54 = arith.constant 0 : i32
      %dma_wait3A_55 = tpu.memref_slice %arg6[%dma_wait3A_54] : memref<512xi32, #tpu.memory_space<vmem>> -> memref<128xi32, #tpu.memory_space<vmem>>
      %dma_wait3A_56 = tpu.memref_slice %arg2[%add3A_4] : memref<16384xi32, #tpu.memory_space<hbm>> -> memref<128xi32, #tpu.memory_space<hbm>>
      tpu.wait_dma2 semaphore(%run_scoped3A : memref<!tpu.dma_semaphore, #tpu.memory_space<semaphore_mem>>) src(%dma_wait3A_56 : memref<128xi32, #tpu.memory_space<hbm>>) dst(%dma_wait3A_55 : memref<128xi32, #tpu.memory_space<vmem>>)
      tpu.yield
    }) : () -> ()
    %add3A_5 = arith.constant 4096 : i32
    %add3A_6 = arith.addi %add3A_5, %mul3A_2 : i32
    "tpu.region"() ({
      %run_scoped3A = tpu.sem_alloc : memref<!tpu.dma_semaphore, #tpu.memory_space<semaphore_mem>>
      %dma_start3A = arith.constant 128 : i32
      %dma_start3A_46 = tpu.memref_slice %arg6[%dma_start3A] : memref<512xi32, #tpu.memory_space<vmem>> -> memref<128xi32, #tpu.memory_space<vmem>>
      %dma_start3A_47 = tpu.memref_slice %arg2[%add3A_6] : memref<16384xi32, #tpu.memory_space<hbm>> -> memref<128xi32, #tpu.memory_space<hbm>>
      %dma_start3A_48 = arith.constant 128 : i32
      %dma_start3A_49 = tpu.memref_slice %arg6[%dma_start3A_48] : memref<512xi32, #tpu.memory_space<vmem>> -> memref<128xi32, #tpu.memory_space<vmem>>
      %dma_start3A_50 = tpu.memref_slice %arg2[%add3A_6] : memref<16384xi32, #tpu.memory_space<hbm>> -> memref<128xi32, #tpu.memory_space<hbm>>
      tpu.enqueue_dma source(%dma_start3A_50 : memref<128xi32, #tpu.memory_space<hbm>>) target(%dma_start3A_49 : memref<128xi32, #tpu.memory_space<vmem>>) target_semaphore(%run_scoped3A : memref<!tpu.dma_semaphore, #tpu.memory_space<semaphore_mem>>)
      %dma_wait3A_51 = arith.constant 128 : i32
      %dma_wait3A_52 = tpu.memref_slice %arg6[%dma_wait3A_51] : memref<512xi32, #tpu.memory_space<vmem>> -> memref<128xi32, #tpu.memory_space<vmem>>
      %dma_wait3A_53 = tpu.memref_slice %arg2[%add3A_6] : memref<16384xi32, #tpu.memory_space<hbm>> -> memref<128xi32, #tpu.memory_space<hbm>>
      %dma_wait3A_54 = arith.constant 128 : i32
      %dma_wait3A_55 = tpu.memref_slice %arg6[%dma_wait3A_54] : memref<512xi32, #tpu.memory_space<vmem>> -> memref<128xi32, #tpu.memory_space<vmem>>
      %dma_wait3A_56 = tpu.memref_slice %arg2[%add3A_6] : memref<16384xi32, #tpu.memory_space<hbm>> -> memref<128xi32, #tpu.memory_space<hbm>>
      tpu.wait_dma2 semaphore(%run_scoped3A : memref<!tpu.dma_semaphore, #tpu.memory_space<semaphore_mem>>) src(%dma_wait3A_56 : memref<128xi32, #tpu.memory_space<hbm>>) dst(%dma_wait3A_55 : memref<128xi32, #tpu.memory_space<vmem>>)
      tpu.yield
    }) : () -> ()
    %add3A_7 = arith.constant 8192 : i32
    %add3A_8 = arith.addi %add3A_7, %mul3A_2 : i32
    "tpu.region"() ({
      %run_scoped3A = tpu.sem_alloc : memref<!tpu.dma_semaphore, #tpu.memory_space<semaphore_mem>>
      %dma_start3A = arith.constant 256 : i32
      %dma_start3A_46 = tpu.memref_slice %arg6[%dma_start3A] : memref<512xi32, #tpu.memory_space<vmem>> -> memref<128xi32, #tpu.memory_space<vmem>>
      %dma_start3A_47 = tpu.memref_slice %arg2[%add3A_8] : memref<16384xi32, #tpu.memory_space<hbm>> -> memref<128xi32, #tpu.memory_space<hbm>>
      %dma_start3A_48 = arith.constant 256 : i32
      %dma_start3A_49 = tpu.memref_slice %arg6[%dma_start3A_48] : memref<512xi32, #tpu.memory_space<vmem>> -> memref<128xi32, #tpu.memory_space<vmem>>
      %dma_start3A_50 = tpu.memref_slice %arg2[%add3A_8] : memref<16384xi32, #tpu.memory_space<hbm>> -> memref<128xi32, #tpu.memory_space<hbm>>
      tpu.enqueue_dma source(%dma_start3A_50 : memref<128xi32, #tpu.memory_space<hbm>>) target(%dma_start3A_49 : memref<128xi32, #tpu.memory_space<vmem>>) target_semaphore(%run_scoped3A : memref<!tpu.dma_semaphore, #tpu.memory_space<semaphore_mem>>)
      %dma_wait3A_51 = arith.constant 256 : i32
      %dma_wait3A_52 = tpu.memref_slice %arg6[%dma_wait3A_51] : memref<512xi32, #tpu.memory_space<vmem>> -> memref<128xi32, #tpu.memory_space<vmem>>
      %dma_wait3A_53 = tpu.memref_slice %arg2[%add3A_8] : memref<16384xi32, #tpu.memory_space<hbm>> -> memref<128xi32, #tpu.memory_space<hbm>>
      %dma_wait3A_54 = arith.constant 256 : i32
      %dma_wait3A_55 = tpu.memref_slice %arg6[%dma_wait3A_54] : memref<512xi32, #tpu.memory_space<vmem>> -> memref<128xi32, #tpu.memory_space<vmem>>
      %dma_wait3A_56 = tpu.memref_slice %arg2[%add3A_8] : memref<16384xi32, #tpu.memory_space<hbm>> -> memref<128xi32, #tpu.memory_space<hbm>>
      tpu.wait_dma2 semaphore(%run_scoped3A : memref<!tpu.dma_semaphore, #tpu.memory_space<semaphore_mem>>) src(%dma_wait3A_56 : memref<128xi32, #tpu.memory_space<hbm>>) dst(%dma_wait3A_55 : memref<128xi32, #tpu.memory_space<vmem>>)
      tpu.yield
    }) : () -> ()
    %add3A_9 = arith.constant 12288 : i32
    %add3A_10 = arith.addi %add3A_9, %mul3A_2 : i32
    "tpu.region"() ({
      %run_scoped3A = tpu.sem_alloc : memref<!tpu.dma_semaphore, #tpu.memory_space<semaphore_mem>>
      %dma_start3A = arith.constant 384 : i32
      %dma_start3A_46 = tpu.memref_slice %arg6[%dma_start3A] : memref<512xi32, #tpu.memory_space<vmem>> -> memref<128xi32, #tpu.memory_space<vmem>>
      %dma_start3A_47 = tpu.memref_slice %arg2[%add3A_10] : memref<16384xi32, #tpu.memory_space<hbm>> -> memref<128xi32, #tpu.memory_space<hbm>>
      %dma_start3A_48 = arith.constant 384 : i32
      %dma_start3A_49 = tpu.memref_slice %arg6[%dma_start3A_48] : memref<512xi32, #tpu.memory_space<vmem>> -> memref<128xi32, #tpu.memory_space<vmem>>
      %dma_start3A_50 = tpu.memref_slice %arg2[%add3A_10] : memref<16384xi32, #tpu.memory_space<hbm>> -> memref<128xi32, #tpu.memory_space<hbm>>
      tpu.enqueue_dma source(%dma_start3A_50 : memref<128xi32, #tpu.memory_space<hbm>>) target(%dma_start3A_49 : memref<128xi32, #tpu.memory_space<vmem>>) target_semaphore(%run_scoped3A : memref<!tpu.dma_semaphore, #tpu.memory_space<semaphore_mem>>)
      %dma_wait3A_51 = arith.constant 384 : i32
      %dma_wait3A_52 = tpu.memref_slice %arg6[%dma_wait3A_51] : memref<512xi32, #tpu.memory_space<vmem>> -> memref<128xi32, #tpu.memory_space<vmem>>
      %dma_wait3A_53 = tpu.memref_slice %arg2[%add3A_10] : memref<16384xi32, #tpu.memory_space<hbm>> -> memref<128xi32, #tpu.memory_space<hbm>>
      %dma_wait3A_54 = arith.constant 384 : i32
      %dma_wait3A_55 = tpu.memref_slice %arg6[%dma_wait3A_54] : memref<512xi32, #tpu.memory_space<vmem>> -> memref<128xi32, #tpu.memory_space<vmem>>
      %dma_wait3A_56 = tpu.memref_slice %arg2[%add3A_10] : memref<16384xi32, #tpu.memory_space<hbm>> -> memref<128xi32, #tpu.memory_space<hbm>>
      tpu.wait_dma2 semaphore(%run_scoped3A : memref<!tpu.dma_semaphore, #tpu.memory_space<semaphore_mem>>) src(%dma_wait3A_56 : memref<128xi32, #tpu.memory_space<hbm>>) dst(%dma_wait3A_55 : memref<128xi32, #tpu.memory_space<vmem>>)
      tpu.yield
    }) : () -> ()
    %scan3A = arith.constant 0 : i32
    %scan3A_11 = arith.constant 0 : i32
    %scan3A_12 = arith.constant 4 : i32
    %scan3A_13 = arith.addi %scan3A_11, %scan3A_12 : i32
    %scan3A_14 = arith.constant 1 : i32
    %scan3A_15 = scf.for %scan3A_46 = %scan3A_11 to %scan3A_13 step %scan3A_14 iter_args(%scan3A_47 = %scan3A) -> (i32)  : i32 {
      %mul3A_48 = arith.constant 32 : i32
      %mul3A_49 = arith.muli %scan3A_46, %mul3A_48 : i32
      %add3A_50 = arith.addi %mul3A_2, %mul3A_49 : i32
      "tpu.region"() ({
        %run_scoped3A = tpu.sem_alloc : memref<!tpu.dma_semaphore, #tpu.memory_space<semaphore_mem>>
        %dma_start3A_276 = arith.constant 0 : i32
        %dma_start3A_277 = tpu.memref_slice %arg4[%add3A_50, %dma_start3A_276] : memref<4096x768xf32, #tpu.memory_space<hbm>> -> memref<32x768xf32, #tpu.memory_space<hbm>>
        %dma_start3A_278 = arith.constant 0 : i32
        %dma_start3A_279 = tpu.memref_slice %arg4[%add3A_50, %dma_start3A_278] : memref<4096x768xf32, #tpu.memory_space<hbm>> -> memref<32x768xf32, #tpu.memory_space<hbm>>
        tpu.enqueue_dma source(%dma_start3A_279 : memref<32x768xf32, #tpu.memory_space<hbm>>) target(%arg8 : memref<32x768xf32, #tpu.memory_space<vmem>>) target_semaphore(%run_scoped3A : memref<!tpu.dma_semaphore, #tpu.memory_space<semaphore_mem>>)
        %dma_wait3A_280 = arith.constant 0 : i32
        %dma_wait3A_281 = tpu.memref_slice %arg4[%add3A_50, %dma_wait3A_280] : memref<4096x768xf32, #tpu.memory_space<hbm>> -> memref<32x768xf32, #tpu.memory_space<hbm>>
        %dma_wait3A_282 = arith.constant 0 : i32
        %dma_wait3A_283 = tpu.memref_slice %arg4[%add3A_50, %dma_wait3A_282] : memref<4096x768xf32, #tpu.memory_space<hbm>> -> memref<32x768xf32, #tpu.memory_space<hbm>>
        tpu.wait_dma2 semaphore(%run_scoped3A : memref<!tpu.dma_semaphore, #tpu.memory_space<semaphore_mem>>) src(%dma_wait3A_283 : memref<32x768xf32, #tpu.memory_space<hbm>>) dst(%arg8 : memref<32x768xf32, #tpu.memory_space<vmem>>)
        tpu.yield
      }) : () -> ()
      %ge3A = arith.constant 1 : i32
      %ge3A_51 = arith.cmpi sge, %scan3A_46, %ge3A : i32
      %convert_element_type3A = arith.extui %ge3A_51 : i1 to i32
      %cond3A = arith.constant 0 : i32
      %cond3A_52 = arith.cmpi ne, %convert_element_type3A, %cond3A : i32
      scf.if %cond3A_52 {
        %dma_wait3A_276 = arith.constant 0 : i32
        %dma_wait3A_277 = arith.constant 0 : i32
        %dma_wait3A_278 = arith.constant 0 : i32
        %dma_wait3A_279 = tpu.memref_slice %arg7[%dma_wait3A_276, %dma_wait3A_277, %dma_wait3A_278] : memref<2x32x768xf32, #tpu.memory_space<vmem>> -> memref<1x32x768xf32, #tpu.memory_space<vmem>>
        %dma_wait3A_280 = tpu.memref_squeeze %dma_wait3A_279 : memref<1x32x768xf32, #tpu.memory_space<vmem>> -> memref<32x768xf32, #tpu.memory_space<vmem>>
        %dma_wait3A_281 = arith.constant 0 : i32
        %dma_wait3A_282 = arith.constant 0 : i32
        %dma_wait3A_283 = tpu.memref_slice %arg5[%dma_wait3A_281, %dma_wait3A_282] : memref<16384x768xf32, #tpu.memory_space<hbm>> -> memref<32x768xf32, #tpu.memory_space<hbm>>
        %dma_wait3A_284 = arith.constant 0 : i32
        %dma_wait3A_285 = arith.constant 0 : i32
        %dma_wait3A_286 = tpu.memref_slice %arg5[%dma_wait3A_284, %dma_wait3A_285] : memref<16384x768xf32, #tpu.memory_space<hbm>> -> memref<32x768xf32, #tpu.memory_space<hbm>>
        %dma_wait3A_287 = arith.constant 0 : i32
        %dma_wait3A_288 = arith.constant 0 : i32
        %dma_wait3A_289 = tpu.memref_slice %arg7[%dma_wait3A_276, %dma_wait3A_287, %dma_wait3A_288] : memref<2x32x768xf32, #tpu.memory_space<vmem>> -> memref<1x32x768xf32, #tpu.memory_space<vmem>>
        %dma_wait3A_290 = tpu.memref_squeeze %dma_wait3A_289 : memref<1x32x768xf32, #tpu.memory_space<vmem>> -> memref<32x768xf32, #tpu.memory_space<vmem>>
        tpu.wait_dma2 semaphore(%arg10 : memref<!tpu.dma_semaphore, #tpu.memory_space<semaphore_mem>>) src(%dma_wait3A_290 : memref<32x768xf32, #tpu.memory_space<vmem>>) dst(%dma_wait3A_286 : memref<32x768xf32, #tpu.memory_space<hbm>>)
      } else {
      }
      %mul3A_53 = arith.constant 32 : i32
      %mul3A_54 = arith.muli %scan3A_46, %mul3A_53 : i32
      %add3A_55 = arith.constant 0 : i32
      %add3A_56 = arith.addi %add3A_55, %mul3A_54 : i32
      %dma_start3A = arith.constant 0 : i32
      %dma_start3A_57 = arith.constant 0 : i32
      %dma_start3A_58 = arith.constant 0 : i32
      %dma_start3A_59 = tpu.memref_slice %arg7[%dma_start3A, %dma_start3A_57, %dma_start3A_58] : memref<2x32x768xf32, #tpu.memory_space<vmem>> -> memref<1x32x768xf32, #tpu.memory_space<vmem>>
      %dma_start3A_60 = tpu.memref_squeeze %dma_start3A_59 : memref<1x32x768xf32, #tpu.memory_space<vmem>> -> memref<32x768xf32, #tpu.memory_space<vmem>>
      %dma_start3A_61 = tpu.memref_slice %arg6[%add3A_56] : memref<512xi32, #tpu.memory_space<vmem>> -> memref<32xi32, #tpu.memory_space<vmem>>
      %dma_start3A_62 = arith.constant 0 : i32
      %dma_start3A_63 = arith.constant 0 : i32
      %dma_start3A_64 = tpu.memref_slice %arg3[%dma_start3A_62, %dma_start3A_63] : memref<100000x768xf32, #tpu.memory_space<hbm>> -> memref<100000x768xf32, #tpu.memory_space<hbm>>
      tpu.enqueue_indirect_dma source(%dma_start3A_64 : memref<100000x768xf32, #tpu.memory_space<hbm>>) target(%dma_start3A_60 : memref<32x768xf32, #tpu.memory_space<vmem>>) offsets(%dma_start3A_61 : memref<32xi32, #tpu.memory_space<vmem>>) semaphore(%arg9 : memref<!tpu.dma_semaphore, #tpu.memory_space<semaphore_mem>>)
      %dma_wait3A_65 = arith.constant 0 : i32
      %dma_wait3A_66 = arith.constant 0 : i32
      %dma_wait3A_67 = arith.constant 0 : i32
      %dma_wait3A_68 = tpu.memref_slice %arg7[%dma_wait3A_65, %dma_wait3A_66, %dma_wait3A_67] : memref<2x32x768xf32, #tpu.memory_space<vmem>> -> memref<1x32x768xf32, #tpu.memory_space<vmem>>
      %dma_wait3A_69 = tpu.memref_squeeze %dma_wait3A_68 : memref<1x32x768xf32, #tpu.memory_space<vmem>> -> memref<32x768xf32, #tpu.memory_space<vmem>>
      %dma_wait3A_70 = tpu.memref_slice %arg6[%add3A_56] : memref<512xi32, #tpu.memory_space<vmem>> -> memref<32xi32, #tpu.memory_space<vmem>>
      %dma_wait3A_71 = arith.constant 0 : i32
      %dma_wait3A_72 = arith.constant 0 : i32
      %dma_wait3A_73 = tpu.memref_slice %arg3[%dma_wait3A_71, %dma_wait3A_72] : memref<100000x768xf32, #tpu.memory_space<hbm>> -> memref<100000x768xf32, #tpu.memory_space<hbm>>
      tpu.wait_indirect_dma semaphore(%arg9 : memref<!tpu.dma_semaphore, #tpu.memory_space<semaphore_mem>>) src(%dma_wait3A_73 : memref<100000x768xf32, #tpu.memory_space<hbm>>) dst(%dma_wait3A_69 : memref<32x768xf32, #tpu.memory_space<vmem>>)
      %scan3A_74 = arith.constant 0 : i32
      %scan3A_75 = arith.constant 0 : i32
      %scan3A_76 = arith.constant 32 : i32
      %scan3A_77 = arith.addi %scan3A_75, %scan3A_76 : i32
      %scan3A_78 = arith.constant 1 : i32
      %scan3A_79 = scf.for %scan3A_276 = %scan3A_75 to %scan3A_77 step %scan3A_78 iter_args(%scan3A_277 = %scan3A_74) -> (i32)  : i32 {
        %get3A = arith.constant 0 : i32
        %get3A_278 = arith.index_cast %get3A : i32 to index
        %get3A_279 = arith.index_cast %scan3A_276 : i32 to index
        %get3A_280 = arith.constant 0 : index
        %get3A_281 = tpu.vector_load %arg7[%get3A_278, %get3A_279, %get3A_280] {strides = array<i32>} : memref<2x32x768xf32, #tpu.memory_space<vmem>>, vector<1x1x16xf32>,
        %get3A_282 = vector.shape_cast %get3A_281 : vector<1x1x16xf32> to vector<16xf32>
        %mul3A_283 = arith.constant 27.7128124 : f32
        %mul3A_284 = vector.broadcast %mul3A_283 : f32 to vector<16xf32>
        %mul3A_285 = arith.mulf %get3A_282, %mul3A_284 : vector<16xf32>
        %get3A_286 = arith.index_cast %scan3A_276 : i32 to index
        %get3A_287 = arith.constant 0 : index
        %get3A_288 = tpu.vector_load %arg8[%get3A_286, %get3A_287] {strides = array<i32>} : memref<32x768xf32, #tpu.memory_space<vmem>>, vector<1x16xf32>,
        %get3A_289 = vector.shape_cast %get3A_288 : vector<1x16xf32> to vector<16xf32>
        %add3A_290 = arith.addf %mul3A_285, %get3A_289 : vector<16xf32>
        %swap3A = arith.constant 0 : i32
        %swap3A_291 = arith.index_cast %swap3A : i32 to index
        %swap3A_292 = arith.index_cast %scan3A_276 : i32 to index
        %swap3A_293 = arith.constant 0 : index
        %swap3A_294 = tpu.vector_load %arg7[%swap3A_291, %swap3A_292, %swap3A_293] {strides = array<i32>} : memref<2x32x768xf32, #tpu.memory_space<vmem>>, vector<1x1x16xf32>,
        %swap3A_295 = vector.shape_cast %swap3A_294 : vector<1x1x16xf32> to vector<16xf32>
        %swap3A_296 = vector.shape_cast %add3A_290 : vector<16xf32> to vector<1x1x16xf32>
        tpu.vector_store %arg7[%swap3A_291, %swap3A_292, %swap3A_293], %swap3A_296 {strides = array<i32>} : memref<2x32x768xf32, #tpu.memory_space<vmem>>, vector<1x1x16xf32>,
        %get3A_297 = arith.constant 0 : i32
        %get3A_298 = arith.index_cast %get3A_297 : i32 to index
        %get3A_299 = arith.index_cast %scan3A_276 : i32 to index
        %get3A_300 = arith.constant 16 : index
        %get3A_301 = tpu.vector_load %arg7[%get3A_298, %get3A_299, %get3A_300] {strides = array<i32>} : memref<2x32x768xf32, #tpu.memory_space<vmem>>, vector<1x1x16xf32>,
        %get3A_302 = vector.shape_cast %get3A_301 : vector<1x1x16xf32> to vector<16xf32>
        %mul3A_303 = arith.constant 27.7128124 : f32
        %mul3A_304 = vector.broadcast %mul3A_303 : f32 to vector<16xf32>
        %mul3A_305 = arith.mulf %get3A_302, %mul3A_304 : vector<16xf32>
        %get3A_306 = arith.index_cast %scan3A_276 : i32 to index
        %get3A_307 = arith.constant 16 : index
        %get3A_308 = tpu.vector_load %arg8[%get3A_306, %get3A_307] {strides = array<i32>} : memref<32x768xf32, #tpu.memory_space<vmem>>, vector<1x16xf32>,
        %get3A_309 = vector.shape_cast %get3A_308 : vector<1x16xf32> to vector<16xf32>
        %add3A_310 = arith.addf %mul3A_305, %get3A_309 : vector<16xf32>
        %swap3A_311 = arith.constant 0 : i32
        %swap3A_312 = arith.index_cast %swap3A_311 : i32 to index
        %swap3A_313 = arith.index_cast %scan3A_276 : i32 to index
        %swap3A_314 = arith.constant 16 : index
        %swap3A_315 = tpu.vector_load %arg7[%swap3A_312, %swap3A_313, %swap3A_314] {strides = array<i32>} : memref<2x32x768xf32, #tpu.memory_space<vmem>>, vector<1x1x16xf32>,
        %swap3A_316 = vector.shape_cast %swap3A_315 : vector<1x1x16xf32> to vector<16xf32>
        %swap3A_317 = vector.shape_cast %add3A_310 : vector<16xf32> to vector<1x1x16xf32>
        tpu.vector_store %arg7[%swap3A_312, %swap3A_313, %swap3A_314], %swap3A_317 {strides = array<i32>} : memref<2x32x768xf32, #tpu.memory_space<vmem>>, vector<1x1x16xf32>,
        %get3A_318 = arith.constant 0 : i32
        %get3A_319 = arith.index_cast %get3A_318 : i32 to index
        %get3A_320 = arith.index_cast %scan3A_276 : i32 to index
        %get3A_321 = arith.constant 32 : index
        %get3A_322 = tpu.vector_load %arg7[%get3A_319, %get3A_320, %get3A_321] {strides = array<i32>} : memref<2x32x768xf32, #tpu.memory_space<vmem>>, vector<1x1x16xf32>,
        %get3A_323 = vector.shape_cast %get3A_322 : vector<1x1x16xf32> to vector<16xf32>
        %mul3A_324 = arith.constant 27.7128124 : f32
        %mul3A_325 = vector.broadcast %mul3A_324 : f32 to vector<16xf32>
        %mul3A_326 = arith.mulf %get3A_323, %mul3A_325 : vector<16xf32>
        %get3A_327 = arith.index_cast %scan3A_276 : i32 to index
        %get3A_328 = arith.constant 32 : index
        %get3A_329 = tpu.vector_load %arg8[%get3A_327, %get3A_328] {strides = array<i32>} : memref<32x768xf32, #tpu.memory_space<vmem>>, vector<1x16xf32>,
        %get3A_330 = vector.shape_cast %get3A_329 : vector<1x16xf32> to vector<16xf32>
        %add3A_331 = arith.addf %mul3A_326, %get3A_330 : vector<16xf32>
        %swap3A_332 = arith.constant 0 : i32
        %swap3A_333 = arith.index_cast %swap3A_332 : i32 to index
        %swap3A_334 = arith.index_cast %scan3A_276 : i32 to index
        %swap3A_335 = arith.constant 32 : index
        %swap3A_336 = tpu.vector_load %arg7[%swap3A_333, %swap3A_334, %swap3A_335] {strides = array<i32>} : memref<2x32x768xf32, #tpu.memory_space<vmem>>, vector<1x1x16xf32>,
        %swap3A_337 = vector.shape_cast %swap3A_336 : vector<1x1x16xf32> to vector<16xf32>
        %swap3A_338 = vector.shape_cast %add3A_331 : vector<16xf32> to vector<1x1x16xf32>
        tpu.vector_store %arg7[%swap3A_333, %swap3A_334, %swap3A_335], %swap3A_338 {strides = array<i32>} : memref<2x32x768xf32, #tpu.memory_space<vmem>>, vector<1x1x16xf32>,
        %get3A_339 = arith.constant 0 : i32
        %get3A_340 = arith.index_cast %get3A_339 : i32 to index
        %get3A_341 = arith.index_cast %scan3A_276 : i32 to index
        %get3A_342 = arith.constant 48 : index
        %get3A_343 = tpu.vector_load %arg7[%get3A_340, %get3A_341, %get3A_342] {strides = array<i32>} : memref<2x32x768xf32, #tpu.memory_space<vmem>>, vector<1x1x16xf32>,
        %get3A_344 = vector.shape_cast %get3A_343 : vector<1x1x16xf32> to vector<16xf32>
        %mul3A_345 = arith.constant 27.7128124 : f32
        %mul3A_346 = vector.broadcast %mul3A_345 : f32 to vector<16xf32>
        %mul3A_347 = arith.mulf %get3A_344, %mul3A_346 : vector<16xf32>
        %get3A_348 = arith.index_cast %scan3A_276 : i32 to index
        %get3A_349 = arith.constant 48 : index
        %get3A_350 = tpu.vector_load %arg8[%get3A_348, %get3A_349] {strides = array<i32>} : memref<32x768xf32, #tpu.memory_space<vmem>>, vector<1x16xf32>,
        %get3A_351 = vector.shape_cast %get3A_350 : vector<1x16xf32> to vector<16xf32>
        %add3A_352 = arith.addf %mul3A_347, %get3A_351 : vector<16xf32>
        %swap3A_353 = arith.constant 0 : i32
        %swap3A_354 = arith.index_cast %swap3A_353 : i32 to index
        %swap3A_355 = arith.index_cast %scan3A_276 : i32 to index
        %swap3A_356 = arith.constant 48 : index
        %swap3A_357 = tpu.vector_load %arg7[%swap3A_354, %swap3A_355, %swap3A_356] {strides = array<i32>} : memref<2x32x768xf32, #tpu.memory_space<vmem>>, vector<1x1x16xf32>,
        %swap3A_358 = vector.shape_cast %swap3A_357 : vector<1x1x16xf32> to vector<16xf32>
        %swap3A_359 = vector.shape_cast %add3A_352 : vector<16xf32> to vector<1x1x16xf32>
        tpu.vector_store %arg7[%swap3A_354, %swap3A_355, %swap3A_356], %swap3A_359 {strides = array<i32>} : memref<2x32x768xf32, #tpu.memory_space<vmem>>, vector<1x1x16xf32>,
        %get3A_360 = arith.constant 0 : i32
        %get3A_361 = arith.index_cast %get3A_360 : i32 to index
        %get3A_362 = arith.index_cast %scan3A_276 : i32 to index
        %get3A_363 = arith.constant 64 : index
        %get3A_364 = tpu.vector_load %arg7[%get3A_361, %get3A_362, %get3A_363] {strides = array<i32>} : memref<2x32x768xf32, #tpu.memory_space<vmem>>, vector<1x1x16xf32>,
        %get3A_365 = vector.shape_cast %get3A_364 : vector<1x1x16xf32> to vector<16xf32>
        %mul3A_366 = arith.constant 27.7128124 : f32
        %mul3A_367 = vector.broadcast %mul3A_366 : f32 to vector<16xf32>
        %mul3A_368 = arith.mulf %get3A_365, %mul3A_367 : vector<16xf32>
        %get3A_369 = arith.index_cast %scan3A_276 : i32 to index
        %get3A_370 = arith.constant 64 : index
        %get3A_371 = tpu.vector_load %arg8[%get3A_369, %get3A_370] {strides = array<i32>} : memref<32x768xf32, #tpu.memory_space<vmem>>, vector<1x16xf32>,
        %get3A_372 = vector.shape_cast %get3A_371 : vector<1x16xf32> to vector<16xf32>
        %add3A_373 = arith.addf %mul3A_368, %get3A_372 : vector<16xf32>
        %swap3A_374 = arith.constant 0 : i32
        %swap3A_375 = arith.index_cast %swap3A_374 : i32 to index
        %swap3A_376 = arith.index_cast %scan3A_276 : i32 to index
        %swap3A_377 = arith.constant 64 : index
        %swap3A_378 = tpu.vector_load %arg7[%swap3A_375, %swap3A_376, %swap3A_377] {strides = array<i32>} : memref<2x32x768xf32, #tpu.memory_space<vmem>>, vector<1x1x16xf32>,
        %swap3A_379 = vector.shape_cast %swap3A_378 : vector<1x1x16xf32> to vector<16xf32>
        %swap3A_380 = vector.shape_cast %add3A_373 : vector<16xf32> to vector<1x1x16xf32>
        tpu.vector_store %arg7[%swap3A_375, %swap3A_376, %swap3A_377], %swap3A_380 {strides = array<i32>} : memref<2x32x768xf32, #tpu.memory_space<vmem>>, vector<1x1x16xf32>,
        %get3A_381 = arith.constant 0 : i32
        %get3A_382 = arith.index_cast %get3A_381 : i32 to index
        %get3A_383 = arith.index_cast %scan3A_276 : i32 to index
        %get3A_384 = arith.constant 80 : index
        %get3A_385 = tpu.vector_load %arg7[%get3A_382, %get3A_383, %get3A_384] {strides = array<i32>} : memref<2x32x768xf32, #tpu.memory_space<vmem>>, vector<1x1x16xf32>,
        %get3A_386 = vector.shape_cast %get3A_385 : vector<1x1x16xf32> to vector<16xf32>
        %mul3A_387 = arith.constant 27.7128124 : f32
        %mul3A_388 = vector.broadcast %mul3A_387 : f32 to vector<16xf32>
        %mul3A_389 = arith.mulf %get3A_386, %mul3A_388 : vector<16xf32>
        %get3A_390 = arith.index_cast %scan3A_276 : i32 to index
        %get3A_391 = arith.constant 80 : index
        %get3A_392 = tpu.vector_load %arg8[%get3A_390, %get3A_391] {strides = array<i32>} : memref<32x768xf32, #tpu.memory_space<vmem>>, vector<1x16xf32>,
        %get3A_393 = vector.shape_cast %get3A_392 : vector<1x16xf32> to vector<16xf32>
        %add3A_394 = arith.addf %mul3A_389, %get3A_393 : vector<16xf32>
        %swap3A_395 = arith.constant 0 : i32
        %swap3A_396 = arith.index_cast %swap3A_395 : i32 to index
        %swap3A_397 = arith.index_cast %scan3A_276 : i32 to index
        %swap3A_398 = arith.constant 80 : index
        %swap3A_399 = tpu.vector_load %arg7[%swap3A_396, %swap3A_397, %swap3A_398] {strides = array<i32>} : memref<2x32x768xf32, #tpu.memory_space<vmem>>, vector<1x1x16xf32>,
        %swap3A_400 = vector.shape_cast %swap3A_399 : vector<1x1x16xf32> to vector<16xf32>
        %swap3A_401 = vector.shape_cast %add3A_394 : vector<16xf32> to vector<1x1x16xf32>
        tpu.vector_store %arg7[%swap3A_396, %swap3A_397, %swap3A_398], %swap3A_401 {strides = array<i32>} : memref<2x32x768xf32, #tpu.memory_space<vmem>>, vector<1x1x16xf32>,
        %get3A_402 = arith.constant 0 : i32
        %get3A_403 = arith.index_cast %get3A_402 : i32 to index
        %get3A_404 = arith.index_cast %scan3A_276 : i32 to index
        %get3A_405 = arith.constant 96 : index
        %get3A_406 = tpu.vector_load %arg7[%get3A_403, %get3A_404, %get3A_405] {strides = array<i32>} : memref<2x32x768xf32, #tpu.memory_space<vmem>>, vector<1x1x16xf32>,
        %get3A_407 = vector.shape_cast %get3A_406 : vector<1x1x16xf32> to vector<16xf32>
        %mul3A_408 = arith.constant 27.7128124 : f32
        %mul3A_409 = vector.broadcast %mul3A_408 : f32 to vector<16xf32>
        %mul3A_410 = arith.mulf %get3A_407, %mul3A_409 : vector<16xf32>
        %get3A_411 = arith.index_cast %scan3A_276 : i32 to index
        %get3A_412 = arith.constant 96 : index
        %get3A_413 = tpu.vector_load %arg8[%get3A_411, %get3A_412] {strides = array<i32>} : memref<32x768xf32, #tpu.memory_space<vmem>>, vector<1x16xf32>,
        %get3A_414 = vector.shape_cast %get3A_413 : vector<1x16xf32> to vector<16xf32>
        %add3A_415 = arith.addf %mul3A_410, %get3A_414 : vector<16xf32>
        %swap3A_416 = arith.constant 0 : i32
        %swap3A_417 = arith.index_cast %swap3A_416 : i32 to index
        %swap3A_418 = arith.index_cast %scan3A_276 : i32 to index
        %swap3A_419 = arith.constant 96 : index
        %swap3A_420 = tpu.vector_load %arg7[%swap3A_417, %swap3A_418, %swap3A_419] {strides = array<i32>} : memref<2x32x768xf32, #tpu.memory_space<vmem>>, vector<1x1x16xf32>,
        %swap3A_421 = vector.shape_cast %swap3A_420 : vector<1x1x16xf32> to vector<16xf32>
        %swap3A_422 = vector.shape_cast %add3A_415 : vector<16xf32> to vector<1x1x16xf32>
        tpu.vector_store %arg7[%swap3A_417, %swap3A_418, %swap3A_419], %swap3A_422 {strides = array<i32>} : memref<2x32x768xf32, #tpu.memory_space<vmem>>, vector<1x1x16xf32>,
        %get3A_423 = arith.constant 0 : i32
        %get3A_424 = arith.index_cast %get3A_423 : i32 to index
        %get3A_425 = arith.index_cast %scan3A_276 : i32 to index
        %get3A_426 = arith.constant 112 : index
        %get3A_427 = tpu.vector_load %arg7[%get3A_424, %get3A_425, %get3A_426] {strides = array<i32>} : memref<2x32x768xf32, #tpu.memory_space<vmem>>, vector<1x1x16xf32>,
        %get3A_428 = vector.shape_cast %get3A_427 : vector<1x1x16xf32> to vector<16xf32>
        %mul3A_429 = arith.constant 27.7128124 : f32
        %mul3A_430 = vector.broadcast %mul3A_429 : f32 to vector<16xf32>
        %mul3A_431 = arith.mulf %get3A_428, %mul3A_430 : vector<16xf32>
        %get3A_432 = arith.index_cast %scan3A_276 : i32 to index
        %get3A_433 = arith.constant 112 : index
        %get3A_434 = tpu.vector_load %arg8[%get3A_432, %get3A_433] {strides = array<i32>} : memref<32x768xf32, #tpu.memory_space<vmem>>, vector<1x16xf32>,
        %get3A_435 = vector.shape_cast %get3A_434 : vector<1x16xf32> to vector<16xf32>
        %add3A_436 = arith.addf %mul3A_431, %get3A_435 : vector<16xf32>
        %swap3A_437 = arith.constant 0 : i32
        %swap3A_438 = arith.index_cast %swap3A_437 : i32 to index
        %swap3A_439 = arith.index_cast %scan3A_276 : i32 to index
        %swap3A_440 = arith.constant 112 : index
        %swap3A_441 = tpu.vector_load %arg7[%swap3A_438, %swap3A_439, %swap3A_440] {strides = array<i32>} : memref<2x32x768xf32, #tpu.memory_space<vmem>>, vector<1x1x16xf32>,
        %swap3A_442 = vector.shape_cast %swap3A_441 : vector<1x1x16xf32> to vector<16xf32>
        %swap3A_443 = vector.shape_cast %add3A_436 : vector<16xf32> to vector<1x1x16xf32>
        tpu.vector_store %arg7[%swap3A_438, %swap3A_439, %swap3A_440], %swap3A_443 {strides = array<i32>} : memref<2x32x768xf32, #tpu.memory_space<vmem>>, vector<1x1x16xf32>,
        %get3A_444 = arith.constant 0 : i32
        %get3A_445 = arith.index_cast %get3A_444 : i32 to index
        %get3A_446 = arith.index_cast %scan3A_276 : i32 to index
        %get3A_447 = arith.constant 128 : index
        %get3A_448 = tpu.vector_load %arg7[%get3A_445, %get3A_446, %get3A_447] {strides = array<i32>} : memref<2x32x768xf32, #tpu.memory_space<vmem>>, vector<1x1x16xf32>,
        %get3A_449 = vector.shape_cast %get3A_448 : vector<1x1x16xf32> to vector<16xf32>
        %mul3A_450 = arith.constant 27.7128124 : f32
        %mul3A_451 = vector.broadcast %mul3A_450 : f32 to vector<16xf32>
        %mul3A_452 = arith.mulf %get3A_449, %mul3A_451 : vector<16xf32>
        %get3A_453 = arith.index_cast %scan3A_276 : i32 to index
        %get3A_454 = arith.constant 128 : index
        %get3A_455 = tpu.vector_load %arg8[%get3A_453, %get3A_454] {strides = array<i32>} : memref<32x768xf32, #tpu.memory_space<vmem>>, vector<1x16xf32>,
        %get3A_456 = vector.shape_cast %get3A_455 : vector<1x16xf32> to vector<16xf32>
        %add3A_457 = arith.addf %mul3A_452, %get3A_456 : vector<16xf32>
        %swap3A_458 = arith.constant 0 : i32
        %swap3A_459 = arith.index_cast %swap3A_458 : i32 to index
        %swap3A_460 = arith.index_cast %scan3A_276 : i32 to index
        %swap3A_461 = arith.constant 128 : index
        %swap3A_462 = tpu.vector_load %arg7[%swap3A_459, %swap3A_460, %swap3A_461] {strides = array<i32>} : memref<2x32x768xf32, #tpu.memory_space<vmem>>, vector<1x1x16xf32>,
        %swap3A_463 = vector.shape_cast %swap3A_462 : vector<1x1x16xf32> to vector<16xf32>
        %swap3A_464 = vector.shape_cast %add3A_457 : vector<16xf32> to vector<1x1x16xf32>
        tpu.vector_store %arg7[%swap3A_459, %swap3A_460, %swap3A_461], %swap3A_464 {strides = array<i32>} : memref<2x32x768xf32, #tpu.memory_space<vmem>>, vector<1x1x16xf32>,
        %get3A_465 = arith.constant 0 : i32
        %get3A_466 = arith.index_cast %get3A_465 : i32 to index
        %get3A_467 = arith.index_cast %scan3A_276 : i32 to index
        %get3A_468 = arith.constant 144 : index
        %get3A_469 = tpu.vector_load %arg7[%get3A_466, %get3A_467, %get3A_468] {strides = array<i32>} : memref<2x32x768xf32, #tpu.memory_space<vmem>>, vector<1x1x16xf32>,
        %get3A_470 = vector.shape_cast %get3A_469 : vector<1x1x16xf32> to vector<16xf32>
        %mul3A_471 = arith.constant 27.7128124 : f32
        %mul3A_472 = vector.broadcast %mul3A_471 : f32 to vector<16xf32>
        %mul3A_473 = arith.mulf %get3A_470, %mul3A_472 : vector<16xf32>
        %get3A_474 = arith.index_cast %scan3A_276 : i32 to index
        %get3A_475 = arith.constant 144 : index
        %get3A_476 = tpu.vector_load %arg8[%get3A_474, %get3A_475] {strides = array<i32>} : memref<32x768xf32, #tpu.memory_space<vmem>>, vector<1x16xf32>,
        %get3A_477 = vector.shape_cast %get3A_476 : vector<1x16xf32> to vector<16xf32>
        %add3A_478 = arith.addf %mul3A_473, %get3A_477 : vector<16xf32>
        %swap3A_479 = arith.constant 0 : i32
        %swap3A_480 = arith.index_cast %swap3A_479 : i32 to index
        %swap3A_481 = arith.index_cast %scan3A_276 : i32 to index
        %swap3A_482 = arith.constant 144 : index
        %swap3A_483 = tpu.vector_load %arg7[%swap3A_480, %swap3A_481, %swap3A_482] {strides = array<i32>} : memref<2x32x768xf32, #tpu.memory_space<vmem>>, vector<1x1x16xf32>,
        %swap3A_484 = vector.shape_cast %swap3A_483 : vector<1x1x16xf32> to vector<16xf32>
        %swap3A_485 = vector.shape_cast %add3A_478 : vector<16xf32> to vector<1x1x16xf32>
        tpu.vector_store %arg7[%swap3A_480, %swap3A_481, %swap3A_482], %swap3A_485 {strides = array<i32>} : memref<2x32x768xf32, #tpu.memory_space<vmem>>, vector<1x1x16xf32>,
        %get3A_486 = arith.constant 0 : i32
        %get3A_487 = arith.index_cast %get3A_486 : i32 to index
        %get3A_488 = arith.index_cast %scan3A_276 : i32 to index
        %get3A_489 = arith.constant 160 : index
        %get3A_490 = tpu.vector_load %arg7[%get3A_487, %get3A_488, %get3A_489] {strides = array<i32>} : memref<2x32x768xf32, #tpu.memory_space<vmem>>, vector<1x1x16xf32>,
        %get3A_491 = vector.shape_cast %get3A_490 : vector<1x1x16xf32> to vector<16xf32>
        %mul3A_492 = arith.constant 27.7128124 : f32
        %mul3A_493 = vector.broadcast %mul3A_492 : f32 to vector<16xf32>
        %mul3A_494 = arith.mulf %get3A_491, %mul3A_493 : vector<16xf32>
        %get3A_495 = arith.index_cast %scan3A_276 : i32 to index
        %get3A_496 = arith.constant 160 : index
        %get3A_497 = tpu.vector_load %arg8[%get3A_495, %get3A_496] {strides = array<i32>} : memref<32x768xf32, #tpu.memory_space<vmem>>, vector<1x16xf32>,
        %get3A_498 = vector.shape_cast %get3A_497 : vector<1x16xf32> to vector<16xf32>
        %add3A_499 = arith.addf %mul3A_494, %get3A_498 : vector<16xf32>
        %swap3A_500 = arith.constant 0 : i32
        %swap3A_501 = arith.index_cast %swap3A_500 : i32 to index
        %swap3A_502 = arith.index_cast %scan3A_276 : i32 to index
        %swap3A_503 = arith.constant 160 : index
        %swap3A_504 = tpu.vector_load %arg7[%swap3A_501, %swap3A_502, %swap3A_503] {strides = array<i32>} : memref<2x32x768xf32, #tpu.memory_space<vmem>>, vector<1x1x16xf32>,
        %swap3A_505 = vector.shape_cast %swap3A_504 : vector<1x1x16xf32> to vector<16xf32>
        %swap3A_506 = vector.shape_cast %add3A_499 : vector<16xf32> to vector<1x1x16xf32>
        tpu.vector_store %arg7[%swap3A_501, %swap3A_502, %swap3A_503], %swap3A_506 {strides = array<i32>} : memref<2x32x768xf32, #tpu.memory_space<vmem>>, vector<1x1x16xf32>,
        %get3A_507 = arith.constant 0 : i32
        %get3A_508 = arith.index_cast %get3A_507 : i32 to index
        %get3A_509 = arith.index_cast %scan3A_276 : i32 to index
        %get3A_510 = arith.constant 176 : index
        %get3A_511 = tpu.vector_load %arg7[%get3A_508, %get3A_509, %get3A_510] {strides = array<i32>} : memref<2x32x768xf32, #tpu.memory_space<vmem>>, vector<1x1x16xf32>,
        %get3A_512 = vector.shape_cast %get3A_511 : vector<1x1x16xf32> to vector<16xf32>
        %mul3A_513 = arith.constant 27.7128124 : f32
        %mul3A_514 = vector.broadcast %mul3A_513 : f32 to vector<16xf32>
        %mul3A_515 = arith.mulf %get3A_512, %mul3A_514 : vector<16xf32>
        %get3A_516 = arith.index_cast %scan3A_276 : i32 to index
        %get3A_517 = arith.constant 176 : index
        %get3A_518 = tpu.vector_load %arg8[%get3A_516, %get3A_517] {strides = array<i32>} : memref<32x768xf32, #tpu.memory_space<vmem>>, vector<1x16xf32>,
        %get3A_519 = vector.shape_cast %get3A_518 : vector<1x16xf32> to vector<16xf32>
        %add3A_520 = arith.addf %mul3A_515, %get3A_519 : vector<16xf32>
        %swap3A_521 = arith.constant 0 : i32
        %swap3A_522 = arith.index_cast %swap3A_521 : i32 to index
        %swap3A_523 = arith.index_cast %scan3A_276 : i32 to index
        %swap3A_524 = arith.constant 176 : index
        %swap3A_525 = tpu.vector_load %arg7[%swap3A_522, %swap3A_523, %swap3A_524] {strides = array<i32>} : memref<2x32x768xf32, #tpu.memory_space<vmem>>, vector<1x1x16xf32>,
        %swap3A_526 = vector.shape_cast %swap3A_525 : vector<1x1x16xf32> to vector<16xf32>
        %swap3A_527 = vector.shape_cast %add3A_520 : vector<16xf32> to vector<1x1x16xf32>
        tpu.vector_store %arg7[%swap3A_522, %swap3A_523, %swap3A_524], %swap3A_527 {strides = array<i32>} : memref<2x32x768xf32, #tpu.memory_space<vmem>>, vector<1x1x16xf32>,
        %get3A_528 = arith.constant 0 : i32
        %get3A_529 = arith.index_cast %get3A_528 : i32 to index
        %get3A_530 = arith.index_cast %scan3A_276 : i32 to index
        %get3A_531 = arith.constant 192 : index
        %get3A_532 = tpu.vector_load %arg7[%get3A_529, %get3A_530, %get3A_531] {strides = array<i32>} : memref<2x32x768xf32, #tpu.memory_space<vmem>>, vector<1x1x16xf32>,
        %get3A_533 = vector.shape_cast %get3A_532 : vector<1x1x16xf32> to vector<16xf32>
        %mul3A_534 = arith.constant 27.7128124 : f32
        %mul3A_535 = vector.broadcast %mul3A_534 : f32 to vector<16xf32>
        %mul3A_536 = arith.mulf %get3A_533, %mul3A_535 : vector<16xf32>
        %get3A_537 = arith.index_cast %scan3A_276 : i32 to index
        %get3A_538 = arith.constant 192 : index
        %get3A_539 = tpu.vector_load %arg8[%get3A_537, %get3A_538] {strides = array<i32>} : memref<32x768xf32, #tpu.memory_space<vmem>>, vector<1x16xf32>,
        %get3A_540 = vector.shape_cast %get3A_539 : vector<1x16xf32> to vector<16xf32>
        %add3A_541 = arith.addf %mul3A_536, %get3A_540 : vector<16xf32>
        %swap3A_542 = arith.constant 0 : i32
        %swap3A_543 = arith.index_cast %swap3A_542 : i32 to index
        %swap3A_544 = arith.index_cast %scan3A_276 : i32 to index
        %swap3A_545 = arith.constant 192 : index
        %swap3A_546 = tpu.vector_load %arg7[%swap3A_543, %swap3A_544, %swap3A_545] {strides = array<i32>} : memref<2x32x768xf32, #tpu.memory_space<vmem>>, vector<1x1x16xf32>,
        %swap3A_547 = vector.shape_cast %swap3A_546 : vector<1x1x16xf32> to vector<16xf32>
        %swap3A_548 = vector.shape_cast %add3A_541 : vector<16xf32> to vector<1x1x16xf32>
        tpu.vector_store %arg7[%swap3A_543, %swap3A_544, %swap3A_545], %swap3A_548 {strides = array<i32>} : memref<2x32x768xf32, #tpu.memory_space<vmem>>, vector<1x1x16xf32>,
        %get3A_549 = arith.constant 0 : i32
        %get3A_550 = arith.index_cast %get3A_549 : i32 to index
        %get3A_551 = arith.index_cast %scan3A_276 : i32 to index
        %get3A_552 = arith.constant 208 : index
        %get3A_553 = tpu.vector_load %arg7[%get3A_550, %get3A_551, %get3A_552] {strides = array<i32>} : memref<2x32x768xf32, #tpu.memory_space<vmem>>, vector<1x1x16xf32>,
        %get3A_554 = vector.shape_cast %get3A_553 : vector<1x1x16xf32> to vector<16xf32>
        %mul3A_555 = arith.constant 27.7128124 : f32
        %mul3A_556 = vector.broadcast %mul3A_555 : f32 to vector<16xf32>
        %mul3A_557 = arith.mulf %get3A_554, %mul3A_556 : vector<16xf32>
        %get3A_558 = arith.index_cast %scan3A_276 : i32 to index
        %get3A_559 = arith.constant 208 : index
        %get3A_560 = tpu.vector_load %arg8[%get3A_558, %get3A_559] {strides = array<i32>} : memref<32x768xf32, #tpu.memory_space<vmem>>, vector<1x16xf32>,
        %get3A_561 = vector.shape_cast %get3A_560 : vector<1x16xf32> to vector<16xf32>
        %add3A_562 = arith.addf %mul3A_557, %get3A_561 : vector<16xf32>
        %swap3A_563 = arith.constant 0 : i32
        %swap3A_564 = arith.index_cast %swap3A_563 : i32 to index
        %swap3A_565 = arith.index_cast %scan3A_276 : i32 to index
        %swap3A_566 = arith.constant 208 : index
        %swap3A_567 = tpu.vector_load %arg7[%swap3A_564, %swap3A_565, %swap3A_566] {strides = array<i32>} : memref<2x32x768xf32, #tpu.memory_space<vmem>>, vector<1x1x16xf32>,
        %swap3A_568 = vector.shape_cast %swap3A_567 : vector<1x1x16xf32> to vector<16xf32>
        %swap3A_569 = vector.shape_cast %add3A_562 : vector<16xf32> to vector<1x1x16xf32>
        tpu.vector_store %arg7[%swap3A_564, %swap3A_565, %swap3A_566], %swap3A_569 {strides = array<i32>} : memref<2x32x768xf32, #tpu.memory_space<vmem>>, vector<1x1x16xf32>,
        %get3A_570 = arith.constant 0 : i32
        %get3A_571 = arith.index_cast %get3A_570 : i32 to index
        %get3A_572 = arith.index_cast %scan3A_276 : i32 to index
        %get3A_573 = arith.constant 224 : index
        %get3A_574 = tpu.vector_load %arg7[%get3A_571, %get3A_572, %get3A_573] {strides = array<i32>} : memref<2x32x768xf32, #tpu.memory_space<vmem>>, vector<1x1x16xf32>,
        %get3A_575 = vector.shape_cast %get3A_574 : vector<1x1x16xf32> to vector<16xf32>
        %mul3A_576 = arith.constant 27.7128124 : f32
        %mul3A_577 = vector.broadcast %mul3A_576 : f32 to vector<16xf32>
        %mul3A_578 = arith.mulf %get3A_575, %mul3A_577 : vector<16xf32>
        %get3A_579 = arith.index_cast %scan3A_276 : i32 to index
        %get3A_580 = arith.constant 224 : index
        %get3A_581 = tpu.vector_load %arg8[%get3A_579, %get3A_580] {strides = array<i32>} : memref<32x768xf32, #tpu.memory_space<vmem>>, vector<1x16xf32>,
        %get3A_582 = vector.shape_cast %get3A_581 : vector<1x16xf32> to vector<16xf32>
        %add3A_583 = arith.addf %mul3A_578, %get3A_582 : vector<16xf32>
        %swap3A_584 = arith.constant 0 : i32
        %swap3A_585 = arith.index_cast %swap3A_584 : i32 to index
        %swap3A_586 = arith.index_cast %scan3A_276 : i32 to index
        %swap3A_587 = arith.constant 224 : index
        %swap3A_588 = tpu.vector_load %arg7[%swap3A_585, %swap3A_586, %swap3A_587] {strides = array<i32>} : memref<2x32x768xf32, #tpu.memory_space<vmem>>, vector<1x1x16xf32>,
        %swap3A_589 = vector.shape_cast %swap3A_588 : vector<1x1x16xf32> to vector<16xf32>
        %swap3A_590 = vector.shape_cast %add3A_583 : vector<16xf32> to vector<1x1x16xf32>
        tpu.vector_store %arg7[%swap3A_585, %swap3A_586, %swap3A_587], %swap3A_590 {strides = array<i32>} : memref<2x32x768xf32, #tpu.memory_space<vmem>>, vector<1x1x16xf32>,
        %get3A_591 = arith.constant 0 : i32
        %get3A_592 = arith.index_cast %get3A_591 : i32 to index
        %get3A_593 = arith.index_cast %scan3A_276 : i32 to index
        %get3A_594 = arith.constant 240 : index
        %get3A_595 = tpu.vector_load %arg7[%get3A_592, %get3A_593, %get3A_594] {strides = array<i32>} : memref<2x32x768xf32, #tpu.memory_space<vmem>>, vector<1x1x16xf32>,
        %get3A_596 = vector.shape_cast %get3A_595 : vector<1x1x16xf32> to vector<16xf32>
        %mul3A_597 = arith.constant 27.7128124 : f32
        %mul3A_598 = vector.broadcast %mul3A_597 : f32 to vector<16xf32>
        %mul3A_599 = arith.mulf %get3A_596, %mul3A_598 : vector<16xf32>
        %get3A_600 = arith.index_cast %scan3A_276 : i32 to index
        %get3A_601 = arith.constant 240 : index
        %get3A_602 = tpu.vector_load %arg8[%get3A_600, %get3A_601] {strides = array<i32>} : memref<32x768xf32, #tpu.memory_space<vmem>>, vector<1x16xf32>,
        %get3A_603 = vector.shape_cast %get3A_602 : vector<1x16xf32> to vector<16xf32>
        %add3A_604 = arith.addf %mul3A_599, %get3A_603 : vector<16xf32>
        %swap3A_605 = arith.constant 0 : i32
        %swap3A_606 = arith.index_cast %swap3A_605 : i32 to index
        %swap3A_607 = arith.index_cast %scan3A_276 : i32 to index
        %swap3A_608 = arith.constant 240 : index
        %swap3A_609 = tpu.vector_load %arg7[%swap3A_606, %swap3A_607, %swap3A_608] {strides = array<i32>} : memref<2x32x768xf32, #tpu.memory_space<vmem>>, vector<1x1x16xf32>,
        %swap3A_610 = vector.shape_cast %swap3A_609 : vector<1x1x16xf32> to vector<16xf32>
        %swap3A_611 = vector.shape_cast %add3A_604 : vector<16xf32> to vector<1x1x16xf32>
        tpu.vector_store %arg7[%swap3A_606, %swap3A_607, %swap3A_608], %swap3A_611 {strides = array<i32>} : memref<2x32x768xf32, #tpu.memory_space<vmem>>, vector<1x1x16xf32>,
        %get3A_612 = arith.constant 0 : i32
        %get3A_613 = arith.index_cast %get3A_612 : i32 to index
        %get3A_614 = arith.index_cast %scan3A_276 : i32 to index
        %get3A_615 = arith.constant 256 : index
        %get3A_616 = tpu.vector_load %arg7[%get3A_613, %get3A_614, %get3A_615] {strides = array<i32>} : memref<2x32x768xf32, #tpu.memory_space<vmem>>, vector<1x1x16xf32>,
        %get3A_617 = vector.shape_cast %get3A_616 : vector<1x1x16xf32> to vector<16xf32>
        %mul3A_618 = arith.constant 27.7128124 : f32
        %mul3A_619 = vector.broadcast %mul3A_618 : f32 to vector<16xf32>
        %mul3A_620 = arith.mulf %get3A_617, %mul3A_619 : vector<16xf32>
        %get3A_621 = arith.index_cast %scan3A_276 : i32 to index
        %get3A_622 = arith.constant 256 : index
        %get3A_623 = tpu.vector_load %arg8[%get3A_621, %get3A_622] {strides = array<i32>} : memref<32x768xf32, #tpu.memory_space<vmem>>, vector<1x16xf32>,
        %get3A_624 = vector.shape_cast %get3A_623 : vector<1x16xf32> to vector<16xf32>
        %add3A_625 = arith.addf %mul3A_620, %get3A_624 : vector<16xf32>
        %swap3A_626 = arith.constant 0 : i32
        %swap3A_627 = arith.index_cast %swap3A_626 : i32 to index
        %swap3A_628 = arith.index_cast %scan3A_276 : i32 to index
        %swap3A_629 = arith.constant 256 : index
        %swap3A_630 = tpu.vector_load %arg7[%swap3A_627, %swap3A_628, %swap3A_629] {strides = array<i32>} : memref<2x32x768xf32, #tpu.memory_space<vmem>>, vector<1x1x16xf32>,
        %swap3A_631 = vector.shape_cast %swap3A_630 : vector<1x1x16xf32> to vector<16xf32>
        %swap3A_632 = vector.shape_cast %add3A_625 : vector<16xf32> to vector<1x1x16xf32>
        tpu.vector_store %arg7[%swap3A_627, %swap3A_628, %swap3A_629], %swap3A_632 {strides = array<i32>} : memref<2x32x768xf32, #tpu.memory_space<vmem>>, vector<1x1x16xf32>,
        %get3A_633 = arith.constant 0 : i32
        %get3A_634 = arith.index_cast %get3A_633 : i32 to index
        %get3A_635 = arith.index_cast %scan3A_276 : i32 to index
        %get3A_636 = arith.constant 272 : index
        %get3A_637 = tpu.vector_load %arg7[%get3A_634, %get3A_635, %get3A_636] {strides = array<i32>} : memref<2x32x768xf32, #tpu.memory_space<vmem>>, vector<1x1x16xf32>,
        %get3A_638 = vector.shape_cast %get3A_637 : vector<1x1x16xf32> to vector<16xf32>
        %mul3A_639 = arith.constant 27.7128124 : f32
        %mul3A_640 = vector.broadcast %mul3A_639 : f32 to vector<16xf32>
        %mul3A_641 = arith.mulf %get3A_638, %mul3A_640 : vector<16xf32>
        %get3A_642 = arith.index_cast %scan3A_276 : i32 to index
        %get3A_643 = arith.constant 272 : index
        %get3A_644 = tpu.vector_load %arg8[%get3A_642, %get3A_643] {strides = array<i32>} : memref<32x768xf32, #tpu.memory_space<vmem>>, vector<1x16xf32>,
        %get3A_645 = vector.shape_cast %get3A_644 : vector<1x16xf32> to vector<16xf32>
        %add3A_646 = arith.addf %mul3A_641, %get3A_645 : vector<16xf32>
        %swap3A_647 = arith.constant 0 : i32
        %swap3A_648 = arith.index_cast %swap3A_647 : i32 to index
        %swap3A_649 = arith.index_cast %scan3A_276 : i32 to index
        %swap3A_650 = arith.constant 272 : index
        %swap3A_651 = tpu.vector_load %arg7[%swap3A_648, %swap3A_649, %swap3A_650] {strides = array<i32>} : memref<2x32x768xf32, #tpu.memory_space<vmem>>, vector<1x1x16xf32>,
        %swap3A_652 = vector.shape_cast %swap3A_651 : vector<1x1x16xf32> to vector<16xf32>
        %swap3A_653 = vector.shape_cast %add3A_646 : vector<16xf32> to vector<1x1x16xf32>
        tpu.vector_store %arg7[%swap3A_648, %swap3A_649, %swap3A_650], %swap3A_653 {strides = array<i32>} : memref<2x32x768xf32, #tpu.memory_space<vmem>>, vector<1x1x16xf32>,
        %get3A_654 = arith.constant 0 : i32
        %get3A_655 = arith.index_cast %get3A_654 : i32 to index
        %get3A_656 = arith.index_cast %scan3A_276 : i32 to index
        %get3A_657 = arith.constant 288 : index
        %get3A_658 = tpu.vector_load %arg7[%get3A_655, %get3A_656, %get3A_657] {strides = array<i32>} : memref<2x32x768xf32, #tpu.memory_space<vmem>>, vector<1x1x16xf32>,
        %get3A_659 = vector.shape_cast %get3A_658 : vector<1x1x16xf32> to vector<16xf32>
        %mul3A_660 = arith.constant 27.7128124 : f32
        %mul3A_661 = vector.broadcast %mul3A_660 : f32 to vector<16xf32>
        %mul3A_662 = arith.mulf %get3A_659, %mul3A_661 : vector<16xf32>
        %get3A_663 = arith.index_cast %scan3A_276 : i32 to index
        %get3A_664 = arith.constant 288 : index
        %get3A_665 = tpu.vector_load %arg8[%get3A_663, %get3A_664] {strides = array<i32>} : memref<32x768xf32, #tpu.memory_space<vmem>>, vector<1x16xf32>,
        %get3A_666 = vector.shape_cast %get3A_665 : vector<1x16xf32> to vector<16xf32>
        %add3A_667 = arith.addf %mul3A_662, %get3A_666 : vector<16xf32>
        %swap3A_668 = arith.constant 0 : i32
        %swap3A_669 = arith.index_cast %swap3A_668 : i32 to index
        %swap3A_670 = arith.index_cast %scan3A_276 : i32 to index
        %swap3A_671 = arith.constant 288 : index
        %swap3A_672 = tpu.vector_load %arg7[%swap3A_669, %swap3A_670, %swap3A_671] {strides = array<i32>} : memref<2x32x768xf32, #tpu.memory_space<vmem>>, vector<1x1x16xf32>,
        %swap3A_673 = vector.shape_cast %swap3A_672 : vector<1x1x16xf32> to vector<16xf32>
        %swap3A_674 = vector.shape_cast %add3A_667 : vector<16xf32> to vector<1x1x16xf32>
        tpu.vector_store %arg7[%swap3A_669, %swap3A_670, %swap3A_671], %swap3A_674 {strides = array<i32>} : memref<2x32x768xf32, #tpu.memory_space<vmem>>, vector<1x1x16xf32>,
        %get3A_675 = arith.constant 0 : i32
        %get3A_676 = arith.index_cast %get3A_675 : i32 to index
        %get3A_677 = arith.index_cast %scan3A_276 : i32 to index
        %get3A_678 = arith.constant 304 : index
        %get3A_679 = tpu.vector_load %arg7[%get3A_676, %get3A_677, %get3A_678] {strides = array<i32>} : memref<2x32x768xf32, #tpu.memory_space<vmem>>, vector<1x1x16xf32>,
        %get3A_680 = vector.shape_cast %get3A_679 : vector<1x1x16xf32> to vector<16xf32>
        %mul3A_681 = arith.constant 27.7128124 : f32
        %mul3A_682 = vector.broadcast %mul3A_681 : f32 to vector<16xf32>
        %mul3A_683 = arith.mulf %get3A_680, %mul3A_682 : vector<16xf32>
        %get3A_684 = arith.index_cast %scan3A_276 : i32 to index
        %get3A_685 = arith.constant 304 : index
        %get3A_686 = tpu.vector_load %arg8[%get3A_684, %get3A_685] {strides = array<i32>} : memref<32x768xf32, #tpu.memory_space<vmem>>, vector<1x16xf32>,
        %get3A_687 = vector.shape_cast %get3A_686 : vector<1x16xf32> to vector<16xf32>
        %add3A_688 = arith.addf %mul3A_683, %get3A_687 : vector<16xf32>
        %swap3A_689 = arith.constant 0 : i32
        %swap3A_690 = arith.index_cast %swap3A_689 : i32 to index
        %swap3A_691 = arith.index_cast %scan3A_276 : i32 to index
        %swap3A_692 = arith.constant 304 : index
        %swap3A_693 = tpu.vector_load %arg7[%swap3A_690, %swap3A_691, %swap3A_692] {strides = array<i32>} : memref<2x32x768xf32, #tpu.memory_space<vmem>>, vector<1x1x16xf32>,
        %swap3A_694 = vector.shape_cast %swap3A_693 : vector<1x1x16xf32> to vector<16xf32>
        %swap3A_695 = vector.shape_cast %add3A_688 : vector<16xf32> to vector<1x1x16xf32>
        tpu.vector_store %arg7[%swap3A_690, %swap3A_691, %swap3A_692], %swap3A_695 {strides = array<i32>} : memref<2x32x768xf32, #tpu.memory_space<vmem>>, vector<1x1x16xf32>,
        %get3A_696 = arith.constant 0 : i32
        %get3A_697 = arith.index_cast %get3A_696 : i32 to index
        %get3A_698 = arith.index_cast %scan3A_276 : i32 to index
        %get3A_699 = arith.constant 320 : index
        %get3A_700 = tpu.vector_load %arg7[%get3A_697, %get3A_698, %get3A_699] {strides = array<i32>} : memref<2x32x768xf32, #tpu.memory_space<vmem>>, vector<1x1x16xf32>,
        %get3A_701 = vector.shape_cast %get3A_700 : vector<1x1x16xf32> to vector<16xf32>
        %mul3A_702 = arith.constant 27.7128124 : f32
        %mul3A_703 = vector.broadcast %mul3A_702 : f32 to vector<16xf32>
        %mul3A_704 = arith.mulf %get3A_701, %mul3A_703 : vector<16xf32>
        %get3A_705 = arith.index_cast %scan3A_276 : i32 to index
        %get3A_706 = arith.constant 320 : index
        %get3A_707 = tpu.vector_load %arg8[%get3A_705, %get3A_706] {strides = array<i32>} : memref<32x768xf32, #tpu.memory_space<vmem>>, vector<1x16xf32>,
        %get3A_708 = vector.shape_cast %get3A_707 : vector<1x16xf32> to vector<16xf32>
        %add3A_709 = arith.addf %mul3A_704, %get3A_708 : vector<16xf32>
        %swap3A_710 = arith.constant 0 : i32
        %swap3A_711 = arith.index_cast %swap3A_710 : i32 to index
        %swap3A_712 = arith.index_cast %scan3A_276 : i32 to index
        %swap3A_713 = arith.constant 320 : index
        %swap3A_714 = tpu.vector_load %arg7[%swap3A_711, %swap3A_712, %swap3A_713] {strides = array<i32>} : memref<2x32x768xf32, #tpu.memory_space<vmem>>, vector<1x1x16xf32>,
        %swap3A_715 = vector.shape_cast %swap3A_714 : vector<1x1x16xf32> to vector<16xf32>
        %swap3A_716 = vector.shape_cast %add3A_709 : vector<16xf32> to vector<1x1x16xf32>
        tpu.vector_store %arg7[%swap3A_711, %swap3A_712, %swap3A_713], %swap3A_716 {strides = array<i32>} : memref<2x32x768xf32, #tpu.memory_space<vmem>>, vector<1x1x16xf32>,
        %get3A_717 = arith.constant 0 : i32
        %get3A_718 = arith.index_cast %get3A_717 : i32 to index
        %get3A_719 = arith.index_cast %scan3A_276 : i32 to index
        %get3A_720 = arith.constant 336 : index
        %get3A_721 = tpu.vector_load %arg7[%get3A_718, %get3A_719, %get3A_720] {strides = array<i32>} : memref<2x32x768xf32, #tpu.memory_space<vmem>>, vector<1x1x16xf32>,
        %get3A_722 = vector.shape_cast %get3A_721 : vector<1x1x16xf32> to vector<16xf32>
        %mul3A_723 = arith.constant 27.7128124 : f32
        %mul3A_724 = vector.broadcast %mul3A_723 : f32 to vector<16xf32>
        %mul3A_725 = arith.mulf %get3A_722, %mul3A_724 : vector<16xf32>
        %get3A_726 = arith.index_cast %scan3A_276 : i32 to index
        %get3A_727 = arith.constant 336 : index
        %get3A_728 = tpu.vector_load %arg8[%get3A_726, %get3A_727] {strides = array<i32>} : memref<32x768xf32, #tpu.memory_space<vmem>>, vector<1x16xf32>,
        %get3A_729 = vector.shape_cast %get3A_728 : vector<1x16xf32> to vector<16xf32>
        %add3A_730 = arith.addf %mul3A_725, %get3A_729 : vector<16xf32>
        %swap3A_731 = arith.constant 0 : i32
        %swap3A_732 = arith.index_cast %swap3A_731 : i32 to index
        %swap3A_733 = arith.index_cast %scan3A_276 : i32 to index
        %swap3A_734 = arith.constant 336 : index
        %swap3A_735 = tpu.vector_load %arg7[%swap3A_732, %swap3A_733, %swap3A_734] {strides = array<i32>} : memref<2x32x768xf32, #tpu.memory_space<vmem>>, vector<1x1x16xf32>,
        %swap3A_736 = vector.shape_cast %swap3A_735 : vector<1x1x16xf32> to vector<16xf32>
        %swap3A_737 = vector.shape_cast %add3A_730 : vector<16xf32> to vector<1x1x16xf32>
        tpu.vector_store %arg7[%swap3A_732, %swap3A_733, %swap3A_734], %swap3A_737 {strides = array<i32>} : memref<2x32x768xf32, #tpu.memory_space<vmem>>, vector<1x1x16xf32>,
        %get3A_738 = arith.constant 0 : i32
        %get3A_739 = arith.index_cast %get3A_738 : i32 to index
        %get3A_740 = arith.index_cast %scan3A_276 : i32 to index
        %get3A_741 = arith.constant 352 : index
        %get3A_742 = tpu.vector_load %arg7[%get3A_739, %get3A_740, %get3A_741] {strides = array<i32>} : memref<2x32x768xf32, #tpu.memory_space<vmem>>, vector<1x1x16xf32>,
        %get3A_743 = vector.shape_cast %get3A_742 : vector<1x1x16xf32> to vector<16xf32>
        %mul3A_744 = arith.constant 27.7128124 : f32
        %mul3A_745 = vector.broadcast %mul3A_744 : f32 to vector<16xf32>
        %mul3A_746 = arith.mulf %get3A_743, %mul3A_745 : vector<16xf32>
        %get3A_747 = arith.index_cast %scan3A_276 : i32 to index
        %get3A_748 = arith.constant 352 : index
        %get3A_749 = tpu.vector_load %arg8[%get3A_747, %get3A_748] {strides = array<i32>} : memref<32x768xf32, #tpu.memory_space<vmem>>, vector<1x16xf32>,
        %get3A_750 = vector.shape_cast %get3A_749 : vector<1x16xf32> to vector<16xf32>
        %add3A_751 = arith.addf %mul3A_746, %get3A_750 : vector<16xf32>
        %swap3A_752 = arith.constant 0 : i32
        %swap3A_753 = arith.index_cast %swap3A_752 : i32 to index
        %swap3A_754 = arith.index_cast %scan3A_276 : i32 to index
        %swap3A_755 = arith.constant 352 : index
        %swap3A_756 = tpu.vector_load %arg7[%swap3A_753, %swap3A_754, %swap3A_755] {strides = array<i32>} : memref<2x32x768xf32, #tpu.memory_space<vmem>>, vector<1x1x16xf32>,
        %swap3A_757 = vector.shape_cast %swap3A_756 : vector<1x1x16xf32> to vector<16xf32>
        %swap3A_758 = vector.shape_cast %add3A_751 : vector<16xf32> to vector<1x1x16xf32>
        tpu.vector_store %arg7[%swap3A_753, %swap3A_754, %swap3A_755], %swap3A_758 {strides = array<i32>} : memref<2x32x768xf32, #tpu.memory_space<vmem>>, vector<1x1x16xf32>,
        %get3A_759 = arith.constant 0 : i32
        %get3A_760 = arith.index_cast %get3A_759 : i32 to index
        %get3A_761 = arith.index_cast %scan3A_276 : i32 to index
        %get3A_762 = arith.constant 368 : index
        %get3A_763 = tpu.vector_load %arg7[%get3A_760, %get3A_761, %get3A_762] {strides = array<i32>} : memref<2x32x768xf32, #tpu.memory_space<vmem>>, vector<1x1x16xf32>,
        %get3A_764 = vector.shape_cast %get3A_763 : vector<1x1x16xf32> to vector<16xf32>
        %mul3A_765 = arith.constant 27.7128124 : f32
        %mul3A_766 = vector.broadcast %mul3A_765 : f32 to vector<16xf32>
        %mul3A_767 = arith.mulf %get3A_764, %mul3A_766 : vector<16xf32>
        %get3A_768 = arith.index_cast %scan3A_276 : i32 to index
        %get3A_769 = arith.constant 368 : index
        %get3A_770 = tpu.vector_load %arg8[%get3A_768, %get3A_769] {strides = array<i32>} : memref<32x768xf32, #tpu.memory_space<vmem>>, vector<1x16xf32>,
        %get3A_771 = vector.shape_cast %get3A_770 : vector<1x16xf32> to vector<16xf32>
        %add3A_772 = arith.addf %mul3A_767, %get3A_771 : vector<16xf32>
        %swap3A_773 = arith.constant 0 : i32
        %swap3A_774 = arith.index_cast %swap3A_773 : i32 to index
        %swap3A_775 = arith.index_cast %scan3A_276 : i32 to index
        %swap3A_776 = arith.constant 368 : index
        %swap3A_777 = tpu.vector_load %arg7[%swap3A_774, %swap3A_775, %swap3A_776] {strides = array<i32>} : memref<2x32x768xf32, #tpu.memory_space<vmem>>, vector<1x1x16xf32>,
        %swap3A_778 = vector.shape_cast %swap3A_777 : vector<1x1x16xf32> to vector<16xf32>
        %swap3A_779 = vector.shape_cast %add3A_772 : vector<16xf32> to vector<1x1x16xf32>
        tpu.vector_store %arg7[%swap3A_774, %swap3A_775, %swap3A_776], %swap3A_779 {strides = array<i32>} : memref<2x32x768xf32, #tpu.memory_space<vmem>>, vector<1x1x16xf32>,
        %get3A_780 = arith.constant 0 : i32
        %get3A_781 = arith.index_cast %get3A_780 : i32 to index
        %get3A_782 = arith.index_cast %scan3A_276 : i32 to index
        %get3A_783 = arith.constant 384 : index
        %get3A_784 = tpu.vector_load %arg7[%get3A_781, %get3A_782, %get3A_783] {strides = array<i32>} : memref<2x32x768xf32, #tpu.memory_space<vmem>>, vector<1x1x16xf32>,
        %get3A_785 = vector.shape_cast %get3A_784 : vector<1x1x16xf32> to vector<16xf32>
        %mul3A_786 = arith.constant 27.7128124 : f32
        %mul3A_787 = vector.broadcast %mul3A_786 : f32 to vector<16xf32>
        %mul3A_788 = arith.mulf %get3A_785, %mul3A_787 : vector<16xf32>
        %get3A_789 = arith.index_cast %scan3A_276 : i32 to index
        %get3A_790 = arith.constant 384 : index
        %get3A_791 = tpu.vector_load %arg8[%get3A_789, %get3A_790] {strides = array<i32>} : memref<32x768xf32, #tpu.memory_space<vmem>>, vector<1x16xf32>,
        %get3A_792 = vector.shape_cast %get3A_791 : vector<1x16xf32> to vector<16xf32>
        %add3A_793 = arith.addf %mul3A_788, %get3A_792 : vector<16xf32>
        %swap3A_794 = arith.constant 0 : i32
        %swap3A_795 = arith.index_cast %swap3A_794 : i32 to index
        %swap3A_796 = arith.index_cast %scan3A_276 : i32 to index
        %swap3A_797 = arith.constant 384 : index
        %swap3A_798 = tpu.vector_load %arg7[%swap3A_795, %swap3A_796, %swap3A_797] {strides = array<i32>} : memref<2x32x768xf32, #tpu.memory_space<vmem>>, vector<1x1x16xf32>,
        %swap3A_799 = vector.shape_cast %swap3A_798 : vector<1x1x16xf32> to vector<16xf32>
        %swap3A_800 = vector.shape_cast %add3A_793 : vector<16xf32> to vector<1x1x16xf32>
        tpu.vector_store %arg7[%swap3A_795, %swap3A_796, %swap3A_797], %swap3A_800 {strides = array<i32>} : memref<2x32x768xf32, #tpu.memory_space<vmem>>, vector<1x1x16xf32>,
        %get3A_801 = arith.constant 0 : i32
        %get3A_802 = arith.index_cast %get3A_801 : i32 to index
        %get3A_803 = arith.index_cast %scan3A_276 : i32 to index
        %get3A_804 = arith.constant 400 : index
        %get3A_805 = tpu.vector_load %arg7[%get3A_802, %get3A_803, %get3A_804] {strides = array<i32>} : memref<2x32x768xf32, #tpu.memory_space<vmem>>, vector<1x1x16xf32>,
        %get3A_806 = vector.shape_cast %get3A_805 : vector<1x1x16xf32> to vector<16xf32>
        %mul3A_807 = arith.constant 27.7128124 : f32
        %mul3A_808 = vector.broadcast %mul3A_807 : f32 to vector<16xf32>
        %mul3A_809 = arith.mulf %get3A_806, %mul3A_808 : vector<16xf32>
        %get3A_810 = arith.index_cast %scan3A_276 : i32 to index
        %get3A_811 = arith.constant 400 : index
        %get3A_812 = tpu.vector_load %arg8[%get3A_810, %get3A_811] {strides = array<i32>} : memref<32x768xf32, #tpu.memory_space<vmem>>, vector<1x16xf32>,
        %get3A_813 = vector.shape_cast %get3A_812 : vector<1x16xf32> to vector<16xf32>
        %add3A_814 = arith.addf %mul3A_809, %get3A_813 : vector<16xf32>
        %swap3A_815 = arith.constant 0 : i32
        %swap3A_816 = arith.index_cast %swap3A_815 : i32 to index
        %swap3A_817 = arith.index_cast %scan3A_276 : i32 to index
        %swap3A_818 = arith.constant 400 : index
        %swap3A_819 = tpu.vector_load %arg7[%swap3A_816, %swap3A_817, %swap3A_818] {strides = array<i32>} : memref<2x32x768xf32, #tpu.memory_space<vmem>>, vector<1x1x16xf32>,
        %swap3A_820 = vector.shape_cast %swap3A_819 : vector<1x1x16xf32> to vector<16xf32>
        %swap3A_821 = vector.shape_cast %add3A_814 : vector<16xf32> to vector<1x1x16xf32>
        tpu.vector_store %arg7[%swap3A_816, %swap3A_817, %swap3A_818], %swap3A_821 {strides = array<i32>} : memref<2x32x768xf32, #tpu.memory_space<vmem>>, vector<1x1x16xf32>,
        %get3A_822 = arith.constant 0 : i32
        %get3A_823 = arith.index_cast %get3A_822 : i32 to index
        %get3A_824 = arith.index_cast %scan3A_276 : i32 to index
        %get3A_825 = arith.constant 416 : index
        %get3A_826 = tpu.vector_load %arg7[%get3A_823, %get3A_824, %get3A_825] {strides = array<i32>} : memref<2x32x768xf32, #tpu.memory_space<vmem>>, vector<1x1x16xf32>,
        %get3A_827 = vector.shape_cast %get3A_826 : vector<1x1x16xf32> to vector<16xf32>
        %mul3A_828 = arith.constant 27.7128124 : f32
        %mul3A_829 = vector.broadcast %mul3A_828 : f32 to vector<16xf32>
        %mul3A_830 = arith.mulf %get3A_827, %mul3A_829 : vector<16xf32>
        %get3A_831 = arith.index_cast %scan3A_276 : i32 to index
        %get3A_832 = arith.constant 416 : index
        %get3A_833 = tpu.vector_load %arg8[%get3A_831, %get3A_832] {strides = array<i32>} : memref<32x768xf32, #tpu.memory_space<vmem>>, vector<1x16xf32>,
        %get3A_834 = vector.shape_cast %get3A_833 : vector<1x16xf32> to vector<16xf32>
        %add3A_835 = arith.addf %mul3A_830, %get3A_834 : vector<16xf32>
        %swap3A_836 = arith.constant 0 : i32
        %swap3A_837 = arith.index_cast %swap3A_836 : i32 to index
        %swap3A_838 = arith.index_cast %scan3A_276 : i32 to index
        %swap3A_839 = arith.constant 416 : index
        %swap3A_840 = tpu.vector_load %arg7[%swap3A_837, %swap3A_838, %swap3A_839] {strides = array<i32>} : memref<2x32x768xf32, #tpu.memory_space<vmem>>, vector<1x1x16xf32>,
        %swap3A_841 = vector.shape_cast %swap3A_840 : vector<1x1x16xf32> to vector<16xf32>
        %swap3A_842 = vector.shape_cast %add3A_835 : vector<16xf32> to vector<1x1x16xf32>
        tpu.vector_store %arg7[%swap3A_837, %swap3A_838, %swap3A_839], %swap3A_842 {strides = array<i32>} : memref<2x32x768xf32, #tpu.memory_space<vmem>>, vector<1x1x16xf32>,
        %get3A_843 = arith.constant 0 : i32
        %get3A_844 = arith.index_cast %get3A_843 : i32 to index
        %get3A_845 = arith.index_cast %scan3A_276 : i32 to index
        %get3A_846 = arith.constant 432 : index
        %get3A_847 = tpu.vector_load %arg7[%get3A_844, %get3A_845, %get3A_846] {strides = array<i32>} : memref<2x32x768xf32, #tpu.memory_space<vmem>>, vector<1x1x16xf32>,
        %get3A_848 = vector.shape_cast %get3A_847 : vector<1x1x16xf32> to vector<16xf32>
        %mul3A_849 = arith.constant 27.7128124 : f32
        %mul3A_850 = vector.broadcast %mul3A_849 : f32 to vector<16xf32>
        %mul3A_851 = arith.mulf %get3A_848, %mul3A_850 : vector<16xf32>
        %get3A_852 = arith.index_cast %scan3A_276 : i32 to index
        %get3A_853 = arith.constant 432 : index
        %get3A_854 = tpu.vector_load %arg8[%get3A_852, %get3A_853] {strides = array<i32>} : memref<32x768xf32, #tpu.memory_space<vmem>>, vector<1x16xf32>,
        %get3A_855 = vector.shape_cast %get3A_854 : vector<1x16xf32> to vector<16xf32>
        %add3A_856 = arith.addf %mul3A_851, %get3A_855 : vector<16xf32>
        %swap3A_857 = arith.constant 0 : i32
        %swap3A_858 = arith.index_cast %swap3A_857 : i32 to index
        %swap3A_859 = arith.index_cast %scan3A_276 : i32 to index
        %swap3A_860 = arith.constant 432 : index
        %swap3A_861 = tpu.vector_load %arg7[%swap3A_858, %swap3A_859, %swap3A_860] {strides = array<i32>} : memref<2x32x768xf32, #tpu.memory_space<vmem>>, vector<1x1x16xf32>,
        %swap3A_862 = vector.shape_cast %swap3A_861 : vector<1x1x16xf32> to vector<16xf32>
        %swap3A_863 = vector.shape_cast %add3A_856 : vector<16xf32> to vector<1x1x16xf32>
        tpu.vector_store %arg7[%swap3A_858, %swap3A_859, %swap3A_860], %swap3A_863 {strides = array<i32>} : memref<2x32x768xf32, #tpu.memory_space<vmem>>, vector<1x1x16xf32>,
        %get3A_864 = arith.constant 0 : i32
        %get3A_865 = arith.index_cast %get3A_864 : i32 to index
        %get3A_866 = arith.index_cast %scan3A_276 : i32 to index
        %get3A_867 = arith.constant 448 : index
        %get3A_868 = tpu.vector_load %arg7[%get3A_865, %get3A_866, %get3A_867] {strides = array<i32>} : memref<2x32x768xf32, #tpu.memory_space<vmem>>, vector<1x1x16xf32>,
        %get3A_869 = vector.shape_cast %get3A_868 : vector<1x1x16xf32> to vector<16xf32>
        %mul3A_870 = arith.constant 27.7128124 : f32
        %mul3A_871 = vector.broadcast %mul3A_870 : f32 to vector<16xf32>
        %mul3A_872 = arith.mulf %get3A_869, %mul3A_871 : vector<16xf32>
        %get3A_873 = arith.index_cast %scan3A_276 : i32 to index
        %get3A_874 = arith.constant 448 : index
        %get3A_875 = tpu.vector_load %arg8[%get3A_873, %get3A_874] {strides = array<i32>} : memref<32x768xf32, #tpu.memory_space<vmem>>, vector<1x16xf32>,
        %get3A_876 = vector.shape_cast %get3A_875 : vector<1x16xf32> to vector<16xf32>
        %add3A_877 = arith.addf %mul3A_872, %get3A_876 : vector<16xf32>
        %swap3A_878 = arith.constant 0 : i32
        %swap3A_879 = arith.index_cast %swap3A_878 : i32 to index
        %swap3A_880 = arith.index_cast %scan3A_276 : i32 to index
        %swap3A_881 = arith.constant 448 : index
        %swap3A_882 = tpu.vector_load %arg7[%swap3A_879, %swap3A_880, %swap3A_881] {strides = array<i32>} : memref<2x32x768xf32, #tpu.memory_space<vmem>>, vector<1x1x16xf32>,
        %swap3A_883 = vector.shape_cast %swap3A_882 : vector<1x1x16xf32> to vector<16xf32>
        %swap3A_884 = vector.shape_cast %add3A_877 : vector<16xf32> to vector<1x1x16xf32>
        tpu.vector_store %arg7[%swap3A_879, %swap3A_880, %swap3A_881], %swap3A_884 {strides = array<i32>} : memref<2x32x768xf32, #tpu.memory_space<vmem>>, vector<1x1x16xf32>,
        %get3A_885 = arith.constant 0 : i32
        %get3A_886 = arith.index_cast %get3A_885 : i32 to index
        %get3A_887 = arith.index_cast %scan3A_276 : i32 to index
        %get3A_888 = arith.constant 464 : index
        %get3A_889 = tpu.vector_load %arg7[%get3A_886, %get3A_887, %get3A_888] {strides = array<i32>} : memref<2x32x768xf32, #tpu.memory_space<vmem>>, vector<1x1x16xf32>,
        %get3A_890 = vector.shape_cast %get3A_889 : vector<1x1x16xf32> to vector<16xf32>
        %mul3A_891 = arith.constant 27.7128124 : f32
        %mul3A_892 = vector.broadcast %mul3A_891 : f32 to vector<16xf32>
        %mul3A_893 = arith.mulf %get3A_890, %mul3A_892 : vector<16xf32>
        %get3A_894 = arith.index_cast %scan3A_276 : i32 to index
        %get3A_895 = arith.constant 464 : index
        %get3A_896 = tpu.vector_load %arg8[%get3A_894, %get3A_895] {strides = array<i32>} : memref<32x768xf32, #tpu.memory_space<vmem>>, vector<1x16xf32>,
        %get3A_897 = vector.shape_cast %get3A_896 : vector<1x16xf32> to vector<16xf32>
        %add3A_898 = arith.addf %mul3A_893, %get3A_897 : vector<16xf32>
        %swap3A_899 = arith.constant 0 : i32
        %swap3A_900 = arith.index_cast %swap3A_899 : i32 to index
        %swap3A_901 = arith.index_cast %scan3A_276 : i32 to index
        %swap3A_902 = arith.constant 464 : index
        %swap3A_903 = tpu.vector_load %arg7[%swap3A_900, %swap3A_901, %swap3A_902] {strides = array<i32>} : memref<2x32x768xf32, #tpu.memory_space<vmem>>, vector<1x1x16xf32>,
        %swap3A_904 = vector.shape_cast %swap3A_903 : vector<1x1x16xf32> to vector<16xf32>
        %swap3A_905 = vector.shape_cast %add3A_898 : vector<16xf32> to vector<1x1x16xf32>
        tpu.vector_store %arg7[%swap3A_900, %swap3A_901, %swap3A_902], %swap3A_905 {strides = array<i32>} : memref<2x32x768xf32, #tpu.memory_space<vmem>>, vector<1x1x16xf32>,
        %get3A_906 = arith.constant 0 : i32
        %get3A_907 = arith.index_cast %get3A_906 : i32 to index
        %get3A_908 = arith.index_cast %scan3A_276 : i32 to index
        %get3A_909 = arith.constant 480 : index
        %get3A_910 = tpu.vector_load %arg7[%get3A_907, %get3A_908, %get3A_909] {strides = array<i32>} : memref<2x32x768xf32, #tpu.memory_space<vmem>>, vector<1x1x16xf32>,
        %get3A_911 = vector.shape_cast %get3A_910 : vector<1x1x16xf32> to vector<16xf32>
        %mul3A_912 = arith.constant 27.7128124 : f32
        %mul3A_913 = vector.broadcast %mul3A_912 : f32 to vector<16xf32>
        %mul3A_914 = arith.mulf %get3A_911, %mul3A_913 : vector<16xf32>
        %get3A_915 = arith.index_cast %scan3A_276 : i32 to index
        %get3A_916 = arith.constant 480 : index
        %get3A_917 = tpu.vector_load %arg8[%get3A_915, %get3A_916] {strides = array<i32>} : memref<32x768xf32, #tpu.memory_space<vmem>>, vector<1x16xf32>,
        %get3A_918 = vector.shape_cast %get3A_917 : vector<1x16xf32> to vector<16xf32>
        %add3A_919 = arith.addf %mul3A_914, %get3A_918 : vector<16xf32>
        %swap3A_920 = arith.constant 0 : i32
        %swap3A_921 = arith.index_cast %swap3A_920 : i32 to index
        %swap3A_922 = arith.index_cast %scan3A_276 : i32 to index
        %swap3A_923 = arith.constant 480 : index
        %swap3A_924 = tpu.vector_load %arg7[%swap3A_921, %swap3A_922, %swap3A_923] {strides = array<i32>} : memref<2x32x768xf32, #tpu.memory_space<vmem>>, vector<1x1x16xf32>,
        %swap3A_925 = vector.shape_cast %swap3A_924 : vector<1x1x16xf32> to vector<16xf32>
        %swap3A_926 = vector.shape_cast %add3A_919 : vector<16xf32> to vector<1x1x16xf32>
        tpu.vector_store %arg7[%swap3A_921, %swap3A_922, %swap3A_923], %swap3A_926 {strides = array<i32>} : memref<2x32x768xf32, #tpu.memory_space<vmem>>, vector<1x1x16xf32>,
        %get3A_927 = arith.constant 0 : i32
        %get3A_928 = arith.index_cast %get3A_927 : i32 to index
        %get3A_929 = arith.index_cast %scan3A_276 : i32 to index
        %get3A_930 = arith.constant 496 : index
        %get3A_931 = tpu.vector_load %arg7[%get3A_928, %get3A_929, %get3A_930] {strides = array<i32>} : memref<2x32x768xf32, #tpu.memory_space<vmem>>, vector<1x1x16xf32>,
        %get3A_932 = vector.shape_cast %get3A_931 : vector<1x1x16xf32> to vector<16xf32>
        %mul3A_933 = arith.constant 27.7128124 : f32
        %mul3A_934 = vector.broadcast %mul3A_933 : f32 to vector<16xf32>
        %mul3A_935 = arith.mulf %get3A_932, %mul3A_934 : vector<16xf32>
        %get3A_936 = arith.index_cast %scan3A_276 : i32 to index
        %get3A_937 = arith.constant 496 : index
        %get3A_938 = tpu.vector_load %arg8[%get3A_936, %get3A_937] {strides = array<i32>} : memref<32x768xf32, #tpu.memory_space<vmem>>, vector<1x16xf32>,
        %get3A_939 = vector.shape_cast %get3A_938 : vector<1x16xf32> to vector<16xf32>
        %add3A_940 = arith.addf %mul3A_935, %get3A_939 : vector<16xf32>
        %swap3A_941 = arith.constant 0 : i32
        %swap3A_942 = arith.index_cast %swap3A_941 : i32 to index
        %swap3A_943 = arith.index_cast %scan3A_276 : i32 to index
        %swap3A_944 = arith.constant 496 : index
        %swap3A_945 = tpu.vector_load %arg7[%swap3A_942, %swap3A_943, %swap3A_944] {strides = array<i32>} : memref<2x32x768xf32, #tpu.memory_space<vmem>>, vector<1x1x16xf32>,
        %swap3A_946 = vector.shape_cast %swap3A_945 : vector<1x1x16xf32> to vector<16xf32>
        %swap3A_947 = vector.shape_cast %add3A_940 : vector<16xf32> to vector<1x1x16xf32>
        tpu.vector_store %arg7[%swap3A_942, %swap3A_943, %swap3A_944], %swap3A_947 {strides = array<i32>} : memref<2x32x768xf32, #tpu.memory_space<vmem>>, vector<1x1x16xf32>,
        %get3A_948 = arith.constant 0 : i32
        %get3A_949 = arith.index_cast %get3A_948 : i32 to index
        %get3A_950 = arith.index_cast %scan3A_276 : i32 to index
        %get3A_951 = arith.constant 512 : index
        %get3A_952 = tpu.vector_load %arg7[%get3A_949, %get3A_950, %get3A_951] {strides = array<i32>} : memref<2x32x768xf32, #tpu.memory_space<vmem>>, vector<1x1x16xf32>,
        %get3A_953 = vector.shape_cast %get3A_952 : vector<1x1x16xf32> to vector<16xf32>
        %mul3A_954 = arith.constant 27.7128124 : f32
        %mul3A_955 = vector.broadcast %mul3A_954 : f32 to vector<16xf32>
        %mul3A_956 = arith.mulf %get3A_953, %mul3A_955 : vector<16xf32>
        %get3A_957 = arith.index_cast %scan3A_276 : i32 to index
        %get3A_958 = arith.constant 512 : index
        %get3A_959 = tpu.vector_load %arg8[%get3A_957, %get3A_958] {strides = array<i32>} : memref<32x768xf32, #tpu.memory_space<vmem>>, vector<1x16xf32>,
        %get3A_960 = vector.shape_cast %get3A_959 : vector<1x16xf32> to vector<16xf32>
        %add3A_961 = arith.addf %mul3A_956, %get3A_960 : vector<16xf32>
        %swap3A_962 = arith.constant 0 : i32
        %swap3A_963 = arith.index_cast %swap3A_962 : i32 to index
        %swap3A_964 = arith.index_cast %scan3A_276 : i32 to index
        %swap3A_965 = arith.constant 512 : index
        %swap3A_966 = tpu.vector_load %arg7[%swap3A_963, %swap3A_964, %swap3A_965] {strides = array<i32>} : memref<2x32x768xf32, #tpu.memory_space<vmem>>, vector<1x1x16xf32>,
        %swap3A_967 = vector.shape_cast %swap3A_966 : vector<1x1x16xf32> to vector<16xf32>
        %swap3A_968 = vector.shape_cast %add3A_961 : vector<16xf32> to vector<1x1x16xf32>
        tpu.vector_store %arg7[%swap3A_963, %swap3A_964, %swap3A_965], %swap3A_968 {strides = array<i32>} : memref<2x32x768xf32, #tpu.memory_space<vmem>>, vector<1x1x16xf32>,
        %get3A_969 = arith.constant 0 : i32
        %get3A_970 = arith.index_cast %get3A_969 : i32 to index
        %get3A_971 = arith.index_cast %scan3A_276 : i32 to index
        %get3A_972 = arith.constant 528 : index
        %get3A_973 = tpu.vector_load %arg7[%get3A_970, %get3A_971, %get3A_972] {strides = array<i32>} : memref<2x32x768xf32, #tpu.memory_space<vmem>>, vector<1x1x16xf32>,
        %get3A_974 = vector.shape_cast %get3A_973 : vector<1x1x16xf32> to vector<16xf32>
        %mul3A_975 = arith.constant 27.7128124 : f32
        %mul3A_976 = vector.broadcast %mul3A_975 : f32 to vector<16xf32>
        %mul3A_977 = arith.mulf %get3A_974, %mul3A_976 : vector<16xf32>
        %get3A_978 = arith.index_cast %scan3A_276 : i32 to index
        %get3A_979 = arith.constant 528 : index
        %get3A_980 = tpu.vector_load %arg8[%get3A_978, %get3A_979] {strides = array<i32>} : memref<32x768xf32, #tpu.memory_space<vmem>>, vector<1x16xf32>,
        %get3A_981 = vector.shape_cast %get3A_980 : vector<1x16xf32> to vector<16xf32>
        %add3A_982 = arith.addf %mul3A_977, %get3A_981 : vector<16xf32>
        %swap3A_983 = arith.constant 0 : i32
        %swap3A_984 = arith.index_cast %swap3A_983 : i32 to index
        %swap3A_985 = arith.index_cast %scan3A_276 : i32 to index
        %swap3A_986 = arith.constant 528 : index
        %swap3A_987 = tpu.vector_load %arg7[%swap3A_984, %swap3A_985, %swap3A_986] {strides = array<i32>} : memref<2x32x768xf32, #tpu.memory_space<vmem>>, vector<1x1x16xf32>,
        %swap3A_988 = vector.shape_cast %swap3A_987 : vector<1x1x16xf32> to vector<16xf32>
        %swap3A_989 = vector.shape_cast %add3A_982 : vector<16xf32> to vector<1x1x16xf32>
        tpu.vector_store %arg7[%swap3A_984, %swap3A_985, %swap3A_986], %swap3A_989 {strides = array<i32>} : memref<2x32x768xf32, #tpu.memory_space<vmem>>, vector<1x1x16xf32>,
        %get3A_990 = arith.constant 0 : i32
        %get3A_991 = arith.index_cast %get3A_990 : i32 to index
        %get3A_992 = arith.index_cast %scan3A_276 : i32 to index
        %get3A_993 = arith.constant 544 : index
        %get3A_994 = tpu.vector_load %arg7[%get3A_991, %get3A_992, %get3A_993] {strides = array<i32>} : memref<2x32x768xf32, #tpu.memory_space<vmem>>, vector<1x1x16xf32>,
        %get3A_995 = vector.shape_cast %get3A_994 : vector<1x1x16xf32> to vector<16xf32>
        %mul3A_996 = arith.constant 27.7128124 : f32
        %mul3A_997 = vector.broadcast %mul3A_996 : f32 to vector<16xf32>
        %mul3A_998 = arith.mulf %get3A_995, %mul3A_997 : vector<16xf32>
        %get3A_999 = arith.index_cast %scan3A_276 : i32 to index
        %get3A_1000 = arith.constant 544 : index
        %get3A_1001 = tpu.vector_load %arg8[%get3A_999, %get3A_1000] {strides = array<i32>} : memref<32x768xf32, #tpu.memory_space<vmem>>, vector<1x16xf32>,
        %get3A_1002 = vector.shape_cast %get3A_1001 : vector<1x16xf32> to vector<16xf32>
        %add3A_1003 = arith.addf %mul3A_998, %get3A_1002 : vector<16xf32>
        %swap3A_1004 = arith.constant 0 : i32
        %swap3A_1005 = arith.index_cast %swap3A_1004 : i32 to index
        %swap3A_1006 = arith.index_cast %scan3A_276 : i32 to index
        %swap3A_1007 = arith.constant 544 : index
        %swap3A_1008 = tpu.vector_load %arg7[%swap3A_1005, %swap3A_1006, %swap3A_1007] {strides = array<i32>} : memref<2x32x768xf32, #tpu.memory_space<vmem>>, vector<1x1x16xf32>,
        %swap3A_1009 = vector.shape_cast %swap3A_1008 : vector<1x1x16xf32> to vector<16xf32>
        %swap3A_1010 = vector.shape_cast %add3A_1003 : vector<16xf32> to vector<1x1x16xf32>
        tpu.vector_store %arg7[%swap3A_1005, %swap3A_1006, %swap3A_1007], %swap3A_1010 {strides = array<i32>} : memref<2x32x768xf32, #tpu.memory_space<vmem>>, vector<1x1x16xf32>,
        %get3A_1011 = arith.constant 0 : i32
        %get3A_1012 = arith.index_cast %get3A_1011 : i32 to index
        %get3A_1013 = arith.index_cast %scan3A_276 : i32 to index
        %get3A_1014 = arith.constant 560 : index
        %get3A_1015 = tpu.vector_load %arg7[%get3A_1012, %get3A_1013, %get3A_1014] {strides = array<i32>} : memref<2x32x768xf32, #tpu.memory_space<vmem>>, vector<1x1x16xf32>,
        %get3A_1016 = vector.shape_cast %get3A_1015 : vector<1x1x16xf32> to vector<16xf32>
        %mul3A_1017 = arith.constant 27.7128124 : f32
        %mul3A_1018 = vector.broadcast %mul3A_1017 : f32 to vector<16xf32>
        %mul3A_1019 = arith.mulf %get3A_1016, %mul3A_1018 : vector<16xf32>
        %get3A_1020 = arith.index_cast %scan3A_276 : i32 to index
        %get3A_1021 = arith.constant 560 : index
        %get3A_1022 = tpu.vector_load %arg8[%get3A_1020, %get3A_1021] {strides = array<i32>} : memref<32x768xf32, #tpu.memory_space<vmem>>, vector<1x16xf32>,
        %get3A_1023 = vector.shape_cast %get3A_1022 : vector<1x16xf32> to vector<16xf32>
        %add3A_1024 = arith.addf %mul3A_1019, %get3A_1023 : vector<16xf32>
        %swap3A_1025 = arith.constant 0 : i32
        %swap3A_1026 = arith.index_cast %swap3A_1025 : i32 to index
        %swap3A_1027 = arith.index_cast %scan3A_276 : i32 to index
        %swap3A_1028 = arith.constant 560 : index
        %swap3A_1029 = tpu.vector_load %arg7[%swap3A_1026, %swap3A_1027, %swap3A_1028] {strides = array<i32>} : memref<2x32x768xf32, #tpu.memory_space<vmem>>, vector<1x1x16xf32>,
        %swap3A_1030 = vector.shape_cast %swap3A_1029 : vector<1x1x16xf32> to vector<16xf32>
        %swap3A_1031 = vector.shape_cast %add3A_1024 : vector<16xf32> to vector<1x1x16xf32>
        tpu.vector_store %arg7[%swap3A_1026, %swap3A_1027, %swap3A_1028], %swap3A_1031 {strides = array<i32>} : memref<2x32x768xf32, #tpu.memory_space<vmem>>, vector<1x1x16xf32>,
        %get3A_1032 = arith.constant 0 : i32
        %get3A_1033 = arith.index_cast %get3A_1032 : i32 to index
        %get3A_1034 = arith.index_cast %scan3A_276 : i32 to index
        %get3A_1035 = arith.constant 576 : index
        %get3A_1036 = tpu.vector_load %arg7[%get3A_1033, %get3A_1034, %get3A_1035] {strides = array<i32>} : memref<2x32x768xf32, #tpu.memory_space<vmem>>, vector<1x1x16xf32>,
        %get3A_1037 = vector.shape_cast %get3A_1036 : vector<1x1x16xf32> to vector<16xf32>
        %mul3A_1038 = arith.constant 27.7128124 : f32
        %mul3A_1039 = vector.broadcast %mul3A_1038 : f32 to vector<16xf32>
        %mul3A_1040 = arith.mulf %get3A_1037, %mul3A_1039 : vector<16xf32>
        %get3A_1041 = arith.index_cast %scan3A_276 : i32 to index
        %get3A_1042 = arith.constant 576 : index
        %get3A_1043 = tpu.vector_load %arg8[%get3A_1041, %get3A_1042] {strides = array<i32>} : memref<32x768xf32, #tpu.memory_space<vmem>>, vector<1x16xf32>,
        %get3A_1044 = vector.shape_cast %get3A_1043 : vector<1x16xf32> to vector<16xf32>
        %add3A_1045 = arith.addf %mul3A_1040, %get3A_1044 : vector<16xf32>
        %swap3A_1046 = arith.constant 0 : i32
        %swap3A_1047 = arith.index_cast %swap3A_1046 : i32 to index
        %swap3A_1048 = arith.index_cast %scan3A_276 : i32 to index
        %swap3A_1049 = arith.constant 576 : index
        %swap3A_1050 = tpu.vector_load %arg7[%swap3A_1047, %swap3A_1048, %swap3A_1049] {strides = array<i32>} : memref<2x32x768xf32, #tpu.memory_space<vmem>>, vector<1x1x16xf32>,
        %swap3A_1051 = vector.shape_cast %swap3A_1050 : vector<1x1x16xf32> to vector<16xf32>
        %swap3A_1052 = vector.shape_cast %add3A_1045 : vector<16xf32> to vector<1x1x16xf32>
        tpu.vector_store %arg7[%swap3A_1047, %swap3A_1048, %swap3A_1049], %swap3A_1052 {strides = array<i32>} : memref<2x32x768xf32, #tpu.memory_space<vmem>>, vector<1x1x16xf32>,
        %get3A_1053 = arith.constant 0 : i32
        %get3A_1054 = arith.index_cast %get3A_1053 : i32 to index
        %get3A_1055 = arith.index_cast %scan3A_276 : i32 to index
        %get3A_1056 = arith.constant 592 : index
        %get3A_1057 = tpu.vector_load %arg7[%get3A_1054, %get3A_1055, %get3A_1056] {strides = array<i32>} : memref<2x32x768xf32, #tpu.memory_space<vmem>>, vector<1x1x16xf32>,
        %get3A_1058 = vector.shape_cast %get3A_1057 : vector<1x1x16xf32> to vector<16xf32>
        %mul3A_1059 = arith.constant 27.7128124 : f32
        %mul3A_1060 = vector.broadcast %mul3A_1059 : f32 to vector<16xf32>
        %mul3A_1061 = arith.mulf %get3A_1058, %mul3A_1060 : vector<16xf32>
        %get3A_1062 = arith.index_cast %scan3A_276 : i32 to index
        %get3A_1063 = arith.constant 592 : index
        %get3A_1064 = tpu.vector_load %arg8[%get3A_1062, %get3A_1063] {strides = array<i32>} : memref<32x768xf32, #tpu.memory_space<vmem>>, vector<1x16xf32>,
        %get3A_1065 = vector.shape_cast %get3A_1064 : vector<1x16xf32> to vector<16xf32>
        %add3A_1066 = arith.addf %mul3A_1061, %get3A_1065 : vector<16xf32>
        %swap3A_1067 = arith.constant 0 : i32
        %swap3A_1068 = arith.index_cast %swap3A_1067 : i32 to index
        %swap3A_1069 = arith.index_cast %scan3A_276 : i32 to index
        %swap3A_1070 = arith.constant 592 : index
        %swap3A_1071 = tpu.vector_load %arg7[%swap3A_1068, %swap3A_1069, %swap3A_1070] {strides = array<i32>} : memref<2x32x768xf32, #tpu.memory_space<vmem>>, vector<1x1x16xf32>,
        %swap3A_1072 = vector.shape_cast %swap3A_1071 : vector<1x1x16xf32> to vector<16xf32>
        %swap3A_1073 = vector.shape_cast %add3A_1066 : vector<16xf32> to vector<1x1x16xf32>
        tpu.vector_store %arg7[%swap3A_1068, %swap3A_1069, %swap3A_1070], %swap3A_1073 {strides = array<i32>} : memref<2x32x768xf32, #tpu.memory_space<vmem>>, vector<1x1x16xf32>,
        %get3A_1074 = arith.constant 0 : i32
        %get3A_1075 = arith.index_cast %get3A_1074 : i32 to index
        %get3A_1076 = arith.index_cast %scan3A_276 : i32 to index
        %get3A_1077 = arith.constant 608 : index
        %get3A_1078 = tpu.vector_load %arg7[%get3A_1075, %get3A_1076, %get3A_1077] {strides = array<i32>} : memref<2x32x768xf32, #tpu.memory_space<vmem>>, vector<1x1x16xf32>,
        %get3A_1079 = vector.shape_cast %get3A_1078 : vector<1x1x16xf32> to vector<16xf32>
        %mul3A_1080 = arith.constant 27.7128124 : f32
        %mul3A_1081 = vector.broadcast %mul3A_1080 : f32 to vector<16xf32>
        %mul3A_1082 = arith.mulf %get3A_1079, %mul3A_1081 : vector<16xf32>
        %get3A_1083 = arith.index_cast %scan3A_276 : i32 to index
        %get3A_1084 = arith.constant 608 : index
        %get3A_1085 = tpu.vector_load %arg8[%get3A_1083, %get3A_1084] {strides = array<i32>} : memref<32x768xf32, #tpu.memory_space<vmem>>, vector<1x16xf32>,
        %get3A_1086 = vector.shape_cast %get3A_1085 : vector<1x16xf32> to vector<16xf32>
        %add3A_1087 = arith.addf %mul3A_1082, %get3A_1086 : vector<16xf32>
        %swap3A_1088 = arith.constant 0 : i32
        %swap3A_1089 = arith.index_cast %swap3A_1088 : i32 to index
        %swap3A_1090 = arith.index_cast %scan3A_276 : i32 to index
        %swap3A_1091 = arith.constant 608 : index
        %swap3A_1092 = tpu.vector_load %arg7[%swap3A_1089, %swap3A_1090, %swap3A_1091] {strides = array<i32>} : memref<2x32x768xf32, #tpu.memory_space<vmem>>, vector<1x1x16xf32>,
        %swap3A_1093 = vector.shape_cast %swap3A_1092 : vector<1x1x16xf32> to vector<16xf32>
        %swap3A_1094 = vector.shape_cast %add3A_1087 : vector<16xf32> to vector<1x1x16xf32>
        tpu.vector_store %arg7[%swap3A_1089, %swap3A_1090, %swap3A_1091], %swap3A_1094 {strides = array<i32>} : memref<2x32x768xf32, #tpu.memory_space<vmem>>, vector<1x1x16xf32>,
        %get3A_1095 = arith.constant 0 : i32
        %get3A_1096 = arith.index_cast %get3A_1095 : i32 to index
        %get3A_1097 = arith.index_cast %scan3A_276 : i32 to index
        %get3A_1098 = arith.constant 624 : index
        %get3A_1099 = tpu.vector_load %arg7[%get3A_1096, %get3A_1097, %get3A_1098] {strides = array<i32>} : memref<2x32x768xf32, #tpu.memory_space<vmem>>, vector<1x1x16xf32>,
        %get3A_1100 = vector.shape_cast %get3A_1099 : vector<1x1x16xf32> to vector<16xf32>
        %mul3A_1101 = arith.constant 27.7128124 : f32
        %mul3A_1102 = vector.broadcast %mul3A_1101 : f32 to vector<16xf32>
        %mul3A_1103 = arith.mulf %get3A_1100, %mul3A_1102 : vector<16xf32>
        %get3A_1104 = arith.index_cast %scan3A_276 : i32 to index
        %get3A_1105 = arith.constant 624 : index
        %get3A_1106 = tpu.vector_load %arg8[%get3A_1104, %get3A_1105] {strides = array<i32>} : memref<32x768xf32, #tpu.memory_space<vmem>>, vector<1x16xf32>,
        %get3A_1107 = vector.shape_cast %get3A_1106 : vector<1x16xf32> to vector<16xf32>
        %add3A_1108 = arith.addf %mul3A_1103, %get3A_1107 : vector<16xf32>
        %swap3A_1109 = arith.constant 0 : i32
        %swap3A_1110 = arith.index_cast %swap3A_1109 : i32 to index
        %swap3A_1111 = arith.index_cast %scan3A_276 : i32 to index
        %swap3A_1112 = arith.constant 624 : index
        %swap3A_1113 = tpu.vector_load %arg7[%swap3A_1110, %swap3A_1111, %swap3A_1112] {strides = array<i32>} : memref<2x32x768xf32, #tpu.memory_space<vmem>>, vector<1x1x16xf32>,
        %swap3A_1114 = vector.shape_cast %swap3A_1113 : vector<1x1x16xf32> to vector<16xf32>
        %swap3A_1115 = vector.shape_cast %add3A_1108 : vector<16xf32> to vector<1x1x16xf32>
        tpu.vector_store %arg7[%swap3A_1110, %swap3A_1111, %swap3A_1112], %swap3A_1115 {strides = array<i32>} : memref<2x32x768xf32, #tpu.memory_space<vmem>>, vector<1x1x16xf32>,
        %get3A_1116 = arith.constant 0 : i32
        %get3A_1117 = arith.index_cast %get3A_1116 : i32 to index
        %get3A_1118 = arith.index_cast %scan3A_276 : i32 to index
        %get3A_1119 = arith.constant 640 : index
        %get3A_1120 = tpu.vector_load %arg7[%get3A_1117, %get3A_1118, %get3A_1119] {strides = array<i32>} : memref<2x32x768xf32, #tpu.memory_space<vmem>>, vector<1x1x16xf32>,
        %get3A_1121 = vector.shape_cast %get3A_1120 : vector<1x1x16xf32> to vector<16xf32>
        %mul3A_1122 = arith.constant 27.7128124 : f32
        %mul3A_1123 = vector.broadcast %mul3A_1122 : f32 to vector<16xf32>
        %mul3A_1124 = arith.mulf %get3A_1121, %mul3A_1123 : vector<16xf32>
        %get3A_1125 = arith.index_cast %scan3A_276 : i32 to index
        %get3A_1126 = arith.constant 640 : index
        %get3A_1127 = tpu.vector_load %arg8[%get3A_1125, %get3A_1126] {strides = array<i32>} : memref<32x768xf32, #tpu.memory_space<vmem>>, vector<1x16xf32>,
        %get3A_1128 = vector.shape_cast %get3A_1127 : vector<1x16xf32> to vector<16xf32>
        %add3A_1129 = arith.addf %mul3A_1124, %get3A_1128 : vector<16xf32>
        %swap3A_1130 = arith.constant 0 : i32
        %swap3A_1131 = arith.index_cast %swap3A_1130 : i32 to index
        %swap3A_1132 = arith.index_cast %scan3A_276 : i32 to index
        %swap3A_1133 = arith.constant 640 : index
        %swap3A_1134 = tpu.vector_load %arg7[%swap3A_1131, %swap3A_1132, %swap3A_1133] {strides = array<i32>} : memref<2x32x768xf32, #tpu.memory_space<vmem>>, vector<1x1x16xf32>,
        %swap3A_1135 = vector.shape_cast %swap3A_1134 : vector<1x1x16xf32> to vector<16xf32>
        %swap3A_1136 = vector.shape_cast %add3A_1129 : vector<16xf32> to vector<1x1x16xf32>
        tpu.vector_store %arg7[%swap3A_1131, %swap3A_1132, %swap3A_1133], %swap3A_1136 {strides = array<i32>} : memref<2x32x768xf32, #tpu.memory_space<vmem>>, vector<1x1x16xf32>,
        %get3A_1137 = arith.constant 0 : i32
        %get3A_1138 = arith.index_cast %get3A_1137 : i32 to index
        %get3A_1139 = arith.index_cast %scan3A_276 : i32 to index
        %get3A_1140 = arith.constant 656 : index
        %get3A_1141 = tpu.vector_load %arg7[%get3A_1138, %get3A_1139, %get3A_1140] {strides = array<i32>} : memref<2x32x768xf32, #tpu.memory_space<vmem>>, vector<1x1x16xf32>,
        %get3A_1142 = vector.shape_cast %get3A_1141 : vector<1x1x16xf32> to vector<16xf32>
        %mul3A_1143 = arith.constant 27.7128124 : f32
        %mul3A_1144 = vector.broadcast %mul3A_1143 : f32 to vector<16xf32>
        %mul3A_1145 = arith.mulf %get3A_1142, %mul3A_1144 : vector<16xf32>
        %get3A_1146 = arith.index_cast %scan3A_276 : i32 to index
        %get3A_1147 = arith.constant 656 : index
        %get3A_1148 = tpu.vector_load %arg8[%get3A_1146, %get3A_1147] {strides = array<i32>} : memref<32x768xf32, #tpu.memory_space<vmem>>, vector<1x16xf32>,
        %get3A_1149 = vector.shape_cast %get3A_1148 : vector<1x16xf32> to vector<16xf32>
        %add3A_1150 = arith.addf %mul3A_1145, %get3A_1149 : vector<16xf32>
        %swap3A_1151 = arith.constant 0 : i32
        %swap3A_1152 = arith.index_cast %swap3A_1151 : i32 to index
        %swap3A_1153 = arith.index_cast %scan3A_276 : i32 to index
        %swap3A_1154 = arith.constant 656 : index
        %swap3A_1155 = tpu.vector_load %arg7[%swap3A_1152, %swap3A_1153, %swap3A_1154] {strides = array<i32>} : memref<2x32x768xf32, #tpu.memory_space<vmem>>, vector<1x1x16xf32>,
        %swap3A_1156 = vector.shape_cast %swap3A_1155 : vector<1x1x16xf32> to vector<16xf32>
        %swap3A_1157 = vector.shape_cast %add3A_1150 : vector<16xf32> to vector<1x1x16xf32>
        tpu.vector_store %arg7[%swap3A_1152, %swap3A_1153, %swap3A_1154], %swap3A_1157 {strides = array<i32>} : memref<2x32x768xf32, #tpu.memory_space<vmem>>, vector<1x1x16xf32>,
        %get3A_1158 = arith.constant 0 : i32
        %get3A_1159 = arith.index_cast %get3A_1158 : i32 to index
        %get3A_1160 = arith.index_cast %scan3A_276 : i32 to index
        %get3A_1161 = arith.constant 672 : index
        %get3A_1162 = tpu.vector_load %arg7[%get3A_1159, %get3A_1160, %get3A_1161] {strides = array<i32>} : memref<2x32x768xf32, #tpu.memory_space<vmem>>, vector<1x1x16xf32>,
        %get3A_1163 = vector.shape_cast %get3A_1162 : vector<1x1x16xf32> to vector<16xf32>
        %mul3A_1164 = arith.constant 27.7128124 : f32
        %mul3A_1165 = vector.broadcast %mul3A_1164 : f32 to vector<16xf32>
        %mul3A_1166 = arith.mulf %get3A_1163, %mul3A_1165 : vector<16xf32>
        %get3A_1167 = arith.index_cast %scan3A_276 : i32 to index
        %get3A_1168 = arith.constant 672 : index
        %get3A_1169 = tpu.vector_load %arg8[%get3A_1167, %get3A_1168] {strides = array<i32>} : memref<32x768xf32, #tpu.memory_space<vmem>>, vector<1x16xf32>,
        %get3A_1170 = vector.shape_cast %get3A_1169 : vector<1x16xf32> to vector<16xf32>
        %add3A_1171 = arith.addf %mul3A_1166, %get3A_1170 : vector<16xf32>
        %swap3A_1172 = arith.constant 0 : i32
        %swap3A_1173 = arith.index_cast %swap3A_1172 : i32 to index
        %swap3A_1174 = arith.index_cast %scan3A_276 : i32 to index
        %swap3A_1175 = arith.constant 672 : index
        %swap3A_1176 = tpu.vector_load %arg7[%swap3A_1173, %swap3A_1174, %swap3A_1175] {strides = array<i32>} : memref<2x32x768xf32, #tpu.memory_space<vmem>>, vector<1x1x16xf32>,
        %swap3A_1177 = vector.shape_cast %swap3A_1176 : vector<1x1x16xf32> to vector<16xf32>
        %swap3A_1178 = vector.shape_cast %add3A_1171 : vector<16xf32> to vector<1x1x16xf32>
        tpu.vector_store %arg7[%swap3A_1173, %swap3A_1174, %swap3A_1175], %swap3A_1178 {strides = array<i32>} : memref<2x32x768xf32, #tpu.memory_space<vmem>>, vector<1x1x16xf32>,
        %get3A_1179 = arith.constant 0 : i32
        %get3A_1180 = arith.index_cast %get3A_1179 : i32 to index
        %get3A_1181 = arith.index_cast %scan3A_276 : i32 to index
        %get3A_1182 = arith.constant 688 : index
        %get3A_1183 = tpu.vector_load %arg7[%get3A_1180, %get3A_1181, %get3A_1182] {strides = array<i32>} : memref<2x32x768xf32, #tpu.memory_space<vmem>>, vector<1x1x16xf32>,
        %get3A_1184 = vector.shape_cast %get3A_1183 : vector<1x1x16xf32> to vector<16xf32>
        %mul3A_1185 = arith.constant 27.7128124 : f32
        %mul3A_1186 = vector.broadcast %mul3A_1185 : f32 to vector<16xf32>
        %mul3A_1187 = arith.mulf %get3A_1184, %mul3A_1186 : vector<16xf32>
        %get3A_1188 = arith.index_cast %scan3A_276 : i32 to index
        %get3A_1189 = arith.constant 688 : index
        %get3A_1190 = tpu.vector_load %arg8[%get3A_1188, %get3A_1189] {strides = array<i32>} : memref<32x768xf32, #tpu.memory_space<vmem>>, vector<1x16xf32>,
        %get3A_1191 = vector.shape_cast %get3A_1190 : vector<1x16xf32> to vector<16xf32>
        %add3A_1192 = arith.addf %mul3A_1187, %get3A_1191 : vector<16xf32>
        %swap3A_1193 = arith.constant 0 : i32
        %swap3A_1194 = arith.index_cast %swap3A_1193 : i32 to index
        %swap3A_1195 = arith.index_cast %scan3A_276 : i32 to index
        %swap3A_1196 = arith.constant 688 : index
        %swap3A_1197 = tpu.vector_load %arg7[%swap3A_1194, %swap3A_1195, %swap3A_1196] {strides = array<i32>} : memref<2x32x768xf32, #tpu.memory_space<vmem>>, vector<1x1x16xf32>,
        %swap3A_1198 = vector.shape_cast %swap3A_1197 : vector<1x1x16xf32> to vector<16xf32>
        %swap3A_1199 = vector.shape_cast %add3A_1192 : vector<16xf32> to vector<1x1x16xf32>
        tpu.vector_store %arg7[%swap3A_1194, %swap3A_1195, %swap3A_1196], %swap3A_1199 {strides = array<i32>} : memref<2x32x768xf32, #tpu.memory_space<vmem>>, vector<1x1x16xf32>,
        %get3A_1200 = arith.constant 0 : i32
        %get3A_1201 = arith.index_cast %get3A_1200 : i32 to index
        %get3A_1202 = arith.index_cast %scan3A_276 : i32 to index
        %get3A_1203 = arith.constant 704 : index
        %get3A_1204 = tpu.vector_load %arg7[%get3A_1201, %get3A_1202, %get3A_1203] {strides = array<i32>} : memref<2x32x768xf32, #tpu.memory_space<vmem>>, vector<1x1x16xf32>,
        %get3A_1205 = vector.shape_cast %get3A_1204 : vector<1x1x16xf32> to vector<16xf32>
        %mul3A_1206 = arith.constant 27.7128124 : f32
        %mul3A_1207 = vector.broadcast %mul3A_1206 : f32 to vector<16xf32>
        %mul3A_1208 = arith.mulf %get3A_1205, %mul3A_1207 : vector<16xf32>
        %get3A_1209 = arith.index_cast %scan3A_276 : i32 to index
        %get3A_1210 = arith.constant 704 : index
        %get3A_1211 = tpu.vector_load %arg8[%get3A_1209, %get3A_1210] {strides = array<i32>} : memref<32x768xf32, #tpu.memory_space<vmem>>, vector<1x16xf32>,
        %get3A_1212 = vector.shape_cast %get3A_1211 : vector<1x16xf32> to vector<16xf32>
        %add3A_1213 = arith.addf %mul3A_1208, %get3A_1212 : vector<16xf32>
        %swap3A_1214 = arith.constant 0 : i32
        %swap3A_1215 = arith.index_cast %swap3A_1214 : i32 to index
        %swap3A_1216 = arith.index_cast %scan3A_276 : i32 to index
        %swap3A_1217 = arith.constant 704 : index
        %swap3A_1218 = tpu.vector_load %arg7[%swap3A_1215, %swap3A_1216, %swap3A_1217] {strides = array<i32>} : memref<2x32x768xf32, #tpu.memory_space<vmem>>, vector<1x1x16xf32>,
        %swap3A_1219 = vector.shape_cast %swap3A_1218 : vector<1x1x16xf32> to vector<16xf32>
        %swap3A_1220 = vector.shape_cast %add3A_1213 : vector<16xf32> to vector<1x1x16xf32>
        tpu.vector_store %arg7[%swap3A_1215, %swap3A_1216, %swap3A_1217], %swap3A_1220 {strides = array<i32>} : memref<2x32x768xf32, #tpu.memory_space<vmem>>, vector<1x1x16xf32>,
        %get3A_1221 = arith.constant 0 : i32
        %get3A_1222 = arith.index_cast %get3A_1221 : i32 to index
        %get3A_1223 = arith.index_cast %scan3A_276 : i32 to index
        %get3A_1224 = arith.constant 720 : index
        %get3A_1225 = tpu.vector_load %arg7[%get3A_1222, %get3A_1223, %get3A_1224] {strides = array<i32>} : memref<2x32x768xf32, #tpu.memory_space<vmem>>, vector<1x1x16xf32>,
        %get3A_1226 = vector.shape_cast %get3A_1225 : vector<1x1x16xf32> to vector<16xf32>
        %mul3A_1227 = arith.constant 27.7128124 : f32
        %mul3A_1228 = vector.broadcast %mul3A_1227 : f32 to vector<16xf32>
        %mul3A_1229 = arith.mulf %get3A_1226, %mul3A_1228 : vector<16xf32>
        %get3A_1230 = arith.index_cast %scan3A_276 : i32 to index
        %get3A_1231 = arith.constant 720 : index
        %get3A_1232 = tpu.vector_load %arg8[%get3A_1230, %get3A_1231] {strides = array<i32>} : memref<32x768xf32, #tpu.memory_space<vmem>>, vector<1x16xf32>,
        %get3A_1233 = vector.shape_cast %get3A_1232 : vector<1x16xf32> to vector<16xf32>
        %add3A_1234 = arith.addf %mul3A_1229, %get3A_1233 : vector<16xf32>
        %swap3A_1235 = arith.constant 0 : i32
        %swap3A_1236 = arith.index_cast %swap3A_1235 : i32 to index
        %swap3A_1237 = arith.index_cast %scan3A_276 : i32 to index
        %swap3A_1238 = arith.constant 720 : index
        %swap3A_1239 = tpu.vector_load %arg7[%swap3A_1236, %swap3A_1237, %swap3A_1238] {strides = array<i32>} : memref<2x32x768xf32, #tpu.memory_space<vmem>>, vector<1x1x16xf32>,
        %swap3A_1240 = vector.shape_cast %swap3A_1239 : vector<1x1x16xf32> to vector<16xf32>
        %swap3A_1241 = vector.shape_cast %add3A_1234 : vector<16xf32> to vector<1x1x16xf32>
        tpu.vector_store %arg7[%swap3A_1236, %swap3A_1237, %swap3A_1238], %swap3A_1241 {strides = array<i32>} : memref<2x32x768xf32, #tpu.memory_space<vmem>>, vector<1x1x16xf32>,
        %get3A_1242 = arith.constant 0 : i32
        %get3A_1243 = arith.index_cast %get3A_1242 : i32 to index
        %get3A_1244 = arith.index_cast %scan3A_276 : i32 to index
        %get3A_1245 = arith.constant 736 : index
        %get3A_1246 = tpu.vector_load %arg7[%get3A_1243, %get3A_1244, %get3A_1245] {strides = array<i32>} : memref<2x32x768xf32, #tpu.memory_space<vmem>>, vector<1x1x16xf32>,
        %get3A_1247 = vector.shape_cast %get3A_1246 : vector<1x1x16xf32> to vector<16xf32>
        %mul3A_1248 = arith.constant 27.7128124 : f32
        %mul3A_1249 = vector.broadcast %mul3A_1248 : f32 to vector<16xf32>
        %mul3A_1250 = arith.mulf %get3A_1247, %mul3A_1249 : vector<16xf32>
        %get3A_1251 = arith.index_cast %scan3A_276 : i32 to index
        %get3A_1252 = arith.constant 736 : index
        %get3A_1253 = tpu.vector_load %arg8[%get3A_1251, %get3A_1252] {strides = array<i32>} : memref<32x768xf32, #tpu.memory_space<vmem>>, vector<1x16xf32>,
        %get3A_1254 = vector.shape_cast %get3A_1253 : vector<1x16xf32> to vector<16xf32>
        %add3A_1255 = arith.addf %mul3A_1250, %get3A_1254 : vector<16xf32>
        %swap3A_1256 = arith.constant 0 : i32
        %swap3A_1257 = arith.index_cast %swap3A_1256 : i32 to index
        %swap3A_1258 = arith.index_cast %scan3A_276 : i32 to index
        %swap3A_1259 = arith.constant 736 : index
        %swap3A_1260 = tpu.vector_load %arg7[%swap3A_1257, %swap3A_1258, %swap3A_1259] {strides = array<i32>} : memref<2x32x768xf32, #tpu.memory_space<vmem>>, vector<1x1x16xf32>,
        %swap3A_1261 = vector.shape_cast %swap3A_1260 : vector<1x1x16xf32> to vector<16xf32>
        %swap3A_1262 = vector.shape_cast %add3A_1255 : vector<16xf32> to vector<1x1x16xf32>
        tpu.vector_store %arg7[%swap3A_1257, %swap3A_1258, %swap3A_1259], %swap3A_1262 {strides = array<i32>} : memref<2x32x768xf32, #tpu.memory_space<vmem>>, vector<1x1x16xf32>,
        %get3A_1263 = arith.constant 0 : i32
        %get3A_1264 = arith.index_cast %get3A_1263 : i32 to index
        %get3A_1265 = arith.index_cast %scan3A_276 : i32 to index
        %get3A_1266 = arith.constant 752 : index
        %get3A_1267 = tpu.vector_load %arg7[%get3A_1264, %get3A_1265, %get3A_1266] {strides = array<i32>} : memref<2x32x768xf32, #tpu.memory_space<vmem>>, vector<1x1x16xf32>,
        %get3A_1268 = vector.shape_cast %get3A_1267 : vector<1x1x16xf32> to vector<16xf32>
        %mul3A_1269 = arith.constant 27.7128124 : f32
        %mul3A_1270 = vector.broadcast %mul3A_1269 : f32 to vector<16xf32>
        %mul3A_1271 = arith.mulf %get3A_1268, %mul3A_1270 : vector<16xf32>
        %get3A_1272 = arith.index_cast %scan3A_276 : i32 to index
        %get3A_1273 = arith.constant 752 : index
        %get3A_1274 = tpu.vector_load %arg8[%get3A_1272, %get3A_1273] {strides = array<i32>} : memref<32x768xf32, #tpu.memory_space<vmem>>, vector<1x16xf32>,
        %get3A_1275 = vector.shape_cast %get3A_1274 : vector<1x16xf32> to vector<16xf32>
        %add3A_1276 = arith.addf %mul3A_1271, %get3A_1275 : vector<16xf32>
        %swap3A_1277 = arith.constant 0 : i32
        %swap3A_1278 = arith.index_cast %swap3A_1277 : i32 to index
        %swap3A_1279 = arith.index_cast %scan3A_276 : i32 to index
        %swap3A_1280 = arith.constant 752 : index
        %swap3A_1281 = tpu.vector_load %arg7[%swap3A_1278, %swap3A_1279, %swap3A_1280] {strides = array<i32>} : memref<2x32x768xf32, #tpu.memory_space<vmem>>, vector<1x1x16xf32>,
        %swap3A_1282 = vector.shape_cast %swap3A_1281 : vector<1x1x16xf32> to vector<16xf32>
        %swap3A_1283 = vector.shape_cast %add3A_1276 : vector<16xf32> to vector<1x1x16xf32>
        tpu.vector_store %arg7[%swap3A_1278, %swap3A_1279, %swap3A_1280], %swap3A_1283 {strides = array<i32>} : memref<2x32x768xf32, #tpu.memory_space<vmem>>, vector<1x1x16xf32>,
        %scan3A_1284 = arith.constant 0 : i32
        scf.yield %scan3A_1284 : i32
      }
      %scan3A_80 = arith.constant 32 : i32
      %add3A_81 = arith.constant 0 : i32
      %add3A_82 = arith.addi %add3A_81, %mul3A_2 : i32
      %mul3A_83 = arith.constant 32 : i32
      %mul3A_84 = arith.muli %scan3A_46, %mul3A_83 : i32
      %add3A_85 = arith.addi %add3A_82, %mul3A_84 : i32
      %dma_start3A_86 = arith.constant 0 : i32
      %dma_start3A_87 = arith.constant 0 : i32
      %dma_start3A_88 = arith.constant 0 : i32
      %dma_start3A_89 = tpu.memref_slice %arg7[%dma_start3A_86, %dma_start3A_87, %dma_start3A_88] : memref<2x32x768xf32, #tpu.memory_space<vmem>> -> memref<1x32x768xf32, #tpu.memory_space<vmem>>
      %dma_start3A_90 = tpu.memref_squeeze %dma_start3A_89 : memref<1x32x768xf32, #tpu.memory_space<vmem>> -> memref<32x768xf32, #tpu.memory_space<vmem>>
      %dma_start3A_91 = arith.constant 0 : i32
      %dma_start3A_92 = tpu.memref_slice %arg5[%add3A_85, %dma_start3A_91] : memref<16384x768xf32, #tpu.memory_space<hbm>> -> memref<32x768xf32, #tpu.memory_space<hbm>>
      %dma_start3A_93 = arith.constant 0 : i32
      %dma_start3A_94 = tpu.memref_slice %arg5[%add3A_85, %dma_start3A_93] : memref<16384x768xf32, #tpu.memory_space<hbm>> -> memref<32x768xf32, #tpu.memory_space<hbm>>
      %dma_start3A_95 = arith.constant 0 : i32
      %dma_start3A_96 = arith.constant 0 : i32
      %dma_start3A_97 = tpu.memref_slice %arg7[%dma_start3A_86, %dma_start3A_95, %dma_start3A_96] : memref<2x32x768xf32, #tpu.memory_space<vmem>> -> memref<1x32x768xf32, #tpu.memory_space<vmem>>
      %dma_start3A_98 = tpu.memref_squeeze %dma_start3A_97 : memref<1x32x768xf32, #tpu.memory_space<vmem>> -> memref<32x768xf32, #tpu.memory_space<vmem>>
      tpu.enqueue_dma source(%dma_start3A_98 : memref<32x768xf32, #tpu.memory_space<vmem>>) target(%dma_start3A_94 : memref<32x768xf32, #tpu.memory_space<hbm>>) target_semaphore(%arg10 : memref<!tpu.dma_semaphore, #tpu.memory_space<semaphore_mem>>)
      %ge3A_99 = arith.constant 1 : i32
      %ge3A_100 = arith.cmpi sge, %scan3A_46, %ge3A_99 : i32
      %convert_element_type3A_101 = arith.extui %ge3A_100 : i1 to i32
      %cond3A_102 = arith.constant 0 : i32
      %cond3A_103 = arith.cmpi ne, %convert_element_type3A_101, %cond3A_102 : i32
      scf.if %cond3A_103 {
        %dma_wait3A_276 = arith.constant 1 : i32
        %dma_wait3A_277 = arith.constant 0 : i32
        %dma_wait3A_278 = arith.constant 0 : i32
        %dma_wait3A_279 = tpu.memref_slice %arg7[%dma_wait3A_276, %dma_wait3A_277, %dma_wait3A_278] : memref<2x32x768xf32, #tpu.memory_space<vmem>> -> memref<1x32x768xf32, #tpu.memory_space<vmem>>
        %dma_wait3A_280 = tpu.memref_squeeze %dma_wait3A_279 : memref<1x32x768xf32, #tpu.memory_space<vmem>> -> memref<32x768xf32, #tpu.memory_space<vmem>>
        %dma_wait3A_281 = arith.constant 0 : i32
        %dma_wait3A_282 = arith.constant 0 : i32
        %dma_wait3A_283 = tpu.memref_slice %arg5[%dma_wait3A_281, %dma_wait3A_282] : memref<16384x768xf32, #tpu.memory_space<hbm>> -> memref<32x768xf32, #tpu.memory_space<hbm>>
        %dma_wait3A_284 = arith.constant 0 : i32
        %dma_wait3A_285 = arith.constant 0 : i32
        %dma_wait3A_286 = tpu.memref_slice %arg5[%dma_wait3A_284, %dma_wait3A_285] : memref<16384x768xf32, #tpu.memory_space<hbm>> -> memref<32x768xf32, #tpu.memory_space<hbm>>
        %dma_wait3A_287 = arith.constant 0 : i32
        %dma_wait3A_288 = arith.constant 0 : i32
        %dma_wait3A_289 = tpu.memref_slice %arg7[%dma_wait3A_276, %dma_wait3A_287, %dma_wait3A_288] : memref<2x32x768xf32, #tpu.memory_space<vmem>> -> memref<1x32x768xf32, #tpu.memory_space<vmem>>
        %dma_wait3A_290 = tpu.memref_squeeze %dma_wait3A_289 : memref<1x32x768xf32, #tpu.memory_space<vmem>> -> memref<32x768xf32, #tpu.memory_space<vmem>>
        tpu.wait_dma2 semaphore(%arg11 : memref<!tpu.dma_semaphore, #tpu.memory_space<semaphore_mem>>) src(%dma_wait3A_290 : memref<32x768xf32, #tpu.memory_space<vmem>>) dst(%dma_wait3A_286 : memref<32x768xf32, #tpu.memory_space<hbm>>)
      } else {
      }
      %mul3A_104 = arith.constant 32 : i32
      %mul3A_105 = arith.muli %scan3A_46, %mul3A_104 : i32
      %add3A_106 = arith.constant 128 : i32
      %add3A_107 = arith.addi %add3A_106, %mul3A_105 : i32
      %dma_start3A_108 = arith.constant 1 : i32
      %dma_start3A_109 = arith.constant 0 : i32
      %dma_start3A_110 = arith.constant 0 : i32
      %dma_start3A_111 = tpu.memref_slice %arg7[%dma_start3A_108, %dma_start3A_109, %dma_start3A_110] : memref<2x32x768xf32, #tpu.memory_space<vmem>> -> memref<1x32x768xf32, #tpu.memory_space<vmem>>
      %dma_start3A_112 = tpu.memref_squeeze %dma_start3A_111 : memref<1x32x768xf32, #tpu.memory_space<vmem>> -> memref<32x768xf32, #tpu.memory_space<vmem>>
      %dma_start3A_113 = tpu.memref_slice %arg6[%add3A_107] : memref<512xi32, #tpu.memory_space<vmem>> -> memref<32xi32, #tpu.memory_space<vmem>>
      %dma_start3A_114 = arith.constant 0 : i32
      %dma_start3A_115 = arith.constant 0 : i32
      %dma_start3A_116 = tpu.memref_slice %arg3[%dma_start3A_114, %dma_start3A_115] : memref<100000x768xf32, #tpu.memory_space<hbm>> -> memref<100000x768xf32, #tpu.memory_space<hbm>>
      tpu.enqueue_indirect_dma source(%dma_start3A_116 : memref<100000x768xf32, #tpu.memory_space<hbm>>) target(%dma_start3A_112 : memref<32x768xf32, #tpu.memory_space<vmem>>) offsets(%dma_start3A_113 : memref<32xi32, #tpu.memory_space<vmem>>) semaphore(%arg9 : memref<!tpu.dma_semaphore, #tpu.memory_space<semaphore_mem>>)
      %dma_wait3A_117 = arith.constant 1 : i32
      %dma_wait3A_118 = arith.constant 0 : i32
      %dma_wait3A_119 = arith.constant 0 : i32
      %dma_wait3A_120 = tpu.memref_slice %arg7[%dma_wait3A_117, %dma_wait3A_118, %dma_wait3A_119] : memref<2x32x768xf32, #tpu.memory_space<vmem>> -> memref<1x32x768xf32, #tpu.memory_space<vmem>>
      %dma_wait3A_121 = tpu.memref_squeeze %dma_wait3A_120 : memref<1x32x768xf32, #tpu.memory_space<vmem>> -> memref<32x768xf32, #tpu.memory_space<vmem>>
      %dma_wait3A_122 = tpu.memref_slice %arg6[%add3A_107] : memref<512xi32, #tpu.memory_space<vmem>> -> memref<32xi32, #tpu.memory_space<vmem>>
      %dma_wait3A_123 = arith.constant 0 : i32
      %dma_wait3A_124 = arith.constant 0 : i32
      %dma_wait3A_125 = tpu.memref_slice %arg3[%dma_wait3A_123, %dma_wait3A_124] : memref<100000x768xf32, #tpu.memory_space<hbm>> -> memref<100000x768xf32, #tpu.memory_space<hbm>>
      tpu.wait_indirect_dma semaphore(%arg9 : memref<!tpu.dma_semaphore, #tpu.memory_space<semaphore_mem>>) src(%dma_wait3A_125 : memref<100000x768xf32, #tpu.memory_space<hbm>>) dst(%dma_wait3A_121 : memref<32x768xf32, #tpu.memory_space<vmem>>)
      %scan3A_126 = arith.constant 0 : i32
      %scan3A_127 = arith.constant 0 : i32
      %scan3A_128 = arith.constant 32 : i32
      %scan3A_129 = arith.addi %scan3A_127, %scan3A_128 : i32
      %scan3A_130 = arith.constant 1 : i32
      %scan3A_131 = scf.for %scan3A_276 = %scan3A_127 to %scan3A_129 step %scan3A_130 iter_args(%scan3A_277 = %scan3A_126) -> (i32)  : i32 {
        %get3A = arith.constant 1 : i32
        %get3A_278 = arith.index_cast %get3A : i32 to index
        %get3A_279 = arith.index_cast %scan3A_276 : i32 to index
        %get3A_280 = arith.constant 0 : index
        %get3A_281 = tpu.vector_load %arg7[%get3A_278, %get3A_279, %get3A_280] {strides = array<i32>} : memref<2x32x768xf32, #tpu.memory_space<vmem>>, vector<1x1x16xf32>,
        %get3A_282 = vector.shape_cast %get3A_281 : vector<1x1x16xf32> to vector<16xf32>
        %mul3A_283 = arith.constant 27.7128124 : f32
        %mul3A_284 = vector.broadcast %mul3A_283 : f32 to vector<16xf32>
        %mul3A_285 = arith.mulf %get3A_282, %mul3A_284 : vector<16xf32>
        %get3A_286 = arith.index_cast %scan3A_276 : i32 to index
        %get3A_287 = arith.constant 0 : index
        %get3A_288 = tpu.vector_load %arg8[%get3A_286, %get3A_287] {strides = array<i32>} : memref<32x768xf32, #tpu.memory_space<vmem>>, vector<1x16xf32>,
        %get3A_289 = vector.shape_cast %get3A_288 : vector<1x16xf32> to vector<16xf32>
        %add3A_290 = arith.addf %mul3A_285, %get3A_289 : vector<16xf32>
        %swap3A = arith.constant 1 : i32
        %swap3A_291 = arith.index_cast %swap3A : i32 to index
        %swap3A_292 = arith.index_cast %scan3A_276 : i32 to index
        %swap3A_293 = arith.constant 0 : index
        %swap3A_294 = tpu.vector_load %arg7[%swap3A_291, %swap3A_292, %swap3A_293] {strides = array<i32>} : memref<2x32x768xf32, #tpu.memory_space<vmem>>, vector<1x1x16xf32>,
        %swap3A_295 = vector.shape_cast %swap3A_294 : vector<1x1x16xf32> to vector<16xf32>
        %swap3A_296 = vector.shape_cast %add3A_290 : vector<16xf32> to vector<1x1x16xf32>
        tpu.vector_store %arg7[%swap3A_291, %swap3A_292, %swap3A_293], %swap3A_296 {strides = array<i32>} : memref<2x32x768xf32, #tpu.memory_space<vmem>>, vector<1x1x16xf32>,
        %get3A_297 = arith.constant 1 : i32
        %get3A_298 = arith.index_cast %get3A_297 : i32 to index
        %get3A_299 = arith.index_cast %scan3A_276 : i32 to index
        %get3A_300 = arith.constant 16 : index
        %get3A_301 = tpu.vector_load %arg7[%get3A_298, %get3A_299, %get3A_300] {strides = array<i32>} : memref<2x32x768xf32, #tpu.memory_space<vmem>>, vector<1x1x16xf32>,
        %get3A_302 = vector.shape_cast %get3A_301 : vector<1x1x16xf32> to vector<16xf32>
        %mul3A_303 = arith.constant 27.7128124 : f32
        %mul3A_304 = vector.broadcast %mul3A_303 : f32 to vector<16xf32>
        %mul3A_305 = arith.mulf %get3A_302, %mul3A_304 : vector<16xf32>
        %get3A_306 = arith.index_cast %scan3A_276 : i32 to index
        %get3A_307 = arith.constant 16 : index
        %get3A_308 = tpu.vector_load %arg8[%get3A_306, %get3A_307] {strides = array<i32>} : memref<32x768xf32, #tpu.memory_space<vmem>>, vector<1x16xf32>,
        %get3A_309 = vector.shape_cast %get3A_308 : vector<1x16xf32> to vector<16xf32>
        %add3A_310 = arith.addf %mul3A_305, %get3A_309 : vector<16xf32>
        %swap3A_311 = arith.constant 1 : i32
        %swap3A_312 = arith.index_cast %swap3A_311 : i32 to index
        %swap3A_313 = arith.index_cast %scan3A_276 : i32 to index
        %swap3A_314 = arith.constant 16 : index
        %swap3A_315 = tpu.vector_load %arg7[%swap3A_312, %swap3A_313, %swap3A_314] {strides = array<i32>} : memref<2x32x768xf32, #tpu.memory_space<vmem>>, vector<1x1x16xf32>,
        %swap3A_316 = vector.shape_cast %swap3A_315 : vector<1x1x16xf32> to vector<16xf32>
        %swap3A_317 = vector.shape_cast %add3A_310 : vector<16xf32> to vector<1x1x16xf32>
        tpu.vector_store %arg7[%swap3A_312, %swap3A_313, %swap3A_314], %swap3A_317 {strides = array<i32>} : memref<2x32x768xf32, #tpu.memory_space<vmem>>, vector<1x1x16xf32>,
        %get3A_318 = arith.constant 1 : i32
        %get3A_319 = arith.index_cast %get3A_318 : i32 to index
        %get3A_320 = arith.index_cast %scan3A_276 : i32 to index
        %get3A_321 = arith.constant 32 : index
        %get3A_322 = tpu.vector_load %arg7[%get3A_319, %get3A_320, %get3A_321] {strides = array<i32>} : memref<2x32x768xf32, #tpu.memory_space<vmem>>, vector<1x1x16xf32>,
        %get3A_323 = vector.shape_cast %get3A_322 : vector<1x1x16xf32> to vector<16xf32>
        %mul3A_324 = arith.constant 27.7128124 : f32
        %mul3A_325 = vector.broadcast %mul3A_324 : f32 to vector<16xf32>
        %mul3A_326 = arith.mulf %get3A_323, %mul3A_325 : vector<16xf32>
        %get3A_327 = arith.index_cast %scan3A_276 : i32 to index
        %get3A_328 = arith.constant 32 : index
        %get3A_329 = tpu.vector_load %arg8[%get3A_327, %get3A_328] {strides = array<i32>} : memref<32x768xf32, #tpu.memory_space<vmem>>, vector<1x16xf32>,
        %get3A_330 = vector.shape_cast %get3A_329 : vector<1x16xf32> to vector<16xf32>
        %add3A_331 = arith.addf %mul3A_326, %get3A_330 : vector<16xf32>
        %swap3A_332 = arith.constant 1 : i32
        %swap3A_333 = arith.index_cast %swap3A_332 : i32 to index
        %swap3A_334 = arith.index_cast %scan3A_276 : i32 to index
        %swap3A_335 = arith.constant 32 : index
        %swap3A_336 = tpu.vector_load %arg7[%swap3A_333, %swap3A_334, %swap3A_335] {strides = array<i32>} : memref<2x32x768xf32, #tpu.memory_space<vmem>>, vector<1x1x16xf32>,
        %swap3A_337 = vector.shape_cast %swap3A_336 : vector<1x1x16xf32> to vector<16xf32>
        %swap3A_338 = vector.shape_cast %add3A_331 : vector<16xf32> to vector<1x1x16xf32>
        tpu.vector_store %arg7[%swap3A_333, %swap3A_334, %swap3A_335], %swap3A_338 {strides = array<i32>} : memref<2x32x768xf32, #tpu.memory_space<vmem>>, vector<1x1x16xf32>,
        %get3A_339 = arith.constant 1 : i32
        %get3A_340 = arith.index_cast %get3A_339 : i32 to index
        %get3A_341 = arith.index_cast %scan3A_276 : i32 to index
        %get3A_342 = arith.constant 48 : index
        %get3A_343 = tpu.vector_load %arg7[%get3A_340, %get3A_341, %get3A_342] {strides = array<i32>} : memref<2x32x768xf32, #tpu.memory_space<vmem>>, vector<1x1x16xf32>,
        %get3A_344 = vector.shape_cast %get3A_343 : vector<1x1x16xf32> to vector<16xf32>
        %mul3A_345 = arith.constant 27.7128124 : f32
        %mul3A_346 = vector.broadcast %mul3A_345 : f32 to vector<16xf32>
        %mul3A_347 = arith.mulf %get3A_344, %mul3A_346 : vector<16xf32>
        %get3A_348 = arith.index_cast %scan3A_276 : i32 to index
        %get3A_349 = arith.constant 48 : index
        %get3A_350 = tpu.vector_load %arg8[%get3A_348, %get3A_349] {strides = array<i32>} : memref<32x768xf32, #tpu.memory_space<vmem>>, vector<1x16xf32>,
        %get3A_351 = vector.shape_cast %get3A_350 : vector<1x16xf32> to vector<16xf32>
        %add3A_352 = arith.addf %mul3A_347, %get3A_351 : vector<16xf32>
        %swap3A_353 = arith.constant 1 : i32
        %swap3A_354 = arith.index_cast %swap3A_353 : i32 to index
        %swap3A_355 = arith.index_cast %scan3A_276 : i32 to index
        %swap3A_356 = arith.constant 48 : index
        %swap3A_357 = tpu.vector_load %arg7[%swap3A_354, %swap3A_355, %swap3A_356] {strides = array<i32>} : memref<2x32x768xf32, #tpu.memory_space<vmem>>, vector<1x1x16xf32>,
        %swap3A_358 = vector.shape_cast %swap3A_357 : vector<1x1x16xf32> to vector<16xf32>
        %swap3A_359 = vector.shape_cast %add3A_352 : vector<16xf32> to vector<1x1x16xf32>
        tpu.vector_store %arg7[%swap3A_354, %swap3A_355, %swap3A_356], %swap3A_359 {strides = array<i32>} : memref<2x32x768xf32, #tpu.memory_space<vmem>>, vector<1x1x16xf32>,
        %get3A_360 = arith.constant 1 : i32
        %get3A_361 = arith.index_cast %get3A_360 : i32 to index
        %get3A_362 = arith.index_cast %scan3A_276 : i32 to index
        %get3A_363 = arith.constant 64 : index
        %get3A_364 = tpu.vector_load %arg7[%get3A_361, %get3A_362, %get3A_363] {strides = array<i32>} : memref<2x32x768xf32, #tpu.memory_space<vmem>>, vector<1x1x16xf32>,
        %get3A_365 = vector.shape_cast %get3A_364 : vector<1x1x16xf32> to vector<16xf32>
        %mul3A_366 = arith.constant 27.7128124 : f32
        %mul3A_367 = vector.broadcast %mul3A_366 : f32 to vector<16xf32>
        %mul3A_368 = arith.mulf %get3A_365, %mul3A_367 : vector<16xf32>
        %get3A_369 = arith.index_cast %scan3A_276 : i32 to index
        %get3A_370 = arith.constant 64 : index
        %get3A_371 = tpu.vector_load %arg8[%get3A_369, %get3A_370] {strides = array<i32>} : memref<32x768xf32, #tpu.memory_space<vmem>>, vector<1x16xf32>,
        %get3A_372 = vector.shape_cast %get3A_371 : vector<1x16xf32> to vector<16xf32>
        %add3A_373 = arith.addf %mul3A_368, %get3A_372 : vector<16xf32>
        %swap3A_374 = arith.constant 1 : i32
        %swap3A_375 = arith.index_cast %swap3A_374 : i32 to index
        %swap3A_376 = arith.index_cast %scan3A_276 : i32 to index
        %swap3A_377 = arith.constant 64 : index
        %swap3A_378 = tpu.vector_load %arg7[%swap3A_375, %swap3A_376, %swap3A_377] {strides = array<i32>} : memref<2x32x768xf32, #tpu.memory_space<vmem>>, vector<1x1x16xf32>,
        %swap3A_379 = vector.shape_cast %swap3A_378 : vector<1x1x16xf32> to vector<16xf32>
        %swap3A_380 = vector.shape_cast %add3A_373 : vector<16xf32> to vector<1x1x16xf32>
        tpu.vector_store %arg7[%swap3A_375, %swap3A_376, %swap3A_377], %swap3A_380 {strides = array<i32>} : memref<2x32x768xf32, #tpu.memory_space<vmem>>, vector<1x1x16xf32>,
        %get3A_381 = arith.constant 1 : i32
        %get3A_382 = arith.index_cast %get3A_381 : i32 to index
        %get3A_383 = arith.index_cast %scan3A_276 : i32 to index
        %get3A_384 = arith.constant 80 : index
        %get3A_385 = tpu.vector_load %arg7[%get3A_382, %get3A_383, %get3A_384] {strides = array<i32>} : memref<2x32x768xf32, #tpu.memory_space<vmem>>, vector<1x1x16xf32>,
        %get3A_386 = vector.shape_cast %get3A_385 : vector<1x1x16xf32> to vector<16xf32>
        %mul3A_387 = arith.constant 27.7128124 : f32
        %mul3A_388 = vector.broadcast %mul3A_387 : f32 to vector<16xf32>
        %mul3A_389 = arith.mulf %get3A_386, %mul3A_388 : vector<16xf32>
        %get3A_390 = arith.index_cast %scan3A_276 : i32 to index
        %get3A_391 = arith.constant 80 : index
        %get3A_392 = tpu.vector_load %arg8[%get3A_390, %get3A_391] {strides = array<i32>} : memref<32x768xf32, #tpu.memory_space<vmem>>, vector<1x16xf32>,
        %get3A_393 = vector.shape_cast %get3A_392 : vector<1x16xf32> to vector<16xf32>
        %add3A_394 = arith.addf %mul3A_389, %get3A_393 : vector<16xf32>
        %swap3A_395 = arith.constant 1 : i32
        %swap3A_396 = arith.index_cast %swap3A_395 : i32 to index
        %swap3A_397 = arith.index_cast %scan3A_276 : i32 to index
        %swap3A_398 = arith.constant 80 : index
        %swap3A_399 = tpu.vector_load %arg7[%swap3A_396, %swap3A_397, %swap3A_398] {strides = array<i32>} : memref<2x32x768xf32, #tpu.memory_space<vmem>>, vector<1x1x16xf32>,
        %swap3A_400 = vector.shape_cast %swap3A_399 : vector<1x1x16xf32> to vector<16xf32>
        %swap3A_401 = vector.shape_cast %add3A_394 : vector<16xf32> to vector<1x1x16xf32>
        tpu.vector_store %arg7[%swap3A_396, %swap3A_397, %swap3A_398], %swap3A_401 {strides = array<i32>} : memref<2x32x768xf32, #tpu.memory_space<vmem>>, vector<1x1x16xf32>,
        %get3A_402 = arith.constant 1 : i32
        %get3A_403 = arith.index_cast %get3A_402 : i32 to index
        %get3A_404 = arith.index_cast %scan3A_276 : i32 to index
        %get3A_405 = arith.constant 96 : index
        %get3A_406 = tpu.vector_load %arg7[%get3A_403, %get3A_404, %get3A_405] {strides = array<i32>} : memref<2x32x768xf32, #tpu.memory_space<vmem>>, vector<1x1x16xf32>,
        %get3A_407 = vector.shape_cast %get3A_406 : vector<1x1x16xf32> to vector<16xf32>
        %mul3A_408 = arith.constant 27.7128124 : f32
        %mul3A_409 = vector.broadcast %mul3A_408 : f32 to vector<16xf32>
        %mul3A_410 = arith.mulf %get3A_407, %mul3A_409 : vector<16xf32>
        %get3A_411 = arith.index_cast %scan3A_276 : i32 to index
        %get3A_412 = arith.constant 96 : index
        %get3A_413 = tpu.vector_load %arg8[%get3A_411, %get3A_412] {strides = array<i32>} : memref<32x768xf32, #tpu.memory_space<vmem>>, vector<1x16xf32>,
        %get3A_414 = vector.shape_cast %get3A_413 : vector<1x16xf32> to vector<16xf32>
        %add3A_415 = arith.addf %mul3A_410, %get3A_414 : vector<16xf32>
        %swap3A_416 = arith.constant 1 : i32
        %swap3A_417 = arith.index_cast %swap3A_416 : i32 to index
        %swap3A_418 = arith.index_cast %scan3A_276 : i32 to index
        %swap3A_419 = arith.constant 96 : index
        %swap3A_420 = tpu.vector_load %arg7[%swap3A_417, %swap3A_418, %swap3A_419] {strides = array<i32>} : memref<2x32x768xf32, #tpu.memory_space<vmem>>, vector<1x1x16xf32>,
        %swap3A_421 = vector.shape_cast %swap3A_420 : vector<1x1x16xf32> to vector<16xf32>
        %swap3A_422 = vector.shape_cast %add3A_415 : vector<16xf32> to vector<1x1x16xf32>
        tpu.vector_store %arg7[%swap3A_417, %swap3A_418, %swap3A_419], %swap3A_422 {strides = array<i32>} : memref<2x32x768xf32, #tpu.memory_space<vmem>>, vector<1x1x16xf32>,
        %get3A_423 = arith.constant 1 : i32
        %get3A_424 = arith.index_cast %get3A_423 : i32 to index
        %get3A_425 = arith.index_cast %scan3A_276 : i32 to index
        %get3A_426 = arith.constant 112 : index
        %get3A_427 = tpu.vector_load %arg7[%get3A_424, %get3A_425, %get3A_426] {strides = array<i32>} : memref<2x32x768xf32, #tpu.memory_space<vmem>>, vector<1x1x16xf32>,
        %get3A_428 = vector.shape_cast %get3A_427 : vector<1x1x16xf32> to vector<16xf32>
        %mul3A_429 = arith.constant 27.7128124 : f32
        %mul3A_430 = vector.broadcast %mul3A_429 : f32 to vector<16xf32>
        %mul3A_431 = arith.mulf %get3A_428, %mul3A_430 : vector<16xf32>
        %get3A_432 = arith.index_cast %scan3A_276 : i32 to index
        %get3A_433 = arith.constant 112 : index
        %get3A_434 = tpu.vector_load %arg8[%get3A_432, %get3A_433] {strides = array<i32>} : memref<32x768xf32, #tpu.memory_space<vmem>>, vector<1x16xf32>,
        %get3A_435 = vector.shape_cast %get3A_434 : vector<1x16xf32> to vector<16xf32>
        %add3A_436 = arith.addf %mul3A_431, %get3A_435 : vector<16xf32>
        %swap3A_437 = arith.constant 1 : i32
        %swap3A_438 = arith.index_cast %swap3A_437 : i32 to index
        %swap3A_439 = arith.index_cast %scan3A_276 : i32 to index
        %swap3A_440 = arith.constant 112 : index
        %swap3A_441 = tpu.vector_load %arg7[%swap3A_438, %swap3A_439, %swap3A_440] {strides = array<i32>} : memref<2x32x768xf32, #tpu.memory_space<vmem>>, vector<1x1x16xf32>,
        %swap3A_442 = vector.shape_cast %swap3A_441 : vector<1x1x16xf32> to vector<16xf32>
        %swap3A_443 = vector.shape_cast %add3A_436 : vector<16xf32> to vector<1x1x16xf32>
        tpu.vector_store %arg7[%swap3A_438, %swap3A_439, %swap3A_440], %swap3A_443 {strides = array<i32>} : memref<2x32x768xf32, #tpu.memory_space<vmem>>, vector<1x1x16xf32>,
        %get3A_444 = arith.constant 1 : i32
        %get3A_445 = arith.index_cast %get3A_444 : i32 to index
        %get3A_446 = arith.index_cast %scan3A_276 : i32 to index
        %get3A_447 = arith.constant 128 : index
        %get3A_448 = tpu.vector_load %arg7[%get3A_445, %get3A_446, %get3A_447] {strides = array<i32>} : memref<2x32x768xf32, #tpu.memory_space<vmem>>, vector<1x1x16xf32>,
        %get3A_449 = vector.shape_cast %get3A_448 : vector<1x1x16xf32> to vector<16xf32>
        %mul3A_450 = arith.constant 27.7128124 : f32
        %mul3A_451 = vector.broadcast %mul3A_450 : f32 to vector<16xf32>
        %mul3A_452 = arith.mulf %get3A_449, %mul3A_451 : vector<16xf32>
        %get3A_453 = arith.index_cast %scan3A_276 : i32 to index
        %get3A_454 = arith.constant 128 : index
        %get3A_455 = tpu.vector_load %arg8[%get3A_453, %get3A_454] {strides = array<i32>} : memref<32x768xf32, #tpu.memory_space<vmem>>, vector<1x16xf32>,
        %get3A_456 = vector.shape_cast %get3A_455 : vector<1x16xf32> to vector<16xf32>
        %add3A_457 = arith.addf %mul3A_452, %get3A_456 : vector<16xf32>
        %swap3A_458 = arith.constant 1 : i32
        %swap3A_459 = arith.index_cast %swap3A_458 : i32 to index
        %swap3A_460 = arith.index_cast %scan3A_276 : i32 to index
        %swap3A_461 = arith.constant 128 : index
        %swap3A_462 = tpu.vector_load %arg7[%swap3A_459, %swap3A_460, %swap3A_461] {strides = array<i32>} : memref<2x32x768xf32, #tpu.memory_space<vmem>>, vector<1x1x16xf32>,
        %swap3A_463 = vector.shape_cast %swap3A_462 : vector<1x1x16xf32> to vector<16xf32>
        %swap3A_464 = vector.shape_cast %add3A_457 : vector<16xf32> to vector<1x1x16xf32>
        tpu.vector_store %arg7[%swap3A_459, %swap3A_460, %swap3A_461], %swap3A_464 {strides = array<i32>} : memref<2x32x768xf32, #tpu.memory_space<vmem>>, vector<1x1x16xf32>,
        %get3A_465 = arith.constant 1 : i32
        %get3A_466 = arith.index_cast %get3A_465 : i32 to index
        %get3A_467 = arith.index_cast %scan3A_276 : i32 to index
        %get3A_468 = arith.constant 144 : index
        %get3A_469 = tpu.vector_load %arg7[%get3A_466, %get3A_467, %get3A_468] {strides = array<i32>} : memref<2x32x768xf32, #tpu.memory_space<vmem>>, vector<1x1x16xf32>,
        %get3A_470 = vector.shape_cast %get3A_469 : vector<1x1x16xf32> to vector<16xf32>
        %mul3A_471 = arith.constant 27.7128124 : f32
        %mul3A_472 = vector.broadcast %mul3A_471 : f32 to vector<16xf32>
        %mul3A_473 = arith.mulf %get3A_470, %mul3A_472 : vector<16xf32>
        %get3A_474 = arith.index_cast %scan3A_276 : i32 to index
        %get3A_475 = arith.constant 144 : index
        %get3A_476 = tpu.vector_load %arg8[%get3A_474, %get3A_475] {strides = array<i32>} : memref<32x768xf32, #tpu.memory_space<vmem>>, vector<1x16xf32>,
        %get3A_477 = vector.shape_cast %get3A_476 : vector<1x16xf32> to vector<16xf32>
        %add3A_478 = arith.addf %mul3A_473, %get3A_477 : vector<16xf32>
        %swap3A_479 = arith.constant 1 : i32
        %swap3A_480 = arith.index_cast %swap3A_479 : i32 to index
        %swap3A_481 = arith.index_cast %scan3A_276 : i32 to index
        %swap3A_482 = arith.constant 144 : index
        %swap3A_483 = tpu.vector_load %arg7[%swap3A_480, %swap3A_481, %swap3A_482] {strides = array<i32>} : memref<2x32x768xf32, #tpu.memory_space<vmem>>, vector<1x1x16xf32>,
        %swap3A_484 = vector.shape_cast %swap3A_483 : vector<1x1x16xf32> to vector<16xf32>
        %swap3A_485 = vector.shape_cast %add3A_478 : vector<16xf32> to vector<1x1x16xf32>
        tpu.vector_store %arg7[%swap3A_480, %swap3A_481, %swap3A_482], %swap3A_485 {strides = array<i32>} : memref<2x32x768xf32, #tpu.memory_space<vmem>>, vector<1x1x16xf32>,
        %get3A_486 = arith.constant 1 : i32
        %get3A_487 = arith.index_cast %get3A_486 : i32 to index
        %get3A_488 = arith.index_cast %scan3A_276 : i32 to index
        %get3A_489 = arith.constant 160 : index
        %get3A_490 = tpu.vector_load %arg7[%get3A_487, %get3A_488, %get3A_489] {strides = array<i32>} : memref<2x32x768xf32, #tpu.memory_space<vmem>>, vector<1x1x16xf32>,
        %get3A_491 = vector.shape_cast %get3A_490 : vector<1x1x16xf32> to vector<16xf32>
        %mul3A_492 = arith.constant 27.7128124 : f32
        %mul3A_493 = vector.broadcast %mul3A_492 : f32 to vector<16xf32>
        %mul3A_494 = arith.mulf %get3A_491, %mul3A_493 : vector<16xf32>
        %get3A_495 = arith.index_cast %scan3A_276 : i32 to index
        %get3A_496 = arith.constant 160 : index
        %get3A_497 = tpu.vector_load %arg8[%get3A_495, %get3A_496] {strides = array<i32>} : memref<32x768xf32, #tpu.memory_space<vmem>>, vector<1x16xf32>,
        %get3A_498 = vector.shape_cast %get3A_497 : vector<1x16xf32> to vector<16xf32>
        %add3A_499 = arith.addf %mul3A_494, %get3A_498 : vector<16xf32>
        %swap3A_500 = arith.constant 1 : i32
        %swap3A_501 = arith.index_cast %swap3A_500 : i32 to index
        %swap3A_502 = arith.index_cast %scan3A_276 : i32 to index
        %swap3A_503 = arith.constant 160 : index
        %swap3A_504 = tpu.vector_load %arg7[%swap3A_501, %swap3A_502, %swap3A_503] {strides = array<i32>} : memref<2x32x768xf32, #tpu.memory_space<vmem>>, vector<1x1x16xf32>,
        %swap3A_505 = vector.shape_cast %swap3A_504 : vector<1x1x16xf32> to vector<16xf32>
        %swap3A_506 = vector.shape_cast %add3A_499 : vector<16xf32> to vector<1x1x16xf32>
        tpu.vector_store %arg7[%swap3A_501, %swap3A_502, %swap3A_503], %swap3A_506 {strides = array<i32>} : memref<2x32x768xf32, #tpu.memory_space<vmem>>, vector<1x1x16xf32>,
        %get3A_507 = arith.constant 1 : i32
        %get3A_508 = arith.index_cast %get3A_507 : i32 to index
        %get3A_509 = arith.index_cast %scan3A_276 : i32 to index
        %get3A_510 = arith.constant 176 : index
        %get3A_511 = tpu.vector_load %arg7[%get3A_508, %get3A_509, %get3A_510] {strides = array<i32>} : memref<2x32x768xf32, #tpu.memory_space<vmem>>, vector<1x1x16xf32>,
        %get3A_512 = vector.shape_cast %get3A_511 : vector<1x1x16xf32> to vector<16xf32>
        %mul3A_513 = arith.constant 27.7128124 : f32
        %mul3A_514 = vector.broadcast %mul3A_513 : f32 to vector<16xf32>
        %mul3A_515 = arith.mulf %get3A_512, %mul3A_514 : vector<16xf32>
        %get3A_516 = arith.index_cast %scan3A_276 : i32 to index
        %get3A_517 = arith.constant 176 : index
        %get3A_518 = tpu.vector_load %arg8[%get3A_516, %get3A_517] {strides = array<i32>} : memref<32x768xf32, #tpu.memory_space<vmem>>, vector<1x16xf32>,
        %get3A_519 = vector.shape_cast %get3A_518 : vector<1x16xf32> to vector<16xf32>
        %add3A_520 = arith.addf %mul3A_515, %get3A_519 : vector<16xf32>
        %swap3A_521 = arith.constant 1 : i32
        %swap3A_522 = arith.index_cast %swap3A_521 : i32 to index
        %swap3A_523 = arith.index_cast %scan3A_276 : i32 to index
        %swap3A_524 = arith.constant 176 : index
        %swap3A_525 = tpu.vector_load %arg7[%swap3A_522, %swap3A_523, %swap3A_524] {strides = array<i32>} : memref<2x32x768xf32, #tpu.memory_space<vmem>>, vector<1x1x16xf32>,
        %swap3A_526 = vector.shape_cast %swap3A_525 : vector<1x1x16xf32> to vector<16xf32>
        %swap3A_527 = vector.shape_cast %add3A_520 : vector<16xf32> to vector<1x1x16xf32>
        tpu.vector_store %arg7[%swap3A_522, %swap3A_523, %swap3A_524], %swap3A_527 {strides = array<i32>} : memref<2x32x768xf32, #tpu.memory_space<vmem>>, vector<1x1x16xf32>,
        %get3A_528 = arith.constant 1 : i32
        %get3A_529 = arith.index_cast %get3A_528 : i32 to index
        %get3A_530 = arith.index_cast %scan3A_276 : i32 to index
        %get3A_531 = arith.constant 192 : index
        %get3A_532 = tpu.vector_load %arg7[%get3A_529, %get3A_530, %get3A_531] {strides = array<i32>} : memref<2x32x768xf32, #tpu.memory_space<vmem>>, vector<1x1x16xf32>,
        %get3A_533 = vector.shape_cast %get3A_532 : vector<1x1x16xf32> to vector<16xf32>
        %mul3A_534 = arith.constant 27.7128124 : f32
        %mul3A_535 = vector.broadcast %mul3A_534 : f32 to vector<16xf32>
        %mul3A_536 = arith.mulf %get3A_533, %mul3A_535 : vector<16xf32>
        %get3A_537 = arith.index_cast %scan3A_276 : i32 to index
        %get3A_538 = arith.constant 192 : index
        %get3A_539 = tpu.vector_load %arg8[%get3A_537, %get3A_538] {strides = array<i32>} : memref<32x768xf32, #tpu.memory_space<vmem>>, vector<1x16xf32>,
        %get3A_540 = vector.shape_cast %get3A_539 : vector<1x16xf32> to vector<16xf32>
        %add3A_541 = arith.addf %mul3A_536, %get3A_540 : vector<16xf32>
        %swap3A_542 = arith.constant 1 : i32
        %swap3A_543 = arith.index_cast %swap3A_542 : i32 to index
        %swap3A_544 = arith.index_cast %scan3A_276 : i32 to index
        %swap3A_545 = arith.constant 192 : index
        %swap3A_546 = tpu.vector_load %arg7[%swap3A_543, %swap3A_544, %swap3A_545] {strides = array<i32>} : memref<2x32x768xf32, #tpu.memory_space<vmem>>, vector<1x1x16xf32>,
        %swap3A_547 = vector.shape_cast %swap3A_546 : vector<1x1x16xf32> to vector<16xf32>
        %swap3A_548 = vector.shape_cast %add3A_541 : vector<16xf32> to vector<1x1x16xf32>
        tpu.vector_store %arg7[%swap3A_543, %swap3A_544, %swap3A_545], %swap3A_548 {strides = array<i32>} : memref<2x32x768xf32, #tpu.memory_space<vmem>>, vector<1x1x16xf32>,
        %get3A_549 = arith.constant 1 : i32
        %get3A_550 = arith.index_cast %get3A_549 : i32 to index
        %get3A_551 = arith.index_cast %scan3A_276 : i32 to index
        %get3A_552 = arith.constant 208 : index
        %get3A_553 = tpu.vector_load %arg7[%get3A_550, %get3A_551, %get3A_552] {strides = array<i32>} : memref<2x32x768xf32, #tpu.memory_space<vmem>>, vector<1x1x16xf32>,
        %get3A_554 = vector.shape_cast %get3A_553 : vector<1x1x16xf32> to vector<16xf32>
        %mul3A_555 = arith.constant 27.7128124 : f32
        %mul3A_556 = vector.broadcast %mul3A_555 : f32 to vector<16xf32>
        %mul3A_557 = arith.mulf %get3A_554, %mul3A_556 : vector<16xf32>
        %get3A_558 = arith.index_cast %scan3A_276 : i32 to index
        %get3A_559 = arith.constant 208 : index
        %get3A_560 = tpu.vector_load %arg8[%get3A_558, %get3A_559] {strides = array<i32>} : memref<32x768xf32, #tpu.memory_space<vmem>>, vector<1x16xf32>,
        %get3A_561 = vector.shape_cast %get3A_560 : vector<1x16xf32> to vector<16xf32>
        %add3A_562 = arith.addf %mul3A_557, %get3A_561 : vector<16xf32>
        %swap3A_563 = arith.constant 1 : i32
        %swap3A_564 = arith.index_cast %swap3A_563 : i32 to index
        %swap3A_565 = arith.index_cast %scan3A_276 : i32 to index
        %swap3A_566 = arith.constant 208 : index
        %swap3A_567 = tpu.vector_load %arg7[%swap3A_564, %swap3A_565, %swap3A_566] {strides = array<i32>} : memref<2x32x768xf32, #tpu.memory_space<vmem>>, vector<1x1x16xf32>,
        %swap3A_568 = vector.shape_cast %swap3A_567 : vector<1x1x16xf32> to vector<16xf32>
        %swap3A_569 = vector.shape_cast %add3A_562 : vector<16xf32> to vector<1x1x16xf32>
        tpu.vector_store %arg7[%swap3A_564, %swap3A_565, %swap3A_566], %swap3A_569 {strides = array<i32>} : memref<2x32x768xf32, #tpu.memory_space<vmem>>, vector<1x1x16xf32>,
        %get3A_570 = arith.constant 1 : i32
        %get3A_571 = arith.index_cast %get3A_570 : i32 to index
        %get3A_572 = arith.index_cast %scan3A_276 : i32 to index
        %get3A_573 = arith.constant 224 : index
        %get3A_574 = tpu.vector_load %arg7[%get3A_571, %get3A_572, %get3A_573] {strides = array<i32>} : memref<2x32x768xf32, #tpu.memory_space<vmem>>, vector<1x1x16xf32>,
        %get3A_575 = vector.shape_cast %get3A_574 : vector<1x1x16xf32> to vector<16xf32>
        %mul3A_576 = arith.constant 27.7128124 : f32
        %mul3A_577 = vector.broadcast %mul3A_576 : f32 to vector<16xf32>
        %mul3A_578 = arith.mulf %get3A_575, %mul3A_577 : vector<16xf32>
        %get3A_579 = arith.index_cast %scan3A_276 : i32 to index
        %get3A_580 = arith.constant 224 : index
        %get3A_581 = tpu.vector_load %arg8[%get3A_579, %get3A_580] {strides = array<i32>} : memref<32x768xf32, #tpu.memory_space<vmem>>, vector<1x16xf32>,
        %get3A_582 = vector.shape_cast %get3A_581 : vector<1x16xf32> to vector<16xf32>
        %add3A_583 = arith.addf %mul3A_578, %get3A_582 : vector<16xf32>
        %swap3A_584 = arith.constant 1 : i32
        %swap3A_585 = arith.index_cast %swap3A_584 : i32 to index
        %swap3A_586 = arith.index_cast %scan3A_276 : i32 to index
        %swap3A_587 = arith.constant 224 : index
        %swap3A_588 = tpu.vector_load %arg7[%swap3A_585, %swap3A_586, %swap3A_587] {strides = array<i32>} : memref<2x32x768xf32, #tpu.memory_space<vmem>>, vector<1x1x16xf32>,
        %swap3A_589 = vector.shape_cast %swap3A_588 : vector<1x1x16xf32> to vector<16xf32>
        %swap3A_590 = vector.shape_cast %add3A_583 : vector<16xf32> to vector<1x1x16xf32>
        tpu.vector_store %arg7[%swap3A_585, %swap3A_586, %swap3A_587], %swap3A_590 {strides = array<i32>} : memref<2x32x768xf32, #tpu.memory_space<vmem>>, vector<1x1x16xf32>,
        %get3A_591 = arith.constant 1 : i32
        %get3A_592 = arith.index_cast %get3A_591 : i32 to index
        %get3A_593 = arith.index_cast %scan3A_276 : i32 to index
        %get3A_594 = arith.constant 240 : index
        %get3A_595 = tpu.vector_load %arg7[%get3A_592, %get3A_593, %get3A_594] {strides = array<i32>} : memref<2x32x768xf32, #tpu.memory_space<vmem>>, vector<1x1x16xf32>,
        %get3A_596 = vector.shape_cast %get3A_595 : vector<1x1x16xf32> to vector<16xf32>
        %mul3A_597 = arith.constant 27.7128124 : f32
        %mul3A_598 = vector.broadcast %mul3A_597 : f32 to vector<16xf32>
        %mul3A_599 = arith.mulf %get3A_596, %mul3A_598 : vector<16xf32>
        %get3A_600 = arith.index_cast %scan3A_276 : i32 to index
        %get3A_601 = arith.constant 240 : index
        %get3A_602 = tpu.vector_load %arg8[%get3A_600, %get3A_601] {strides = array<i32>} : memref<32x768xf32, #tpu.memory_space<vmem>>, vector<1x16xf32>,
        %get3A_603 = vector.shape_cast %get3A_602 : vector<1x16xf32> to vector<16xf32>
        %add3A_604 = arith.addf %mul3A_599, %get3A_603 : vector<16xf32>
        %swap3A_605 = arith.constant 1 : i32
        %swap3A_606 = arith.index_cast %swap3A_605 : i32 to index
        %swap3A_607 = arith.index_cast %scan3A_276 : i32 to index
        %swap3A_608 = arith.constant 240 : index
        %swap3A_609 = tpu.vector_load %arg7[%swap3A_606, %swap3A_607, %swap3A_608] {strides = array<i32>} : memref<2x32x768xf32, #tpu.memory_space<vmem>>, vector<1x1x16xf32>,
        %swap3A_610 = vector.shape_cast %swap3A_609 : vector<1x1x16xf32> to vector<16xf32>
        %swap3A_611 = vector.shape_cast %add3A_604 : vector<16xf32> to vector<1x1x16xf32>
        tpu.vector_store %arg7[%swap3A_606, %swap3A_607, %swap3A_608], %swap3A_611 {strides = array<i32>} : memref<2x32x768xf32, #tpu.memory_space<vmem>>, vector<1x1x16xf32>,
        %get3A_612 = arith.constant 1 : i32
        %get3A_613 = arith.index_cast %get3A_612 : i32 to index
        %get3A_614 = arith.index_cast %scan3A_276 : i32 to index
        %get3A_615 = arith.constant 256 : index
        %get3A_616 = tpu.vector_load %arg7[%get3A_613, %get3A_614, %get3A_615] {strides = array<i32>} : memref<2x32x768xf32, #tpu.memory_space<vmem>>, vector<1x1x16xf32>,
        %get3A_617 = vector.shape_cast %get3A_616 : vector<1x1x16xf32> to vector<16xf32>
        %mul3A_618 = arith.constant 27.7128124 : f32
        %mul3A_619 = vector.broadcast %mul3A_618 : f32 to vector<16xf32>
        %mul3A_620 = arith.mulf %get3A_617, %mul3A_619 : vector<16xf32>
        %get3A_621 = arith.index_cast %scan3A_276 : i32 to index
        %get3A_622 = arith.constant 256 : index
        %get3A_623 = tpu.vector_load %arg8[%get3A_621, %get3A_622] {strides = array<i32>} : memref<32x768xf32, #tpu.memory_space<vmem>>, vector<1x16xf32>,
        %get3A_624 = vector.shape_cast %get3A_623 : vector<1x16xf32> to vector<16xf32>
        %add3A_625 = arith.addf %mul3A_620, %get3A_624 : vector<16xf32>
        %swap3A_626 = arith.constant 1 : i32
        %swap3A_627 = arith.index_cast %swap3A_626 : i32 to index
        %swap3A_628 = arith.index_cast %scan3A_276 : i32 to index
        %swap3A_629 = arith.constant 256 : index
        %swap3A_630 = tpu.vector_load %arg7[%swap3A_627, %swap3A_628, %swap3A_629] {strides = array<i32>} : memref<2x32x768xf32, #tpu.memory_space<vmem>>, vector<1x1x16xf32>,
        %swap3A_631 = vector.shape_cast %swap3A_630 : vector<1x1x16xf32> to vector<16xf32>
        %swap3A_632 = vector.shape_cast %add3A_625 : vector<16xf32> to vector<1x1x16xf32>
        tpu.vector_store %arg7[%swap3A_627, %swap3A_628, %swap3A_629], %swap3A_632 {strides = array<i32>} : memref<2x32x768xf32, #tpu.memory_space<vmem>>, vector<1x1x16xf32>,
        %get3A_633 = arith.constant 1 : i32
        %get3A_634 = arith.index_cast %get3A_633 : i32 to index
        %get3A_635 = arith.index_cast %scan3A_276 : i32 to index
        %get3A_636 = arith.constant 272 : index
        %get3A_637 = tpu.vector_load %arg7[%get3A_634, %get3A_635, %get3A_636] {strides = array<i32>} : memref<2x32x768xf32, #tpu.memory_space<vmem>>, vector<1x1x16xf32>,
        %get3A_638 = vector.shape_cast %get3A_637 : vector<1x1x16xf32> to vector<16xf32>
        %mul3A_639 = arith.constant 27.7128124 : f32
        %mul3A_640 = vector.broadcast %mul3A_639 : f32 to vector<16xf32>
        %mul3A_641 = arith.mulf %get3A_638, %mul3A_640 : vector<16xf32>
        %get3A_642 = arith.index_cast %scan3A_276 : i32 to index
        %get3A_643 = arith.constant 272 : index
        %get3A_644 = tpu.vector_load %arg8[%get3A_642, %get3A_643] {strides = array<i32>} : memref<32x768xf32, #tpu.memory_space<vmem>>, vector<1x16xf32>,
        %get3A_645 = vector.shape_cast %get3A_644 : vector<1x16xf32> to vector<16xf32>
        %add3A_646 = arith.addf %mul3A_641, %get3A_645 : vector<16xf32>
        %swap3A_647 = arith.constant 1 : i32
        %swap3A_648 = arith.index_cast %swap3A_647 : i32 to index
        %swap3A_649 = arith.index_cast %scan3A_276 : i32 to index
        %swap3A_650 = arith.constant 272 : index
        %swap3A_651 = tpu.vector_load %arg7[%swap3A_648, %swap3A_649, %swap3A_650] {strides = array<i32>} : memref<2x32x768xf32, #tpu.memory_space<vmem>>, vector<1x1x16xf32>,
        %swap3A_652 = vector.shape_cast %swap3A_651 : vector<1x1x16xf32> to vector<16xf32>
        %swap3A_653 = vector.shape_cast %add3A_646 : vector<16xf32> to vector<1x1x16xf32>
        tpu.vector_store %arg7[%swap3A_648, %swap3A_649, %swap3A_650], %swap3A_653 {strides = array<i32>} : memref<2x32x768xf32, #tpu.memory_space<vmem>>, vector<1x1x16xf32>,
        %get3A_654 = arith.constant 1 : i32
        %get3A_655 = arith.index_cast %get3A_654 : i32 to index
        %get3A_656 = arith.index_cast %scan3A_276 : i32 to index
        %get3A_657 = arith.constant 288 : index
        %get3A_658 = tpu.vector_load %arg7[%get3A_655, %get3A_656, %get3A_657] {strides = array<i32>} : memref<2x32x768xf32, #tpu.memory_space<vmem>>, vector<1x1x16xf32>,
        %get3A_659 = vector.shape_cast %get3A_658 : vector<1x1x16xf32> to vector<16xf32>
        %mul3A_660 = arith.constant 27.7128124 : f32
        %mul3A_661 = vector.broadcast %mul3A_660 : f32 to vector<16xf32>
        %mul3A_662 = arith.mulf %get3A_659, %mul3A_661 : vector<16xf32>
        %get3A_663 = arith.index_cast %scan3A_276 : i32 to index
        %get3A_664 = arith.constant 288 : index
        %get3A_665 = tpu.vector_load %arg8[%get3A_663, %get3A_664] {strides = array<i32>} : memref<32x768xf32, #tpu.memory_space<vmem>>, vector<1x16xf32>,
        %get3A_666 = vector.shape_cast %get3A_665 : vector<1x16xf32> to vector<16xf32>
        %add3A_667 = arith.addf %mul3A_662, %get3A_666 : vector<16xf32>
        %swap3A_668 = arith.constant 1 : i32
        %swap3A_669 = arith.index_cast %swap3A_668 : i32 to index
        %swap3A_670 = arith.index_cast %scan3A_276 : i32 to index
        %swap3A_671 = arith.constant 288 : index
        %swap3A_672 = tpu.vector_load %arg7[%swap3A_669, %swap3A_670, %swap3A_671] {strides = array<i32>} : memref<2x32x768xf32, #tpu.memory_space<vmem>>, vector<1x1x16xf32>,
        %swap3A_673 = vector.shape_cast %swap3A_672 : vector<1x1x16xf32> to vector<16xf32>
        %swap3A_674 = vector.shape_cast %add3A_667 : vector<16xf32> to vector<1x1x16xf32>
        tpu.vector_store %arg7[%swap3A_669, %swap3A_670, %swap3A_671], %swap3A_674 {strides = array<i32>} : memref<2x32x768xf32, #tpu.memory_space<vmem>>, vector<1x1x16xf32>,
        %get3A_675 = arith.constant 1 : i32
        %get3A_676 = arith.index_cast %get3A_675 : i32 to index
        %get3A_677 = arith.index_cast %scan3A_276 : i32 to index
        %get3A_678 = arith.constant 304 : index
        %get3A_679 = tpu.vector_load %arg7[%get3A_676, %get3A_677, %get3A_678] {strides = array<i32>} : memref<2x32x768xf32, #tpu.memory_space<vmem>>, vector<1x1x16xf32>,
        %get3A_680 = vector.shape_cast %get3A_679 : vector<1x1x16xf32> to vector<16xf32>
        %mul3A_681 = arith.constant 27.7128124 : f32
        %mul3A_682 = vector.broadcast %mul3A_681 : f32 to vector<16xf32>
        %mul3A_683 = arith.mulf %get3A_680, %mul3A_682 : vector<16xf32>
        %get3A_684 = arith.index_cast %scan3A_276 : i32 to index
        %get3A_685 = arith.constant 304 : index
        %get3A_686 = tpu.vector_load %arg8[%get3A_684, %get3A_685] {strides = array<i32>} : memref<32x768xf32, #tpu.memory_space<vmem>>, vector<1x16xf32>,
        %get3A_687 = vector.shape_cast %get3A_686 : vector<1x16xf32> to vector<16xf32>
        %add3A_688 = arith.addf %mul3A_683, %get3A_687 : vector<16xf32>
        %swap3A_689 = arith.constant 1 : i32
        %swap3A_690 = arith.index_cast %swap3A_689 : i32 to index
        %swap3A_691 = arith.index_cast %scan3A_276 : i32 to index
        %swap3A_692 = arith.constant 304 : index
        %swap3A_693 = tpu.vector_load %arg7[%swap3A_690, %swap3A_691, %swap3A_692] {strides = array<i32>} : memref<2x32x768xf32, #tpu.memory_space<vmem>>, vector<1x1x16xf32>,
        %swap3A_694 = vector.shape_cast %swap3A_693 : vector<1x1x16xf32> to vector<16xf32>
        %swap3A_695 = vector.shape_cast %add3A_688 : vector<16xf32> to vector<1x1x16xf32>
        tpu.vector_store %arg7[%swap3A_690, %swap3A_691, %swap3A_692], %swap3A_695 {strides = array<i32>} : memref<2x32x768xf32, #tpu.memory_space<vmem>>, vector<1x1x16xf32>,
        %get3A_696 = arith.constant 1 : i32
        %get3A_697 = arith.index_cast %get3A_696 : i32 to index
        %get3A_698 = arith.index_cast %scan3A_276 : i32 to index
        %get3A_699 = arith.constant 320 : index
        %get3A_700 = tpu.vector_load %arg7[%get3A_697, %get3A_698, %get3A_699] {strides = array<i32>} : memref<2x32x768xf32, #tpu.memory_space<vmem>>, vector<1x1x16xf32>,
        %get3A_701 = vector.shape_cast %get3A_700 : vector<1x1x16xf32> to vector<16xf32>
        %mul3A_702 = arith.constant 27.7128124 : f32
        %mul3A_703 = vector.broadcast %mul3A_702 : f32 to vector<16xf32>
        %mul3A_704 = arith.mulf %get3A_701, %mul3A_703 : vector<16xf32>
        %get3A_705 = arith.index_cast %scan3A_276 : i32 to index
        %get3A_706 = arith.constant 320 : index
        %get3A_707 = tpu.vector_load %arg8[%get3A_705, %get3A_706] {strides = array<i32>} : memref<32x768xf32, #tpu.memory_space<vmem>>, vector<1x16xf32>,
        %get3A_708 = vector.shape_cast %get3A_707 : vector<1x16xf32> to vector<16xf32>
        %add3A_709 = arith.addf %mul3A_704, %get3A_708 : vector<16xf32>
        %swap3A_710 = arith.constant 1 : i32
        %swap3A_711 = arith.index_cast %swap3A_710 : i32 to index
        %swap3A_712 = arith.index_cast %scan3A_276 : i32 to index
        %swap3A_713 = arith.constant 320 : index
        %swap3A_714 = tpu.vector_load %arg7[%swap3A_711, %swap3A_712, %swap3A_713] {strides = array<i32>} : memref<2x32x768xf32, #tpu.memory_space<vmem>>, vector<1x1x16xf32>,
        %swap3A_715 = vector.shape_cast %swap3A_714 : vector<1x1x16xf32> to vector<16xf32>
        %swap3A_716 = vector.shape_cast %add3A_709 : vector<16xf32> to vector<1x1x16xf32>
        tpu.vector_store %arg7[%swap3A_711, %swap3A_712, %swap3A_713], %swap3A_716 {strides = array<i32>} : memref<2x32x768xf32, #tpu.memory_space<vmem>>, vector<1x1x16xf32>,
        %get3A_717 = arith.constant 1 : i32
        %get3A_718 = arith.index_cast %get3A_717 : i32 to index
        %get3A_719 = arith.index_cast %scan3A_276 : i32 to index
        %get3A_720 = arith.constant 336 : index
        %get3A_721 = tpu.vector_load %arg7[%get3A_718, %get3A_719, %get3A_720] {strides = array<i32>} : memref<2x32x768xf32, #tpu.memory_space<vmem>>, vector<1x1x16xf32>,
        %get3A_722 = vector.shape_cast %get3A_721 : vector<1x1x16xf32> to vector<16xf32>
        %mul3A_723 = arith.constant 27.7128124 : f32
        %mul3A_724 = vector.broadcast %mul3A_723 : f32 to vector<16xf32>
        %mul3A_725 = arith.mulf %get3A_722, %mul3A_724 : vector<16xf32>
        %get3A_726 = arith.index_cast %scan3A_276 : i32 to index
        %get3A_727 = arith.constant 336 : index
        %get3A_728 = tpu.vector_load %arg8[%get3A_726, %get3A_727] {strides = array<i32>} : memref<32x768xf32, #tpu.memory_space<vmem>>, vector<1x16xf32>,
        %get3A_729 = vector.shape_cast %get3A_728 : vector<1x16xf32> to vector<16xf32>
        %add3A_730 = arith.addf %mul3A_725, %get3A_729 : vector<16xf32>
        %swap3A_731 = arith.constant 1 : i32
        %swap3A_732 = arith.index_cast %swap3A_731 : i32 to index
        %swap3A_733 = arith.index_cast %scan3A_276 : i32 to index
        %swap3A_734 = arith.constant 336 : index
        %swap3A_735 = tpu.vector_load %arg7[%swap3A_732, %swap3A_733, %swap3A_734] {strides = array<i32>} : memref<2x32x768xf32, #tpu.memory_space<vmem>>, vector<1x1x16xf32>,
        %swap3A_736 = vector.shape_cast %swap3A_735 : vector<1x1x16xf32> to vector<16xf32>
        %swap3A_737 = vector.shape_cast %add3A_730 : vector<16xf32> to vector<1x1x16xf32>
        tpu.vector_store %arg7[%swap3A_732, %swap3A_733, %swap3A_734], %swap3A_737 {strides = array<i32>} : memref<2x32x768xf32, #tpu.memory_space<vmem>>, vector<1x1x16xf32>,
        %get3A_738 = arith.constant 1 : i32
        %get3A_739 = arith.index_cast %get3A_738 : i32 to index
        %get3A_740 = arith.index_cast %scan3A_276 : i32 to index
        %get3A_741 = arith.constant 352 : index
        %get3A_742 = tpu.vector_load %arg7[%get3A_739, %get3A_740, %get3A_741] {strides = array<i32>} : memref<2x32x768xf32, #tpu.memory_space<vmem>>, vector<1x1x16xf32>,
        %get3A_743 = vector.shape_cast %get3A_742 : vector<1x1x16xf32> to vector<16xf32>
        %mul3A_744 = arith.constant 27.7128124 : f32
        %mul3A_745 = vector.broadcast %mul3A_744 : f32 to vector<16xf32>
        %mul3A_746 = arith.mulf %get3A_743, %mul3A_745 : vector<16xf32>
        %get3A_747 = arith.index_cast %scan3A_276 : i32 to index
        %get3A_748 = arith.constant 352 : index
        %get3A_749 = tpu.vector_load %arg8[%get3A_747, %get3A_748] {strides = array<i32>} : memref<32x768xf32, #tpu.memory_space<vmem>>, vector<1x16xf32>,
        %get3A_750 = vector.shape_cast %get3A_749 : vector<1x16xf32> to vector<16xf32>
        %add3A_751 = arith.addf %mul3A_746, %get3A_750 : vector<16xf32>
        %swap3A_752 = arith.constant 1 : i32
        %swap3A_753 = arith.index_cast %swap3A_752 : i32 to index
        %swap3A_754 = arith.index_cast %scan3A_276 : i32 to index
        %swap3A_755 = arith.constant 352 : index
        %swap3A_756 = tpu.vector_load %arg7[%swap3A_753, %swap3A_754, %swap3A_755] {strides = array<i32>} : memref<2x32x768xf32, #tpu.memory_space<vmem>>, vector<1x1x16xf32>,
        %swap3A_757 = vector.shape_cast %swap3A_756 : vector<1x1x16xf32> to vector<16xf32>
        %swap3A_758 = vector.shape_cast %add3A_751 : vector<16xf32> to vector<1x1x16xf32>
        tpu.vector_store %arg7[%swap3A_753, %swap3A_754, %swap3A_755], %swap3A_758 {strides = array<i32>} : memref<2x32x768xf32, #tpu.memory_space<vmem>>, vector<1x1x16xf32>,
        %get3A_759 = arith.constant 1 : i32
        %get3A_760 = arith.index_cast %get3A_759 : i32 to index
        %get3A_761 = arith.index_cast %scan3A_276 : i32 to index
        %get3A_762 = arith.constant 368 : index
        %get3A_763 = tpu.vector_load %arg7[%get3A_760, %get3A_761, %get3A_762] {strides = array<i32>} : memref<2x32x768xf32, #tpu.memory_space<vmem>>, vector<1x1x16xf32>,
        %get3A_764 = vector.shape_cast %get3A_763 : vector<1x1x16xf32> to vector<16xf32>
        %mul3A_765 = arith.constant 27.7128124 : f32
        %mul3A_766 = vector.broadcast %mul3A_765 : f32 to vector<16xf32>
        %mul3A_767 = arith.mulf %get3A_764, %mul3A_766 : vector<16xf32>
        %get3A_768 = arith.index_cast %scan3A_276 : i32 to index
        %get3A_769 = arith.constant 368 : index
        %get3A_770 = tpu.vector_load %arg8[%get3A_768, %get3A_769] {strides = array<i32>} : memref<32x768xf32, #tpu.memory_space<vmem>>, vector<1x16xf32>,
        %get3A_771 = vector.shape_cast %get3A_770 : vector<1x16xf32> to vector<16xf32>
        %add3A_772 = arith.addf %mul3A_767, %get3A_771 : vector<16xf32>
        %swap3A_773 = arith.constant 1 : i32
        %swap3A_774 = arith.index_cast %swap3A_773 : i32 to index
        %swap3A_775 = arith.index_cast %scan3A_276 : i32 to index
        %swap3A_776 = arith.constant 368 : index
        %swap3A_777 = tpu.vector_load %arg7[%swap3A_774, %swap3A_775, %swap3A_776] {strides = array<i32>} : memref<2x32x768xf32, #tpu.memory_space<vmem>>, vector<1x1x16xf32>,
        %swap3A_778 = vector.shape_cast %swap3A_777 : vector<1x1x16xf32> to vector<16xf32>
        %swap3A_779 = vector.shape_cast %add3A_772 : vector<16xf32> to vector<1x1x16xf32>
        tpu.vector_store %arg7[%swap3A_774, %swap3A_775, %swap3A_776], %swap3A_779 {strides = array<i32>} : memref<2x32x768xf32, #tpu.memory_space<vmem>>, vector<1x1x16xf32>,
        %get3A_780 = arith.constant 1 : i32
        %get3A_781 = arith.index_cast %get3A_780 : i32 to index
        %get3A_782 = arith.index_cast %scan3A_276 : i32 to index
        %get3A_783 = arith.constant 384 : index
        %get3A_784 = tpu.vector_load %arg7[%get3A_781, %get3A_782, %get3A_783] {strides = array<i32>} : memref<2x32x768xf32, #tpu.memory_space<vmem>>, vector<1x1x16xf32>,
        %get3A_785 = vector.shape_cast %get3A_784 : vector<1x1x16xf32> to vector<16xf32>
        %mul3A_786 = arith.constant 27.7128124 : f32
        %mul3A_787 = vector.broadcast %mul3A_786 : f32 to vector<16xf32>
        %mul3A_788 = arith.mulf %get3A_785, %mul3A_787 : vector<16xf32>
        %get3A_789 = arith.index_cast %scan3A_276 : i32 to index
        %get3A_790 = arith.constant 384 : index
        %get3A_791 = tpu.vector_load %arg8[%get3A_789, %get3A_790] {strides = array<i32>} : memref<32x768xf32, #tpu.memory_space<vmem>>, vector<1x16xf32>,
        %get3A_792 = vector.shape_cast %get3A_791 : vector<1x16xf32> to vector<16xf32>
        %add3A_793 = arith.addf %mul3A_788, %get3A_792 : vector<16xf32>
        %swap3A_794 = arith.constant 1 : i32
        %swap3A_795 = arith.index_cast %swap3A_794 : i32 to index
        %swap3A_796 = arith.index_cast %scan3A_276 : i32 to index
        %swap3A_797 = arith.constant 384 : index
        %swap3A_798 = tpu.vector_load %arg7[%swap3A_795, %swap3A_796, %swap3A_797] {strides = array<i32>} : memref<2x32x768xf32, #tpu.memory_space<vmem>>, vector<1x1x16xf32>,
        %swap3A_799 = vector.shape_cast %swap3A_798 : vector<1x1x16xf32> to vector<16xf32>
        %swap3A_800 = vector.shape_cast %add3A_793 : vector<16xf32> to vector<1x1x16xf32>
        tpu.vector_store %arg7[%swap3A_795, %swap3A_796, %swap3A_797], %swap3A_800 {strides = array<i32>} : memref<2x32x768xf32, #tpu.memory_space<vmem>>, vector<1x1x16xf32>,
        %get3A_801 = arith.constant 1 : i32
        %get3A_802 = arith.index_cast %get3A_801 : i32 to index
        %get3A_803 = arith.index_cast %scan3A_276 : i32 to index
        %get3A_804 = arith.constant 400 : index
        %get3A_805 = tpu.vector_load %arg7[%get3A_802, %get3A_803, %get3A_804] {strides = array<i32>} : memref<2x32x768xf32, #tpu.memory_space<vmem>>, vector<1x1x16xf32>,
        %get3A_806 = vector.shape_cast %get3A_805 : vector<1x1x16xf32> to vector<16xf32>
        %mul3A_807 = arith.constant 27.7128124 : f32
        %mul3A_808 = vector.broadcast %mul3A_807 : f32 to vector<16xf32>
        %mul3A_809 = arith.mulf %get3A_806, %mul3A_808 : vector<16xf32>
        %get3A_810 = arith.index_cast %scan3A_276 : i32 to index
        %get3A_811 = arith.constant 400 : index
        %get3A_812 = tpu.vector_load %arg8[%get3A_810, %get3A_811] {strides = array<i32>} : memref<32x768xf32, #tpu.memory_space<vmem>>, vector<1x16xf32>,
        %get3A_813 = vector.shape_cast %get3A_812 : vector<1x16xf32> to vector<16xf32>
        %add3A_814 = arith.addf %mul3A_809, %get3A_813 : vector<16xf32>
        %swap3A_815 = arith.constant 1 : i32
        %swap3A_816 = arith.index_cast %swap3A_815 : i32 to index
        %swap3A_817 = arith.index_cast %scan3A_276 : i32 to index
        %swap3A_818 = arith.constant 400 : index
        %swap3A_819 = tpu.vector_load %arg7[%swap3A_816, %swap3A_817, %swap3A_818] {strides = array<i32>} : memref<2x32x768xf32, #tpu.memory_space<vmem>>, vector<1x1x16xf32>,
        %swap3A_820 = vector.shape_cast %swap3A_819 : vector<1x1x16xf32> to vector<16xf32>
        %swap3A_821 = vector.shape_cast %add3A_814 : vector<16xf32> to vector<1x1x16xf32>
        tpu.vector_store %arg7[%swap3A_816, %swap3A_817, %swap3A_818], %swap3A_821 {strides = array<i32>} : memref<2x32x768xf32, #tpu.memory_space<vmem>>, vector<1x1x16xf32>,
        %get3A_822 = arith.constant 1 : i32
        %get3A_823 = arith.index_cast %get3A_822 : i32 to index
        %get3A_824 = arith.index_cast %scan3A_276 : i32 to index
        %get3A_825 = arith.constant 416 : index
        %get3A_826 = tpu.vector_load %arg7[%get3A_823, %get3A_824, %get3A_825] {strides = array<i32>} : memref<2x32x768xf32, #tpu.memory_space<vmem>>, vector<1x1x16xf32>,
        %get3A_827 = vector.shape_cast %get3A_826 : vector<1x1x16xf32> to vector<16xf32>
        %mul3A_828 = arith.constant 27.7128124 : f32
        %mul3A_829 = vector.broadcast %mul3A_828 : f32 to vector<16xf32>
        %mul3A_830 = arith.mulf %get3A_827, %mul3A_829 : vector<16xf32>
        %get3A_831 = arith.index_cast %scan3A_276 : i32 to index
        %get3A_832 = arith.constant 416 : index
        %get3A_833 = tpu.vector_load %arg8[%get3A_831, %get3A_832] {strides = array<i32>} : memref<32x768xf32, #tpu.memory_space<vmem>>, vector<1x16xf32>,
        %get3A_834 = vector.shape_cast %get3A_833 : vector<1x16xf32> to vector<16xf32>
        %add3A_835 = arith.addf %mul3A_830, %get3A_834 : vector<16xf32>
        %swap3A_836 = arith.constant 1 : i32
        %swap3A_837 = arith.index_cast %swap3A_836 : i32 to index
        %swap3A_838 = arith.index_cast %scan3A_276 : i32 to index
        %swap3A_839 = arith.constant 416 : index
        %swap3A_840 = tpu.vector_load %arg7[%swap3A_837, %swap3A_838, %swap3A_839] {strides = array<i32>} : memref<2x32x768xf32, #tpu.memory_space<vmem>>, vector<1x1x16xf32>,
        %swap3A_841 = vector.shape_cast %swap3A_840 : vector<1x1x16xf32> to vector<16xf32>
        %swap3A_842 = vector.shape_cast %add3A_835 : vector<16xf32> to vector<1x1x16xf32>
        tpu.vector_store %arg7[%swap3A_837, %swap3A_838, %swap3A_839], %swap3A_842 {strides = array<i32>} : memref<2x32x768xf32, #tpu.memory_space<vmem>>, vector<1x1x16xf32>,
        %get3A_843 = arith.constant 1 : i32
        %get3A_844 = arith.index_cast %get3A_843 : i32 to index
        %get3A_845 = arith.index_cast %scan3A_276 : i32 to index
        %get3A_846 = arith.constant 432 : index
        %get3A_847 = tpu.vector_load %arg7[%get3A_844, %get3A_845, %get3A_846] {strides = array<i32>} : memref<2x32x768xf32, #tpu.memory_space<vmem>>, vector<1x1x16xf32>,
        %get3A_848 = vector.shape_cast %get3A_847 : vector<1x1x16xf32> to vector<16xf32>
        %mul3A_849 = arith.constant 27.7128124 : f32
        %mul3A_850 = vector.broadcast %mul3A_849 : f32 to vector<16xf32>
        %mul3A_851 = arith.mulf %get3A_848, %mul3A_850 : vector<16xf32>
        %get3A_852 = arith.index_cast %scan3A_276 : i32 to index
        %get3A_853 = arith.constant 432 : index
        %get3A_854 = tpu.vector_load %arg8[%get3A_852, %get3A_853] {strides = array<i32>} : memref<32x768xf32, #tpu.memory_space<vmem>>, vector<1x16xf32>,
        %get3A_855 = vector.shape_cast %get3A_854 : vector<1x16xf32> to vector<16xf32>
        %add3A_856 = arith.addf %mul3A_851, %get3A_855 : vector<16xf32>
        %swap3A_857 = arith.constant 1 : i32
        %swap3A_858 = arith.index_cast %swap3A_857 : i32 to index
        %swap3A_859 = arith.index_cast %scan3A_276 : i32 to index
        %swap3A_860 = arith.constant 432 : index
        %swap3A_861 = tpu.vector_load %arg7[%swap3A_858, %swap3A_859, %swap3A_860] {strides = array<i32>} : memref<2x32x768xf32, #tpu.memory_space<vmem>>, vector<1x1x16xf32>,
        %swap3A_862 = vector.shape_cast %swap3A_861 : vector<1x1x16xf32> to vector<16xf32>
        %swap3A_863 = vector.shape_cast %add3A_856 : vector<16xf32> to vector<1x1x16xf32>
        tpu.vector_store %arg7[%swap3A_858, %swap3A_859, %swap3A_860], %swap3A_863 {strides = array<i32>} : memref<2x32x768xf32, #tpu.memory_space<vmem>>, vector<1x1x16xf32>,
        %get3A_864 = arith.constant 1 : i32
        %get3A_865 = arith.index_cast %get3A_864 : i32 to index
        %get3A_866 = arith.index_cast %scan3A_276 : i32 to index
        %get3A_867 = arith.constant 448 : index
        %get3A_868 = tpu.vector_load %arg7[%get3A_865, %get3A_866, %get3A_867] {strides = array<i32>} : memref<2x32x768xf32, #tpu.memory_space<vmem>>, vector<1x1x16xf32>,
        %get3A_869 = vector.shape_cast %get3A_868 : vector<1x1x16xf32> to vector<16xf32>
        %mul3A_870 = arith.constant 27.7128124 : f32
        %mul3A_871 = vector.broadcast %mul3A_870 : f32 to vector<16xf32>
        %mul3A_872 = arith.mulf %get3A_869, %mul3A_871 : vector<16xf32>
        %get3A_873 = arith.index_cast %scan3A_276 : i32 to index
        %get3A_874 = arith.constant 448 : index
        %get3A_875 = tpu.vector_load %arg8[%get3A_873, %get3A_874] {strides = array<i32>} : memref<32x768xf32, #tpu.memory_space<vmem>>, vector<1x16xf32>,
        %get3A_876 = vector.shape_cast %get3A_875 : vector<1x16xf32> to vector<16xf32>
        %add3A_877 = arith.addf %mul3A_872, %get3A_876 : vector<16xf32>
        %swap3A_878 = arith.constant 1 : i32
        %swap3A_879 = arith.index_cast %swap3A_878 : i32 to index
        %swap3A_880 = arith.index_cast %scan3A_276 : i32 to index
        %swap3A_881 = arith.constant 448 : index
        %swap3A_882 = tpu.vector_load %arg7[%swap3A_879, %swap3A_880, %swap3A_881] {strides = array<i32>} : memref<2x32x768xf32, #tpu.memory_space<vmem>>, vector<1x1x16xf32>,
        %swap3A_883 = vector.shape_cast %swap3A_882 : vector<1x1x16xf32> to vector<16xf32>
        %swap3A_884 = vector.shape_cast %add3A_877 : vector<16xf32> to vector<1x1x16xf32>
        tpu.vector_store %arg7[%swap3A_879, %swap3A_880, %swap3A_881], %swap3A_884 {strides = array<i32>} : memref<2x32x768xf32, #tpu.memory_space<vmem>>, vector<1x1x16xf32>,
        %get3A_885 = arith.constant 1 : i32
        %get3A_886 = arith.index_cast %get3A_885 : i32 to index
        %get3A_887 = arith.index_cast %scan3A_276 : i32 to index
        %get3A_888 = arith.constant 464 : index
        %get3A_889 = tpu.vector_load %arg7[%get3A_886, %get3A_887, %get3A_888] {strides = array<i32>} : memref<2x32x768xf32, #tpu.memory_space<vmem>>, vector<1x1x16xf32>,
        %get3A_890 = vector.shape_cast %get3A_889 : vector<1x1x16xf32> to vector<16xf32>
        %mul3A_891 = arith.constant 27.7128124 : f32
        %mul3A_892 = vector.broadcast %mul3A_891 : f32 to vector<16xf32>
        %mul3A_893 = arith.mulf %get3A_890, %mul3A_892 : vector<16xf32>
        %get3A_894 = arith.index_cast %scan3A_276 : i32 to index
        %get3A_895 = arith.constant 464 : index
        %get3A_896 = tpu.vector_load %arg8[%get3A_894, %get3A_895] {strides = array<i32>} : memref<32x768xf32, #tpu.memory_space<vmem>>, vector<1x16xf32>,
        %get3A_897 = vector.shape_cast %get3A_896 : vector<1x16xf32> to vector<16xf32>
        %add3A_898 = arith.addf %mul3A_893, %get3A_897 : vector<16xf32>
        %swap3A_899 = arith.constant 1 : i32
        %swap3A_900 = arith.index_cast %swap3A_899 : i32 to index
        %swap3A_901 = arith.index_cast %scan3A_276 : i32 to index
        %swap3A_902 = arith.constant 464 : index
        %swap3A_903 = tpu.vector_load %arg7[%swap3A_900, %swap3A_901, %swap3A_902] {strides = array<i32>} : memref<2x32x768xf32, #tpu.memory_space<vmem>>, vector<1x1x16xf32>,
        %swap3A_904 = vector.shape_cast %swap3A_903 : vector<1x1x16xf32> to vector<16xf32>
        %swap3A_905 = vector.shape_cast %add3A_898 : vector<16xf32> to vector<1x1x16xf32>
        tpu.vector_store %arg7[%swap3A_900, %swap3A_901, %swap3A_902], %swap3A_905 {strides = array<i32>} : memref<2x32x768xf32, #tpu.memory_space<vmem>>, vector<1x1x16xf32>,
        %get3A_906 = arith.constant 1 : i32
        %get3A_907 = arith.index_cast %get3A_906 : i32 to index
        %get3A_908 = arith.index_cast %scan3A_276 : i32 to index
        %get3A_909 = arith.constant 480 : index
        %get3A_910 = tpu.vector_load %arg7[%get3A_907, %get3A_908, %get3A_909] {strides = array<i32>} : memref<2x32x768xf32, #tpu.memory_space<vmem>>, vector<1x1x16xf32>,
        %get3A_911 = vector.shape_cast %get3A_910 : vector<1x1x16xf32> to vector<16xf32>
        %mul3A_912 = arith.constant 27.7128124 : f32
        %mul3A_913 = vector.broadcast %mul3A_912 : f32 to vector<16xf32>
        %mul3A_914 = arith.mulf %get3A_911, %mul3A_913 : vector<16xf32>
        %get3A_915 = arith.index_cast %scan3A_276 : i32 to index
        %get3A_916 = arith.constant 480 : index
        %get3A_917 = tpu.vector_load %arg8[%get3A_915, %get3A_916] {strides = array<i32>} : memref<32x768xf32, #tpu.memory_space<vmem>>, vector<1x16xf32>,
        %get3A_918 = vector.shape_cast %get3A_917 : vector<1x16xf32> to vector<16xf32>
        %add3A_919 = arith.addf %mul3A_914, %get3A_918 : vector<16xf32>
        %swap3A_920 = arith.constant 1 : i32
        %swap3A_921 = arith.index_cast %swap3A_920 : i32 to index
        %swap3A_922 = arith.index_cast %scan3A_276 : i32 to index
        %swap3A_923 = arith.constant 480 : index
        %swap3A_924 = tpu.vector_load %arg7[%swap3A_921, %swap3A_922, %swap3A_923] {strides = array<i32>} : memref<2x32x768xf32, #tpu.memory_space<vmem>>, vector<1x1x16xf32>,
        %swap3A_925 = vector.shape_cast %swap3A_924 : vector<1x1x16xf32> to vector<16xf32>
        %swap3A_926 = vector.shape_cast %add3A_919 : vector<16xf32> to vector<1x1x16xf32>
        tpu.vector_store %arg7[%swap3A_921, %swap3A_922, %swap3A_923], %swap3A_926 {strides = array<i32>} : memref<2x32x768xf32, #tpu.memory_space<vmem>>, vector<1x1x16xf32>,
        %get3A_927 = arith.constant 1 : i32
        %get3A_928 = arith.index_cast %get3A_927 : i32 to index
        %get3A_929 = arith.index_cast %scan3A_276 : i32 to index
        %get3A_930 = arith.constant 496 : index
        %get3A_931 = tpu.vector_load %arg7[%get3A_928, %get3A_929, %get3A_930] {strides = array<i32>} : memref<2x32x768xf32, #tpu.memory_space<vmem>>, vector<1x1x16xf32>,
        %get3A_932 = vector.shape_cast %get3A_931 : vector<1x1x16xf32> to vector<16xf32>
        %mul3A_933 = arith.constant 27.7128124 : f32
        %mul3A_934 = vector.broadcast %mul3A_933 : f32 to vector<16xf32>
        %mul3A_935 = arith.mulf %get3A_932, %mul3A_934 : vector<16xf32>
        %get3A_936 = arith.index_cast %scan3A_276 : i32 to index
        %get3A_937 = arith.constant 496 : index
        %get3A_938 = tpu.vector_load %arg8[%get3A_936, %get3A_937] {strides = array<i32>} : memref<32x768xf32, #tpu.memory_space<vmem>>, vector<1x16xf32>,
        %get3A_939 = vector.shape_cast %get3A_938 : vector<1x16xf32> to vector<16xf32>
        %add3A_940 = arith.addf %mul3A_935, %get3A_939 : vector<16xf32>
        %swap3A_941 = arith.constant 1 : i32
        %swap3A_942 = arith.index_cast %swap3A_941 : i32 to index
        %swap3A_943 = arith.index_cast %scan3A_276 : i32 to index
        %swap3A_944 = arith.constant 496 : index
        %swap3A_945 = tpu.vector_load %arg7[%swap3A_942, %swap3A_943, %swap3A_944] {strides = array<i32>} : memref<2x32x768xf32, #tpu.memory_space<vmem>>, vector<1x1x16xf32>,
        %swap3A_946 = vector.shape_cast %swap3A_945 : vector<1x1x16xf32> to vector<16xf32>
        %swap3A_947 = vector.shape_cast %add3A_940 : vector<16xf32> to vector<1x1x16xf32>
        tpu.vector_store %arg7[%swap3A_942, %swap3A_943, %swap3A_944], %swap3A_947 {strides = array<i32>} : memref<2x32x768xf32, #tpu.memory_space<vmem>>, vector<1x1x16xf32>,
        %get3A_948 = arith.constant 1 : i32
        %get3A_949 = arith.index_cast %get3A_948 : i32 to index
        %get3A_950 = arith.index_cast %scan3A_276 : i32 to index
        %get3A_951 = arith.constant 512 : index
        %get3A_952 = tpu.vector_load %arg7[%get3A_949, %get3A_950, %get3A_951] {strides = array<i32>} : memref<2x32x768xf32, #tpu.memory_space<vmem>>, vector<1x1x16xf32>,
        %get3A_953 = vector.shape_cast %get3A_952 : vector<1x1x16xf32> to vector<16xf32>
        %mul3A_954 = arith.constant 27.7128124 : f32
        %mul3A_955 = vector.broadcast %mul3A_954 : f32 to vector<16xf32>
        %mul3A_956 = arith.mulf %get3A_953, %mul3A_955 : vector<16xf32>
        %get3A_957 = arith.index_cast %scan3A_276 : i32 to index
        %get3A_958 = arith.constant 512 : index
        %get3A_959 = tpu.vector_load %arg8[%get3A_957, %get3A_958] {strides = array<i32>} : memref<32x768xf32, #tpu.memory_space<vmem>>, vector<1x16xf32>,
        %get3A_960 = vector.shape_cast %get3A_959 : vector<1x16xf32> to vector<16xf32>
        %add3A_961 = arith.addf %mul3A_956, %get3A_960 : vector<16xf32>
        %swap3A_962 = arith.constant 1 : i32
        %swap3A_963 = arith.index_cast %swap3A_962 : i32 to index
        %swap3A_964 = arith.index_cast %scan3A_276 : i32 to index
        %swap3A_965 = arith.constant 512 : index
        %swap3A_966 = tpu.vector_load %arg7[%swap3A_963, %swap3A_964, %swap3A_965] {strides = array<i32>} : memref<2x32x768xf32, #tpu.memory_space<vmem>>, vector<1x1x16xf32>,
        %swap3A_967 = vector.shape_cast %swap3A_966 : vector<1x1x16xf32> to vector<16xf32>
        %swap3A_968 = vector.shape_cast %add3A_961 : vector<16xf32> to vector<1x1x16xf32>
        tpu.vector_store %arg7[%swap3A_963, %swap3A_964, %swap3A_965], %swap3A_968 {strides = array<i32>} : memref<2x32x768xf32, #tpu.memory_space<vmem>>, vector<1x1x16xf32>,
        %get3A_969 = arith.constant 1 : i32
        %get3A_970 = arith.index_cast %get3A_969 : i32 to index
        %get3A_971 = arith.index_cast %scan3A_276 : i32 to index
        %get3A_972 = arith.constant 528 : index
        %get3A_973 = tpu.vector_load %arg7[%get3A_970, %get3A_971, %get3A_972] {strides = array<i32>} : memref<2x32x768xf32, #tpu.memory_space<vmem>>, vector<1x1x16xf32>,
        %get3A_974 = vector.shape_cast %get3A_973 : vector<1x1x16xf32> to vector<16xf32>
        %mul3A_975 = arith.constant 27.7128124 : f32
        %mul3A_976 = vector.broadcast %mul3A_975 : f32 to vector<16xf32>
        %mul3A_977 = arith.mulf %get3A_974, %mul3A_976 : vector<16xf32>
        %get3A_978 = arith.index_cast %scan3A_276 : i32 to index
        %get3A_979 = arith.constant 528 : index
        %get3A_980 = tpu.vector_load %arg8[%get3A_978, %get3A_979] {strides = array<i32>} : memref<32x768xf32, #tpu.memory_space<vmem>>, vector<1x16xf32>,
        %get3A_981 = vector.shape_cast %get3A_980 : vector<1x16xf32> to vector<16xf32>
        %add3A_982 = arith.addf %mul3A_977, %get3A_981 : vector<16xf32>
        %swap3A_983 = arith.constant 1 : i32
        %swap3A_984 = arith.index_cast %swap3A_983 : i32 to index
        %swap3A_985 = arith.index_cast %scan3A_276 : i32 to index
        %swap3A_986 = arith.constant 528 : index
        %swap3A_987 = tpu.vector_load %arg7[%swap3A_984, %swap3A_985, %swap3A_986] {strides = array<i32>} : memref<2x32x768xf32, #tpu.memory_space<vmem>>, vector<1x1x16xf32>,
        %swap3A_988 = vector.shape_cast %swap3A_987 : vector<1x1x16xf32> to vector<16xf32>
        %swap3A_989 = vector.shape_cast %add3A_982 : vector<16xf32> to vector<1x1x16xf32>
        tpu.vector_store %arg7[%swap3A_984, %swap3A_985, %swap3A_986], %swap3A_989 {strides = array<i32>} : memref<2x32x768xf32, #tpu.memory_space<vmem>>, vector<1x1x16xf32>,
        %get3A_990 = arith.constant 1 : i32
        %get3A_991 = arith.index_cast %get3A_990 : i32 to index
        %get3A_992 = arith.index_cast %scan3A_276 : i32 to index
        %get3A_993 = arith.constant 544 : index
        %get3A_994 = tpu.vector_load %arg7[%get3A_991, %get3A_992, %get3A_993] {strides = array<i32>} : memref<2x32x768xf32, #tpu.memory_space<vmem>>, vector<1x1x16xf32>,
        %get3A_995 = vector.shape_cast %get3A_994 : vector<1x1x16xf32> to vector<16xf32>
        %mul3A_996 = arith.constant 27.7128124 : f32
        %mul3A_997 = vector.broadcast %mul3A_996 : f32 to vector<16xf32>
        %mul3A_998 = arith.mulf %get3A_995, %mul3A_997 : vector<16xf32>
        %get3A_999 = arith.index_cast %scan3A_276 : i32 to index
        %get3A_1000 = arith.constant 544 : index
        %get3A_1001 = tpu.vector_load %arg8[%get3A_999, %get3A_1000] {strides = array<i32>} : memref<32x768xf32, #tpu.memory_space<vmem>>, vector<1x16xf32>,
        %get3A_1002 = vector.shape_cast %get3A_1001 : vector<1x16xf32> to vector<16xf32>
        %add3A_1003 = arith.addf %mul3A_998, %get3A_1002 : vector<16xf32>
        %swap3A_1004 = arith.constant 1 : i32
        %swap3A_1005 = arith.index_cast %swap3A_1004 : i32 to index
        %swap3A_1006 = arith.index_cast %scan3A_276 : i32 to index
        %swap3A_1007 = arith.constant 544 : index
        %swap3A_1008 = tpu.vector_load %arg7[%swap3A_1005, %swap3A_1006, %swap3A_1007] {strides = array<i32>} : memref<2x32x768xf32, #tpu.memory_space<vmem>>, vector<1x1x16xf32>,
        %swap3A_1009 = vector.shape_cast %swap3A_1008 : vector<1x1x16xf32> to vector<16xf32>
        %swap3A_1010 = vector.shape_cast %add3A_1003 : vector<16xf32> to vector<1x1x16xf32>
        tpu.vector_store %arg7[%swap3A_1005, %swap3A_1006, %swap3A_1007], %swap3A_1010 {strides = array<i32>} : memref<2x32x768xf32, #tpu.memory_space<vmem>>, vector<1x1x16xf32>,
        %get3A_1011 = arith.constant 1 : i32
        %get3A_1012 = arith.index_cast %get3A_1011 : i32 to index
        %get3A_1013 = arith.index_cast %scan3A_276 : i32 to index
        %get3A_1014 = arith.constant 560 : index
        %get3A_1015 = tpu.vector_load %arg7[%get3A_1012, %get3A_1013, %get3A_1014] {strides = array<i32>} : memref<2x32x768xf32, #tpu.memory_space<vmem>>, vector<1x1x16xf32>,
        %get3A_1016 = vector.shape_cast %get3A_1015 : vector<1x1x16xf32> to vector<16xf32>
        %mul3A_1017 = arith.constant 27.7128124 : f32
        %mul3A_1018 = vector.broadcast %mul3A_1017 : f32 to vector<16xf32>
        %mul3A_1019 = arith.mulf %get3A_1016, %mul3A_1018 : vector<16xf32>
        %get3A_1020 = arith.index_cast %scan3A_276 : i32 to index
        %get3A_1021 = arith.constant 560 : index
        %get3A_1022 = tpu.vector_load %arg8[%get3A_1020, %get3A_1021] {strides = array<i32>} : memref<32x768xf32, #tpu.memory_space<vmem>>, vector<1x16xf32>,
        %get3A_1023 = vector.shape_cast %get3A_1022 : vector<1x16xf32> to vector<16xf32>
        %add3A_1024 = arith.addf %mul3A_1019, %get3A_1023 : vector<16xf32>
        %swap3A_1025 = arith.constant 1 : i32
        %swap3A_1026 = arith.index_cast %swap3A_1025 : i32 to index
        %swap3A_1027 = arith.index_cast %scan3A_276 : i32 to index
        %swap3A_1028 = arith.constant 560 : index
        %swap3A_1029 = tpu.vector_load %arg7[%swap3A_1026, %swap3A_1027, %swap3A_1028] {strides = array<i32>} : memref<2x32x768xf32, #tpu.memory_space<vmem>>, vector<1x1x16xf32>,
        %swap3A_1030 = vector.shape_cast %swap3A_1029 : vector<1x1x16xf32> to vector<16xf32>
        %swap3A_1031 = vector.shape_cast %add3A_1024 : vector<16xf32> to vector<1x1x16xf32>
        tpu.vector_store %arg7[%swap3A_1026, %swap3A_1027, %swap3A_1028], %swap3A_1031 {strides = array<i32>} : memref<2x32x768xf32, #tpu.memory_space<vmem>>, vector<1x1x16xf32>,
        %get3A_1032 = arith.constant 1 : i32
        %get3A_1033 = arith.index_cast %get3A_1032 : i32 to index
        %get3A_1034 = arith.index_cast %scan3A_276 : i32 to index
        %get3A_1035 = arith.constant 576 : index
        %get3A_1036 = tpu.vector_load %arg7[%get3A_1033, %get3A_1034, %get3A_1035] {strides = array<i32>} : memref<2x32x768xf32, #tpu.memory_space<vmem>>, vector<1x1x16xf32>,
        %get3A_1037 = vector.shape_cast %get3A_1036 : vector<1x1x16xf32> to vector<16xf32>
        %mul3A_1038 = arith.constant 27.7128124 : f32
        %mul3A_1039 = vector.broadcast %mul3A_1038 : f32 to vector<16xf32>
        %mul3A_1040 = arith.mulf %get3A_1037, %mul3A_1039 : vector<16xf32>
        %get3A_1041 = arith.index_cast %scan3A_276 : i32 to index
        %get3A_1042 = arith.constant 576 : index
        %get3A_1043 = tpu.vector_load %arg8[%get3A_1041, %get3A_1042] {strides = array<i32>} : memref<32x768xf32, #tpu.memory_space<vmem>>, vector<1x16xf32>,
        %get3A_1044 = vector.shape_cast %get3A_1043 : vector<1x16xf32> to vector<16xf32>
        %add3A_1045 = arith.addf %mul3A_1040, %get3A_1044 : vector<16xf32>
        %swap3A_1046 = arith.constant 1 : i32
        %swap3A_1047 = arith.index_cast %swap3A_1046 : i32 to index
        %swap3A_1048 = arith.index_cast %scan3A_276 : i32 to index
        %swap3A_1049 = arith.constant 576 : index
        %swap3A_1050 = tpu.vector_load %arg7[%swap3A_1047, %swap3A_1048, %swap3A_1049] {strides = array<i32>} : memref<2x32x768xf32, #tpu.memory_space<vmem>>, vector<1x1x16xf32>,
        %swap3A_1051 = vector.shape_cast %swap3A_1050 : vector<1x1x16xf32> to vector<16xf32>
        %swap3A_1052 = vector.shape_cast %add3A_1045 : vector<16xf32> to vector<1x1x16xf32>
        tpu.vector_store %arg7[%swap3A_1047, %swap3A_1048, %swap3A_1049], %swap3A_1052 {strides = array<i32>} : memref<2x32x768xf32, #tpu.memory_space<vmem>>, vector<1x1x16xf32>,
        %get3A_1053 = arith.constant 1 : i32
        %get3A_1054 = arith.index_cast %get3A_1053 : i32 to index
        %get3A_1055 = arith.index_cast %scan3A_276 : i32 to index
        %get3A_1056 = arith.constant 592 : index
        %get3A_1057 = tpu.vector_load %arg7[%get3A_1054, %get3A_1055, %get3A_1056] {strides = array<i32>} : memref<2x32x768xf32, #tpu.memory_space<vmem>>, vector<1x1x16xf32>,
        %get3A_1058 = vector.shape_cast %get3A_1057 : vector<1x1x16xf32> to vector<16xf32>
        %mul3A_1059 = arith.constant 27.7128124 : f32
        %mul3A_1060 = vector.broadcast %mul3A_1059 : f32 to vector<16xf32>
        %mul3A_1061 = arith.mulf %get3A_1058, %mul3A_1060 : vector<16xf32>
        %get3A_1062 = arith.index_cast %scan3A_276 : i32 to index
        %get3A_1063 = arith.constant 592 : index
        %get3A_1064 = tpu.vector_load %arg8[%get3A_1062, %get3A_1063] {strides = array<i32>} : memref<32x768xf32, #tpu.memory_space<vmem>>, vector<1x16xf32>,
        %get3A_1065 = vector.shape_cast %get3A_1064 : vector<1x16xf32> to vector<16xf32>
        %add3A_1066 = arith.addf %mul3A_1061, %get3A_1065 : vector<16xf32>
        %swap3A_1067 = arith.constant 1 : i32
        %swap3A_1068 = arith.index_cast %swap3A_1067 : i32 to index
        %swap3A_1069 = arith.index_cast %scan3A_276 : i32 to index
        %swap3A_1070 = arith.constant 592 : index
        %swap3A_1071 = tpu.vector_load %arg7[%swap3A_1068, %swap3A_1069, %swap3A_1070] {strides = array<i32>} : memref<2x32x768xf32, #tpu.memory_space<vmem>>, vector<1x1x16xf32>,
        %swap3A_1072 = vector.shape_cast %swap3A_1071 : vector<1x1x16xf32> to vector<16xf32>
        %swap3A_1073 = vector.shape_cast %add3A_1066 : vector<16xf32> to vector<1x1x16xf32>
        tpu.vector_store %arg7[%swap3A_1068, %swap3A_1069, %swap3A_1070], %swap3A_1073 {strides = array<i32>} : memref<2x32x768xf32, #tpu.memory_space<vmem>>, vector<1x1x16xf32>,
        %get3A_1074 = arith.constant 1 : i32
        %get3A_1075 = arith.index_cast %get3A_1074 : i32 to index
        %get3A_1076 = arith.index_cast %scan3A_276 : i32 to index
        %get3A_1077 = arith.constant 608 : index
        %get3A_1078 = tpu.vector_load %arg7[%get3A_1075, %get3A_1076, %get3A_1077] {strides = array<i32>} : memref<2x32x768xf32, #tpu.memory_space<vmem>>, vector<1x1x16xf32>,
        %get3A_1079 = vector.shape_cast %get3A_1078 : vector<1x1x16xf32> to vector<16xf32>
        %mul3A_1080 = arith.constant 27.7128124 : f32
        %mul3A_1081 = vector.broadcast %mul3A_1080 : f32 to vector<16xf32>
        %mul3A_1082 = arith.mulf %get3A_1079, %mul3A_1081 : vector<16xf32>
        %get3A_1083 = arith.index_cast %scan3A_276 : i32 to index
        %get3A_1084 = arith.constant 608 : index
        %get3A_1085 = tpu.vector_load %arg8[%get3A_1083, %get3A_1084] {strides = array<i32>} : memref<32x768xf32, #tpu.memory_space<vmem>>, vector<1x16xf32>,
        %get3A_1086 = vector.shape_cast %get3A_1085 : vector<1x16xf32> to vector<16xf32>
        %add3A_1087 = arith.addf %mul3A_1082, %get3A_1086 : vector<16xf32>
        %swap3A_1088 = arith.constant 1 : i32
        %swap3A_1089 = arith.index_cast %swap3A_1088 : i32 to index
        %swap3A_1090 = arith.index_cast %scan3A_276 : i32 to index
        %swap3A_1091 = arith.constant 608 : index
        %swap3A_1092 = tpu.vector_load %arg7[%swap3A_1089, %swap3A_1090, %swap3A_1091] {strides = array<i32>} : memref<2x32x768xf32, #tpu.memory_space<vmem>>, vector<1x1x16xf32>,
        %swap3A_1093 = vector.shape_cast %swap3A_1092 : vector<1x1x16xf32> to vector<16xf32>
        %swap3A_1094 = vector.shape_cast %add3A_1087 : vector<16xf32> to vector<1x1x16xf32>
        tpu.vector_store %arg7[%swap3A_1089, %swap3A_1090, %swap3A_1091], %swap3A_1094 {strides = array<i32>} : memref<2x32x768xf32, #tpu.memory_space<vmem>>, vector<1x1x16xf32>,
        %get3A_1095 = arith.constant 1 : i32
        %get3A_1096 = arith.index_cast %get3A_1095 : i32 to index
        %get3A_1097 = arith.index_cast %scan3A_276 : i32 to index
        %get3A_1098 = arith.constant 624 : index
        %get3A_1099 = tpu.vector_load %arg7[%get3A_1096, %get3A_1097, %get3A_1098] {strides = array<i32>} : memref<2x32x768xf32, #tpu.memory_space<vmem>>, vector<1x1x16xf32>,
        %get3A_1100 = vector.shape_cast %get3A_1099 : vector<1x1x16xf32> to vector<16xf32>
        %mul3A_1101 = arith.constant 27.7128124 : f32
        %mul3A_1102 = vector.broadcast %mul3A_1101 : f32 to vector<16xf32>
        %mul3A_1103 = arith.mulf %get3A_1100, %mul3A_1102 : vector<16xf32>
        %get3A_1104 = arith.index_cast %scan3A_276 : i32 to index
        %get3A_1105 = arith.constant 624 : index
        %get3A_1106 = tpu.vector_load %arg8[%get3A_1104, %get3A_1105] {strides = array<i32>} : memref<32x768xf32, #tpu.memory_space<vmem>>, vector<1x16xf32>,
        %get3A_1107 = vector.shape_cast %get3A_1106 : vector<1x16xf32> to vector<16xf32>
        %add3A_1108 = arith.addf %mul3A_1103, %get3A_1107 : vector<16xf32>
        %swap3A_1109 = arith.constant 1 : i32
        %swap3A_1110 = arith.index_cast %swap3A_1109 : i32 to index
        %swap3A_1111 = arith.index_cast %scan3A_276 : i32 to index
        %swap3A_1112 = arith.constant 624 : index
        %swap3A_1113 = tpu.vector_load %arg7[%swap3A_1110, %swap3A_1111, %swap3A_1112] {strides = array<i32>} : memref<2x32x768xf32, #tpu.memory_space<vmem>>, vector<1x1x16xf32>,
        %swap3A_1114 = vector.shape_cast %swap3A_1113 : vector<1x1x16xf32> to vector<16xf32>
        %swap3A_1115 = vector.shape_cast %add3A_1108 : vector<16xf32> to vector<1x1x16xf32>
        tpu.vector_store %arg7[%swap3A_1110, %swap3A_1111, %swap3A_1112], %swap3A_1115 {strides = array<i32>} : memref<2x32x768xf32, #tpu.memory_space<vmem>>, vector<1x1x16xf32>,
        %get3A_1116 = arith.constant 1 : i32
        %get3A_1117 = arith.index_cast %get3A_1116 : i32 to index
        %get3A_1118 = arith.index_cast %scan3A_276 : i32 to index
        %get3A_1119 = arith.constant 640 : index
        %get3A_1120 = tpu.vector_load %arg7[%get3A_1117, %get3A_1118, %get3A_1119] {strides = array<i32>} : memref<2x32x768xf32, #tpu.memory_space<vmem>>, vector<1x1x16xf32>,
        %get3A_1121 = vector.shape_cast %get3A_1120 : vector<1x1x16xf32> to vector<16xf32>
        %mul3A_1122 = arith.constant 27.7128124 : f32
        %mul3A_1123 = vector.broadcast %mul3A_1122 : f32 to vector<16xf32>
        %mul3A_1124 = arith.mulf %get3A_1121, %mul3A_1123 : vector<16xf32>
        %get3A_1125 = arith.index_cast %scan3A_276 : i32 to index
        %get3A_1126 = arith.constant 640 : index
        %get3A_1127 = tpu.vector_load %arg8[%get3A_1125, %get3A_1126] {strides = array<i32>} : memref<32x768xf32, #tpu.memory_space<vmem>>, vector<1x16xf32>,
        %get3A_1128 = vector.shape_cast %get3A_1127 : vector<1x16xf32> to vector<16xf32>
        %add3A_1129 = arith.addf %mul3A_1124, %get3A_1128 : vector<16xf32>
        %swap3A_1130 = arith.constant 1 : i32
        %swap3A_1131 = arith.index_cast %swap3A_1130 : i32 to index
        %swap3A_1132 = arith.index_cast %scan3A_276 : i32 to index
        %swap3A_1133 = arith.constant 640 : index
        %swap3A_1134 = tpu.vector_load %arg7[%swap3A_1131, %swap3A_1132, %swap3A_1133] {strides = array<i32>} : memref<2x32x768xf32, #tpu.memory_space<vmem>>, vector<1x1x16xf32>,
        %swap3A_1135 = vector.shape_cast %swap3A_1134 : vector<1x1x16xf32> to vector<16xf32>
        %swap3A_1136 = vector.shape_cast %add3A_1129 : vector<16xf32> to vector<1x1x16xf32>
        tpu.vector_store %arg7[%swap3A_1131, %swap3A_1132, %swap3A_1133], %swap3A_1136 {strides = array<i32>} : memref<2x32x768xf32, #tpu.memory_space<vmem>>, vector<1x1x16xf32>,
        %get3A_1137 = arith.constant 1 : i32
        %get3A_1138 = arith.index_cast %get3A_1137 : i32 to index
        %get3A_1139 = arith.index_cast %scan3A_276 : i32 to index
        %get3A_1140 = arith.constant 656 : index
        %get3A_1141 = tpu.vector_load %arg7[%get3A_1138, %get3A_1139, %get3A_1140] {strides = array<i32>} : memref<2x32x768xf32, #tpu.memory_space<vmem>>, vector<1x1x16xf32>,
        %get3A_1142 = vector.shape_cast %get3A_1141 : vector<1x1x16xf32> to vector<16xf32>
        %mul3A_1143 = arith.constant 27.7128124 : f32
        %mul3A_1144 = vector.broadcast %mul3A_1143 : f32 to vector<16xf32>
        %mul3A_1145 = arith.mulf %get3A_1142, %mul3A_1144 : vector<16xf32>
        %get3A_1146 = arith.index_cast %scan3A_276 : i32 to index
        %get3A_1147 = arith.constant 656 : index
        %get3A_1148 = tpu.vector_load %arg8[%get3A_1146, %get3A_1147] {strides = array<i32>} : memref<32x768xf32, #tpu.memory_space<vmem>>, vector<1x16xf32>,
        %get3A_1149 = vector.shape_cast %get3A_1148 : vector<1x16xf32> to vector<16xf32>
        %add3A_1150 = arith.addf %mul3A_1145, %get3A_1149 : vector<16xf32>
        %swap3A_1151 = arith.constant 1 : i32
        %swap3A_1152 = arith.index_cast %swap3A_1151 : i32 to index
        %swap3A_1153 = arith.index_cast %scan3A_276 : i32 to index
        %swap3A_1154 = arith.constant 656 : index
        %swap3A_1155 = tpu.vector_load %arg7[%swap3A_1152, %swap3A_1153, %swap3A_1154] {strides = array<i32>} : memref<2x32x768xf32, #tpu.memory_space<vmem>>, vector<1x1x16xf32>,
        %swap3A_1156 = vector.shape_cast %swap3A_1155 : vector<1x1x16xf32> to vector<16xf32>
        %swap3A_1157 = vector.shape_cast %add3A_1150 : vector<16xf32> to vector<1x1x16xf32>
        tpu.vector_store %arg7[%swap3A_1152, %swap3A_1153, %swap3A_1154], %swap3A_1157 {strides = array<i32>} : memref<2x32x768xf32, #tpu.memory_space<vmem>>, vector<1x1x16xf32>,
        %get3A_1158 = arith.constant 1 : i32
        %get3A_1159 = arith.index_cast %get3A_1158 : i32 to index
        %get3A_1160 = arith.index_cast %scan3A_276 : i32 to index
        %get3A_1161 = arith.constant 672 : index
        %get3A_1162 = tpu.vector_load %arg7[%get3A_1159, %get3A_1160, %get3A_1161] {strides = array<i32>} : memref<2x32x768xf32, #tpu.memory_space<vmem>>, vector<1x1x16xf32>,
        %get3A_1163 = vector.shape_cast %get3A_1162 : vector<1x1x16xf32> to vector<16xf32>
        %mul3A_1164 = arith.constant 27.7128124 : f32
        %mul3A_1165 = vector.broadcast %mul3A_1164 : f32 to vector<16xf32>
        %mul3A_1166 = arith.mulf %get3A_1163, %mul3A_1165 : vector<16xf32>
        %get3A_1167 = arith.index_cast %scan3A_276 : i32 to index
        %get3A_1168 = arith.constant 672 : index
        %get3A_1169 = tpu.vector_load %arg8[%get3A_1167, %get3A_1168] {strides = array<i32>} : memref<32x768xf32, #tpu.memory_space<vmem>>, vector<1x16xf32>,
        %get3A_1170 = vector.shape_cast %get3A_1169 : vector<1x16xf32> to vector<16xf32>
        %add3A_1171 = arith.addf %mul3A_1166, %get3A_1170 : vector<16xf32>
        %swap3A_1172 = arith.constant 1 : i32
        %swap3A_1173 = arith.index_cast %swap3A_1172 : i32 to index
        %swap3A_1174 = arith.index_cast %scan3A_276 : i32 to index
        %swap3A_1175 = arith.constant 672 : index
        %swap3A_1176 = tpu.vector_load %arg7[%swap3A_1173, %swap3A_1174, %swap3A_1175] {strides = array<i32>} : memref<2x32x768xf32, #tpu.memory_space<vmem>>, vector<1x1x16xf32>,
        %swap3A_1177 = vector.shape_cast %swap3A_1176 : vector<1x1x16xf32> to vector<16xf32>
        %swap3A_1178 = vector.shape_cast %add3A_1171 : vector<16xf32> to vector<1x1x16xf32>
        tpu.vector_store %arg7[%swap3A_1173, %swap3A_1174, %swap3A_1175], %swap3A_1178 {strides = array<i32>} : memref<2x32x768xf32, #tpu.memory_space<vmem>>, vector<1x1x16xf32>,
        %get3A_1179 = arith.constant 1 : i32
        %get3A_1180 = arith.index_cast %get3A_1179 : i32 to index
        %get3A_1181 = arith.index_cast %scan3A_276 : i32 to index
        %get3A_1182 = arith.constant 688 : index
        %get3A_1183 = tpu.vector_load %arg7[%get3A_1180, %get3A_1181, %get3A_1182] {strides = array<i32>} : memref<2x32x768xf32, #tpu.memory_space<vmem>>, vector<1x1x16xf32>,
        %get3A_1184 = vector.shape_cast %get3A_1183 : vector<1x1x16xf32> to vector<16xf32>
        %mul3A_1185 = arith.constant 27.7128124 : f32
        %mul3A_1186 = vector.broadcast %mul3A_1185 : f32 to vector<16xf32>
        %mul3A_1187 = arith.mulf %get3A_1184, %mul3A_1186 : vector<16xf32>
        %get3A_1188 = arith.index_cast %scan3A_276 : i32 to index
        %get3A_1189 = arith.constant 688 : index
        %get3A_1190 = tpu.vector_load %arg8[%get3A_1188, %get3A_1189] {strides = array<i32>} : memref<32x768xf32, #tpu.memory_space<vmem>>, vector<1x16xf32>,
        %get3A_1191 = vector.shape_cast %get3A_1190 : vector<1x16xf32> to vector<16xf32>
        %add3A_1192 = arith.addf %mul3A_1187, %get3A_1191 : vector<16xf32>
        %swap3A_1193 = arith.constant 1 : i32
        %swap3A_1194 = arith.index_cast %swap3A_1193 : i32 to index
        %swap3A_1195 = arith.index_cast %scan3A_276 : i32 to index
        %swap3A_1196 = arith.constant 688 : index
        %swap3A_1197 = tpu.vector_load %arg7[%swap3A_1194, %swap3A_1195, %swap3A_1196] {strides = array<i32>} : memref<2x32x768xf32, #tpu.memory_space<vmem>>, vector<1x1x16xf32>,
        %swap3A_1198 = vector.shape_cast %swap3A_1197 : vector<1x1x16xf32> to vector<16xf32>
        %swap3A_1199 = vector.shape_cast %add3A_1192 : vector<16xf32> to vector<1x1x16xf32>
        tpu.vector_store %arg7[%swap3A_1194, %swap3A_1195, %swap3A_1196], %swap3A_1199 {strides = array<i32>} : memref<2x32x768xf32, #tpu.memory_space<vmem>>, vector<1x1x16xf32>,
        %get3A_1200 = arith.constant 1 : i32
        %get3A_1201 = arith.index_cast %get3A_1200 : i32 to index
        %get3A_1202 = arith.index_cast %scan3A_276 : i32 to index
        %get3A_1203 = arith.constant 704 : index
        %get3A_1204 = tpu.vector_load %arg7[%get3A_1201, %get3A_1202, %get3A_1203] {strides = array<i32>} : memref<2x32x768xf32, #tpu.memory_space<vmem>>, vector<1x1x16xf32>,
        %get3A_1205 = vector.shape_cast %get3A_1204 : vector<1x1x16xf32> to vector<16xf32>
        %mul3A_1206 = arith.constant 27.7128124 : f32
        %mul3A_1207 = vector.broadcast %mul3A_1206 : f32 to vector<16xf32>
        %mul3A_1208 = arith.mulf %get3A_1205, %mul3A_1207 : vector<16xf32>
        %get3A_1209 = arith.index_cast %scan3A_276 : i32 to index
        %get3A_1210 = arith.constant 704 : index
        %get3A_1211 = tpu.vector_load %arg8[%get3A_1209, %get3A_1210] {strides = array<i32>} : memref<32x768xf32, #tpu.memory_space<vmem>>, vector<1x16xf32>,
        %get3A_1212 = vector.shape_cast %get3A_1211 : vector<1x16xf32> to vector<16xf32>
        %add3A_1213 = arith.addf %mul3A_1208, %get3A_1212 : vector<16xf32>
        %swap3A_1214 = arith.constant 1 : i32
        %swap3A_1215 = arith.index_cast %swap3A_1214 : i32 to index
        %swap3A_1216 = arith.index_cast %scan3A_276 : i32 to index
        %swap3A_1217 = arith.constant 704 : index
        %swap3A_1218 = tpu.vector_load %arg7[%swap3A_1215, %swap3A_1216, %swap3A_1217] {strides = array<i32>} : memref<2x32x768xf32, #tpu.memory_space<vmem>>, vector<1x1x16xf32>,
        %swap3A_1219 = vector.shape_cast %swap3A_1218 : vector<1x1x16xf32> to vector<16xf32>
        %swap3A_1220 = vector.shape_cast %add3A_1213 : vector<16xf32> to vector<1x1x16xf32>
        tpu.vector_store %arg7[%swap3A_1215, %swap3A_1216, %swap3A_1217], %swap3A_1220 {strides = array<i32>} : memref<2x32x768xf32, #tpu.memory_space<vmem>>, vector<1x1x16xf32>,
        %get3A_1221 = arith.constant 1 : i32
        %get3A_1222 = arith.index_cast %get3A_1221 : i32 to index
        %get3A_1223 = arith.index_cast %scan3A_276 : i32 to index
        %get3A_1224 = arith.constant 720 : index
        %get3A_1225 = tpu.vector_load %arg7[%get3A_1222, %get3A_1223, %get3A_1224] {strides = array<i32>} : memref<2x32x768xf32, #tpu.memory_space<vmem>>, vector<1x1x16xf32>,
        %get3A_1226 = vector.shape_cast %get3A_1225 : vector<1x1x16xf32> to vector<16xf32>
        %mul3A_1227 = arith.constant 27.7128124 : f32
        %mul3A_1228 = vector.broadcast %mul3A_1227 : f32 to vector<16xf32>
        %mul3A_1229 = arith.mulf %get3A_1226, %mul3A_1228 : vector<16xf32>
        %get3A_1230 = arith.index_cast %scan3A_276 : i32 to index
        %get3A_1231 = arith.constant 720 : index
        %get3A_1232 = tpu.vector_load %arg8[%get3A_1230, %get3A_1231] {strides = array<i32>} : memref<32x768xf32, #tpu.memory_space<vmem>>, vector<1x16xf32>,
        %get3A_1233 = vector.shape_cast %get3A_1232 : vector<1x16xf32> to vector<16xf32>
        %add3A_1234 = arith.addf %mul3A_1229, %get3A_1233 : vector<16xf32>
        %swap3A_1235 = arith.constant 1 : i32
        %swap3A_1236 = arith.index_cast %swap3A_1235 : i32 to index
        %swap3A_1237 = arith.index_cast %scan3A_276 : i32 to index
        %swap3A_1238 = arith.constant 720 : index
        %swap3A_1239 = tpu.vector_load %arg7[%swap3A_1236, %swap3A_1237, %swap3A_1238] {strides = array<i32>} : memref<2x32x768xf32, #tpu.memory_space<vmem>>, vector<1x1x16xf32>,
        %swap3A_1240 = vector.shape_cast %swap3A_1239 : vector<1x1x16xf32> to vector<16xf32>
        %swap3A_1241 = vector.shape_cast %add3A_1234 : vector<16xf32> to vector<1x1x16xf32>
        tpu.vector_store %arg7[%swap3A_1236, %swap3A_1237, %swap3A_1238], %swap3A_1241 {strides = array<i32>} : memref<2x32x768xf32, #tpu.memory_space<vmem>>, vector<1x1x16xf32>,
        %get3A_1242 = arith.constant 1 : i32
        %get3A_1243 = arith.index_cast %get3A_1242 : i32 to index
        %get3A_1244 = arith.index_cast %scan3A_276 : i32 to index
        %get3A_1245 = arith.constant 736 : index
        %get3A_1246 = tpu.vector_load %arg7[%get3A_1243, %get3A_1244, %get3A_1245] {strides = array<i32>} : memref<2x32x768xf32, #tpu.memory_space<vmem>>, vector<1x1x16xf32>,
        %get3A_1247 = vector.shape_cast %get3A_1246 : vector<1x1x16xf32> to vector<16xf32>
        %mul3A_1248 = arith.constant 27.7128124 : f32
        %mul3A_1249 = vector.broadcast %mul3A_1248 : f32 to vector<16xf32>
        %mul3A_1250 = arith.mulf %get3A_1247, %mul3A_1249 : vector<16xf32>
        %get3A_1251 = arith.index_cast %scan3A_276 : i32 to index
        %get3A_1252 = arith.constant 736 : index
        %get3A_1253 = tpu.vector_load %arg8[%get3A_1251, %get3A_1252] {strides = array<i32>} : memref<32x768xf32, #tpu.memory_space<vmem>>, vector<1x16xf32>,
        %get3A_1254 = vector.shape_cast %get3A_1253 : vector<1x16xf32> to vector<16xf32>
        %add3A_1255 = arith.addf %mul3A_1250, %get3A_1254 : vector<16xf32>
        %swap3A_1256 = arith.constant 1 : i32
        %swap3A_1257 = arith.index_cast %swap3A_1256 : i32 to index
        %swap3A_1258 = arith.index_cast %scan3A_276 : i32 to index
        %swap3A_1259 = arith.constant 736 : index
        %swap3A_1260 = tpu.vector_load %arg7[%swap3A_1257, %swap3A_1258, %swap3A_1259] {strides = array<i32>} : memref<2x32x768xf32, #tpu.memory_space<vmem>>, vector<1x1x16xf32>,
        %swap3A_1261 = vector.shape_cast %swap3A_1260 : vector<1x1x16xf32> to vector<16xf32>
        %swap3A_1262 = vector.shape_cast %add3A_1255 : vector<16xf32> to vector<1x1x16xf32>
        tpu.vector_store %arg7[%swap3A_1257, %swap3A_1258, %swap3A_1259], %swap3A_1262 {strides = array<i32>} : memref<2x32x768xf32, #tpu.memory_space<vmem>>, vector<1x1x16xf32>,
        %get3A_1263 = arith.constant 1 : i32
        %get3A_1264 = arith.index_cast %get3A_1263 : i32 to index
        %get3A_1265 = arith.index_cast %scan3A_276 : i32 to index
        %get3A_1266 = arith.constant 752 : index
        %get3A_1267 = tpu.vector_load %arg7[%get3A_1264, %get3A_1265, %get3A_1266] {strides = array<i32>} : memref<2x32x768xf32, #tpu.memory_space<vmem>>, vector<1x1x16xf32>,
        %get3A_1268 = vector.shape_cast %get3A_1267 : vector<1x1x16xf32> to vector<16xf32>
        %mul3A_1269 = arith.constant 27.7128124 : f32
        %mul3A_1270 = vector.broadcast %mul3A_1269 : f32 to vector<16xf32>
        %mul3A_1271 = arith.mulf %get3A_1268, %mul3A_1270 : vector<16xf32>
        %get3A_1272 = arith.index_cast %scan3A_276 : i32 to index
        %get3A_1273 = arith.constant 752 : index
        %get3A_1274 = tpu.vector_load %arg8[%get3A_1272, %get3A_1273] {strides = array<i32>} : memref<32x768xf32, #tpu.memory_space<vmem>>, vector<1x16xf32>,
        %get3A_1275 = vector.shape_cast %get3A_1274 : vector<1x16xf32> to vector<16xf32>
        %add3A_1276 = arith.addf %mul3A_1271, %get3A_1275 : vector<16xf32>
        %swap3A_1277 = arith.constant 1 : i32
        %swap3A_1278 = arith.index_cast %swap3A_1277 : i32 to index
        %swap3A_1279 = arith.index_cast %scan3A_276 : i32 to index
        %swap3A_1280 = arith.constant 752 : index
        %swap3A_1281 = tpu.vector_load %arg7[%swap3A_1278, %swap3A_1279, %swap3A_1280] {strides = array<i32>} : memref<2x32x768xf32, #tpu.memory_space<vmem>>, vector<1x1x16xf32>,
        %swap3A_1282 = vector.shape_cast %swap3A_1281 : vector<1x1x16xf32> to vector<16xf32>
        %swap3A_1283 = vector.shape_cast %add3A_1276 : vector<16xf32> to vector<1x1x16xf32>
        tpu.vector_store %arg7[%swap3A_1278, %swap3A_1279, %swap3A_1280], %swap3A_1283 {strides = array<i32>} : memref<2x32x768xf32, #tpu.memory_space<vmem>>, vector<1x1x16xf32>,
        %scan3A_1284 = arith.constant 0 : i32
        scf.yield %scan3A_1284 : i32
      }
      %scan3A_132 = arith.constant 32 : i32
      %add3A_133 = arith.constant 4096 : i32
      %add3A_134 = arith.addi %add3A_133, %mul3A_2 : i32
      %mul3A_135 = arith.constant 32 : i32
      %mul3A_136 = arith.muli %scan3A_46, %mul3A_135 : i32
      %add3A_137 = arith.addi %add3A_134, %mul3A_136 : i32
      %dma_start3A_138 = arith.constant 1 : i32
      %dma_start3A_139 = arith.constant 0 : i32
      %dma_start3A_140 = arith.constant 0 : i32
      %dma_start3A_141 = tpu.memref_slice %arg7[%dma_start3A_138, %dma_start3A_139, %dma_start3A_140] : memref<2x32x768xf32, #tpu.memory_space<vmem>> -> memref<1x32x768xf32, #tpu.memory_space<vmem>>
      %dma_start3A_142 = tpu.memref_squeeze %dma_start3A_141 : memref<1x32x768xf32, #tpu.memory_space<vmem>> -> memref<32x768xf32, #tpu.memory_space<vmem>>
      %dma_start3A_143 = arith.constant 0 : i32
      %dma_start3A_144 = tpu.memref_slice %arg5[%add3A_137, %dma_start3A_143] : memref<16384x768xf32, #tpu.memory_space<hbm>> -> memref<32x768xf32, #tpu.memory_space<hbm>>
      %dma_start3A_145 = arith.constant 0 : i32
      %dma_start3A_146 = tpu.memref_slice %arg5[%add3A_137, %dma_start3A_145] : memref<16384x768xf32, #tpu.memory_space<hbm>> -> memref<32x768xf32, #tpu.memory_space<hbm>>
      %dma_start3A_147 = arith.constant 0 : i32
      %dma_start3A_148 = arith.constant 0 : i32
      %dma_start3A_149 = tpu.memref_slice %arg7[%dma_start3A_138, %dma_start3A_147, %dma_start3A_148] : memref<2x32x768xf32, #tpu.memory_space<vmem>> -> memref<1x32x768xf32, #tpu.memory_space<vmem>>
      %dma_start3A_150 = tpu.memref_squeeze %dma_start3A_149 : memref<1x32x768xf32, #tpu.memory_space<vmem>> -> memref<32x768xf32, #tpu.memory_space<vmem>>
      tpu.enqueue_dma source(%dma_start3A_150 : memref<32x768xf32, #tpu.memory_space<vmem>>) target(%dma_start3A_146 : memref<32x768xf32, #tpu.memory_space<hbm>>) target_semaphore(%arg11 : memref<!tpu.dma_semaphore, #tpu.memory_space<semaphore_mem>>)
      %dma_wait3A_151 = arith.constant 0 : i32
      %dma_wait3A_152 = arith.constant 0 : i32
      %dma_wait3A_153 = arith.constant 0 : i32
      %dma_wait3A_154 = tpu.memref_slice %arg7[%dma_wait3A_151, %dma_wait3A_152, %dma_wait3A_153] : memref<2x32x768xf32, #tpu.memory_space<vmem>> -> memref<1x32x768xf32, #tpu.memory_space<vmem>>
      %dma_wait3A_155 = tpu.memref_squeeze %dma_wait3A_154 : memref<1x32x768xf32, #tpu.memory_space<vmem>> -> memref<32x768xf32, #tpu.memory_space<vmem>>
      %dma_wait3A_156 = arith.constant 0 : i32
      %dma_wait3A_157 = arith.constant 0 : i32
      %dma_wait3A_158 = tpu.memref_slice %arg5[%dma_wait3A_156, %dma_wait3A_157] : memref<16384x768xf32, #tpu.memory_space<hbm>> -> memref<32x768xf32, #tpu.memory_space<hbm>>
      %dma_wait3A_159 = arith.constant 0 : i32
      %dma_wait3A_160 = arith.constant 0 : i32
      %dma_wait3A_161 = tpu.memref_slice %arg5[%dma_wait3A_159, %dma_wait3A_160] : memref<16384x768xf32, #tpu.memory_space<hbm>> -> memref<32x768xf32, #tpu.memory_space<hbm>>
      %dma_wait3A_162 = arith.constant 0 : i32
      %dma_wait3A_163 = arith.constant 0 : i32
      %dma_wait3A_164 = tpu.memref_slice %arg7[%dma_wait3A_151, %dma_wait3A_162, %dma_wait3A_163] : memref<2x32x768xf32, #tpu.memory_space<vmem>> -> memref<1x32x768xf32, #tpu.memory_space<vmem>>
      %dma_wait3A_165 = tpu.memref_squeeze %dma_wait3A_164 : memref<1x32x768xf32, #tpu.memory_space<vmem>> -> memref<32x768xf32, #tpu.memory_space<vmem>>
      tpu.wait_dma2 semaphore(%arg10 : memref<!tpu.dma_semaphore, #tpu.memory_space<semaphore_mem>>) src(%dma_wait3A_165 : memref<32x768xf32, #tpu.memory_space<vmem>>) dst(%dma_wait3A_161 : memref<32x768xf32, #tpu.memory_space<hbm>>)
      %mul3A_166 = arith.constant 32 : i32
      %mul3A_167 = arith.muli %scan3A_46, %mul3A_166 : i32
      %add3A_168 = arith.constant 256 : i32
      %add3A_169 = arith.addi %add3A_168, %mul3A_167 : i32
      %dma_start3A_170 = arith.constant 0 : i32
      %dma_start3A_171 = arith.constant 0 : i32
      %dma_start3A_172 = arith.constant 0 : i32
      %dma_start3A_173 = tpu.memref_slice %arg7[%dma_start3A_170, %dma_start3A_171, %dma_start3A_172] : memref<2x32x768xf32, #tpu.memory_space<vmem>> -> memref<1x32x768xf32, #tpu.memory_space<vmem>>
      %dma_start3A_174 = tpu.memref_squeeze %dma_start3A_173 : memref<1x32x768xf32, #tpu.memory_space<vmem>> -> memref<32x768xf32, #tpu.memory_space<vmem>>
      %dma_start3A_175 = tpu.memref_slice %arg6[%add3A_169] : memref<512xi32, #tpu.memory_space<vmem>> -> memref<32xi32, #tpu.memory_space<vmem>>
      %dma_start3A_176 = arith.constant 0 : i32
      %dma_start3A_177 = arith.constant 0 : i32
      %dma_start3A_178 = tpu.memref_slice %arg3[%dma_start3A_176, %dma_start3A_177] : memref<100000x768xf32, #tpu.memory_space<hbm>> -> memref<100000x768xf32, #tpu.memory_space<hbm>>
      tpu.enqueue_indirect_dma source(%dma_start3A_178 : memref<100000x768xf32, #tpu.memory_space<hbm>>) target(%dma_start3A_174 : memref<32x768xf32, #tpu.memory_space<vmem>>) offsets(%dma_start3A_175 : memref<32xi32, #tpu.memory_space<vmem>>) semaphore(%arg9 : memref<!tpu.dma_semaphore, #tpu.memory_space<semaphore_mem>>)
      %dma_wait3A_179 = arith.constant 0 : i32
      %dma_wait3A_180 = arith.constant 0 : i32
      %dma_wait3A_181 = arith.constant 0 : i32
      %dma_wait3A_182 = tpu.memref_slice %arg7[%dma_wait3A_179, %dma_wait3A_180, %dma_wait3A_181] : memref<2x32x768xf32, #tpu.memory_space<vmem>> -> memref<1x32x768xf32, #tpu.memory_space<vmem>>
      %dma_wait3A_183 = tpu.memref_squeeze %dma_wait3A_182 : memref<1x32x768xf32, #tpu.memory_space<vmem>> -> memref<32x768xf32, #tpu.memory_space<vmem>>
      %dma_wait3A_184 = tpu.memref_slice %arg6[%add3A_169] : memref<512xi32, #tpu.memory_space<vmem>> -> memref<32xi32, #tpu.memory_space<vmem>>
      %dma_wait3A_185 = arith.constant 0 : i32
      %dma_wait3A_186 = arith.constant 0 : i32
      %dma_wait3A_187 = tpu.memref_slice %arg3[%dma_wait3A_185, %dma_wait3A_186] : memref<100000x768xf32, #tpu.memory_space<hbm>> -> memref<100000x768xf32, #tpu.memory_space<hbm>>
      tpu.wait_indirect_dma semaphore(%arg9 : memref<!tpu.dma_semaphore, #tpu.memory_space<semaphore_mem>>) src(%dma_wait3A_187 : memref<100000x768xf32, #tpu.memory_space<hbm>>) dst(%dma_wait3A_183 : memref<32x768xf32, #tpu.memory_space<vmem>>)
      %scan3A_188 = arith.constant 0 : i32
      %scan3A_189 = arith.constant 0 : i32
      %scan3A_190 = arith.constant 32 : i32
      %scan3A_191 = arith.addi %scan3A_189, %scan3A_190 : i32
      %scan3A_192 = arith.constant 1 : i32
      %scan3A_193 = scf.for %scan3A_276 = %scan3A_189 to %scan3A_191 step %scan3A_192 iter_args(%scan3A_277 = %scan3A_188) -> (i32)  : i32 {
        %get3A = arith.constant 0 : i32
        %get3A_278 = arith.index_cast %get3A : i32 to index
        %get3A_279 = arith.index_cast %scan3A_276 : i32 to index
        %get3A_280 = arith.constant 0 : index
        %get3A_281 = tpu.vector_load %arg7[%get3A_278, %get3A_279, %get3A_280] {strides = array<i32>} : memref<2x32x768xf32, #tpu.memory_space<vmem>>, vector<1x1x16xf32>,
        %get3A_282 = vector.shape_cast %get3A_281 : vector<1x1x16xf32> to vector<16xf32>
        %mul3A_283 = arith.constant 27.7128124 : f32
        %mul3A_284 = vector.broadcast %mul3A_283 : f32 to vector<16xf32>
        %mul3A_285 = arith.mulf %get3A_282, %mul3A_284 : vector<16xf32>
        %get3A_286 = arith.index_cast %scan3A_276 : i32 to index
        %get3A_287 = arith.constant 0 : index
        %get3A_288 = tpu.vector_load %arg8[%get3A_286, %get3A_287] {strides = array<i32>} : memref<32x768xf32, #tpu.memory_space<vmem>>, vector<1x16xf32>,
        %get3A_289 = vector.shape_cast %get3A_288 : vector<1x16xf32> to vector<16xf32>
        %add3A_290 = arith.addf %mul3A_285, %get3A_289 : vector<16xf32>
        %swap3A = arith.constant 0 : i32
        %swap3A_291 = arith.index_cast %swap3A : i32 to index
        %swap3A_292 = arith.index_cast %scan3A_276 : i32 to index
        %swap3A_293 = arith.constant 0 : index
        %swap3A_294 = tpu.vector_load %arg7[%swap3A_291, %swap3A_292, %swap3A_293] {strides = array<i32>} : memref<2x32x768xf32, #tpu.memory_space<vmem>>, vector<1x1x16xf32>,
        %swap3A_295 = vector.shape_cast %swap3A_294 : vector<1x1x16xf32> to vector<16xf32>
        %swap3A_296 = vector.shape_cast %add3A_290 : vector<16xf32> to vector<1x1x16xf32>
        tpu.vector_store %arg7[%swap3A_291, %swap3A_292, %swap3A_293], %swap3A_296 {strides = array<i32>} : memref<2x32x768xf32, #tpu.memory_space<vmem>>, vector<1x1x16xf32>,
        %get3A_297 = arith.constant 0 : i32
        %get3A_298 = arith.index_cast %get3A_297 : i32 to index
        %get3A_299 = arith.index_cast %scan3A_276 : i32 to index
        %get3A_300 = arith.constant 16 : index
        %get3A_301 = tpu.vector_load %arg7[%get3A_298, %get3A_299, %get3A_300] {strides = array<i32>} : memref<2x32x768xf32, #tpu.memory_space<vmem>>, vector<1x1x16xf32>,
        %get3A_302 = vector.shape_cast %get3A_301 : vector<1x1x16xf32> to vector<16xf32>
        %mul3A_303 = arith.constant 27.7128124 : f32
        %mul3A_304 = vector.broadcast %mul3A_303 : f32 to vector<16xf32>
        %mul3A_305 = arith.mulf %get3A_302, %mul3A_304 : vector<16xf32>
        %get3A_306 = arith.index_cast %scan3A_276 : i32 to index
        %get3A_307 = arith.constant 16 : index
        %get3A_308 = tpu.vector_load %arg8[%get3A_306, %get3A_307] {strides = array<i32>} : memref<32x768xf32, #tpu.memory_space<vmem>>, vector<1x16xf32>,
        %get3A_309 = vector.shape_cast %get3A_308 : vector<1x16xf32> to vector<16xf32>
        %add3A_310 = arith.addf %mul3A_305, %get3A_309 : vector<16xf32>
        %swap3A_311 = arith.constant 0 : i32
        %swap3A_312 = arith.index_cast %swap3A_311 : i32 to index
        %swap3A_313 = arith.index_cast %scan3A_276 : i32 to index
        %swap3A_314 = arith.constant 16 : index
        %swap3A_315 = tpu.vector_load %arg7[%swap3A_312, %swap3A_313, %swap3A_314] {strides = array<i32>} : memref<2x32x768xf32, #tpu.memory_space<vmem>>, vector<1x1x16xf32>,
        %swap3A_316 = vector.shape_cast %swap3A_315 : vector<1x1x16xf32> to vector<16xf32>
        %swap3A_317 = vector.shape_cast %add3A_310 : vector<16xf32> to vector<1x1x16xf32>
        tpu.vector_store %arg7[%swap3A_312, %swap3A_313, %swap3A_314], %swap3A_317 {strides = array<i32>} : memref<2x32x768xf32, #tpu.memory_space<vmem>>, vector<1x1x16xf32>,
        %get3A_318 = arith.constant 0 : i32
        %get3A_319 = arith.index_cast %get3A_318 : i32 to index
        %get3A_320 = arith.index_cast %scan3A_276 : i32 to index
        %get3A_321 = arith.constant 32 : index
        %get3A_322 = tpu.vector_load %arg7[%get3A_319, %get3A_320, %get3A_321] {strides = array<i32>} : memref<2x32x768xf32, #tpu.memory_space<vmem>>, vector<1x1x16xf32>,
        %get3A_323 = vector.shape_cast %get3A_322 : vector<1x1x16xf32> to vector<16xf32>
        %mul3A_324 = arith.constant 27.7128124 : f32
        %mul3A_325 = vector.broadcast %mul3A_324 : f32 to vector<16xf32>
        %mul3A_326 = arith.mulf %get3A_323, %mul3A_325 : vector<16xf32>
        %get3A_327 = arith.index_cast %scan3A_276 : i32 to index
        %get3A_328 = arith.constant 32 : index
        %get3A_329 = tpu.vector_load %arg8[%get3A_327, %get3A_328] {strides = array<i32>} : memref<32x768xf32, #tpu.memory_space<vmem>>, vector<1x16xf32>,
        %get3A_330 = vector.shape_cast %get3A_329 : vector<1x16xf32> to vector<16xf32>
        %add3A_331 = arith.addf %mul3A_326, %get3A_330 : vector<16xf32>
        %swap3A_332 = arith.constant 0 : i32
        %swap3A_333 = arith.index_cast %swap3A_332 : i32 to index
        %swap3A_334 = arith.index_cast %scan3A_276 : i32 to index
        %swap3A_335 = arith.constant 32 : index
        %swap3A_336 = tpu.vector_load %arg7[%swap3A_333, %swap3A_334, %swap3A_335] {strides = array<i32>} : memref<2x32x768xf32, #tpu.memory_space<vmem>>, vector<1x1x16xf32>,
        %swap3A_337 = vector.shape_cast %swap3A_336 : vector<1x1x16xf32> to vector<16xf32>
        %swap3A_338 = vector.shape_cast %add3A_331 : vector<16xf32> to vector<1x1x16xf32>
        tpu.vector_store %arg7[%swap3A_333, %swap3A_334, %swap3A_335], %swap3A_338 {strides = array<i32>} : memref<2x32x768xf32, #tpu.memory_space<vmem>>, vector<1x1x16xf32>,
        %get3A_339 = arith.constant 0 : i32
        %get3A_340 = arith.index_cast %get3A_339 : i32 to index
        %get3A_341 = arith.index_cast %scan3A_276 : i32 to index
        %get3A_342 = arith.constant 48 : index
        %get3A_343 = tpu.vector_load %arg7[%get3A_340, %get3A_341, %get3A_342] {strides = array<i32>} : memref<2x32x768xf32, #tpu.memory_space<vmem>>, vector<1x1x16xf32>,
        %get3A_344 = vector.shape_cast %get3A_343 : vector<1x1x16xf32> to vector<16xf32>
        %mul3A_345 = arith.constant 27.7128124 : f32
        %mul3A_346 = vector.broadcast %mul3A_345 : f32 to vector<16xf32>
        %mul3A_347 = arith.mulf %get3A_344, %mul3A_346 : vector<16xf32>
        %get3A_348 = arith.index_cast %scan3A_276 : i32 to index
        %get3A_349 = arith.constant 48 : index
        %get3A_350 = tpu.vector_load %arg8[%get3A_348, %get3A_349] {strides = array<i32>} : memref<32x768xf32, #tpu.memory_space<vmem>>, vector<1x16xf32>,
        %get3A_351 = vector.shape_cast %get3A_350 : vector<1x16xf32> to vector<16xf32>
        %add3A_352 = arith.addf %mul3A_347, %get3A_351 : vector<16xf32>
        %swap3A_353 = arith.constant 0 : i32
        %swap3A_354 = arith.index_cast %swap3A_353 : i32 to index
        %swap3A_355 = arith.index_cast %scan3A_276 : i32 to index
        %swap3A_356 = arith.constant 48 : index
        %swap3A_357 = tpu.vector_load %arg7[%swap3A_354, %swap3A_355, %swap3A_356] {strides = array<i32>} : memref<2x32x768xf32, #tpu.memory_space<vmem>>, vector<1x1x16xf32>,
        %swap3A_358 = vector.shape_cast %swap3A_357 : vector<1x1x16xf32> to vector<16xf32>
        %swap3A_359 = vector.shape_cast %add3A_352 : vector<16xf32> to vector<1x1x16xf32>
        tpu.vector_store %arg7[%swap3A_354, %swap3A_355, %swap3A_356], %swap3A_359 {strides = array<i32>} : memref<2x32x768xf32, #tpu.memory_space<vmem>>, vector<1x1x16xf32>,
        %get3A_360 = arith.constant 0 : i32
        %get3A_361 = arith.index_cast %get3A_360 : i32 to index
        %get3A_362 = arith.index_cast %scan3A_276 : i32 to index
        %get3A_363 = arith.constant 64 : index
        %get3A_364 = tpu.vector_load %arg7[%get3A_361, %get3A_362, %get3A_363] {strides = array<i32>} : memref<2x32x768xf32, #tpu.memory_space<vmem>>, vector<1x1x16xf32>,
        %get3A_365 = vector.shape_cast %get3A_364 : vector<1x1x16xf32> to vector<16xf32>
        %mul3A_366 = arith.constant 27.7128124 : f32
        %mul3A_367 = vector.broadcast %mul3A_366 : f32 to vector<16xf32>
        %mul3A_368 = arith.mulf %get3A_365, %mul3A_367 : vector<16xf32>
        %get3A_369 = arith.index_cast %scan3A_276 : i32 to index
        %get3A_370 = arith.constant 64 : index
        %get3A_371 = tpu.vector_load %arg8[%get3A_369, %get3A_370] {strides = array<i32>} : memref<32x768xf32, #tpu.memory_space<vmem>>, vector<1x16xf32>,
        %get3A_372 = vector.shape_cast %get3A_371 : vector<1x16xf32> to vector<16xf32>
        %add3A_373 = arith.addf %mul3A_368, %get3A_372 : vector<16xf32>
        %swap3A_374 = arith.constant 0 : i32
        %swap3A_375 = arith.index_cast %swap3A_374 : i32 to index
        %swap3A_376 = arith.index_cast %scan3A_276 : i32 to index
        %swap3A_377 = arith.constant 64 : index
        %swap3A_378 = tpu.vector_load %arg7[%swap3A_375, %swap3A_376, %swap3A_377] {strides = array<i32>} : memref<2x32x768xf32, #tpu.memory_space<vmem>>, vector<1x1x16xf32>,
        %swap3A_379 = vector.shape_cast %swap3A_378 : vector<1x1x16xf32> to vector<16xf32>
        %swap3A_380 = vector.shape_cast %add3A_373 : vector<16xf32> to vector<1x1x16xf32>
        tpu.vector_store %arg7[%swap3A_375, %swap3A_376, %swap3A_377], %swap3A_380 {strides = array<i32>} : memref<2x32x768xf32, #tpu.memory_space<vmem>>, vector<1x1x16xf32>,
        %get3A_381 = arith.constant 0 : i32
        %get3A_382 = arith.index_cast %get3A_381 : i32 to index
        %get3A_383 = arith.index_cast %scan3A_276 : i32 to index
        %get3A_384 = arith.constant 80 : index
        %get3A_385 = tpu.vector_load %arg7[%get3A_382, %get3A_383, %get3A_384] {strides = array<i32>} : memref<2x32x768xf32, #tpu.memory_space<vmem>>, vector<1x1x16xf32>,
        %get3A_386 = vector.shape_cast %get3A_385 : vector<1x1x16xf32> to vector<16xf32>
        %mul3A_387 = arith.constant 27.7128124 : f32
        %mul3A_388 = vector.broadcast %mul3A_387 : f32 to vector<16xf32>
        %mul3A_389 = arith.mulf %get3A_386, %mul3A_388 : vector<16xf32>
        %get3A_390 = arith.index_cast %scan3A_276 : i32 to index
        %get3A_391 = arith.constant 80 : index
        %get3A_392 = tpu.vector_load %arg8[%get3A_390, %get3A_391] {strides = array<i32>} : memref<32x768xf32, #tpu.memory_space<vmem>>, vector<1x16xf32>,
        %get3A_393 = vector.shape_cast %get3A_392 : vector<1x16xf32> to vector<16xf32>
        %add3A_394 = arith.addf %mul3A_389, %get3A_393 : vector<16xf32>
        %swap3A_395 = arith.constant 0 : i32
        %swap3A_396 = arith.index_cast %swap3A_395 : i32 to index
        %swap3A_397 = arith.index_cast %scan3A_276 : i32 to index
        %swap3A_398 = arith.constant 80 : index
        %swap3A_399 = tpu.vector_load %arg7[%swap3A_396, %swap3A_397, %swap3A_398] {strides = array<i32>} : memref<2x32x768xf32, #tpu.memory_space<vmem>>, vector<1x1x16xf32>,
        %swap3A_400 = vector.shape_cast %swap3A_399 : vector<1x1x16xf32> to vector<16xf32>
        %swap3A_401 = vector.shape_cast %add3A_394 : vector<16xf32> to vector<1x1x16xf32>
        tpu.vector_store %arg7[%swap3A_396, %swap3A_397, %swap3A_398], %swap3A_401 {strides = array<i32>} : memref<2x32x768xf32, #tpu.memory_space<vmem>>, vector<1x1x16xf32>,
        %get3A_402 = arith.constant 0 : i32
        %get3A_403 = arith.index_cast %get3A_402 : i32 to index
        %get3A_404 = arith.index_cast %scan3A_276 : i32 to index
        %get3A_405 = arith.constant 96 : index
        %get3A_406 = tpu.vector_load %arg7[%get3A_403, %get3A_404, %get3A_405] {strides = array<i32>} : memref<2x32x768xf32, #tpu.memory_space<vmem>>, vector<1x1x16xf32>,
        %get3A_407 = vector.shape_cast %get3A_406 : vector<1x1x16xf32> to vector<16xf32>
        %mul3A_408 = arith.constant 27.7128124 : f32
        %mul3A_409 = vector.broadcast %mul3A_408 : f32 to vector<16xf32>
        %mul3A_410 = arith.mulf %get3A_407, %mul3A_409 : vector<16xf32>
        %get3A_411 = arith.index_cast %scan3A_276 : i32 to index
        %get3A_412 = arith.constant 96 : index
        %get3A_413 = tpu.vector_load %arg8[%get3A_411, %get3A_412] {strides = array<i32>} : memref<32x768xf32, #tpu.memory_space<vmem>>, vector<1x16xf32>,
        %get3A_414 = vector.shape_cast %get3A_413 : vector<1x16xf32> to vector<16xf32>
        %add3A_415 = arith.addf %mul3A_410, %get3A_414 : vector<16xf32>
        %swap3A_416 = arith.constant 0 : i32
        %swap3A_417 = arith.index_cast %swap3A_416 : i32 to index
        %swap3A_418 = arith.index_cast %scan3A_276 : i32 to index
        %swap3A_419 = arith.constant 96 : index
        %swap3A_420 = tpu.vector_load %arg7[%swap3A_417, %swap3A_418, %swap3A_419] {strides = array<i32>} : memref<2x32x768xf32, #tpu.memory_space<vmem>>, vector<1x1x16xf32>,
        %swap3A_421 = vector.shape_cast %swap3A_420 : vector<1x1x16xf32> to vector<16xf32>
        %swap3A_422 = vector.shape_cast %add3A_415 : vector<16xf32> to vector<1x1x16xf32>
        tpu.vector_store %arg7[%swap3A_417, %swap3A_418, %swap3A_419], %swap3A_422 {strides = array<i32>} : memref<2x32x768xf32, #tpu.memory_space<vmem>>, vector<1x1x16xf32>,
        %get3A_423 = arith.constant 0 : i32
        %get3A_424 = arith.index_cast %get3A_423 : i32 to index
        %get3A_425 = arith.index_cast %scan3A_276 : i32 to index
        %get3A_426 = arith.constant 112 : index
        %get3A_427 = tpu.vector_load %arg7[%get3A_424, %get3A_425, %get3A_426] {strides = array<i32>} : memref<2x32x768xf32, #tpu.memory_space<vmem>>, vector<1x1x16xf32>,
        %get3A_428 = vector.shape_cast %get3A_427 : vector<1x1x16xf32> to vector<16xf32>
        %mul3A_429 = arith.constant 27.7128124 : f32
        %mul3A_430 = vector.broadcast %mul3A_429 : f32 to vector<16xf32>
        %mul3A_431 = arith.mulf %get3A_428, %mul3A_430 : vector<16xf32>
        %get3A_432 = arith.index_cast %scan3A_276 : i32 to index
        %get3A_433 = arith.constant 112 : index
        %get3A_434 = tpu.vector_load %arg8[%get3A_432, %get3A_433] {strides = array<i32>} : memref<32x768xf32, #tpu.memory_space<vmem>>, vector<1x16xf32>,
        %get3A_435 = vector.shape_cast %get3A_434 : vector<1x16xf32> to vector<16xf32>
        %add3A_436 = arith.addf %mul3A_431, %get3A_435 : vector<16xf32>
        %swap3A_437 = arith.constant 0 : i32
        %swap3A_438 = arith.index_cast %swap3A_437 : i32 to index
        %swap3A_439 = arith.index_cast %scan3A_276 : i32 to index
        %swap3A_440 = arith.constant 112 : index
        %swap3A_441 = tpu.vector_load %arg7[%swap3A_438, %swap3A_439, %swap3A_440] {strides = array<i32>} : memref<2x32x768xf32, #tpu.memory_space<vmem>>, vector<1x1x16xf32>,
        %swap3A_442 = vector.shape_cast %swap3A_441 : vector<1x1x16xf32> to vector<16xf32>
        %swap3A_443 = vector.shape_cast %add3A_436 : vector<16xf32> to vector<1x1x16xf32>
        tpu.vector_store %arg7[%swap3A_438, %swap3A_439, %swap3A_440], %swap3A_443 {strides = array<i32>} : memref<2x32x768xf32, #tpu.memory_space<vmem>>, vector<1x1x16xf32>,
        %get3A_444 = arith.constant 0 : i32
        %get3A_445 = arith.index_cast %get3A_444 : i32 to index
        %get3A_446 = arith.index_cast %scan3A_276 : i32 to index
        %get3A_447 = arith.constant 128 : index
        %get3A_448 = tpu.vector_load %arg7[%get3A_445, %get3A_446, %get3A_447] {strides = array<i32>} : memref<2x32x768xf32, #tpu.memory_space<vmem>>, vector<1x1x16xf32>,
        %get3A_449 = vector.shape_cast %get3A_448 : vector<1x1x16xf32> to vector<16xf32>
        %mul3A_450 = arith.constant 27.7128124 : f32
        %mul3A_451 = vector.broadcast %mul3A_450 : f32 to vector<16xf32>
        %mul3A_452 = arith.mulf %get3A_449, %mul3A_451 : vector<16xf32>
        %get3A_453 = arith.index_cast %scan3A_276 : i32 to index
        %get3A_454 = arith.constant 128 : index
        %get3A_455 = tpu.vector_load %arg8[%get3A_453, %get3A_454] {strides = array<i32>} : memref<32x768xf32, #tpu.memory_space<vmem>>, vector<1x16xf32>,
        %get3A_456 = vector.shape_cast %get3A_455 : vector<1x16xf32> to vector<16xf32>
        %add3A_457 = arith.addf %mul3A_452, %get3A_456 : vector<16xf32>
        %swap3A_458 = arith.constant 0 : i32
        %swap3A_459 = arith.index_cast %swap3A_458 : i32 to index
        %swap3A_460 = arith.index_cast %scan3A_276 : i32 to index
        %swap3A_461 = arith.constant 128 : index
        %swap3A_462 = tpu.vector_load %arg7[%swap3A_459, %swap3A_460, %swap3A_461] {strides = array<i32>} : memref<2x32x768xf32, #tpu.memory_space<vmem>>, vector<1x1x16xf32>,
        %swap3A_463 = vector.shape_cast %swap3A_462 : vector<1x1x16xf32> to vector<16xf32>
        %swap3A_464 = vector.shape_cast %add3A_457 : vector<16xf32> to vector<1x1x16xf32>
        tpu.vector_store %arg7[%swap3A_459, %swap3A_460, %swap3A_461], %swap3A_464 {strides = array<i32>} : memref<2x32x768xf32, #tpu.memory_space<vmem>>, vector<1x1x16xf32>,
        %get3A_465 = arith.constant 0 : i32
        %get3A_466 = arith.index_cast %get3A_465 : i32 to index
        %get3A_467 = arith.index_cast %scan3A_276 : i32 to index
        %get3A_468 = arith.constant 144 : index
        %get3A_469 = tpu.vector_load %arg7[%get3A_466, %get3A_467, %get3A_468] {strides = array<i32>} : memref<2x32x768xf32, #tpu.memory_space<vmem>>, vector<1x1x16xf32>,
        %get3A_470 = vector.shape_cast %get3A_469 : vector<1x1x16xf32> to vector<16xf32>
        %mul3A_471 = arith.constant 27.7128124 : f32
        %mul3A_472 = vector.broadcast %mul3A_471 : f32 to vector<16xf32>
        %mul3A_473 = arith.mulf %get3A_470, %mul3A_472 : vector<16xf32>
        %get3A_474 = arith.index_cast %scan3A_276 : i32 to index
        %get3A_475 = arith.constant 144 : index
        %get3A_476 = tpu.vector_load %arg8[%get3A_474, %get3A_475] {strides = array<i32>} : memref<32x768xf32, #tpu.memory_space<vmem>>, vector<1x16xf32>,
        %get3A_477 = vector.shape_cast %get3A_476 : vector<1x16xf32> to vector<16xf32>
        %add3A_478 = arith.addf %mul3A_473, %get3A_477 : vector<16xf32>
        %swap3A_479 = arith.constant 0 : i32
        %swap3A_480 = arith.index_cast %swap3A_479 : i32 to index
        %swap3A_481 = arith.index_cast %scan3A_276 : i32 to index
        %swap3A_482 = arith.constant 144 : index
        %swap3A_483 = tpu.vector_load %arg7[%swap3A_480, %swap3A_481, %swap3A_482] {strides = array<i32>} : memref<2x32x768xf32, #tpu.memory_space<vmem>>, vector<1x1x16xf32>,
        %swap3A_484 = vector.shape_cast %swap3A_483 : vector<1x1x16xf32> to vector<16xf32>
        %swap3A_485 = vector.shape_cast %add3A_478 : vector<16xf32> to vector<1x1x16xf32>
        tpu.vector_store %arg7[%swap3A_480, %swap3A_481, %swap3A_482], %swap3A_485 {strides = array<i32>} : memref<2x32x768xf32, #tpu.memory_space<vmem>>, vector<1x1x16xf32>,
        %get3A_486 = arith.constant 0 : i32
        %get3A_487 = arith.index_cast %get3A_486 : i32 to index
        %get3A_488 = arith.index_cast %scan3A_276 : i32 to index
        %get3A_489 = arith.constant 160 : index
        %get3A_490 = tpu.vector_load %arg7[%get3A_487, %get3A_488, %get3A_489] {strides = array<i32>} : memref<2x32x768xf32, #tpu.memory_space<vmem>>, vector<1x1x16xf32>,
        %get3A_491 = vector.shape_cast %get3A_490 : vector<1x1x16xf32> to vector<16xf32>
        %mul3A_492 = arith.constant 27.7128124 : f32
        %mul3A_493 = vector.broadcast %mul3A_492 : f32 to vector<16xf32>
        %mul3A_494 = arith.mulf %get3A_491, %mul3A_493 : vector<16xf32>
        %get3A_495 = arith.index_cast %scan3A_276 : i32 to index
        %get3A_496 = arith.constant 160 : index
        %get3A_497 = tpu.vector_load %arg8[%get3A_495, %get3A_496] {strides = array<i32>} : memref<32x768xf32, #tpu.memory_space<vmem>>, vector<1x16xf32>,
        %get3A_498 = vector.shape_cast %get3A_497 : vector<1x16xf32> to vector<16xf32>
        %add3A_499 = arith.addf %mul3A_494, %get3A_498 : vector<16xf32>
        %swap3A_500 = arith.constant 0 : i32
        %swap3A_501 = arith.index_cast %swap3A_500 : i32 to index
        %swap3A_502 = arith.index_cast %scan3A_276 : i32 to index
        %swap3A_503 = arith.constant 160 : index
        %swap3A_504 = tpu.vector_load %arg7[%swap3A_501, %swap3A_502, %swap3A_503] {strides = array<i32>} : memref<2x32x768xf32, #tpu.memory_space<vmem>>, vector<1x1x16xf32>,
        %swap3A_505 = vector.shape_cast %swap3A_504 : vector<1x1x16xf32> to vector<16xf32>
        %swap3A_506 = vector.shape_cast %add3A_499 : vector<16xf32> to vector<1x1x16xf32>
        tpu.vector_store %arg7[%swap3A_501, %swap3A_502, %swap3A_503], %swap3A_506 {strides = array<i32>} : memref<2x32x768xf32, #tpu.memory_space<vmem>>, vector<1x1x16xf32>,
        %get3A_507 = arith.constant 0 : i32
        %get3A_508 = arith.index_cast %get3A_507 : i32 to index
        %get3A_509 = arith.index_cast %scan3A_276 : i32 to index
        %get3A_510 = arith.constant 176 : index
        %get3A_511 = tpu.vector_load %arg7[%get3A_508, %get3A_509, %get3A_510] {strides = array<i32>} : memref<2x32x768xf32, #tpu.memory_space<vmem>>, vector<1x1x16xf32>,
        %get3A_512 = vector.shape_cast %get3A_511 : vector<1x1x16xf32> to vector<16xf32>
        %mul3A_513 = arith.constant 27.7128124 : f32
        %mul3A_514 = vector.broadcast %mul3A_513 : f32 to vector<16xf32>
        %mul3A_515 = arith.mulf %get3A_512, %mul3A_514 : vector<16xf32>
        %get3A_516 = arith.index_cast %scan3A_276 : i32 to index
        %get3A_517 = arith.constant 176 : index
        %get3A_518 = tpu.vector_load %arg8[%get3A_516, %get3A_517] {strides = array<i32>} : memref<32x768xf32, #tpu.memory_space<vmem>>, vector<1x16xf32>,
        %get3A_519 = vector.shape_cast %get3A_518 : vector<1x16xf32> to vector<16xf32>
        %add3A_520 = arith.addf %mul3A_515, %get3A_519 : vector<16xf32>
        %swap3A_521 = arith.constant 0 : i32
        %swap3A_522 = arith.index_cast %swap3A_521 : i32 to index
        %swap3A_523 = arith.index_cast %scan3A_276 : i32 to index
        %swap3A_524 = arith.constant 176 : index
        %swap3A_525 = tpu.vector_load %arg7[%swap3A_522, %swap3A_523, %swap3A_524] {strides = array<i32>} : memref<2x32x768xf32, #tpu.memory_space<vmem>>, vector<1x1x16xf32>,
        %swap3A_526 = vector.shape_cast %swap3A_525 : vector<1x1x16xf32> to vector<16xf32>
        %swap3A_527 = vector.shape_cast %add3A_520 : vector<16xf32> to vector<1x1x16xf32>
        tpu.vector_store %arg7[%swap3A_522, %swap3A_523, %swap3A_524], %swap3A_527 {strides = array<i32>} : memref<2x32x768xf32, #tpu.memory_space<vmem>>, vector<1x1x16xf32>,
        %get3A_528 = arith.constant 0 : i32
        %get3A_529 = arith.index_cast %get3A_528 : i32 to index
        %get3A_530 = arith.index_cast %scan3A_276 : i32 to index
        %get3A_531 = arith.constant 192 : index
        %get3A_532 = tpu.vector_load %arg7[%get3A_529, %get3A_530, %get3A_531] {strides = array<i32>} : memref<2x32x768xf32, #tpu.memory_space<vmem>>, vector<1x1x16xf32>,
        %get3A_533 = vector.shape_cast %get3A_532 : vector<1x1x16xf32> to vector<16xf32>
        %mul3A_534 = arith.constant 27.7128124 : f32
        %mul3A_535 = vector.broadcast %mul3A_534 : f32 to vector<16xf32>
        %mul3A_536 = arith.mulf %get3A_533, %mul3A_535 : vector<16xf32>
        %get3A_537 = arith.index_cast %scan3A_276 : i32 to index
        %get3A_538 = arith.constant 192 : index
        %get3A_539 = tpu.vector_load %arg8[%get3A_537, %get3A_538] {strides = array<i32>} : memref<32x768xf32, #tpu.memory_space<vmem>>, vector<1x16xf32>,
        %get3A_540 = vector.shape_cast %get3A_539 : vector<1x16xf32> to vector<16xf32>
        %add3A_541 = arith.addf %mul3A_536, %get3A_540 : vector<16xf32>
        %swap3A_542 = arith.constant 0 : i32
        %swap3A_543 = arith.index_cast %swap3A_542 : i32 to index
        %swap3A_544 = arith.index_cast %scan3A_276 : i32 to index
        %swap3A_545 = arith.constant 192 : index
        %swap3A_546 = tpu.vector_load %arg7[%swap3A_543, %swap3A_544, %swap3A_545] {strides = array<i32>} : memref<2x32x768xf32, #tpu.memory_space<vmem>>, vector<1x1x16xf32>,
        %swap3A_547 = vector.shape_cast %swap3A_546 : vector<1x1x16xf32> to vector<16xf32>
        %swap3A_548 = vector.shape_cast %add3A_541 : vector<16xf32> to vector<1x1x16xf32>
        tpu.vector_store %arg7[%swap3A_543, %swap3A_544, %swap3A_545], %swap3A_548 {strides = array<i32>} : memref<2x32x768xf32, #tpu.memory_space<vmem>>, vector<1x1x16xf32>,
        %get3A_549 = arith.constant 0 : i32
        %get3A_550 = arith.index_cast %get3A_549 : i32 to index
        %get3A_551 = arith.index_cast %scan3A_276 : i32 to index
        %get3A_552 = arith.constant 208 : index
        %get3A_553 = tpu.vector_load %arg7[%get3A_550, %get3A_551, %get3A_552] {strides = array<i32>} : memref<2x32x768xf32, #tpu.memory_space<vmem>>, vector<1x1x16xf32>,
        %get3A_554 = vector.shape_cast %get3A_553 : vector<1x1x16xf32> to vector<16xf32>
        %mul3A_555 = arith.constant 27.7128124 : f32
        %mul3A_556 = vector.broadcast %mul3A_555 : f32 to vector<16xf32>
        %mul3A_557 = arith.mulf %get3A_554, %mul3A_556 : vector<16xf32>
        %get3A_558 = arith.index_cast %scan3A_276 : i32 to index
        %get3A_559 = arith.constant 208 : index
        %get3A_560 = tpu.vector_load %arg8[%get3A_558, %get3A_559] {strides = array<i32>} : memref<32x768xf32, #tpu.memory_space<vmem>>, vector<1x16xf32>,
        %get3A_561 = vector.shape_cast %get3A_560 : vector<1x16xf32> to vector<16xf32>
        %add3A_562 = arith.addf %mul3A_557, %get3A_561 : vector<16xf32>
        %swap3A_563 = arith.constant 0 : i32
        %swap3A_564 = arith.index_cast %swap3A_563 : i32 to index
        %swap3A_565 = arith.index_cast %scan3A_276 : i32 to index
        %swap3A_566 = arith.constant 208 : index
        %swap3A_567 = tpu.vector_load %arg7[%swap3A_564, %swap3A_565, %swap3A_566] {strides = array<i32>} : memref<2x32x768xf32, #tpu.memory_space<vmem>>, vector<1x1x16xf32>,
        %swap3A_568 = vector.shape_cast %swap3A_567 : vector<1x1x16xf32> to vector<16xf32>
        %swap3A_569 = vector.shape_cast %add3A_562 : vector<16xf32> to vector<1x1x16xf32>
        tpu.vector_store %arg7[%swap3A_564, %swap3A_565, %swap3A_566], %swap3A_569 {strides = array<i32>} : memref<2x32x768xf32, #tpu.memory_space<vmem>>, vector<1x1x16xf32>,
        %get3A_570 = arith.constant 0 : i32
        %get3A_571 = arith.index_cast %get3A_570 : i32 to index
        %get3A_572 = arith.index_cast %scan3A_276 : i32 to index
        %get3A_573 = arith.constant 224 : index
        %get3A_574 = tpu.vector_load %arg7[%get3A_571, %get3A_572, %get3A_573] {strides = array<i32>} : memref<2x32x768xf32, #tpu.memory_space<vmem>>, vector<1x1x16xf32>,
        %get3A_575 = vector.shape_cast %get3A_574 : vector<1x1x16xf32> to vector<16xf32>
        %mul3A_576 = arith.constant 27.7128124 : f32
        %mul3A_577 = vector.broadcast %mul3A_576 : f32 to vector<16xf32>
        %mul3A_578 = arith.mulf %get3A_575, %mul3A_577 : vector<16xf32>
        %get3A_579 = arith.index_cast %scan3A_276 : i32 to index
        %get3A_580 = arith.constant 224 : index
        %get3A_581 = tpu.vector_load %arg8[%get3A_579, %get3A_580] {strides = array<i32>} : memref<32x768xf32, #tpu.memory_space<vmem>>, vector<1x16xf32>,
        %get3A_582 = vector.shape_cast %get3A_581 : vector<1x16xf32> to vector<16xf32>
        %add3A_583 = arith.addf %mul3A_578, %get3A_582 : vector<16xf32>
        %swap3A_584 = arith.constant 0 : i32
        %swap3A_585 = arith.index_cast %swap3A_584 : i32 to index
        %swap3A_586 = arith.index_cast %scan3A_276 : i32 to index
        %swap3A_587 = arith.constant 224 : index
        %swap3A_588 = tpu.vector_load %arg7[%swap3A_585, %swap3A_586, %swap3A_587] {strides = array<i32>} : memref<2x32x768xf32, #tpu.memory_space<vmem>>, vector<1x1x16xf32>,
        %swap3A_589 = vector.shape_cast %swap3A_588 : vector<1x1x16xf32> to vector<16xf32>
        %swap3A_590 = vector.shape_cast %add3A_583 : vector<16xf32> to vector<1x1x16xf32>
        tpu.vector_store %arg7[%swap3A_585, %swap3A_586, %swap3A_587], %swap3A_590 {strides = array<i32>} : memref<2x32x768xf32, #tpu.memory_space<vmem>>, vector<1x1x16xf32>,
        %get3A_591 = arith.constant 0 : i32
        %get3A_592 = arith.index_cast %get3A_591 : i32 to index
        %get3A_593 = arith.index_cast %scan3A_276 : i32 to index
        %get3A_594 = arith.constant 240 : index
        %get3A_595 = tpu.vector_load %arg7[%get3A_592, %get3A_593, %get3A_594] {strides = array<i32>} : memref<2x32x768xf32, #tpu.memory_space<vmem>>, vector<1x1x16xf32>,
        %get3A_596 = vector.shape_cast %get3A_595 : vector<1x1x16xf32> to vector<16xf32>
        %mul3A_597 = arith.constant 27.7128124 : f32
        %mul3A_598 = vector.broadcast %mul3A_597 : f32 to vector<16xf32>
        %mul3A_599 = arith.mulf %get3A_596, %mul3A_598 : vector<16xf32>
        %get3A_600 = arith.index_cast %scan3A_276 : i32 to index
        %get3A_601 = arith.constant 240 : index
        %get3A_602 = tpu.vector_load %arg8[%get3A_600, %get3A_601] {strides = array<i32>} : memref<32x768xf32, #tpu.memory_space<vmem>>, vector<1x16xf32>,
        %get3A_603 = vector.shape_cast %get3A_602 : vector<1x16xf32> to vector<16xf32>
        %add3A_604 = arith.addf %mul3A_599, %get3A_603 : vector<16xf32>
        %swap3A_605 = arith.constant 0 : i32
        %swap3A_606 = arith.index_cast %swap3A_605 : i32 to index
        %swap3A_607 = arith.index_cast %scan3A_276 : i32 to index
        %swap3A_608 = arith.constant 240 : index
        %swap3A_609 = tpu.vector_load %arg7[%swap3A_606, %swap3A_607, %swap3A_608] {strides = array<i32>} : memref<2x32x768xf32, #tpu.memory_space<vmem>>, vector<1x1x16xf32>,
        %swap3A_610 = vector.shape_cast %swap3A_609 : vector<1x1x16xf32> to vector<16xf32>
        %swap3A_611 = vector.shape_cast %add3A_604 : vector<16xf32> to vector<1x1x16xf32>
        tpu.vector_store %arg7[%swap3A_606, %swap3A_607, %swap3A_608], %swap3A_611 {strides = array<i32>} : memref<2x32x768xf32, #tpu.memory_space<vmem>>, vector<1x1x16xf32>,
        %get3A_612 = arith.constant 0 : i32
        %get3A_613 = arith.index_cast %get3A_612 : i32 to index
        %get3A_614 = arith.index_cast %scan3A_276 : i32 to index
        %get3A_615 = arith.constant 256 : index
        %get3A_616 = tpu.vector_load %arg7[%get3A_613, %get3A_614, %get3A_615] {strides = array<i32>} : memref<2x32x768xf32, #tpu.memory_space<vmem>>, vector<1x1x16xf32>,
        %get3A_617 = vector.shape_cast %get3A_616 : vector<1x1x16xf32> to vector<16xf32>
        %mul3A_618 = arith.constant 27.7128124 : f32
        %mul3A_619 = vector.broadcast %mul3A_618 : f32 to vector<16xf32>
        %mul3A_620 = arith.mulf %get3A_617, %mul3A_619 : vector<16xf32>
        %get3A_621 = arith.index_cast %scan3A_276 : i32 to index
        %get3A_622 = arith.constant 256 : index
        %get3A_623 = tpu.vector_load %arg8[%get3A_621, %get3A_622] {strides = array<i32>} : memref<32x768xf32, #tpu.memory_space<vmem>>, vector<1x16xf32>,
        %get3A_624 = vector.shape_cast %get3A_623 : vector<1x16xf32> to vector<16xf32>
        %add3A_625 = arith.addf %mul3A_620, %get3A_624 : vector<16xf32>
        %swap3A_626 = arith.constant 0 : i32
        %swap3A_627 = arith.index_cast %swap3A_626 : i32 to index
        %swap3A_628 = arith.index_cast %scan3A_276 : i32 to index
        %swap3A_629 = arith.constant 256 : index
        %swap3A_630 = tpu.vector_load %arg7[%swap3A_627, %swap3A_628, %swap3A_629] {strides = array<i32>} : memref<2x32x768xf32, #tpu.memory_space<vmem>>, vector<1x1x16xf32>,
        %swap3A_631 = vector.shape_cast %swap3A_630 : vector<1x1x16xf32> to vector<16xf32>
        %swap3A_632 = vector.shape_cast %add3A_625 : vector<16xf32> to vector<1x1x16xf32>
        tpu.vector_store %arg7[%swap3A_627, %swap3A_628, %swap3A_629], %swap3A_632 {strides = array<i32>} : memref<2x32x768xf32, #tpu.memory_space<vmem>>, vector<1x1x16xf32>,
        %get3A_633 = arith.constant 0 : i32
        %get3A_634 = arith.index_cast %get3A_633 : i32 to index
        %get3A_635 = arith.index_cast %scan3A_276 : i32 to index
        %get3A_636 = arith.constant 272 : index
        %get3A_637 = tpu.vector_load %arg7[%get3A_634, %get3A_635, %get3A_636] {strides = array<i32>} : memref<2x32x768xf32, #tpu.memory_space<vmem>>, vector<1x1x16xf32>,
        %get3A_638 = vector.shape_cast %get3A_637 : vector<1x1x16xf32> to vector<16xf32>
        %mul3A_639 = arith.constant 27.7128124 : f32
        %mul3A_640 = vector.broadcast %mul3A_639 : f32 to vector<16xf32>
        %mul3A_641 = arith.mulf %get3A_638, %mul3A_640 : vector<16xf32>
        %get3A_642 = arith.index_cast %scan3A_276 : i32 to index
        %get3A_643 = arith.constant 272 : index
        %get3A_644 = tpu.vector_load %arg8[%get3A_642, %get3A_643] {strides = array<i32>} : memref<32x768xf32, #tpu.memory_space<vmem>>, vector<1x16xf32>,
        %get3A_645 = vector.shape_cast %get3A_644 : vector<1x16xf32> to vector<16xf32>
        %add3A_646 = arith.addf %mul3A_641, %get3A_645 : vector<16xf32>
        %swap3A_647 = arith.constant 0 : i32
        %swap3A_648 = arith.index_cast %swap3A_647 : i32 to index
        %swap3A_649 = arith.index_cast %scan3A_276 : i32 to index
        %swap3A_650 = arith.constant 272 : index
        %swap3A_651 = tpu.vector_load %arg7[%swap3A_648, %swap3A_649, %swap3A_650] {strides = array<i32>} : memref<2x32x768xf32, #tpu.memory_space<vmem>>, vector<1x1x16xf32>,
        %swap3A_652 = vector.shape_cast %swap3A_651 : vector<1x1x16xf32> to vector<16xf32>
        %swap3A_653 = vector.shape_cast %add3A_646 : vector<16xf32> to vector<1x1x16xf32>
        tpu.vector_store %arg7[%swap3A_648, %swap3A_649, %swap3A_650], %swap3A_653 {strides = array<i32>} : memref<2x32x768xf32, #tpu.memory_space<vmem>>, vector<1x1x16xf32>,
        %get3A_654 = arith.constant 0 : i32
        %get3A_655 = arith.index_cast %get3A_654 : i32 to index
        %get3A_656 = arith.index_cast %scan3A_276 : i32 to index
        %get3A_657 = arith.constant 288 : index
        %get3A_658 = tpu.vector_load %arg7[%get3A_655, %get3A_656, %get3A_657] {strides = array<i32>} : memref<2x32x768xf32, #tpu.memory_space<vmem>>, vector<1x1x16xf32>,
        %get3A_659 = vector.shape_cast %get3A_658 : vector<1x1x16xf32> to vector<16xf32>
        %mul3A_660 = arith.constant 27.7128124 : f32
        %mul3A_661 = vector.broadcast %mul3A_660 : f32 to vector<16xf32>
        %mul3A_662 = arith.mulf %get3A_659, %mul3A_661 : vector<16xf32>
        %get3A_663 = arith.index_cast %scan3A_276 : i32 to index
        %get3A_664 = arith.constant 288 : index
        %get3A_665 = tpu.vector_load %arg8[%get3A_663, %get3A_664] {strides = array<i32>} : memref<32x768xf32, #tpu.memory_space<vmem>>, vector<1x16xf32>,
        %get3A_666 = vector.shape_cast %get3A_665 : vector<1x16xf32> to vector<16xf32>
        %add3A_667 = arith.addf %mul3A_662, %get3A_666 : vector<16xf32>
        %swap3A_668 = arith.constant 0 : i32
        %swap3A_669 = arith.index_cast %swap3A_668 : i32 to index
        %swap3A_670 = arith.index_cast %scan3A_276 : i32 to index
        %swap3A_671 = arith.constant 288 : index
        %swap3A_672 = tpu.vector_load %arg7[%swap3A_669, %swap3A_670, %swap3A_671] {strides = array<i32>} : memref<2x32x768xf32, #tpu.memory_space<vmem>>, vector<1x1x16xf32>,
        %swap3A_673 = vector.shape_cast %swap3A_672 : vector<1x1x16xf32> to vector<16xf32>
        %swap3A_674 = vector.shape_cast %add3A_667 : vector<16xf32> to vector<1x1x16xf32>
        tpu.vector_store %arg7[%swap3A_669, %swap3A_670, %swap3A_671], %swap3A_674 {strides = array<i32>} : memref<2x32x768xf32, #tpu.memory_space<vmem>>, vector<1x1x16xf32>,
        %get3A_675 = arith.constant 0 : i32
        %get3A_676 = arith.index_cast %get3A_675 : i32 to index
        %get3A_677 = arith.index_cast %scan3A_276 : i32 to index
        %get3A_678 = arith.constant 304 : index
        %get3A_679 = tpu.vector_load %arg7[%get3A_676, %get3A_677, %get3A_678] {strides = array<i32>} : memref<2x32x768xf32, #tpu.memory_space<vmem>>, vector<1x1x16xf32>,
        %get3A_680 = vector.shape_cast %get3A_679 : vector<1x1x16xf32> to vector<16xf32>
        %mul3A_681 = arith.constant 27.7128124 : f32
        %mul3A_682 = vector.broadcast %mul3A_681 : f32 to vector<16xf32>
        %mul3A_683 = arith.mulf %get3A_680, %mul3A_682 : vector<16xf32>
        %get3A_684 = arith.index_cast %scan3A_276 : i32 to index
        %get3A_685 = arith.constant 304 : index
        %get3A_686 = tpu.vector_load %arg8[%get3A_684, %get3A_685] {strides = array<i32>} : memref<32x768xf32, #tpu.memory_space<vmem>>, vector<1x16xf32>,
        %get3A_687 = vector.shape_cast %get3A_686 : vector<1x16xf32> to vector<16xf32>
        %add3A_688 = arith.addf %mul3A_683, %get3A_687 : vector<16xf32>
        %swap3A_689 = arith.constant 0 : i32
        %swap3A_690 = arith.index_cast %swap3A_689 : i32 to index
        %swap3A_691 = arith.index_cast %scan3A_276 : i32 to index
        %swap3A_692 = arith.constant 304 : index
        %swap3A_693 = tpu.vector_load %arg7[%swap3A_690, %swap3A_691, %swap3A_692] {strides = array<i32>} : memref<2x32x768xf32, #tpu.memory_space<vmem>>, vector<1x1x16xf32>,
        %swap3A_694 = vector.shape_cast %swap3A_693 : vector<1x1x16xf32> to vector<16xf32>
        %swap3A_695 = vector.shape_cast %add3A_688 : vector<16xf32> to vector<1x1x16xf32>
        tpu.vector_store %arg7[%swap3A_690, %swap3A_691, %swap3A_692], %swap3A_695 {strides = array<i32>} : memref<2x32x768xf32, #tpu.memory_space<vmem>>, vector<1x1x16xf32>,
        %get3A_696 = arith.constant 0 : i32
        %get3A_697 = arith.index_cast %get3A_696 : i32 to index
        %get3A_698 = arith.index_cast %scan3A_276 : i32 to index
        %get3A_699 = arith.constant 320 : index
        %get3A_700 = tpu.vector_load %arg7[%get3A_697, %get3A_698, %get3A_699] {strides = array<i32>} : memref<2x32x768xf32, #tpu.memory_space<vmem>>, vector<1x1x16xf32>,
        %get3A_701 = vector.shape_cast %get3A_700 : vector<1x1x16xf32> to vector<16xf32>
        %mul3A_702 = arith.constant 27.7128124 : f32
        %mul3A_703 = vector.broadcast %mul3A_702 : f32 to vector<16xf32>
        %mul3A_704 = arith.mulf %get3A_701, %mul3A_703 : vector<16xf32>
        %get3A_705 = arith.index_cast %scan3A_276 : i32 to index
        %get3A_706 = arith.constant 320 : index
        %get3A_707 = tpu.vector_load %arg8[%get3A_705, %get3A_706] {strides = array<i32>} : memref<32x768xf32, #tpu.memory_space<vmem>>, vector<1x16xf32>,
        %get3A_708 = vector.shape_cast %get3A_707 : vector<1x16xf32> to vector<16xf32>
        %add3A_709 = arith.addf %mul3A_704, %get3A_708 : vector<16xf32>
        %swap3A_710 = arith.constant 0 : i32
        %swap3A_711 = arith.index_cast %swap3A_710 : i32 to index
        %swap3A_712 = arith.index_cast %scan3A_276 : i32 to index
        %swap3A_713 = arith.constant 320 : index
        %swap3A_714 = tpu.vector_load %arg7[%swap3A_711, %swap3A_712, %swap3A_713] {strides = array<i32>} : memref<2x32x768xf32, #tpu.memory_space<vmem>>, vector<1x1x16xf32>,
        %swap3A_715 = vector.shape_cast %swap3A_714 : vector<1x1x16xf32> to vector<16xf32>
        %swap3A_716 = vector.shape_cast %add3A_709 : vector<16xf32> to vector<1x1x16xf32>
        tpu.vector_store %arg7[%swap3A_711, %swap3A_712, %swap3A_713], %swap3A_716 {strides = array<i32>} : memref<2x32x768xf32, #tpu.memory_space<vmem>>, vector<1x1x16xf32>,
        %get3A_717 = arith.constant 0 : i32
        %get3A_718 = arith.index_cast %get3A_717 : i32 to index
        %get3A_719 = arith.index_cast %scan3A_276 : i32 to index
        %get3A_720 = arith.constant 336 : index
        %get3A_721 = tpu.vector_load %arg7[%get3A_718, %get3A_719, %get3A_720] {strides = array<i32>} : memref<2x32x768xf32, #tpu.memory_space<vmem>>, vector<1x1x16xf32>,
        %get3A_722 = vector.shape_cast %get3A_721 : vector<1x1x16xf32> to vector<16xf32>
        %mul3A_723 = arith.constant 27.7128124 : f32
        %mul3A_724 = vector.broadcast %mul3A_723 : f32 to vector<16xf32>
        %mul3A_725 = arith.mulf %get3A_722, %mul3A_724 : vector<16xf32>
        %get3A_726 = arith.index_cast %scan3A_276 : i32 to index
        %get3A_727 = arith.constant 336 : index
        %get3A_728 = tpu.vector_load %arg8[%get3A_726, %get3A_727] {strides = array<i32>} : memref<32x768xf32, #tpu.memory_space<vmem>>, vector<1x16xf32>,
        %get3A_729 = vector.shape_cast %get3A_728 : vector<1x16xf32> to vector<16xf32>
        %add3A_730 = arith.addf %mul3A_725, %get3A_729 : vector<16xf32>
        %swap3A_731 = arith.constant 0 : i32
        %swap3A_732 = arith.index_cast %swap3A_731 : i32 to index
        %swap3A_733 = arith.index_cast %scan3A_276 : i32 to index
        %swap3A_734 = arith.constant 336 : index
        %swap3A_735 = tpu.vector_load %arg7[%swap3A_732, %swap3A_733, %swap3A_734] {strides = array<i32>} : memref<2x32x768xf32, #tpu.memory_space<vmem>>, vector<1x1x16xf32>,
        %swap3A_736 = vector.shape_cast %swap3A_735 : vector<1x1x16xf32> to vector<16xf32>
        %swap3A_737 = vector.shape_cast %add3A_730 : vector<16xf32> to vector<1x1x16xf32>
        tpu.vector_store %arg7[%swap3A_732, %swap3A_733, %swap3A_734], %swap3A_737 {strides = array<i32>} : memref<2x32x768xf32, #tpu.memory_space<vmem>>, vector<1x1x16xf32>,
        %get3A_738 = arith.constant 0 : i32
        %get3A_739 = arith.index_cast %get3A_738 : i32 to index
        %get3A_740 = arith.index_cast %scan3A_276 : i32 to index
        %get3A_741 = arith.constant 352 : index
        %get3A_742 = tpu.vector_load %arg7[%get3A_739, %get3A_740, %get3A_741] {strides = array<i32>} : memref<2x32x768xf32, #tpu.memory_space<vmem>>, vector<1x1x16xf32>,
        %get3A_743 = vector.shape_cast %get3A_742 : vector<1x1x16xf32> to vector<16xf32>
        %mul3A_744 = arith.constant 27.7128124 : f32
        %mul3A_745 = vector.broadcast %mul3A_744 : f32 to vector<16xf32>
        %mul3A_746 = arith.mulf %get3A_743, %mul3A_745 : vector<16xf32>
        %get3A_747 = arith.index_cast %scan3A_276 : i32 to index
        %get3A_748 = arith.constant 352 : index
        %get3A_749 = tpu.vector_load %arg8[%get3A_747, %get3A_748] {strides = array<i32>} : memref<32x768xf32, #tpu.memory_space<vmem>>, vector<1x16xf32>,
        %get3A_750 = vector.shape_cast %get3A_749 : vector<1x16xf32> to vector<16xf32>
        %add3A_751 = arith.addf %mul3A_746, %get3A_750 : vector<16xf32>
        %swap3A_752 = arith.constant 0 : i32
        %swap3A_753 = arith.index_cast %swap3A_752 : i32 to index
        %swap3A_754 = arith.index_cast %scan3A_276 : i32 to index
        %swap3A_755 = arith.constant 352 : index
        %swap3A_756 = tpu.vector_load %arg7[%swap3A_753, %swap3A_754, %swap3A_755] {strides = array<i32>} : memref<2x32x768xf32, #tpu.memory_space<vmem>>, vector<1x1x16xf32>,
        %swap3A_757 = vector.shape_cast %swap3A_756 : vector<1x1x16xf32> to vector<16xf32>
        %swap3A_758 = vector.shape_cast %add3A_751 : vector<16xf32> to vector<1x1x16xf32>
        tpu.vector_store %arg7[%swap3A_753, %swap3A_754, %swap3A_755], %swap3A_758 {strides = array<i32>} : memref<2x32x768xf32, #tpu.memory_space<vmem>>, vector<1x1x16xf32>,
        %get3A_759 = arith.constant 0 : i32
        %get3A_760 = arith.index_cast %get3A_759 : i32 to index
        %get3A_761 = arith.index_cast %scan3A_276 : i32 to index
        %get3A_762 = arith.constant 368 : index
        %get3A_763 = tpu.vector_load %arg7[%get3A_760, %get3A_761, %get3A_762] {strides = array<i32>} : memref<2x32x768xf32, #tpu.memory_space<vmem>>, vector<1x1x16xf32>,
        %get3A_764 = vector.shape_cast %get3A_763 : vector<1x1x16xf32> to vector<16xf32>
        %mul3A_765 = arith.constant 27.7128124 : f32
        %mul3A_766 = vector.broadcast %mul3A_765 : f32 to vector<16xf32>
        %mul3A_767 = arith.mulf %get3A_764, %mul3A_766 : vector<16xf32>
        %get3A_768 = arith.index_cast %scan3A_276 : i32 to index
        %get3A_769 = arith.constant 368 : index
        %get3A_770 = tpu.vector_load %arg8[%get3A_768, %get3A_769] {strides = array<i32>} : memref<32x768xf32, #tpu.memory_space<vmem>>, vector<1x16xf32>,
        %get3A_771 = vector.shape_cast %get3A_770 : vector<1x16xf32> to vector<16xf32>
        %add3A_772 = arith.addf %mul3A_767, %get3A_771 : vector<16xf32>
        %swap3A_773 = arith.constant 0 : i32
        %swap3A_774 = arith.index_cast %swap3A_773 : i32 to index
        %swap3A_775 = arith.index_cast %scan3A_276 : i32 to index
        %swap3A_776 = arith.constant 368 : index
        %swap3A_777 = tpu.vector_load %arg7[%swap3A_774, %swap3A_775, %swap3A_776] {strides = array<i32>} : memref<2x32x768xf32, #tpu.memory_space<vmem>>, vector<1x1x16xf32>,
        %swap3A_778 = vector.shape_cast %swap3A_777 : vector<1x1x16xf32> to vector<16xf32>
        %swap3A_779 = vector.shape_cast %add3A_772 : vector<16xf32> to vector<1x1x16xf32>
        tpu.vector_store %arg7[%swap3A_774, %swap3A_775, %swap3A_776], %swap3A_779 {strides = array<i32>} : memref<2x32x768xf32, #tpu.memory_space<vmem>>, vector<1x1x16xf32>,
        %get3A_780 = arith.constant 0 : i32
        %get3A_781 = arith.index_cast %get3A_780 : i32 to index
        %get3A_782 = arith.index_cast %scan3A_276 : i32 to index
        %get3A_783 = arith.constant 384 : index
        %get3A_784 = tpu.vector_load %arg7[%get3A_781, %get3A_782, %get3A_783] {strides = array<i32>} : memref<2x32x768xf32, #tpu.memory_space<vmem>>, vector<1x1x16xf32>,
        %get3A_785 = vector.shape_cast %get3A_784 : vector<1x1x16xf32> to vector<16xf32>
        %mul3A_786 = arith.constant 27.7128124 : f32
        %mul3A_787 = vector.broadcast %mul3A_786 : f32 to vector<16xf32>
        %mul3A_788 = arith.mulf %get3A_785, %mul3A_787 : vector<16xf32>
        %get3A_789 = arith.index_cast %scan3A_276 : i32 to index
        %get3A_790 = arith.constant 384 : index
        %get3A_791 = tpu.vector_load %arg8[%get3A_789, %get3A_790] {strides = array<i32>} : memref<32x768xf32, #tpu.memory_space<vmem>>, vector<1x16xf32>,
        %get3A_792 = vector.shape_cast %get3A_791 : vector<1x16xf32> to vector<16xf32>
        %add3A_793 = arith.addf %mul3A_788, %get3A_792 : vector<16xf32>
        %swap3A_794 = arith.constant 0 : i32
        %swap3A_795 = arith.index_cast %swap3A_794 : i32 to index
        %swap3A_796 = arith.index_cast %scan3A_276 : i32 to index
        %swap3A_797 = arith.constant 384 : index
        %swap3A_798 = tpu.vector_load %arg7[%swap3A_795, %swap3A_796, %swap3A_797] {strides = array<i32>} : memref<2x32x768xf32, #tpu.memory_space<vmem>>, vector<1x1x16xf32>,
        %swap3A_799 = vector.shape_cast %swap3A_798 : vector<1x1x16xf32> to vector<16xf32>
        %swap3A_800 = vector.shape_cast %add3A_793 : vector<16xf32> to vector<1x1x16xf32>
        tpu.vector_store %arg7[%swap3A_795, %swap3A_796, %swap3A_797], %swap3A_800 {strides = array<i32>} : memref<2x32x768xf32, #tpu.memory_space<vmem>>, vector<1x1x16xf32>,
        %get3A_801 = arith.constant 0 : i32
        %get3A_802 = arith.index_cast %get3A_801 : i32 to index
        %get3A_803 = arith.index_cast %scan3A_276 : i32 to index
        %get3A_804 = arith.constant 400 : index
        %get3A_805 = tpu.vector_load %arg7[%get3A_802, %get3A_803, %get3A_804] {strides = array<i32>} : memref<2x32x768xf32, #tpu.memory_space<vmem>>, vector<1x1x16xf32>,
        %get3A_806 = vector.shape_cast %get3A_805 : vector<1x1x16xf32> to vector<16xf32>
        %mul3A_807 = arith.constant 27.7128124 : f32
        %mul3A_808 = vector.broadcast %mul3A_807 : f32 to vector<16xf32>
        %mul3A_809 = arith.mulf %get3A_806, %mul3A_808 : vector<16xf32>
        %get3A_810 = arith.index_cast %scan3A_276 : i32 to index
        %get3A_811 = arith.constant 400 : index
        %get3A_812 = tpu.vector_load %arg8[%get3A_810, %get3A_811] {strides = array<i32>} : memref<32x768xf32, #tpu.memory_space<vmem>>, vector<1x16xf32>,
        %get3A_813 = vector.shape_cast %get3A_812 : vector<1x16xf32> to vector<16xf32>
        %add3A_814 = arith.addf %mul3A_809, %get3A_813 : vector<16xf32>
        %swap3A_815 = arith.constant 0 : i32
        %swap3A_816 = arith.index_cast %swap3A_815 : i32 to index
        %swap3A_817 = arith.index_cast %scan3A_276 : i32 to index
        %swap3A_818 = arith.constant 400 : index
        %swap3A_819 = tpu.vector_load %arg7[%swap3A_816, %swap3A_817, %swap3A_818] {strides = array<i32>} : memref<2x32x768xf32, #tpu.memory_space<vmem>>, vector<1x1x16xf32>,
        %swap3A_820 = vector.shape_cast %swap3A_819 : vector<1x1x16xf32> to vector<16xf32>
        %swap3A_821 = vector.shape_cast %add3A_814 : vector<16xf32> to vector<1x1x16xf32>
        tpu.vector_store %arg7[%swap3A_816, %swap3A_817, %swap3A_818], %swap3A_821 {strides = array<i32>} : memref<2x32x768xf32, #tpu.memory_space<vmem>>, vector<1x1x16xf32>,
        %get3A_822 = arith.constant 0 : i32
        %get3A_823 = arith.index_cast %get3A_822 : i32 to index
        %get3A_824 = arith.index_cast %scan3A_276 : i32 to index
        %get3A_825 = arith.constant 416 : index
        %get3A_826 = tpu.vector_load %arg7[%get3A_823, %get3A_824, %get3A_825] {strides = array<i32>} : memref<2x32x768xf32, #tpu.memory_space<vmem>>, vector<1x1x16xf32>,
        %get3A_827 = vector.shape_cast %get3A_826 : vector<1x1x16xf32> to vector<16xf32>
        %mul3A_828 = arith.constant 27.7128124 : f32
        %mul3A_829 = vector.broadcast %mul3A_828 : f32 to vector<16xf32>
        %mul3A_830 = arith.mulf %get3A_827, %mul3A_829 : vector<16xf32>
        %get3A_831 = arith.index_cast %scan3A_276 : i32 to index
        %get3A_832 = arith.constant 416 : index
        %get3A_833 = tpu.vector_load %arg8[%get3A_831, %get3A_832] {strides = array<i32>} : memref<32x768xf32, #tpu.memory_space<vmem>>, vector<1x16xf32>,
        %get3A_834 = vector.shape_cast %get3A_833 : vector<1x16xf32> to vector<16xf32>
        %add3A_835 = arith.addf %mul3A_830, %get3A_834 : vector<16xf32>
        %swap3A_836 = arith.constant 0 : i32
        %swap3A_837 = arith.index_cast %swap3A_836 : i32 to index
        %swap3A_838 = arith.index_cast %scan3A_276 : i32 to index
        %swap3A_839 = arith.constant 416 : index
        %swap3A_840 = tpu.vector_load %arg7[%swap3A_837, %swap3A_838, %swap3A_839] {strides = array<i32>} : memref<2x32x768xf32, #tpu.memory_space<vmem>>, vector<1x1x16xf32>,
        %swap3A_841 = vector.shape_cast %swap3A_840 : vector<1x1x16xf32> to vector<16xf32>
        %swap3A_842 = vector.shape_cast %add3A_835 : vector<16xf32> to vector<1x1x16xf32>
        tpu.vector_store %arg7[%swap3A_837, %swap3A_838, %swap3A_839], %swap3A_842 {strides = array<i32>} : memref<2x32x768xf32, #tpu.memory_space<vmem>>, vector<1x1x16xf32>,
        %get3A_843 = arith.constant 0 : i32
        %get3A_844 = arith.index_cast %get3A_843 : i32 to index
        %get3A_845 = arith.index_cast %scan3A_276 : i32 to index
        %get3A_846 = arith.constant 432 : index
        %get3A_847 = tpu.vector_load %arg7[%get3A_844, %get3A_845, %get3A_846] {strides = array<i32>} : memref<2x32x768xf32, #tpu.memory_space<vmem>>, vector<1x1x16xf32>,
        %get3A_848 = vector.shape_cast %get3A_847 : vector<1x1x16xf32> to vector<16xf32>
        %mul3A_849 = arith.constant 27.7128124 : f32
        %mul3A_850 = vector.broadcast %mul3A_849 : f32 to vector<16xf32>
        %mul3A_851 = arith.mulf %get3A_848, %mul3A_850 : vector<16xf32>
        %get3A_852 = arith.index_cast %scan3A_276 : i32 to index
        %get3A_853 = arith.constant 432 : index
        %get3A_854 = tpu.vector_load %arg8[%get3A_852, %get3A_853] {strides = array<i32>} : memref<32x768xf32, #tpu.memory_space<vmem>>, vector<1x16xf32>,
        %get3A_855 = vector.shape_cast %get3A_854 : vector<1x16xf32> to vector<16xf32>
        %add3A_856 = arith.addf %mul3A_851, %get3A_855 : vector<16xf32>
        %swap3A_857 = arith.constant 0 : i32
        %swap3A_858 = arith.index_cast %swap3A_857 : i32 to index
        %swap3A_859 = arith.index_cast %scan3A_276 : i32 to index
        %swap3A_860 = arith.constant 432 : index
        %swap3A_861 = tpu.vector_load %arg7[%swap3A_858, %swap3A_859, %swap3A_860] {strides = array<i32>} : memref<2x32x768xf32, #tpu.memory_space<vmem>>, vector<1x1x16xf32>,
        %swap3A_862 = vector.shape_cast %swap3A_861 : vector<1x1x16xf32> to vector<16xf32>
        %swap3A_863 = vector.shape_cast %add3A_856 : vector<16xf32> to vector<1x1x16xf32>
        tpu.vector_store %arg7[%swap3A_858, %swap3A_859, %swap3A_860], %swap3A_863 {strides = array<i32>} : memref<2x32x768xf32, #tpu.memory_space<vmem>>, vector<1x1x16xf32>,
        %get3A_864 = arith.constant 0 : i32
        %get3A_865 = arith.index_cast %get3A_864 : i32 to index
        %get3A_866 = arith.index_cast %scan3A_276 : i32 to index
        %get3A_867 = arith.constant 448 : index
        %get3A_868 = tpu.vector_load %arg7[%get3A_865, %get3A_866, %get3A_867] {strides = array<i32>} : memref<2x32x768xf32, #tpu.memory_space<vmem>>, vector<1x1x16xf32>,
        %get3A_869 = vector.shape_cast %get3A_868 : vector<1x1x16xf32> to vector<16xf32>
        %mul3A_870 = arith.constant 27.7128124 : f32
        %mul3A_871 = vector.broadcast %mul3A_870 : f32 to vector<16xf32>
        %mul3A_872 = arith.mulf %get3A_869, %mul3A_871 : vector<16xf32>
        %get3A_873 = arith.index_cast %scan3A_276 : i32 to index
        %get3A_874 = arith.constant 448 : index
        %get3A_875 = tpu.vector_load %arg8[%get3A_873, %get3A_874] {strides = array<i32>} : memref<32x768xf32, #tpu.memory_space<vmem>>, vector<1x16xf32>,
        %get3A_876 = vector.shape_cast %get3A_875 : vector<1x16xf32> to vector<16xf32>
        %add3A_877 = arith.addf %mul3A_872, %get3A_876 : vector<16xf32>
        %swap3A_878 = arith.constant 0 : i32
        %swap3A_879 = arith.index_cast %swap3A_878 : i32 to index
        %swap3A_880 = arith.index_cast %scan3A_276 : i32 to index
        %swap3A_881 = arith.constant 448 : index
        %swap3A_882 = tpu.vector_load %arg7[%swap3A_879, %swap3A_880, %swap3A_881] {strides = array<i32>} : memref<2x32x768xf32, #tpu.memory_space<vmem>>, vector<1x1x16xf32>,
        %swap3A_883 = vector.shape_cast %swap3A_882 : vector<1x1x16xf32> to vector<16xf32>
        %swap3A_884 = vector.shape_cast %add3A_877 : vector<16xf32> to vector<1x1x16xf32>
        tpu.vector_store %arg7[%swap3A_879, %swap3A_880, %swap3A_881], %swap3A_884 {strides = array<i32>} : memref<2x32x768xf32, #tpu.memory_space<vmem>>, vector<1x1x16xf32>,
        %get3A_885 = arith.constant 0 : i32
        %get3A_886 = arith.index_cast %get3A_885 : i32 to index
        %get3A_887 = arith.index_cast %scan3A_276 : i32 to index
        %get3A_888 = arith.constant 464 : index
        %get3A_889 = tpu.vector_load %arg7[%get3A_886, %get3A_887, %get3A_888] {strides = array<i32>} : memref<2x32x768xf32, #tpu.memory_space<vmem>>, vector<1x1x16xf32>,
        %get3A_890 = vector.shape_cast %get3A_889 : vector<1x1x16xf32> to vector<16xf32>
        %mul3A_891 = arith.constant 27.7128124 : f32
        %mul3A_892 = vector.broadcast %mul3A_891 : f32 to vector<16xf32>
        %mul3A_893 = arith.mulf %get3A_890, %mul3A_892 : vector<16xf32>
        %get3A_894 = arith.index_cast %scan3A_276 : i32 to index
        %get3A_895 = arith.constant 464 : index
        %get3A_896 = tpu.vector_load %arg8[%get3A_894, %get3A_895] {strides = array<i32>} : memref<32x768xf32, #tpu.memory_space<vmem>>, vector<1x16xf32>,
        %get3A_897 = vector.shape_cast %get3A_896 : vector<1x16xf32> to vector<16xf32>
        %add3A_898 = arith.addf %mul3A_893, %get3A_897 : vector<16xf32>
        %swap3A_899 = arith.constant 0 : i32
        %swap3A_900 = arith.index_cast %swap3A_899 : i32 to index
        %swap3A_901 = arith.index_cast %scan3A_276 : i32 to index
        %swap3A_902 = arith.constant 464 : index
        %swap3A_903 = tpu.vector_load %arg7[%swap3A_900, %swap3A_901, %swap3A_902] {strides = array<i32>} : memref<2x32x768xf32, #tpu.memory_space<vmem>>, vector<1x1x16xf32>,
        %swap3A_904 = vector.shape_cast %swap3A_903 : vector<1x1x16xf32> to vector<16xf32>
        %swap3A_905 = vector.shape_cast %add3A_898 : vector<16xf32> to vector<1x1x16xf32>
        tpu.vector_store %arg7[%swap3A_900, %swap3A_901, %swap3A_902], %swap3A_905 {strides = array<i32>} : memref<2x32x768xf32, #tpu.memory_space<vmem>>, vector<1x1x16xf32>,
        %get3A_906 = arith.constant 0 : i32
        %get3A_907 = arith.index_cast %get3A_906 : i32 to index
        %get3A_908 = arith.index_cast %scan3A_276 : i32 to index
        %get3A_909 = arith.constant 480 : index
        %get3A_910 = tpu.vector_load %arg7[%get3A_907, %get3A_908, %get3A_909] {strides = array<i32>} : memref<2x32x768xf32, #tpu.memory_space<vmem>>, vector<1x1x16xf32>,
        %get3A_911 = vector.shape_cast %get3A_910 : vector<1x1x16xf32> to vector<16xf32>
        %mul3A_912 = arith.constant 27.7128124 : f32
        %mul3A_913 = vector.broadcast %mul3A_912 : f32 to vector<16xf32>
        %mul3A_914 = arith.mulf %get3A_911, %mul3A_913 : vector<16xf32>
        %get3A_915 = arith.index_cast %scan3A_276 : i32 to index
        %get3A_916 = arith.constant 480 : index
        %get3A_917 = tpu.vector_load %arg8[%get3A_915, %get3A_916] {strides = array<i32>} : memref<32x768xf32, #tpu.memory_space<vmem>>, vector<1x16xf32>,
        %get3A_918 = vector.shape_cast %get3A_917 : vector<1x16xf32> to vector<16xf32>
        %add3A_919 = arith.addf %mul3A_914, %get3A_918 : vector<16xf32>
        %swap3A_920 = arith.constant 0 : i32
        %swap3A_921 = arith.index_cast %swap3A_920 : i32 to index
        %swap3A_922 = arith.index_cast %scan3A_276 : i32 to index
        %swap3A_923 = arith.constant 480 : index
        %swap3A_924 = tpu.vector_load %arg7[%swap3A_921, %swap3A_922, %swap3A_923] {strides = array<i32>} : memref<2x32x768xf32, #tpu.memory_space<vmem>>, vector<1x1x16xf32>,
        %swap3A_925 = vector.shape_cast %swap3A_924 : vector<1x1x16xf32> to vector<16xf32>
        %swap3A_926 = vector.shape_cast %add3A_919 : vector<16xf32> to vector<1x1x16xf32>
        tpu.vector_store %arg7[%swap3A_921, %swap3A_922, %swap3A_923], %swap3A_926 {strides = array<i32>} : memref<2x32x768xf32, #tpu.memory_space<vmem>>, vector<1x1x16xf32>,
        %get3A_927 = arith.constant 0 : i32
        %get3A_928 = arith.index_cast %get3A_927 : i32 to index
        %get3A_929 = arith.index_cast %scan3A_276 : i32 to index
        %get3A_930 = arith.constant 496 : index
        %get3A_931 = tpu.vector_load %arg7[%get3A_928, %get3A_929, %get3A_930] {strides = array<i32>} : memref<2x32x768xf32, #tpu.memory_space<vmem>>, vector<1x1x16xf32>,
        %get3A_932 = vector.shape_cast %get3A_931 : vector<1x1x16xf32> to vector<16xf32>
        %mul3A_933 = arith.constant 27.7128124 : f32
        %mul3A_934 = vector.broadcast %mul3A_933 : f32 to vector<16xf32>
        %mul3A_935 = arith.mulf %get3A_932, %mul3A_934 : vector<16xf32>
        %get3A_936 = arith.index_cast %scan3A_276 : i32 to index
        %get3A_937 = arith.constant 496 : index
        %get3A_938 = tpu.vector_load %arg8[%get3A_936, %get3A_937] {strides = array<i32>} : memref<32x768xf32, #tpu.memory_space<vmem>>, vector<1x16xf32>,
        %get3A_939 = vector.shape_cast %get3A_938 : vector<1x16xf32> to vector<16xf32>
        %add3A_940 = arith.addf %mul3A_935, %get3A_939 : vector<16xf32>
        %swap3A_941 = arith.constant 0 : i32
        %swap3A_942 = arith.index_cast %swap3A_941 : i32 to index
        %swap3A_943 = arith.index_cast %scan3A_276 : i32 to index
        %swap3A_944 = arith.constant 496 : index
        %swap3A_945 = tpu.vector_load %arg7[%swap3A_942, %swap3A_943, %swap3A_944] {strides = array<i32>} : memref<2x32x768xf32, #tpu.memory_space<vmem>>, vector<1x1x16xf32>,
        %swap3A_946 = vector.shape_cast %swap3A_945 : vector<1x1x16xf32> to vector<16xf32>
        %swap3A_947 = vector.shape_cast %add3A_940 : vector<16xf32> to vector<1x1x16xf32>
        tpu.vector_store %arg7[%swap3A_942, %swap3A_943, %swap3A_944], %swap3A_947 {strides = array<i32>} : memref<2x32x768xf32, #tpu.memory_space<vmem>>, vector<1x1x16xf32>,
        %get3A_948 = arith.constant 0 : i32
        %get3A_949 = arith.index_cast %get3A_948 : i32 to index
        %get3A_950 = arith.index_cast %scan3A_276 : i32 to index
        %get3A_951 = arith.constant 512 : index
        %get3A_952 = tpu.vector_load %arg7[%get3A_949, %get3A_950, %get3A_951] {strides = array<i32>} : memref<2x32x768xf32, #tpu.memory_space<vmem>>, vector<1x1x16xf32>,
        %get3A_953 = vector.shape_cast %get3A_952 : vector<1x1x16xf32> to vector<16xf32>
        %mul3A_954 = arith.constant 27.7128124 : f32
        %mul3A_955 = vector.broadcast %mul3A_954 : f32 to vector<16xf32>
        %mul3A_956 = arith.mulf %get3A_953, %mul3A_955 : vector<16xf32>
        %get3A_957 = arith.index_cast %scan3A_276 : i32 to index
        %get3A_958 = arith.constant 512 : index
        %get3A_959 = tpu.vector_load %arg8[%get3A_957, %get3A_958] {strides = array<i32>} : memref<32x768xf32, #tpu.memory_space<vmem>>, vector<1x16xf32>,
        %get3A_960 = vector.shape_cast %get3A_959 : vector<1x16xf32> to vector<16xf32>
        %add3A_961 = arith.addf %mul3A_956, %get3A_960 : vector<16xf32>
        %swap3A_962 = arith.constant 0 : i32
        %swap3A_963 = arith.index_cast %swap3A_962 : i32 to index
        %swap3A_964 = arith.index_cast %scan3A_276 : i32 to index
        %swap3A_965 = arith.constant 512 : index
        %swap3A_966 = tpu.vector_load %arg7[%swap3A_963, %swap3A_964, %swap3A_965] {strides = array<i32>} : memref<2x32x768xf32, #tpu.memory_space<vmem>>, vector<1x1x16xf32>,
        %swap3A_967 = vector.shape_cast %swap3A_966 : vector<1x1x16xf32> to vector<16xf32>
        %swap3A_968 = vector.shape_cast %add3A_961 : vector<16xf32> to vector<1x1x16xf32>
        tpu.vector_store %arg7[%swap3A_963, %swap3A_964, %swap3A_965], %swap3A_968 {strides = array<i32>} : memref<2x32x768xf32, #tpu.memory_space<vmem>>, vector<1x1x16xf32>,
        %get3A_969 = arith.constant 0 : i32
        %get3A_970 = arith.index_cast %get3A_969 : i32 to index
        %get3A_971 = arith.index_cast %scan3A_276 : i32 to index
        %get3A_972 = arith.constant 528 : index
        %get3A_973 = tpu.vector_load %arg7[%get3A_970, %get3A_971, %get3A_972] {strides = array<i32>} : memref<2x32x768xf32, #tpu.memory_space<vmem>>, vector<1x1x16xf32>,
        %get3A_974 = vector.shape_cast %get3A_973 : vector<1x1x16xf32> to vector<16xf32>
        %mul3A_975 = arith.constant 27.7128124 : f32
        %mul3A_976 = vector.broadcast %mul3A_975 : f32 to vector<16xf32>
        %mul3A_977 = arith.mulf %get3A_974, %mul3A_976 : vector<16xf32>
        %get3A_978 = arith.index_cast %scan3A_276 : i32 to index
        %get3A_979 = arith.constant 528 : index
        %get3A_980 = tpu.vector_load %arg8[%get3A_978, %get3A_979] {strides = array<i32>} : memref<32x768xf32, #tpu.memory_space<vmem>>, vector<1x16xf32>,
        %get3A_981 = vector.shape_cast %get3A_980 : vector<1x16xf32> to vector<16xf32>
        %add3A_982 = arith.addf %mul3A_977, %get3A_981 : vector<16xf32>
        %swap3A_983 = arith.constant 0 : i32
        %swap3A_984 = arith.index_cast %swap3A_983 : i32 to index
        %swap3A_985 = arith.index_cast %scan3A_276 : i32 to index
        %swap3A_986 = arith.constant 528 : index
        %swap3A_987 = tpu.vector_load %arg7[%swap3A_984, %swap3A_985, %swap3A_986] {strides = array<i32>} : memref<2x32x768xf32, #tpu.memory_space<vmem>>, vector<1x1x16xf32>,
        %swap3A_988 = vector.shape_cast %swap3A_987 : vector<1x1x16xf32> to vector<16xf32>
        %swap3A_989 = vector.shape_cast %add3A_982 : vector<16xf32> to vector<1x1x16xf32>
        tpu.vector_store %arg7[%swap3A_984, %swap3A_985, %swap3A_986], %swap3A_989 {strides = array<i32>} : memref<2x32x768xf32, #tpu.memory_space<vmem>>, vector<1x1x16xf32>,
        %get3A_990 = arith.constant 0 : i32
        %get3A_991 = arith.index_cast %get3A_990 : i32 to index
        %get3A_992 = arith.index_cast %scan3A_276 : i32 to index
        %get3A_993 = arith.constant 544 : index
        %get3A_994 = tpu.vector_load %arg7[%get3A_991, %get3A_992, %get3A_993] {strides = array<i32>} : memref<2x32x768xf32, #tpu.memory_space<vmem>>, vector<1x1x16xf32>,
        %get3A_995 = vector.shape_cast %get3A_994 : vector<1x1x16xf32> to vector<16xf32>
        %mul3A_996 = arith.constant 27.7128124 : f32
        %mul3A_997 = vector.broadcast %mul3A_996 : f32 to vector<16xf32>
        %mul3A_998 = arith.mulf %get3A_995, %mul3A_997 : vector<16xf32>
        %get3A_999 = arith.index_cast %scan3A_276 : i32 to index
        %get3A_1000 = arith.constant 544 : index
        %get3A_1001 = tpu.vector_load %arg8[%get3A_999, %get3A_1000] {strides = array<i32>} : memref<32x768xf32, #tpu.memory_space<vmem>>, vector<1x16xf32>,
        %get3A_1002 = vector.shape_cast %get3A_1001 : vector<1x16xf32> to vector<16xf32>
        %add3A_1003 = arith.addf %mul3A_998, %get3A_1002 : vector<16xf32>
        %swap3A_1004 = arith.constant 0 : i32
        %swap3A_1005 = arith.index_cast %swap3A_1004 : i32 to index
        %swap3A_1006 = arith.index_cast %scan3A_276 : i32 to index
        %swap3A_1007 = arith.constant 544 : index
        %swap3A_1008 = tpu.vector_load %arg7[%swap3A_1005, %swap3A_1006, %swap3A_1007] {strides = array<i32>} : memref<2x32x768xf32, #tpu.memory_space<vmem>>, vector<1x1x16xf32>,
        %swap3A_1009 = vector.shape_cast %swap3A_1008 : vector<1x1x16xf32> to vector<16xf32>
        %swap3A_1010 = vector.shape_cast %add3A_1003 : vector<16xf32> to vector<1x1x16xf32>
        tpu.vector_store %arg7[%swap3A_1005, %swap3A_1006, %swap3A_1007], %swap3A_1010 {strides = array<i32>} : memref<2x32x768xf32, #tpu.memory_space<vmem>>, vector<1x1x16xf32>,
        %get3A_1011 = arith.constant 0 : i32
        %get3A_1012 = arith.index_cast %get3A_1011 : i32 to index
        %get3A_1013 = arith.index_cast %scan3A_276 : i32 to index
        %get3A_1014 = arith.constant 560 : index
        %get3A_1015 = tpu.vector_load %arg7[%get3A_1012, %get3A_1013, %get3A_1014] {strides = array<i32>} : memref<2x32x768xf32, #tpu.memory_space<vmem>>, vector<1x1x16xf32>,
        %get3A_1016 = vector.shape_cast %get3A_1015 : vector<1x1x16xf32> to vector<16xf32>
        %mul3A_1017 = arith.constant 27.7128124 : f32
        %mul3A_1018 = vector.broadcast %mul3A_1017 : f32 to vector<16xf32>
        %mul3A_1019 = arith.mulf %get3A_1016, %mul3A_1018 : vector<16xf32>
        %get3A_1020 = arith.index_cast %scan3A_276 : i32 to index
        %get3A_1021 = arith.constant 560 : index
        %get3A_1022 = tpu.vector_load %arg8[%get3A_1020, %get3A_1021] {strides = array<i32>} : memref<32x768xf32, #tpu.memory_space<vmem>>, vector<1x16xf32>,
        %get3A_1023 = vector.shape_cast %get3A_1022 : vector<1x16xf32> to vector<16xf32>
        %add3A_1024 = arith.addf %mul3A_1019, %get3A_1023 : vector<16xf32>
        %swap3A_1025 = arith.constant 0 : i32
        %swap3A_1026 = arith.index_cast %swap3A_1025 : i32 to index
        %swap3A_1027 = arith.index_cast %scan3A_276 : i32 to index
        %swap3A_1028 = arith.constant 560 : index
        %swap3A_1029 = tpu.vector_load %arg7[%swap3A_1026, %swap3A_1027, %swap3A_1028] {strides = array<i32>} : memref<2x32x768xf32, #tpu.memory_space<vmem>>, vector<1x1x16xf32>,
        %swap3A_1030 = vector.shape_cast %swap3A_1029 : vector<1x1x16xf32> to vector<16xf32>
        %swap3A_1031 = vector.shape_cast %add3A_1024 : vector<16xf32> to vector<1x1x16xf32>
        tpu.vector_store %arg7[%swap3A_1026, %swap3A_1027, %swap3A_1028], %swap3A_1031 {strides = array<i32>} : memref<2x32x768xf32, #tpu.memory_space<vmem>>, vector<1x1x16xf32>,
        %get3A_1032 = arith.constant 0 : i32
        %get3A_1033 = arith.index_cast %get3A_1032 : i32 to index
        %get3A_1034 = arith.index_cast %scan3A_276 : i32 to index
        %get3A_1035 = arith.constant 576 : index
        %get3A_1036 = tpu.vector_load %arg7[%get3A_1033, %get3A_1034, %get3A_1035] {strides = array<i32>} : memref<2x32x768xf32, #tpu.memory_space<vmem>>, vector<1x1x16xf32>,
        %get3A_1037 = vector.shape_cast %get3A_1036 : vector<1x1x16xf32> to vector<16xf32>
        %mul3A_1038 = arith.constant 27.7128124 : f32
        %mul3A_1039 = vector.broadcast %mul3A_1038 : f32 to vector<16xf32>
        %mul3A_1040 = arith.mulf %get3A_1037, %mul3A_1039 : vector<16xf32>
        %get3A_1041 = arith.index_cast %scan3A_276 : i32 to index
        %get3A_1042 = arith.constant 576 : index
        %get3A_1043 = tpu.vector_load %arg8[%get3A_1041, %get3A_1042] {strides = array<i32>} : memref<32x768xf32, #tpu.memory_space<vmem>>, vector<1x16xf32>,
        %get3A_1044 = vector.shape_cast %get3A_1043 : vector<1x16xf32> to vector<16xf32>
        %add3A_1045 = arith.addf %mul3A_1040, %get3A_1044 : vector<16xf32>
        %swap3A_1046 = arith.constant 0 : i32
        %swap3A_1047 = arith.index_cast %swap3A_1046 : i32 to index
        %swap3A_1048 = arith.index_cast %scan3A_276 : i32 to index
        %swap3A_1049 = arith.constant 576 : index
        %swap3A_1050 = tpu.vector_load %arg7[%swap3A_1047, %swap3A_1048, %swap3A_1049] {strides = array<i32>} : memref<2x32x768xf32, #tpu.memory_space<vmem>>, vector<1x1x16xf32>,
        %swap3A_1051 = vector.shape_cast %swap3A_1050 : vector<1x1x16xf32> to vector<16xf32>
        %swap3A_1052 = vector.shape_cast %add3A_1045 : vector<16xf32> to vector<1x1x16xf32>
        tpu.vector_store %arg7[%swap3A_1047, %swap3A_1048, %swap3A_1049], %swap3A_1052 {strides = array<i32>} : memref<2x32x768xf32, #tpu.memory_space<vmem>>, vector<1x1x16xf32>,
        %get3A_1053 = arith.constant 0 : i32
        %get3A_1054 = arith.index_cast %get3A_1053 : i32 to index
        %get3A_1055 = arith.index_cast %scan3A_276 : i32 to index
        %get3A_1056 = arith.constant 592 : index
        %get3A_1057 = tpu.vector_load %arg7[%get3A_1054, %get3A_1055, %get3A_1056] {strides = array<i32>} : memref<2x32x768xf32, #tpu.memory_space<vmem>>, vector<1x1x16xf32>,
        %get3A_1058 = vector.shape_cast %get3A_1057 : vector<1x1x16xf32> to vector<16xf32>
        %mul3A_1059 = arith.constant 27.7128124 : f32
        %mul3A_1060 = vector.broadcast %mul3A_1059 : f32 to vector<16xf32>
        %mul3A_1061 = arith.mulf %get3A_1058, %mul3A_1060 : vector<16xf32>
        %get3A_1062 = arith.index_cast %scan3A_276 : i32 to index
        %get3A_1063 = arith.constant 592 : index
        %get3A_1064 = tpu.vector_load %arg8[%get3A_1062, %get3A_1063] {strides = array<i32>} : memref<32x768xf32, #tpu.memory_space<vmem>>, vector<1x16xf32>,
        %get3A_1065 = vector.shape_cast %get3A_1064 : vector<1x16xf32> to vector<16xf32>
        %add3A_1066 = arith.addf %mul3A_1061, %get3A_1065 : vector<16xf32>
        %swap3A_1067 = arith.constant 0 : i32
        %swap3A_1068 = arith.index_cast %swap3A_1067 : i32 to index
        %swap3A_1069 = arith.index_cast %scan3A_276 : i32 to index
        %swap3A_1070 = arith.constant 592 : index
        %swap3A_1071 = tpu.vector_load %arg7[%swap3A_1068, %swap3A_1069, %swap3A_1070] {strides = array<i32>} : memref<2x32x768xf32, #tpu.memory_space<vmem>>, vector<1x1x16xf32>,
        %swap3A_1072 = vector.shape_cast %swap3A_1071 : vector<1x1x16xf32> to vector<16xf32>
        %swap3A_1073 = vector.shape_cast %add3A_1066 : vector<16xf32> to vector<1x1x16xf32>
        tpu.vector_store %arg7[%swap3A_1068, %swap3A_1069, %swap3A_1070], %swap3A_1073 {strides = array<i32>} : memref<2x32x768xf32, #tpu.memory_space<vmem>>, vector<1x1x16xf32>,
        %get3A_1074 = arith.constant 0 : i32
        %get3A_1075 = arith.index_cast %get3A_1074 : i32 to index
        %get3A_1076 = arith.index_cast %scan3A_276 : i32 to index
        %get3A_1077 = arith.constant 608 : index
        %get3A_1078 = tpu.vector_load %arg7[%get3A_1075, %get3A_1076, %get3A_1077] {strides = array<i32>} : memref<2x32x768xf32, #tpu.memory_space<vmem>>, vector<1x1x16xf32>,
        %get3A_1079 = vector.shape_cast %get3A_1078 : vector<1x1x16xf32> to vector<16xf32>
        %mul3A_1080 = arith.constant 27.7128124 : f32
        %mul3A_1081 = vector.broadcast %mul3A_1080 : f32 to vector<16xf32>
        %mul3A_1082 = arith.mulf %get3A_1079, %mul3A_1081 : vector<16xf32>
        %get3A_1083 = arith.index_cast %scan3A_276 : i32 to index
        %get3A_1084 = arith.constant 608 : index
        %get3A_1085 = tpu.vector_load %arg8[%get3A_1083, %get3A_1084] {strides = array<i32>} : memref<32x768xf32, #tpu.memory_space<vmem>>, vector<1x16xf32>,
        %get3A_1086 = vector.shape_cast %get3A_1085 : vector<1x16xf32> to vector<16xf32>
        %add3A_1087 = arith.addf %mul3A_1082, %get3A_1086 : vector<16xf32>
        %swap3A_1088 = arith.constant 0 : i32
        %swap3A_1089 = arith.index_cast %swap3A_1088 : i32 to index
        %swap3A_1090 = arith.index_cast %scan3A_276 : i32 to index
        %swap3A_1091 = arith.constant 608 : index
        %swap3A_1092 = tpu.vector_load %arg7[%swap3A_1089, %swap3A_1090, %swap3A_1091] {strides = array<i32>} : memref<2x32x768xf32, #tpu.memory_space<vmem>>, vector<1x1x16xf32>,
        %swap3A_1093 = vector.shape_cast %swap3A_1092 : vector<1x1x16xf32> to vector<16xf32>
        %swap3A_1094 = vector.shape_cast %add3A_1087 : vector<16xf32> to vector<1x1x16xf32>
        tpu.vector_store %arg7[%swap3A_1089, %swap3A_1090, %swap3A_1091], %swap3A_1094 {strides = array<i32>} : memref<2x32x768xf32, #tpu.memory_space<vmem>>, vector<1x1x16xf32>,
        %get3A_1095 = arith.constant 0 : i32
        %get3A_1096 = arith.index_cast %get3A_1095 : i32 to index
        %get3A_1097 = arith.index_cast %scan3A_276 : i32 to index
        %get3A_1098 = arith.constant 624 : index
        %get3A_1099 = tpu.vector_load %arg7[%get3A_1096, %get3A_1097, %get3A_1098] {strides = array<i32>} : memref<2x32x768xf32, #tpu.memory_space<vmem>>, vector<1x1x16xf32>,
        %get3A_1100 = vector.shape_cast %get3A_1099 : vector<1x1x16xf32> to vector<16xf32>
        %mul3A_1101 = arith.constant 27.7128124 : f32
        %mul3A_1102 = vector.broadcast %mul3A_1101 : f32 to vector<16xf32>
        %mul3A_1103 = arith.mulf %get3A_1100, %mul3A_1102 : vector<16xf32>
        %get3A_1104 = arith.index_cast %scan3A_276 : i32 to index
        %get3A_1105 = arith.constant 624 : index
        %get3A_1106 = tpu.vector_load %arg8[%get3A_1104, %get3A_1105] {strides = array<i32>} : memref<32x768xf32, #tpu.memory_space<vmem>>, vector<1x16xf32>,
        %get3A_1107 = vector.shape_cast %get3A_1106 : vector<1x16xf32> to vector<16xf32>
        %add3A_1108 = arith.addf %mul3A_1103, %get3A_1107 : vector<16xf32>
        %swap3A_1109 = arith.constant 0 : i32
        %swap3A_1110 = arith.index_cast %swap3A_1109 : i32 to index
        %swap3A_1111 = arith.index_cast %scan3A_276 : i32 to index
        %swap3A_1112 = arith.constant 624 : index
        %swap3A_1113 = tpu.vector_load %arg7[%swap3A_1110, %swap3A_1111, %swap3A_1112] {strides = array<i32>} : memref<2x32x768xf32, #tpu.memory_space<vmem>>, vector<1x1x16xf32>,
        %swap3A_1114 = vector.shape_cast %swap3A_1113 : vector<1x1x16xf32> to vector<16xf32>
        %swap3A_1115 = vector.shape_cast %add3A_1108 : vector<16xf32> to vector<1x1x16xf32>
        tpu.vector_store %arg7[%swap3A_1110, %swap3A_1111, %swap3A_1112], %swap3A_1115 {strides = array<i32>} : memref<2x32x768xf32, #tpu.memory_space<vmem>>, vector<1x1x16xf32>,
        %get3A_1116 = arith.constant 0 : i32
        %get3A_1117 = arith.index_cast %get3A_1116 : i32 to index
        %get3A_1118 = arith.index_cast %scan3A_276 : i32 to index
        %get3A_1119 = arith.constant 640 : index
        %get3A_1120 = tpu.vector_load %arg7[%get3A_1117, %get3A_1118, %get3A_1119] {strides = array<i32>} : memref<2x32x768xf32, #tpu.memory_space<vmem>>, vector<1x1x16xf32>,
        %get3A_1121 = vector.shape_cast %get3A_1120 : vector<1x1x16xf32> to vector<16xf32>
        %mul3A_1122 = arith.constant 27.7128124 : f32
        %mul3A_1123 = vector.broadcast %mul3A_1122 : f32 to vector<16xf32>
        %mul3A_1124 = arith.mulf %get3A_1121, %mul3A_1123 : vector<16xf32>
        %get3A_1125 = arith.index_cast %scan3A_276 : i32 to index
        %get3A_1126 = arith.constant 640 : index
        %get3A_1127 = tpu.vector_load %arg8[%get3A_1125, %get3A_1126] {strides = array<i32>} : memref<32x768xf32, #tpu.memory_space<vmem>>, vector<1x16xf32>,
        %get3A_1128 = vector.shape_cast %get3A_1127 : vector<1x16xf32> to vector<16xf32>
        %add3A_1129 = arith.addf %mul3A_1124, %get3A_1128 : vector<16xf32>
        %swap3A_1130 = arith.constant 0 : i32
        %swap3A_1131 = arith.index_cast %swap3A_1130 : i32 to index
        %swap3A_1132 = arith.index_cast %scan3A_276 : i32 to index
        %swap3A_1133 = arith.constant 640 : index
        %swap3A_1134 = tpu.vector_load %arg7[%swap3A_1131, %swap3A_1132, %swap3A_1133] {strides = array<i32>} : memref<2x32x768xf32, #tpu.memory_space<vmem>>, vector<1x1x16xf32>,
        %swap3A_1135 = vector.shape_cast %swap3A_1134 : vector<1x1x16xf32> to vector<16xf32>
        %swap3A_1136 = vector.shape_cast %add3A_1129 : vector<16xf32> to vector<1x1x16xf32>
        tpu.vector_store %arg7[%swap3A_1131, %swap3A_1132, %swap3A_1133], %swap3A_1136 {strides = array<i32>} : memref<2x32x768xf32, #tpu.memory_space<vmem>>, vector<1x1x16xf32>,
        %get3A_1137 = arith.constant 0 : i32
        %get3A_1138 = arith.index_cast %get3A_1137 : i32 to index
        %get3A_1139 = arith.index_cast %scan3A_276 : i32 to index
        %get3A_1140 = arith.constant 656 : index
        %get3A_1141 = tpu.vector_load %arg7[%get3A_1138, %get3A_1139, %get3A_1140] {strides = array<i32>} : memref<2x32x768xf32, #tpu.memory_space<vmem>>, vector<1x1x16xf32>,
        %get3A_1142 = vector.shape_cast %get3A_1141 : vector<1x1x16xf32> to vector<16xf32>
        %mul3A_1143 = arith.constant 27.7128124 : f32
        %mul3A_1144 = vector.broadcast %mul3A_1143 : f32 to vector<16xf32>
        %mul3A_1145 = arith.mulf %get3A_1142, %mul3A_1144 : vector<16xf32>
        %get3A_1146 = arith.index_cast %scan3A_276 : i32 to index
        %get3A_1147 = arith.constant 656 : index
        %get3A_1148 = tpu.vector_load %arg8[%get3A_1146, %get3A_1147] {strides = array<i32>} : memref<32x768xf32, #tpu.memory_space<vmem>>, vector<1x16xf32>,
        %get3A_1149 = vector.shape_cast %get3A_1148 : vector<1x16xf32> to vector<16xf32>
        %add3A_1150 = arith.addf %mul3A_1145, %get3A_1149 : vector<16xf32>
        %swap3A_1151 = arith.constant 0 : i32
        %swap3A_1152 = arith.index_cast %swap3A_1151 : i32 to index
        %swap3A_1153 = arith.index_cast %scan3A_276 : i32 to index
        %swap3A_1154 = arith.constant 656 : index
        %swap3A_1155 = tpu.vector_load %arg7[%swap3A_1152, %swap3A_1153, %swap3A_1154] {strides = array<i32>} : memref<2x32x768xf32, #tpu.memory_space<vmem>>, vector<1x1x16xf32>,
        %swap3A_1156 = vector.shape_cast %swap3A_1155 : vector<1x1x16xf32> to vector<16xf32>
        %swap3A_1157 = vector.shape_cast %add3A_1150 : vector<16xf32> to vector<1x1x16xf32>
        tpu.vector_store %arg7[%swap3A_1152, %swap3A_1153, %swap3A_1154], %swap3A_1157 {strides = array<i32>} : memref<2x32x768xf32, #tpu.memory_space<vmem>>, vector<1x1x16xf32>,
        %get3A_1158 = arith.constant 0 : i32
        %get3A_1159 = arith.index_cast %get3A_1158 : i32 to index
        %get3A_1160 = arith.index_cast %scan3A_276 : i32 to index
        %get3A_1161 = arith.constant 672 : index
        %get3A_1162 = tpu.vector_load %arg7[%get3A_1159, %get3A_1160, %get3A_1161] {strides = array<i32>} : memref<2x32x768xf32, #tpu.memory_space<vmem>>, vector<1x1x16xf32>,
        %get3A_1163 = vector.shape_cast %get3A_1162 : vector<1x1x16xf32> to vector<16xf32>
        %mul3A_1164 = arith.constant 27.7128124 : f32
        %mul3A_1165 = vector.broadcast %mul3A_1164 : f32 to vector<16xf32>
        %mul3A_1166 = arith.mulf %get3A_1163, %mul3A_1165 : vector<16xf32>
        %get3A_1167 = arith.index_cast %scan3A_276 : i32 to index
        %get3A_1168 = arith.constant 672 : index
        %get3A_1169 = tpu.vector_load %arg8[%get3A_1167, %get3A_1168] {strides = array<i32>} : memref<32x768xf32, #tpu.memory_space<vmem>>, vector<1x16xf32>,
        %get3A_1170 = vector.shape_cast %get3A_1169 : vector<1x16xf32> to vector<16xf32>
        %add3A_1171 = arith.addf %mul3A_1166, %get3A_1170 : vector<16xf32>
        %swap3A_1172 = arith.constant 0 : i32
        %swap3A_1173 = arith.index_cast %swap3A_1172 : i32 to index
        %swap3A_1174 = arith.index_cast %scan3A_276 : i32 to index
        %swap3A_1175 = arith.constant 672 : index
        %swap3A_1176 = tpu.vector_load %arg7[%swap3A_1173, %swap3A_1174, %swap3A_1175] {strides = array<i32>} : memref<2x32x768xf32, #tpu.memory_space<vmem>>, vector<1x1x16xf32>,
        %swap3A_1177 = vector.shape_cast %swap3A_1176 : vector<1x1x16xf32> to vector<16xf32>
        %swap3A_1178 = vector.shape_cast %add3A_1171 : vector<16xf32> to vector<1x1x16xf32>
        tpu.vector_store %arg7[%swap3A_1173, %swap3A_1174, %swap3A_1175], %swap3A_1178 {strides = array<i32>} : memref<2x32x768xf32, #tpu.memory_space<vmem>>, vector<1x1x16xf32>,
        %get3A_1179 = arith.constant 0 : i32
        %get3A_1180 = arith.index_cast %get3A_1179 : i32 to index
        %get3A_1181 = arith.index_cast %scan3A_276 : i32 to index
        %get3A_1182 = arith.constant 688 : index
        %get3A_1183 = tpu.vector_load %arg7[%get3A_1180, %get3A_1181, %get3A_1182] {strides = array<i32>} : memref<2x32x768xf32, #tpu.memory_space<vmem>>, vector<1x1x16xf32>,
        %get3A_1184 = vector.shape_cast %get3A_1183 : vector<1x1x16xf32> to vector<16xf32>
        %mul3A_1185 = arith.constant 27.7128124 : f32
        %mul3A_1186 = vector.broadcast %mul3A_1185 : f32 to vector<16xf32>
        %mul3A_1187 = arith.mulf %get3A_1184, %mul3A_1186 : vector<16xf32>
        %get3A_1188 = arith.index_cast %scan3A_276 : i32 to index
        %get3A_1189 = arith.constant 688 : index
        %get3A_1190 = tpu.vector_load %arg8[%get3A_1188, %get3A_1189] {strides = array<i32>} : memref<32x768xf32, #tpu.memory_space<vmem>>, vector<1x16xf32>,
        %get3A_1191 = vector.shape_cast %get3A_1190 : vector<1x16xf32> to vector<16xf32>
        %add3A_1192 = arith.addf %mul3A_1187, %get3A_1191 : vector<16xf32>
        %swap3A_1193 = arith.constant 0 : i32
        %swap3A_1194 = arith.index_cast %swap3A_1193 : i32 to index
        %swap3A_1195 = arith.index_cast %scan3A_276 : i32 to index
        %swap3A_1196 = arith.constant 688 : index
        %swap3A_1197 = tpu.vector_load %arg7[%swap3A_1194, %swap3A_1195, %swap3A_1196] {strides = array<i32>} : memref<2x32x768xf32, #tpu.memory_space<vmem>>, vector<1x1x16xf32>,
        %swap3A_1198 = vector.shape_cast %swap3A_1197 : vector<1x1x16xf32> to vector<16xf32>
        %swap3A_1199 = vector.shape_cast %add3A_1192 : vector<16xf32> to vector<1x1x16xf32>
        tpu.vector_store %arg7[%swap3A_1194, %swap3A_1195, %swap3A_1196], %swap3A_1199 {strides = array<i32>} : memref<2x32x768xf32, #tpu.memory_space<vmem>>, vector<1x1x16xf32>,
        %get3A_1200 = arith.constant 0 : i32
        %get3A_1201 = arith.index_cast %get3A_1200 : i32 to index
        %get3A_1202 = arith.index_cast %scan3A_276 : i32 to index
        %get3A_1203 = arith.constant 704 : index
        %get3A_1204 = tpu.vector_load %arg7[%get3A_1201, %get3A_1202, %get3A_1203] {strides = array<i32>} : memref<2x32x768xf32, #tpu.memory_space<vmem>>, vector<1x1x16xf32>,
        %get3A_1205 = vector.shape_cast %get3A_1204 : vector<1x1x16xf32> to vector<16xf32>
        %mul3A_1206 = arith.constant 27.7128124 : f32
        %mul3A_1207 = vector.broadcast %mul3A_1206 : f32 to vector<16xf32>
        %mul3A_1208 = arith.mulf %get3A_1205, %mul3A_1207 : vector<16xf32>
        %get3A_1209 = arith.index_cast %scan3A_276 : i32 to index
        %get3A_1210 = arith.constant 704 : index
        %get3A_1211 = tpu.vector_load %arg8[%get3A_1209, %get3A_1210] {strides = array<i32>} : memref<32x768xf32, #tpu.memory_space<vmem>>, vector<1x16xf32>,
        %get3A_1212 = vector.shape_cast %get3A_1211 : vector<1x16xf32> to vector<16xf32>
        %add3A_1213 = arith.addf %mul3A_1208, %get3A_1212 : vector<16xf32>
        %swap3A_1214 = arith.constant 0 : i32
        %swap3A_1215 = arith.index_cast %swap3A_1214 : i32 to index
        %swap3A_1216 = arith.index_cast %scan3A_276 : i32 to index
        %swap3A_1217 = arith.constant 704 : index
        %swap3A_1218 = tpu.vector_load %arg7[%swap3A_1215, %swap3A_1216, %swap3A_1217] {strides = array<i32>} : memref<2x32x768xf32, #tpu.memory_space<vmem>>, vector<1x1x16xf32>,
        %swap3A_1219 = vector.shape_cast %swap3A_1218 : vector<1x1x16xf32> to vector<16xf32>
        %swap3A_1220 = vector.shape_cast %add3A_1213 : vector<16xf32> to vector<1x1x16xf32>
        tpu.vector_store %arg7[%swap3A_1215, %swap3A_1216, %swap3A_1217], %swap3A_1220 {strides = array<i32>} : memref<2x32x768xf32, #tpu.memory_space<vmem>>, vector<1x1x16xf32>,
        %get3A_1221 = arith.constant 0 : i32
        %get3A_1222 = arith.index_cast %get3A_1221 : i32 to index
        %get3A_1223 = arith.index_cast %scan3A_276 : i32 to index
        %get3A_1224 = arith.constant 720 : index
        %get3A_1225 = tpu.vector_load %arg7[%get3A_1222, %get3A_1223, %get3A_1224] {strides = array<i32>} : memref<2x32x768xf32, #tpu.memory_space<vmem>>, vector<1x1x16xf32>,
        %get3A_1226 = vector.shape_cast %get3A_1225 : vector<1x1x16xf32> to vector<16xf32>
        %mul3A_1227 = arith.constant 27.7128124 : f32
        %mul3A_1228 = vector.broadcast %mul3A_1227 : f32 to vector<16xf32>
        %mul3A_1229 = arith.mulf %get3A_1226, %mul3A_1228 : vector<16xf32>
        %get3A_1230 = arith.index_cast %scan3A_276 : i32 to index
        %get3A_1231 = arith.constant 720 : index
        %get3A_1232 = tpu.vector_load %arg8[%get3A_1230, %get3A_1231] {strides = array<i32>} : memref<32x768xf32, #tpu.memory_space<vmem>>, vector<1x16xf32>,
        %get3A_1233 = vector.shape_cast %get3A_1232 : vector<1x16xf32> to vector<16xf32>
        %add3A_1234 = arith.addf %mul3A_1229, %get3A_1233 : vector<16xf32>
        %swap3A_1235 = arith.constant 0 : i32
        %swap3A_1236 = arith.index_cast %swap3A_1235 : i32 to index
        %swap3A_1237 = arith.index_cast %scan3A_276 : i32 to index
        %swap3A_1238 = arith.constant 720 : index
        %swap3A_1239 = tpu.vector_load %arg7[%swap3A_1236, %swap3A_1237, %swap3A_1238] {strides = array<i32>} : memref<2x32x768xf32, #tpu.memory_space<vmem>>, vector<1x1x16xf32>,
        %swap3A_1240 = vector.shape_cast %swap3A_1239 : vector<1x1x16xf32> to vector<16xf32>
        %swap3A_1241 = vector.shape_cast %add3A_1234 : vector<16xf32> to vector<1x1x16xf32>
        tpu.vector_store %arg7[%swap3A_1236, %swap3A_1237, %swap3A_1238], %swap3A_1241 {strides = array<i32>} : memref<2x32x768xf32, #tpu.memory_space<vmem>>, vector<1x1x16xf32>,
        %get3A_1242 = arith.constant 0 : i32
        %get3A_1243 = arith.index_cast %get3A_1242 : i32 to index
        %get3A_1244 = arith.index_cast %scan3A_276 : i32 to index
        %get3A_1245 = arith.constant 736 : index
        %get3A_1246 = tpu.vector_load %arg7[%get3A_1243, %get3A_1244, %get3A_1245] {strides = array<i32>} : memref<2x32x768xf32, #tpu.memory_space<vmem>>, vector<1x1x16xf32>,
        %get3A_1247 = vector.shape_cast %get3A_1246 : vector<1x1x16xf32> to vector<16xf32>
        %mul3A_1248 = arith.constant 27.7128124 : f32
        %mul3A_1249 = vector.broadcast %mul3A_1248 : f32 to vector<16xf32>
        %mul3A_1250 = arith.mulf %get3A_1247, %mul3A_1249 : vector<16xf32>
        %get3A_1251 = arith.index_cast %scan3A_276 : i32 to index
        %get3A_1252 = arith.constant 736 : index
        %get3A_1253 = tpu.vector_load %arg8[%get3A_1251, %get3A_1252] {strides = array<i32>} : memref<32x768xf32, #tpu.memory_space<vmem>>, vector<1x16xf32>,
        %get3A_1254 = vector.shape_cast %get3A_1253 : vector<1x16xf32> to vector<16xf32>
        %add3A_1255 = arith.addf %mul3A_1250, %get3A_1254 : vector<16xf32>
        %swap3A_1256 = arith.constant 0 : i32
        %swap3A_1257 = arith.index_cast %swap3A_1256 : i32 to index
        %swap3A_1258 = arith.index_cast %scan3A_276 : i32 to index
        %swap3A_1259 = arith.constant 736 : index
        %swap3A_1260 = tpu.vector_load %arg7[%swap3A_1257, %swap3A_1258, %swap3A_1259] {strides = array<i32>} : memref<2x32x768xf32, #tpu.memory_space<vmem>>, vector<1x1x16xf32>,
        %swap3A_1261 = vector.shape_cast %swap3A_1260 : vector<1x1x16xf32> to vector<16xf32>
        %swap3A_1262 = vector.shape_cast %add3A_1255 : vector<16xf32> to vector<1x1x16xf32>
        tpu.vector_store %arg7[%swap3A_1257, %swap3A_1258, %swap3A_1259], %swap3A_1262 {strides = array<i32>} : memref<2x32x768xf32, #tpu.memory_space<vmem>>, vector<1x1x16xf32>,
        %get3A_1263 = arith.constant 0 : i32
        %get3A_1264 = arith.index_cast %get3A_1263 : i32 to index
        %get3A_1265 = arith.index_cast %scan3A_276 : i32 to index
        %get3A_1266 = arith.constant 752 : index
        %get3A_1267 = tpu.vector_load %arg7[%get3A_1264, %get3A_1265, %get3A_1266] {strides = array<i32>} : memref<2x32x768xf32, #tpu.memory_space<vmem>>, vector<1x1x16xf32>,
        %get3A_1268 = vector.shape_cast %get3A_1267 : vector<1x1x16xf32> to vector<16xf32>
        %mul3A_1269 = arith.constant 27.7128124 : f32
        %mul3A_1270 = vector.broadcast %mul3A_1269 : f32 to vector<16xf32>
        %mul3A_1271 = arith.mulf %get3A_1268, %mul3A_1270 : vector<16xf32>
        %get3A_1272 = arith.index_cast %scan3A_276 : i32 to index
        %get3A_1273 = arith.constant 752 : index
        %get3A_1274 = tpu.vector_load %arg8[%get3A_1272, %get3A_1273] {strides = array<i32>} : memref<32x768xf32, #tpu.memory_space<vmem>>, vector<1x16xf32>,
        %get3A_1275 = vector.shape_cast %get3A_1274 : vector<1x16xf32> to vector<16xf32>
        %add3A_1276 = arith.addf %mul3A_1271, %get3A_1275 : vector<16xf32>
        %swap3A_1277 = arith.constant 0 : i32
        %swap3A_1278 = arith.index_cast %swap3A_1277 : i32 to index
        %swap3A_1279 = arith.index_cast %scan3A_276 : i32 to index
        %swap3A_1280 = arith.constant 752 : index
        %swap3A_1281 = tpu.vector_load %arg7[%swap3A_1278, %swap3A_1279, %swap3A_1280] {strides = array<i32>} : memref<2x32x768xf32, #tpu.memory_space<vmem>>, vector<1x1x16xf32>,
        %swap3A_1282 = vector.shape_cast %swap3A_1281 : vector<1x1x16xf32> to vector<16xf32>
        %swap3A_1283 = vector.shape_cast %add3A_1276 : vector<16xf32> to vector<1x1x16xf32>
        tpu.vector_store %arg7[%swap3A_1278, %swap3A_1279, %swap3A_1280], %swap3A_1283 {strides = array<i32>} : memref<2x32x768xf32, #tpu.memory_space<vmem>>, vector<1x1x16xf32>,
        %scan3A_1284 = arith.constant 0 : i32
        scf.yield %scan3A_1284 : i32
      }
      %scan3A_194 = arith.constant 32 : i32
      %add3A_195 = arith.constant 8192 : i32
      %add3A_196 = arith.addi %add3A_195, %mul3A_2 : i32
      %mul3A_197 = arith.constant 32 : i32
      %mul3A_198 = arith.muli %scan3A_46, %mul3A_197 : i32
      %add3A_199 = arith.addi %add3A_196, %mul3A_198 : i32
      %dma_start3A_200 = arith.constant 0 : i32
      %dma_start3A_201 = arith.constant 0 : i32
      %dma_start3A_202 = arith.constant 0 : i32
      %dma_start3A_203 = tpu.memref_slice %arg7[%dma_start3A_200, %dma_start3A_201, %dma_start3A_202] : memref<2x32x768xf32, #tpu.memory_space<vmem>> -> memref<1x32x768xf32, #tpu.memory_space<vmem>>
      %dma_start3A_204 = tpu.memref_squeeze %dma_start3A_203 : memref<1x32x768xf32, #tpu.memory_space<vmem>> -> memref<32x768xf32, #tpu.memory_space<vmem>>
      %dma_start3A_205 = arith.constant 0 : i32
      %dma_start3A_206 = tpu.memref_slice %arg5[%add3A_199, %dma_start3A_205] : memref<16384x768xf32, #tpu.memory_space<hbm>> -> memref<32x768xf32, #tpu.memory_space<hbm>>
      %dma_start3A_207 = arith.constant 0 : i32
      %dma_start3A_208 = tpu.memref_slice %arg5[%add3A_199, %dma_start3A_207] : memref<16384x768xf32, #tpu.memory_space<hbm>> -> memref<32x768xf32, #tpu.memory_space<hbm>>
      %dma_start3A_209 = arith.constant 0 : i32
      %dma_start3A_210 = arith.constant 0 : i32
      %dma_start3A_211 = tpu.memref_slice %arg7[%dma_start3A_200, %dma_start3A_209, %dma_start3A_210] : memref<2x32x768xf32, #tpu.memory_space<vmem>> -> memref<1x32x768xf32, #tpu.memory_space<vmem>>
      %dma_start3A_212 = tpu.memref_squeeze %dma_start3A_211 : memref<1x32x768xf32, #tpu.memory_space<vmem>> -> memref<32x768xf32, #tpu.memory_space<vmem>>
      tpu.enqueue_dma source(%dma_start3A_212 : memref<32x768xf32, #tpu.memory_space<vmem>>) target(%dma_start3A_208 : memref<32x768xf32, #tpu.memory_space<hbm>>) target_semaphore(%arg10 : memref<!tpu.dma_semaphore, #tpu.memory_space<semaphore_mem>>)
      %dma_wait3A_213 = arith.constant 1 : i32
      %dma_wait3A_214 = arith.constant 0 : i32
      %dma_wait3A_215 = arith.constant 0 : i32
      %dma_wait3A_216 = tpu.memref_slice %arg7[%dma_wait3A_213, %dma_wait3A_214, %dma_wait3A_215] : memref<2x32x768xf32, #tpu.memory_space<vmem>> -> memref<1x32x768xf32, #tpu.memory_space<vmem>>
      %dma_wait3A_217 = tpu.memref_squeeze %dma_wait3A_216 : memref<1x32x768xf32, #tpu.memory_space<vmem>> -> memref<32x768xf32, #tpu.memory_space<vmem>>
      %dma_wait3A_218 = arith.constant 0 : i32
      %dma_wait3A_219 = arith.constant 0 : i32
      %dma_wait3A_220 = tpu.memref_slice %arg5[%dma_wait3A_218, %dma_wait3A_219] : memref<16384x768xf32, #tpu.memory_space<hbm>> -> memref<32x768xf32, #tpu.memory_space<hbm>>
      %dma_wait3A_221 = arith.constant 0 : i32
      %dma_wait3A_222 = arith.constant 0 : i32
      %dma_wait3A_223 = tpu.memref_slice %arg5[%dma_wait3A_221, %dma_wait3A_222] : memref<16384x768xf32, #tpu.memory_space<hbm>> -> memref<32x768xf32, #tpu.memory_space<hbm>>
      %dma_wait3A_224 = arith.constant 0 : i32
      %dma_wait3A_225 = arith.constant 0 : i32
      %dma_wait3A_226 = tpu.memref_slice %arg7[%dma_wait3A_213, %dma_wait3A_224, %dma_wait3A_225] : memref<2x32x768xf32, #tpu.memory_space<vmem>> -> memref<1x32x768xf32, #tpu.memory_space<vmem>>
      %dma_wait3A_227 = tpu.memref_squeeze %dma_wait3A_226 : memref<1x32x768xf32, #tpu.memory_space<vmem>> -> memref<32x768xf32, #tpu.memory_space<vmem>>
      tpu.wait_dma2 semaphore(%arg11 : memref<!tpu.dma_semaphore, #tpu.memory_space<semaphore_mem>>) src(%dma_wait3A_227 : memref<32x768xf32, #tpu.memory_space<vmem>>) dst(%dma_wait3A_223 : memref<32x768xf32, #tpu.memory_space<hbm>>)
      %mul3A_228 = arith.constant 32 : i32
      %mul3A_229 = arith.muli %scan3A_46, %mul3A_228 : i32
      %add3A_230 = arith.constant 384 : i32
      %add3A_231 = arith.addi %add3A_230, %mul3A_229 : i32
      %dma_start3A_232 = arith.constant 1 : i32
      %dma_start3A_233 = arith.constant 0 : i32
      %dma_start3A_234 = arith.constant 0 : i32
      %dma_start3A_235 = tpu.memref_slice %arg7[%dma_start3A_232, %dma_start3A_233, %dma_start3A_234] : memref<2x32x768xf32, #tpu.memory_space<vmem>> -> memref<1x32x768xf32, #tpu.memory_space<vmem>>
      %dma_start3A_236 = tpu.memref_squeeze %dma_start3A_235 : memref<1x32x768xf32, #tpu.memory_space<vmem>> -> memref<32x768xf32, #tpu.memory_space<vmem>>
      %dma_start3A_237 = tpu.memref_slice %arg6[%add3A_231] : memref<512xi32, #tpu.memory_space<vmem>> -> memref<32xi32, #tpu.memory_space<vmem>>
      %dma_start3A_238 = arith.constant 0 : i32
      %dma_start3A_239 = arith.constant 0 : i32
      %dma_start3A_240 = tpu.memref_slice %arg3[%dma_start3A_238, %dma_start3A_239] : memref<100000x768xf32, #tpu.memory_space<hbm>> -> memref<100000x768xf32, #tpu.memory_space<hbm>>
      tpu.enqueue_indirect_dma source(%dma_start3A_240 : memref<100000x768xf32, #tpu.memory_space<hbm>>) target(%dma_start3A_236 : memref<32x768xf32, #tpu.memory_space<vmem>>) offsets(%dma_start3A_237 : memref<32xi32, #tpu.memory_space<vmem>>) semaphore(%arg9 : memref<!tpu.dma_semaphore, #tpu.memory_space<semaphore_mem>>)
      %dma_wait3A_241 = arith.constant 1 : i32
      %dma_wait3A_242 = arith.constant 0 : i32
      %dma_wait3A_243 = arith.constant 0 : i32
      %dma_wait3A_244 = tpu.memref_slice %arg7[%dma_wait3A_241, %dma_wait3A_242, %dma_wait3A_243] : memref<2x32x768xf32, #tpu.memory_space<vmem>> -> memref<1x32x768xf32, #tpu.memory_space<vmem>>
      %dma_wait3A_245 = tpu.memref_squeeze %dma_wait3A_244 : memref<1x32x768xf32, #tpu.memory_space<vmem>> -> memref<32x768xf32, #tpu.memory_space<vmem>>
      %dma_wait3A_246 = tpu.memref_slice %arg6[%add3A_231] : memref<512xi32, #tpu.memory_space<vmem>> -> memref<32xi32, #tpu.memory_space<vmem>>
      %dma_wait3A_247 = arith.constant 0 : i32
      %dma_wait3A_248 = arith.constant 0 : i32
      %dma_wait3A_249 = tpu.memref_slice %arg3[%dma_wait3A_247, %dma_wait3A_248] : memref<100000x768xf32, #tpu.memory_space<hbm>> -> memref<100000x768xf32, #tpu.memory_space<hbm>>
      tpu.wait_indirect_dma semaphore(%arg9 : memref<!tpu.dma_semaphore, #tpu.memory_space<semaphore_mem>>) src(%dma_wait3A_249 : memref<100000x768xf32, #tpu.memory_space<hbm>>) dst(%dma_wait3A_245 : memref<32x768xf32, #tpu.memory_space<vmem>>)
      %scan3A_250 = arith.constant 0 : i32
      %scan3A_251 = arith.constant 0 : i32
      %scan3A_252 = arith.constant 32 : i32
      %scan3A_253 = arith.addi %scan3A_251, %scan3A_252 : i32
      %scan3A_254 = arith.constant 1 : i32
      %scan3A_255 = scf.for %scan3A_276 = %scan3A_251 to %scan3A_253 step %scan3A_254 iter_args(%scan3A_277 = %scan3A_250) -> (i32)  : i32 {
        %get3A = arith.constant 1 : i32
        %get3A_278 = arith.index_cast %get3A : i32 to index
        %get3A_279 = arith.index_cast %scan3A_276 : i32 to index
        %get3A_280 = arith.constant 0 : index
        %get3A_281 = tpu.vector_load %arg7[%get3A_278, %get3A_279, %get3A_280] {strides = array<i32>} : memref<2x32x768xf32, #tpu.memory_space<vmem>>, vector<1x1x16xf32>,
        %get3A_282 = vector.shape_cast %get3A_281 : vector<1x1x16xf32> to vector<16xf32>
        %mul3A_283 = arith.constant 27.7128124 : f32
        %mul3A_284 = vector.broadcast %mul3A_283 : f32 to vector<16xf32>
        %mul3A_285 = arith.mulf %get3A_282, %mul3A_284 : vector<16xf32>
        %get3A_286 = arith.index_cast %scan3A_276 : i32 to index
        %get3A_287 = arith.constant 0 : index
        %get3A_288 = tpu.vector_load %arg8[%get3A_286, %get3A_287] {strides = array<i32>} : memref<32x768xf32, #tpu.memory_space<vmem>>, vector<1x16xf32>,
        %get3A_289 = vector.shape_cast %get3A_288 : vector<1x16xf32> to vector<16xf32>
        %add3A_290 = arith.addf %mul3A_285, %get3A_289 : vector<16xf32>
        %swap3A = arith.constant 1 : i32
        %swap3A_291 = arith.index_cast %swap3A : i32 to index
        %swap3A_292 = arith.index_cast %scan3A_276 : i32 to index
        %swap3A_293 = arith.constant 0 : index
        %swap3A_294 = tpu.vector_load %arg7[%swap3A_291, %swap3A_292, %swap3A_293] {strides = array<i32>} : memref<2x32x768xf32, #tpu.memory_space<vmem>>, vector<1x1x16xf32>,
        %swap3A_295 = vector.shape_cast %swap3A_294 : vector<1x1x16xf32> to vector<16xf32>
        %swap3A_296 = vector.shape_cast %add3A_290 : vector<16xf32> to vector<1x1x16xf32>
        tpu.vector_store %arg7[%swap3A_291, %swap3A_292, %swap3A_293], %swap3A_296 {strides = array<i32>} : memref<2x32x768xf32, #tpu.memory_space<vmem>>, vector<1x1x16xf32>,
        %get3A_297 = arith.constant 1 : i32
        %get3A_298 = arith.index_cast %get3A_297 : i32 to index
        %get3A_299 = arith.index_cast %scan3A_276 : i32 to index
        %get3A_300 = arith.constant 16 : index
        %get3A_301 = tpu.vector_load %arg7[%get3A_298, %get3A_299, %get3A_300] {strides = array<i32>} : memref<2x32x768xf32, #tpu.memory_space<vmem>>, vector<1x1x16xf32>,
        %get3A_302 = vector.shape_cast %get3A_301 : vector<1x1x16xf32> to vector<16xf32>
        %mul3A_303 = arith.constant 27.7128124 : f32
        %mul3A_304 = vector.broadcast %mul3A_303 : f32 to vector<16xf32>
        %mul3A_305 = arith.mulf %get3A_302, %mul3A_304 : vector<16xf32>
        %get3A_306 = arith.index_cast %scan3A_276 : i32 to index
        %get3A_307 = arith.constant 16 : index
        %get3A_308 = tpu.vector_load %arg8[%get3A_306, %get3A_307] {strides = array<i32>} : memref<32x768xf32, #tpu.memory_space<vmem>>, vector<1x16xf32>,
        %get3A_309 = vector.shape_cast %get3A_308 : vector<1x16xf32> to vector<16xf32>
        %add3A_310 = arith.addf %mul3A_305, %get3A_309 : vector<16xf32>
        %swap3A_311 = arith.constant 1 : i32
        %swap3A_312 = arith.index_cast %swap3A_311 : i32 to index
        %swap3A_313 = arith.index_cast %scan3A_276 : i32 to index
        %swap3A_314 = arith.constant 16 : index
        %swap3A_315 = tpu.vector_load %arg7[%swap3A_312, %swap3A_313, %swap3A_314] {strides = array<i32>} : memref<2x32x768xf32, #tpu.memory_space<vmem>>, vector<1x1x16xf32>,
        %swap3A_316 = vector.shape_cast %swap3A_315 : vector<1x1x16xf32> to vector<16xf32>
        %swap3A_317 = vector.shape_cast %add3A_310 : vector<16xf32> to vector<1x1x16xf32>
        tpu.vector_store %arg7[%swap3A_312, %swap3A_313, %swap3A_314], %swap3A_317 {strides = array<i32>} : memref<2x32x768xf32, #tpu.memory_space<vmem>>, vector<1x1x16xf32>,
        %get3A_318 = arith.constant 1 : i32
        %get3A_319 = arith.index_cast %get3A_318 : i32 to index
        %get3A_320 = arith.index_cast %scan3A_276 : i32 to index
        %get3A_321 = arith.constant 32 : index
        %get3A_322 = tpu.vector_load %arg7[%get3A_319, %get3A_320, %get3A_321] {strides = array<i32>} : memref<2x32x768xf32, #tpu.memory_space<vmem>>, vector<1x1x16xf32>,
        %get3A_323 = vector.shape_cast %get3A_322 : vector<1x1x16xf32> to vector<16xf32>
        %mul3A_324 = arith.constant 27.7128124 : f32
        %mul3A_325 = vector.broadcast %mul3A_324 : f32 to vector<16xf32>
        %mul3A_326 = arith.mulf %get3A_323, %mul3A_325 : vector<16xf32>
        %get3A_327 = arith.index_cast %scan3A_276 : i32 to index
        %get3A_328 = arith.constant 32 : index
        %get3A_329 = tpu.vector_load %arg8[%get3A_327, %get3A_328] {strides = array<i32>} : memref<32x768xf32, #tpu.memory_space<vmem>>, vector<1x16xf32>,
        %get3A_330 = vector.shape_cast %get3A_329 : vector<1x16xf32> to vector<16xf32>
        %add3A_331 = arith.addf %mul3A_326, %get3A_330 : vector<16xf32>
        %swap3A_332 = arith.constant 1 : i32
        %swap3A_333 = arith.index_cast %swap3A_332 : i32 to index
        %swap3A_334 = arith.index_cast %scan3A_276 : i32 to index
        %swap3A_335 = arith.constant 32 : index
        %swap3A_336 = tpu.vector_load %arg7[%swap3A_333, %swap3A_334, %swap3A_335] {strides = array<i32>} : memref<2x32x768xf32, #tpu.memory_space<vmem>>, vector<1x1x16xf32>,
        %swap3A_337 = vector.shape_cast %swap3A_336 : vector<1x1x16xf32> to vector<16xf32>
        %swap3A_338 = vector.shape_cast %add3A_331 : vector<16xf32> to vector<1x1x16xf32>
        tpu.vector_store %arg7[%swap3A_333, %swap3A_334, %swap3A_335], %swap3A_338 {strides = array<i32>} : memref<2x32x768xf32, #tpu.memory_space<vmem>>, vector<1x1x16xf32>,
        %get3A_339 = arith.constant 1 : i32
        %get3A_340 = arith.index_cast %get3A_339 : i32 to index
        %get3A_341 = arith.index_cast %scan3A_276 : i32 to index
        %get3A_342 = arith.constant 48 : index
        %get3A_343 = tpu.vector_load %arg7[%get3A_340, %get3A_341, %get3A_342] {strides = array<i32>} : memref<2x32x768xf32, #tpu.memory_space<vmem>>, vector<1x1x16xf32>,
        %get3A_344 = vector.shape_cast %get3A_343 : vector<1x1x16xf32> to vector<16xf32>
        %mul3A_345 = arith.constant 27.7128124 : f32
        %mul3A_346 = vector.broadcast %mul3A_345 : f32 to vector<16xf32>
        %mul3A_347 = arith.mulf %get3A_344, %mul3A_346 : vector<16xf32>
        %get3A_348 = arith.index_cast %scan3A_276 : i32 to index
        %get3A_349 = arith.constant 48 : index
        %get3A_350 = tpu.vector_load %arg8[%get3A_348, %get3A_349] {strides = array<i32>} : memref<32x768xf32, #tpu.memory_space<vmem>>, vector<1x16xf32>,
        %get3A_351 = vector.shape_cast %get3A_350 : vector<1x16xf32> to vector<16xf32>
        %add3A_352 = arith.addf %mul3A_347, %get3A_351 : vector<16xf32>
        %swap3A_353 = arith.constant 1 : i32
        %swap3A_354 = arith.index_cast %swap3A_353 : i32 to index
        %swap3A_355 = arith.index_cast %scan3A_276 : i32 to index
        %swap3A_356 = arith.constant 48 : index
        %swap3A_357 = tpu.vector_load %arg7[%swap3A_354, %swap3A_355, %swap3A_356] {strides = array<i32>} : memref<2x32x768xf32, #tpu.memory_space<vmem>>, vector<1x1x16xf32>,
        %swap3A_358 = vector.shape_cast %swap3A_357 : vector<1x1x16xf32> to vector<16xf32>
        %swap3A_359 = vector.shape_cast %add3A_352 : vector<16xf32> to vector<1x1x16xf32>
        tpu.vector_store %arg7[%swap3A_354, %swap3A_355, %swap3A_356], %swap3A_359 {strides = array<i32>} : memref<2x32x768xf32, #tpu.memory_space<vmem>>, vector<1x1x16xf32>,
        %get3A_360 = arith.constant 1 : i32
        %get3A_361 = arith.index_cast %get3A_360 : i32 to index
        %get3A_362 = arith.index_cast %scan3A_276 : i32 to index
        %get3A_363 = arith.constant 64 : index
        %get3A_364 = tpu.vector_load %arg7[%get3A_361, %get3A_362, %get3A_363] {strides = array<i32>} : memref<2x32x768xf32, #tpu.memory_space<vmem>>, vector<1x1x16xf32>,
        %get3A_365 = vector.shape_cast %get3A_364 : vector<1x1x16xf32> to vector<16xf32>
        %mul3A_366 = arith.constant 27.7128124 : f32
        %mul3A_367 = vector.broadcast %mul3A_366 : f32 to vector<16xf32>
        %mul3A_368 = arith.mulf %get3A_365, %mul3A_367 : vector<16xf32>
        %get3A_369 = arith.index_cast %scan3A_276 : i32 to index
        %get3A_370 = arith.constant 64 : index
        %get3A_371 = tpu.vector_load %arg8[%get3A_369, %get3A_370] {strides = array<i32>} : memref<32x768xf32, #tpu.memory_space<vmem>>, vector<1x16xf32>,
        %get3A_372 = vector.shape_cast %get3A_371 : vector<1x16xf32> to vector<16xf32>
        %add3A_373 = arith.addf %mul3A_368, %get3A_372 : vector<16xf32>
        %swap3A_374 = arith.constant 1 : i32
        %swap3A_375 = arith.index_cast %swap3A_374 : i32 to index
        %swap3A_376 = arith.index_cast %scan3A_276 : i32 to index
        %swap3A_377 = arith.constant 64 : index
        %swap3A_378 = tpu.vector_load %arg7[%swap3A_375, %swap3A_376, %swap3A_377] {strides = array<i32>} : memref<2x32x768xf32, #tpu.memory_space<vmem>>, vector<1x1x16xf32>,
        %swap3A_379 = vector.shape_cast %swap3A_378 : vector<1x1x16xf32> to vector<16xf32>
        %swap3A_380 = vector.shape_cast %add3A_373 : vector<16xf32> to vector<1x1x16xf32>
        tpu.vector_store %arg7[%swap3A_375, %swap3A_376, %swap3A_377], %swap3A_380 {strides = array<i32>} : memref<2x32x768xf32, #tpu.memory_space<vmem>>, vector<1x1x16xf32>,
        %get3A_381 = arith.constant 1 : i32
        %get3A_382 = arith.index_cast %get3A_381 : i32 to index
        %get3A_383 = arith.index_cast %scan3A_276 : i32 to index
        %get3A_384 = arith.constant 80 : index
        %get3A_385 = tpu.vector_load %arg7[%get3A_382, %get3A_383, %get3A_384] {strides = array<i32>} : memref<2x32x768xf32, #tpu.memory_space<vmem>>, vector<1x1x16xf32>,
        %get3A_386 = vector.shape_cast %get3A_385 : vector<1x1x16xf32> to vector<16xf32>
        %mul3A_387 = arith.constant 27.7128124 : f32
        %mul3A_388 = vector.broadcast %mul3A_387 : f32 to vector<16xf32>
        %mul3A_389 = arith.mulf %get3A_386, %mul3A_388 : vector<16xf32>
        %get3A_390 = arith.index_cast %scan3A_276 : i32 to index
        %get3A_391 = arith.constant 80 : index
        %get3A_392 = tpu.vector_load %arg8[%get3A_390, %get3A_391] {strides = array<i32>} : memref<32x768xf32, #tpu.memory_space<vmem>>, vector<1x16xf32>,
        %get3A_393 = vector.shape_cast %get3A_392 : vector<1x16xf32> to vector<16xf32>
        %add3A_394 = arith.addf %mul3A_389, %get3A_393 : vector<16xf32>
        %swap3A_395 = arith.constant 1 : i32
        %swap3A_396 = arith.index_cast %swap3A_395 : i32 to index
        %swap3A_397 = arith.index_cast %scan3A_276 : i32 to index
        %swap3A_398 = arith.constant 80 : index
        %swap3A_399 = tpu.vector_load %arg7[%swap3A_396, %swap3A_397, %swap3A_398] {strides = array<i32>} : memref<2x32x768xf32, #tpu.memory_space<vmem>>, vector<1x1x16xf32>,
        %swap3A_400 = vector.shape_cast %swap3A_399 : vector<1x1x16xf32> to vector<16xf32>
        %swap3A_401 = vector.shape_cast %add3A_394 : vector<16xf32> to vector<1x1x16xf32>
        tpu.vector_store %arg7[%swap3A_396, %swap3A_397, %swap3A_398], %swap3A_401 {strides = array<i32>} : memref<2x32x768xf32, #tpu.memory_space<vmem>>, vector<1x1x16xf32>,
        %get3A_402 = arith.constant 1 : i32
        %get3A_403 = arith.index_cast %get3A_402 : i32 to index
        %get3A_404 = arith.index_cast %scan3A_276 : i32 to index
        %get3A_405 = arith.constant 96 : index
        %get3A_406 = tpu.vector_load %arg7[%get3A_403, %get3A_404, %get3A_405] {strides = array<i32>} : memref<2x32x768xf32, #tpu.memory_space<vmem>>, vector<1x1x16xf32>,
        %get3A_407 = vector.shape_cast %get3A_406 : vector<1x1x16xf32> to vector<16xf32>
        %mul3A_408 = arith.constant 27.7128124 : f32
        %mul3A_409 = vector.broadcast %mul3A_408 : f32 to vector<16xf32>
        %mul3A_410 = arith.mulf %get3A_407, %mul3A_409 : vector<16xf32>
        %get3A_411 = arith.index_cast %scan3A_276 : i32 to index
        %get3A_412 = arith.constant 96 : index
        %get3A_413 = tpu.vector_load %arg8[%get3A_411, %get3A_412] {strides = array<i32>} : memref<32x768xf32, #tpu.memory_space<vmem>>, vector<1x16xf32>,
        %get3A_414 = vector.shape_cast %get3A_413 : vector<1x16xf32> to vector<16xf32>
        %add3A_415 = arith.addf %mul3A_410, %get3A_414 : vector<16xf32>
        %swap3A_416 = arith.constant 1 : i32
        %swap3A_417 = arith.index_cast %swap3A_416 : i32 to index
        %swap3A_418 = arith.index_cast %scan3A_276 : i32 to index
        %swap3A_419 = arith.constant 96 : index
        %swap3A_420 = tpu.vector_load %arg7[%swap3A_417, %swap3A_418, %swap3A_419] {strides = array<i32>} : memref<2x32x768xf32, #tpu.memory_space<vmem>>, vector<1x1x16xf32>,
        %swap3A_421 = vector.shape_cast %swap3A_420 : vector<1x1x16xf32> to vector<16xf32>
        %swap3A_422 = vector.shape_cast %add3A_415 : vector<16xf32> to vector<1x1x16xf32>
        tpu.vector_store %arg7[%swap3A_417, %swap3A_418, %swap3A_419], %swap3A_422 {strides = array<i32>} : memref<2x32x768xf32, #tpu.memory_space<vmem>>, vector<1x1x16xf32>,
        %get3A_423 = arith.constant 1 : i32
        %get3A_424 = arith.index_cast %get3A_423 : i32 to index
        %get3A_425 = arith.index_cast %scan3A_276 : i32 to index
        %get3A_426 = arith.constant 112 : index
        %get3A_427 = tpu.vector_load %arg7[%get3A_424, %get3A_425, %get3A_426] {strides = array<i32>} : memref<2x32x768xf32, #tpu.memory_space<vmem>>, vector<1x1x16xf32>,
        %get3A_428 = vector.shape_cast %get3A_427 : vector<1x1x16xf32> to vector<16xf32>
        %mul3A_429 = arith.constant 27.7128124 : f32
        %mul3A_430 = vector.broadcast %mul3A_429 : f32 to vector<16xf32>
        %mul3A_431 = arith.mulf %get3A_428, %mul3A_430 : vector<16xf32>
        %get3A_432 = arith.index_cast %scan3A_276 : i32 to index
        %get3A_433 = arith.constant 112 : index
        %get3A_434 = tpu.vector_load %arg8[%get3A_432, %get3A_433] {strides = array<i32>} : memref<32x768xf32, #tpu.memory_space<vmem>>, vector<1x16xf32>,
        %get3A_435 = vector.shape_cast %get3A_434 : vector<1x16xf32> to vector<16xf32>
        %add3A_436 = arith.addf %mul3A_431, %get3A_435 : vector<16xf32>
        %swap3A_437 = arith.constant 1 : i32
        %swap3A_438 = arith.index_cast %swap3A_437 : i32 to index
        %swap3A_439 = arith.index_cast %scan3A_276 : i32 to index
        %swap3A_440 = arith.constant 112 : index
        %swap3A_441 = tpu.vector_load %arg7[%swap3A_438, %swap3A_439, %swap3A_440] {strides = array<i32>} : memref<2x32x768xf32, #tpu.memory_space<vmem>>, vector<1x1x16xf32>,
        %swap3A_442 = vector.shape_cast %swap3A_441 : vector<1x1x16xf32> to vector<16xf32>
        %swap3A_443 = vector.shape_cast %add3A_436 : vector<16xf32> to vector<1x1x16xf32>
        tpu.vector_store %arg7[%swap3A_438, %swap3A_439, %swap3A_440], %swap3A_443 {strides = array<i32>} : memref<2x32x768xf32, #tpu.memory_space<vmem>>, vector<1x1x16xf32>,
        %get3A_444 = arith.constant 1 : i32
        %get3A_445 = arith.index_cast %get3A_444 : i32 to index
        %get3A_446 = arith.index_cast %scan3A_276 : i32 to index
        %get3A_447 = arith.constant 128 : index
        %get3A_448 = tpu.vector_load %arg7[%get3A_445, %get3A_446, %get3A_447] {strides = array<i32>} : memref<2x32x768xf32, #tpu.memory_space<vmem>>, vector<1x1x16xf32>,
        %get3A_449 = vector.shape_cast %get3A_448 : vector<1x1x16xf32> to vector<16xf32>
        %mul3A_450 = arith.constant 27.7128124 : f32
        %mul3A_451 = vector.broadcast %mul3A_450 : f32 to vector<16xf32>
        %mul3A_452 = arith.mulf %get3A_449, %mul3A_451 : vector<16xf32>
        %get3A_453 = arith.index_cast %scan3A_276 : i32 to index
        %get3A_454 = arith.constant 128 : index
        %get3A_455 = tpu.vector_load %arg8[%get3A_453, %get3A_454] {strides = array<i32>} : memref<32x768xf32, #tpu.memory_space<vmem>>, vector<1x16xf32>,
        %get3A_456 = vector.shape_cast %get3A_455 : vector<1x16xf32> to vector<16xf32>
        %add3A_457 = arith.addf %mul3A_452, %get3A_456 : vector<16xf32>
        %swap3A_458 = arith.constant 1 : i32
        %swap3A_459 = arith.index_cast %swap3A_458 : i32 to index
        %swap3A_460 = arith.index_cast %scan3A_276 : i32 to index
        %swap3A_461 = arith.constant 128 : index
        %swap3A_462 = tpu.vector_load %arg7[%swap3A_459, %swap3A_460, %swap3A_461] {strides = array<i32>} : memref<2x32x768xf32, #tpu.memory_space<vmem>>, vector<1x1x16xf32>,
        %swap3A_463 = vector.shape_cast %swap3A_462 : vector<1x1x16xf32> to vector<16xf32>
        %swap3A_464 = vector.shape_cast %add3A_457 : vector<16xf32> to vector<1x1x16xf32>
        tpu.vector_store %arg7[%swap3A_459, %swap3A_460, %swap3A_461], %swap3A_464 {strides = array<i32>} : memref<2x32x768xf32, #tpu.memory_space<vmem>>, vector<1x1x16xf32>,
        %get3A_465 = arith.constant 1 : i32
        %get3A_466 = arith.index_cast %get3A_465 : i32 to index
        %get3A_467 = arith.index_cast %scan3A_276 : i32 to index
        %get3A_468 = arith.constant 144 : index
        %get3A_469 = tpu.vector_load %arg7[%get3A_466, %get3A_467, %get3A_468] {strides = array<i32>} : memref<2x32x768xf32, #tpu.memory_space<vmem>>, vector<1x1x16xf32>,
        %get3A_470 = vector.shape_cast %get3A_469 : vector<1x1x16xf32> to vector<16xf32>
        %mul3A_471 = arith.constant 27.7128124 : f32
        %mul3A_472 = vector.broadcast %mul3A_471 : f32 to vector<16xf32>
        %mul3A_473 = arith.mulf %get3A_470, %mul3A_472 : vector<16xf32>
        %get3A_474 = arith.index_cast %scan3A_276 : i32 to index
        %get3A_475 = arith.constant 144 : index
        %get3A_476 = tpu.vector_load %arg8[%get3A_474, %get3A_475] {strides = array<i32>} : memref<32x768xf32, #tpu.memory_space<vmem>>, vector<1x16xf32>,
        %get3A_477 = vector.shape_cast %get3A_476 : vector<1x16xf32> to vector<16xf32>
        %add3A_478 = arith.addf %mul3A_473, %get3A_477 : vector<16xf32>
        %swap3A_479 = arith.constant 1 : i32
        %swap3A_480 = arith.index_cast %swap3A_479 : i32 to index
        %swap3A_481 = arith.index_cast %scan3A_276 : i32 to index
        %swap3A_482 = arith.constant 144 : index
        %swap3A_483 = tpu.vector_load %arg7[%swap3A_480, %swap3A_481, %swap3A_482] {strides = array<i32>} : memref<2x32x768xf32, #tpu.memory_space<vmem>>, vector<1x1x16xf32>,
        %swap3A_484 = vector.shape_cast %swap3A_483 : vector<1x1x16xf32> to vector<16xf32>
        %swap3A_485 = vector.shape_cast %add3A_478 : vector<16xf32> to vector<1x1x16xf32>
        tpu.vector_store %arg7[%swap3A_480, %swap3A_481, %swap3A_482], %swap3A_485 {strides = array<i32>} : memref<2x32x768xf32, #tpu.memory_space<vmem>>, vector<1x1x16xf32>,
        %get3A_486 = arith.constant 1 : i32
        %get3A_487 = arith.index_cast %get3A_486 : i32 to index
        %get3A_488 = arith.index_cast %scan3A_276 : i32 to index
        %get3A_489 = arith.constant 160 : index
        %get3A_490 = tpu.vector_load %arg7[%get3A_487, %get3A_488, %get3A_489] {strides = array<i32>} : memref<2x32x768xf32, #tpu.memory_space<vmem>>, vector<1x1x16xf32>,
        %get3A_491 = vector.shape_cast %get3A_490 : vector<1x1x16xf32> to vector<16xf32>
        %mul3A_492 = arith.constant 27.7128124 : f32
        %mul3A_493 = vector.broadcast %mul3A_492 : f32 to vector<16xf32>
        %mul3A_494 = arith.mulf %get3A_491, %mul3A_493 : vector<16xf32>
        %get3A_495 = arith.index_cast %scan3A_276 : i32 to index
        %get3A_496 = arith.constant 160 : index
        %get3A_497 = tpu.vector_load %arg8[%get3A_495, %get3A_496] {strides = array<i32>} : memref<32x768xf32, #tpu.memory_space<vmem>>, vector<1x16xf32>,
        %get3A_498 = vector.shape_cast %get3A_497 : vector<1x16xf32> to vector<16xf32>
        %add3A_499 = arith.addf %mul3A_494, %get3A_498 : vector<16xf32>
        %swap3A_500 = arith.constant 1 : i32
        %swap3A_501 = arith.index_cast %swap3A_500 : i32 to index
        %swap3A_502 = arith.index_cast %scan3A_276 : i32 to index
        %swap3A_503 = arith.constant 160 : index
        %swap3A_504 = tpu.vector_load %arg7[%swap3A_501, %swap3A_502, %swap3A_503] {strides = array<i32>} : memref<2x32x768xf32, #tpu.memory_space<vmem>>, vector<1x1x16xf32>,
        %swap3A_505 = vector.shape_cast %swap3A_504 : vector<1x1x16xf32> to vector<16xf32>
        %swap3A_506 = vector.shape_cast %add3A_499 : vector<16xf32> to vector<1x1x16xf32>
        tpu.vector_store %arg7[%swap3A_501, %swap3A_502, %swap3A_503], %swap3A_506 {strides = array<i32>} : memref<2x32x768xf32, #tpu.memory_space<vmem>>, vector<1x1x16xf32>,
        %get3A_507 = arith.constant 1 : i32
        %get3A_508 = arith.index_cast %get3A_507 : i32 to index
        %get3A_509 = arith.index_cast %scan3A_276 : i32 to index
        %get3A_510 = arith.constant 176 : index
        %get3A_511 = tpu.vector_load %arg7[%get3A_508, %get3A_509, %get3A_510] {strides = array<i32>} : memref<2x32x768xf32, #tpu.memory_space<vmem>>, vector<1x1x16xf32>,
        %get3A_512 = vector.shape_cast %get3A_511 : vector<1x1x16xf32> to vector<16xf32>
        %mul3A_513 = arith.constant 27.7128124 : f32
        %mul3A_514 = vector.broadcast %mul3A_513 : f32 to vector<16xf32>
        %mul3A_515 = arith.mulf %get3A_512, %mul3A_514 : vector<16xf32>
        %get3A_516 = arith.index_cast %scan3A_276 : i32 to index
        %get3A_517 = arith.constant 176 : index
        %get3A_518 = tpu.vector_load %arg8[%get3A_516, %get3A_517] {strides = array<i32>} : memref<32x768xf32, #tpu.memory_space<vmem>>, vector<1x16xf32>,
        %get3A_519 = vector.shape_cast %get3A_518 : vector<1x16xf32> to vector<16xf32>
        %add3A_520 = arith.addf %mul3A_515, %get3A_519 : vector<16xf32>
        %swap3A_521 = arith.constant 1 : i32
        %swap3A_522 = arith.index_cast %swap3A_521 : i32 to index
        %swap3A_523 = arith.index_cast %scan3A_276 : i32 to index
        %swap3A_524 = arith.constant 176 : index
        %swap3A_525 = tpu.vector_load %arg7[%swap3A_522, %swap3A_523, %swap3A_524] {strides = array<i32>} : memref<2x32x768xf32, #tpu.memory_space<vmem>>, vector<1x1x16xf32>,
        %swap3A_526 = vector.shape_cast %swap3A_525 : vector<1x1x16xf32> to vector<16xf32>
        %swap3A_527 = vector.shape_cast %add3A_520 : vector<16xf32> to vector<1x1x16xf32>
        tpu.vector_store %arg7[%swap3A_522, %swap3A_523, %swap3A_524], %swap3A_527 {strides = array<i32>} : memref<2x32x768xf32, #tpu.memory_space<vmem>>, vector<1x1x16xf32>,
        %get3A_528 = arith.constant 1 : i32
        %get3A_529 = arith.index_cast %get3A_528 : i32 to index
        %get3A_530 = arith.index_cast %scan3A_276 : i32 to index
        %get3A_531 = arith.constant 192 : index
        %get3A_532 = tpu.vector_load %arg7[%get3A_529, %get3A_530, %get3A_531] {strides = array<i32>} : memref<2x32x768xf32, #tpu.memory_space<vmem>>, vector<1x1x16xf32>,
        %get3A_533 = vector.shape_cast %get3A_532 : vector<1x1x16xf32> to vector<16xf32>
        %mul3A_534 = arith.constant 27.7128124 : f32
        %mul3A_535 = vector.broadcast %mul3A_534 : f32 to vector<16xf32>
        %mul3A_536 = arith.mulf %get3A_533, %mul3A_535 : vector<16xf32>
        %get3A_537 = arith.index_cast %scan3A_276 : i32 to index
        %get3A_538 = arith.constant 192 : index
        %get3A_539 = tpu.vector_load %arg8[%get3A_537, %get3A_538] {strides = array<i32>} : memref<32x768xf32, #tpu.memory_space<vmem>>, vector<1x16xf32>,
        %get3A_540 = vector.shape_cast %get3A_539 : vector<1x16xf32> to vector<16xf32>
        %add3A_541 = arith.addf %mul3A_536, %get3A_540 : vector<16xf32>
        %swap3A_542 = arith.constant 1 : i32
        %swap3A_543 = arith.index_cast %swap3A_542 : i32 to index
        %swap3A_544 = arith.index_cast %scan3A_276 : i32 to index
        %swap3A_545 = arith.constant 192 : index
        %swap3A_546 = tpu.vector_load %arg7[%swap3A_543, %swap3A_544, %swap3A_545] {strides = array<i32>} : memref<2x32x768xf32, #tpu.memory_space<vmem>>, vector<1x1x16xf32>,
        %swap3A_547 = vector.shape_cast %swap3A_546 : vector<1x1x16xf32> to vector<16xf32>
        %swap3A_548 = vector.shape_cast %add3A_541 : vector<16xf32> to vector<1x1x16xf32>
        tpu.vector_store %arg7[%swap3A_543, %swap3A_544, %swap3A_545], %swap3A_548 {strides = array<i32>} : memref<2x32x768xf32, #tpu.memory_space<vmem>>, vector<1x1x16xf32>,
        %get3A_549 = arith.constant 1 : i32
        %get3A_550 = arith.index_cast %get3A_549 : i32 to index
        %get3A_551 = arith.index_cast %scan3A_276 : i32 to index
        %get3A_552 = arith.constant 208 : index
        %get3A_553 = tpu.vector_load %arg7[%get3A_550, %get3A_551, %get3A_552] {strides = array<i32>} : memref<2x32x768xf32, #tpu.memory_space<vmem>>, vector<1x1x16xf32>,
        %get3A_554 = vector.shape_cast %get3A_553 : vector<1x1x16xf32> to vector<16xf32>
        %mul3A_555 = arith.constant 27.7128124 : f32
        %mul3A_556 = vector.broadcast %mul3A_555 : f32 to vector<16xf32>
        %mul3A_557 = arith.mulf %get3A_554, %mul3A_556 : vector<16xf32>
        %get3A_558 = arith.index_cast %scan3A_276 : i32 to index
        %get3A_559 = arith.constant 208 : index
        %get3A_560 = tpu.vector_load %arg8[%get3A_558, %get3A_559] {strides = array<i32>} : memref<32x768xf32, #tpu.memory_space<vmem>>, vector<1x16xf32>,
        %get3A_561 = vector.shape_cast %get3A_560 : vector<1x16xf32> to vector<16xf32>
        %add3A_562 = arith.addf %mul3A_557, %get3A_561 : vector<16xf32>
        %swap3A_563 = arith.constant 1 : i32
        %swap3A_564 = arith.index_cast %swap3A_563 : i32 to index
        %swap3A_565 = arith.index_cast %scan3A_276 : i32 to index
        %swap3A_566 = arith.constant 208 : index
        %swap3A_567 = tpu.vector_load %arg7[%swap3A_564, %swap3A_565, %swap3A_566] {strides = array<i32>} : memref<2x32x768xf32, #tpu.memory_space<vmem>>, vector<1x1x16xf32>,
        %swap3A_568 = vector.shape_cast %swap3A_567 : vector<1x1x16xf32> to vector<16xf32>
        %swap3A_569 = vector.shape_cast %add3A_562 : vector<16xf32> to vector<1x1x16xf32>
        tpu.vector_store %arg7[%swap3A_564, %swap3A_565, %swap3A_566], %swap3A_569 {strides = array<i32>} : memref<2x32x768xf32, #tpu.memory_space<vmem>>, vector<1x1x16xf32>,
        %get3A_570 = arith.constant 1 : i32
        %get3A_571 = arith.index_cast %get3A_570 : i32 to index
        %get3A_572 = arith.index_cast %scan3A_276 : i32 to index
        %get3A_573 = arith.constant 224 : index
        %get3A_574 = tpu.vector_load %arg7[%get3A_571, %get3A_572, %get3A_573] {strides = array<i32>} : memref<2x32x768xf32, #tpu.memory_space<vmem>>, vector<1x1x16xf32>,
        %get3A_575 = vector.shape_cast %get3A_574 : vector<1x1x16xf32> to vector<16xf32>
        %mul3A_576 = arith.constant 27.7128124 : f32
        %mul3A_577 = vector.broadcast %mul3A_576 : f32 to vector<16xf32>
        %mul3A_578 = arith.mulf %get3A_575, %mul3A_577 : vector<16xf32>
        %get3A_579 = arith.index_cast %scan3A_276 : i32 to index
        %get3A_580 = arith.constant 224 : index
        %get3A_581 = tpu.vector_load %arg8[%get3A_579, %get3A_580] {strides = array<i32>} : memref<32x768xf32, #tpu.memory_space<vmem>>, vector<1x16xf32>,
        %get3A_582 = vector.shape_cast %get3A_581 : vector<1x16xf32> to vector<16xf32>
        %add3A_583 = arith.addf %mul3A_578, %get3A_582 : vector<16xf32>
        %swap3A_584 = arith.constant 1 : i32
        %swap3A_585 = arith.index_cast %swap3A_584 : i32 to index
        %swap3A_586 = arith.index_cast %scan3A_276 : i32 to index
        %swap3A_587 = arith.constant 224 : index
        %swap3A_588 = tpu.vector_load %arg7[%swap3A_585, %swap3A_586, %swap3A_587] {strides = array<i32>} : memref<2x32x768xf32, #tpu.memory_space<vmem>>, vector<1x1x16xf32>,
        %swap3A_589 = vector.shape_cast %swap3A_588 : vector<1x1x16xf32> to vector<16xf32>
        %swap3A_590 = vector.shape_cast %add3A_583 : vector<16xf32> to vector<1x1x16xf32>
        tpu.vector_store %arg7[%swap3A_585, %swap3A_586, %swap3A_587], %swap3A_590 {strides = array<i32>} : memref<2x32x768xf32, #tpu.memory_space<vmem>>, vector<1x1x16xf32>,
        %get3A_591 = arith.constant 1 : i32
        %get3A_592 = arith.index_cast %get3A_591 : i32 to index
        %get3A_593 = arith.index_cast %scan3A_276 : i32 to index
        %get3A_594 = arith.constant 240 : index
        %get3A_595 = tpu.vector_load %arg7[%get3A_592, %get3A_593, %get3A_594] {strides = array<i32>} : memref<2x32x768xf32, #tpu.memory_space<vmem>>, vector<1x1x16xf32>,
        %get3A_596 = vector.shape_cast %get3A_595 : vector<1x1x16xf32> to vector<16xf32>
        %mul3A_597 = arith.constant 27.7128124 : f32
        %mul3A_598 = vector.broadcast %mul3A_597 : f32 to vector<16xf32>
        %mul3A_599 = arith.mulf %get3A_596, %mul3A_598 : vector<16xf32>
        %get3A_600 = arith.index_cast %scan3A_276 : i32 to index
        %get3A_601 = arith.constant 240 : index
        %get3A_602 = tpu.vector_load %arg8[%get3A_600, %get3A_601] {strides = array<i32>} : memref<32x768xf32, #tpu.memory_space<vmem>>, vector<1x16xf32>,
        %get3A_603 = vector.shape_cast %get3A_602 : vector<1x16xf32> to vector<16xf32>
        %add3A_604 = arith.addf %mul3A_599, %get3A_603 : vector<16xf32>
        %swap3A_605 = arith.constant 1 : i32
        %swap3A_606 = arith.index_cast %swap3A_605 : i32 to index
        %swap3A_607 = arith.index_cast %scan3A_276 : i32 to index
        %swap3A_608 = arith.constant 240 : index
        %swap3A_609 = tpu.vector_load %arg7[%swap3A_606, %swap3A_607, %swap3A_608] {strides = array<i32>} : memref<2x32x768xf32, #tpu.memory_space<vmem>>, vector<1x1x16xf32>,
        %swap3A_610 = vector.shape_cast %swap3A_609 : vector<1x1x16xf32> to vector<16xf32>
        %swap3A_611 = vector.shape_cast %add3A_604 : vector<16xf32> to vector<1x1x16xf32>
        tpu.vector_store %arg7[%swap3A_606, %swap3A_607, %swap3A_608], %swap3A_611 {strides = array<i32>} : memref<2x32x768xf32, #tpu.memory_space<vmem>>, vector<1x1x16xf32>,
        %get3A_612 = arith.constant 1 : i32
        %get3A_613 = arith.index_cast %get3A_612 : i32 to index
        %get3A_614 = arith.index_cast %scan3A_276 : i32 to index
        %get3A_615 = arith.constant 256 : index
        %get3A_616 = tpu.vector_load %arg7[%get3A_613, %get3A_614, %get3A_615] {strides = array<i32>} : memref<2x32x768xf32, #tpu.memory_space<vmem>>, vector<1x1x16xf32>,
        %get3A_617 = vector.shape_cast %get3A_616 : vector<1x1x16xf32> to vector<16xf32>
        %mul3A_618 = arith.constant 27.7128124 : f32
        %mul3A_619 = vector.broadcast %mul3A_618 : f32 to vector<16xf32>
        %mul3A_620 = arith.mulf %get3A_617, %mul3A_619 : vector<16xf32>
        %get3A_621 = arith.index_cast %scan3A_276 : i32 to index
        %get3A_622 = arith.constant 256 : index
        %get3A_623 = tpu.vector_load %arg8[%get3A_621, %get3A_622] {strides = array<i32>} : memref<32x768xf32, #tpu.memory_space<vmem>>, vector<1x16xf32>,
        %get3A_624 = vector.shape_cast %get3A_623 : vector<1x16xf32> to vector<16xf32>
        %add3A_625 = arith.addf %mul3A_620, %get3A_624 : vector<16xf32>
        %swap3A_626 = arith.constant 1 : i32
        %swap3A_627 = arith.index_cast %swap3A_626 : i32 to index
        %swap3A_628 = arith.index_cast %scan3A_276 : i32 to index
        %swap3A_629 = arith.constant 256 : index
        %swap3A_630 = tpu.vector_load %arg7[%swap3A_627, %swap3A_628, %swap3A_629] {strides = array<i32>} : memref<2x32x768xf32, #tpu.memory_space<vmem>>, vector<1x1x16xf32>,
        %swap3A_631 = vector.shape_cast %swap3A_630 : vector<1x1x16xf32> to vector<16xf32>
        %swap3A_632 = vector.shape_cast %add3A_625 : vector<16xf32> to vector<1x1x16xf32>
        tpu.vector_store %arg7[%swap3A_627, %swap3A_628, %swap3A_629], %swap3A_632 {strides = array<i32>} : memref<2x32x768xf32, #tpu.memory_space<vmem>>, vector<1x1x16xf32>,
        %get3A_633 = arith.constant 1 : i32
        %get3A_634 = arith.index_cast %get3A_633 : i32 to index
        %get3A_635 = arith.index_cast %scan3A_276 : i32 to index
        %get3A_636 = arith.constant 272 : index
        %get3A_637 = tpu.vector_load %arg7[%get3A_634, %get3A_635, %get3A_636] {strides = array<i32>} : memref<2x32x768xf32, #tpu.memory_space<vmem>>, vector<1x1x16xf32>,
        %get3A_638 = vector.shape_cast %get3A_637 : vector<1x1x16xf32> to vector<16xf32>
        %mul3A_639 = arith.constant 27.7128124 : f32
        %mul3A_640 = vector.broadcast %mul3A_639 : f32 to vector<16xf32>
        %mul3A_641 = arith.mulf %get3A_638, %mul3A_640 : vector<16xf32>
        %get3A_642 = arith.index_cast %scan3A_276 : i32 to index
        %get3A_643 = arith.constant 272 : index
        %get3A_644 = tpu.vector_load %arg8[%get3A_642, %get3A_643] {strides = array<i32>} : memref<32x768xf32, #tpu.memory_space<vmem>>, vector<1x16xf32>,
        %get3A_645 = vector.shape_cast %get3A_644 : vector<1x16xf32> to vector<16xf32>
        %add3A_646 = arith.addf %mul3A_641, %get3A_645 : vector<16xf32>
        %swap3A_647 = arith.constant 1 : i32
        %swap3A_648 = arith.index_cast %swap3A_647 : i32 to index
        %swap3A_649 = arith.index_cast %scan3A_276 : i32 to index
        %swap3A_650 = arith.constant 272 : index
        %swap3A_651 = tpu.vector_load %arg7[%swap3A_648, %swap3A_649, %swap3A_650] {strides = array<i32>} : memref<2x32x768xf32, #tpu.memory_space<vmem>>, vector<1x1x16xf32>,
        %swap3A_652 = vector.shape_cast %swap3A_651 : vector<1x1x16xf32> to vector<16xf32>
        %swap3A_653 = vector.shape_cast %add3A_646 : vector<16xf32> to vector<1x1x16xf32>
        tpu.vector_store %arg7[%swap3A_648, %swap3A_649, %swap3A_650], %swap3A_653 {strides = array<i32>} : memref<2x32x768xf32, #tpu.memory_space<vmem>>, vector<1x1x16xf32>,
        %get3A_654 = arith.constant 1 : i32
        %get3A_655 = arith.index_cast %get3A_654 : i32 to index
        %get3A_656 = arith.index_cast %scan3A_276 : i32 to index
        %get3A_657 = arith.constant 288 : index
        %get3A_658 = tpu.vector_load %arg7[%get3A_655, %get3A_656, %get3A_657] {strides = array<i32>} : memref<2x32x768xf32, #tpu.memory_space<vmem>>, vector<1x1x16xf32>,
        %get3A_659 = vector.shape_cast %get3A_658 : vector<1x1x16xf32> to vector<16xf32>
        %mul3A_660 = arith.constant 27.7128124 : f32
        %mul3A_661 = vector.broadcast %mul3A_660 : f32 to vector<16xf32>
        %mul3A_662 = arith.mulf %get3A_659, %mul3A_661 : vector<16xf32>
        %get3A_663 = arith.index_cast %scan3A_276 : i32 to index
        %get3A_664 = arith.constant 288 : index
        %get3A_665 = tpu.vector_load %arg8[%get3A_663, %get3A_664] {strides = array<i32>} : memref<32x768xf32, #tpu.memory_space<vmem>>, vector<1x16xf32>,
        %get3A_666 = vector.shape_cast %get3A_665 : vector<1x16xf32> to vector<16xf32>
        %add3A_667 = arith.addf %mul3A_662, %get3A_666 : vector<16xf32>
        %swap3A_668 = arith.constant 1 : i32
        %swap3A_669 = arith.index_cast %swap3A_668 : i32 to index
        %swap3A_670 = arith.index_cast %scan3A_276 : i32 to index
        %swap3A_671 = arith.constant 288 : index
        %swap3A_672 = tpu.vector_load %arg7[%swap3A_669, %swap3A_670, %swap3A_671] {strides = array<i32>} : memref<2x32x768xf32, #tpu.memory_space<vmem>>, vector<1x1x16xf32>,
        %swap3A_673 = vector.shape_cast %swap3A_672 : vector<1x1x16xf32> to vector<16xf32>
        %swap3A_674 = vector.shape_cast %add3A_667 : vector<16xf32> to vector<1x1x16xf32>
        tpu.vector_store %arg7[%swap3A_669, %swap3A_670, %swap3A_671], %swap3A_674 {strides = array<i32>} : memref<2x32x768xf32, #tpu.memory_space<vmem>>, vector<1x1x16xf32>,
        %get3A_675 = arith.constant 1 : i32
        %get3A_676 = arith.index_cast %get3A_675 : i32 to index
        %get3A_677 = arith.index_cast %scan3A_276 : i32 to index
        %get3A_678 = arith.constant 304 : index
        %get3A_679 = tpu.vector_load %arg7[%get3A_676, %get3A_677, %get3A_678] {strides = array<i32>} : memref<2x32x768xf32, #tpu.memory_space<vmem>>, vector<1x1x16xf32>,
        %get3A_680 = vector.shape_cast %get3A_679 : vector<1x1x16xf32> to vector<16xf32>
        %mul3A_681 = arith.constant 27.7128124 : f32
        %mul3A_682 = vector.broadcast %mul3A_681 : f32 to vector<16xf32>
        %mul3A_683 = arith.mulf %get3A_680, %mul3A_682 : vector<16xf32>
        %get3A_684 = arith.index_cast %scan3A_276 : i32 to index
        %get3A_685 = arith.constant 304 : index
        %get3A_686 = tpu.vector_load %arg8[%get3A_684, %get3A_685] {strides = array<i32>} : memref<32x768xf32, #tpu.memory_space<vmem>>, vector<1x16xf32>,
        %get3A_687 = vector.shape_cast %get3A_686 : vector<1x16xf32> to vector<16xf32>
        %add3A_688 = arith.addf %mul3A_683, %get3A_687 : vector<16xf32>
        %swap3A_689 = arith.constant 1 : i32
        %swap3A_690 = arith.index_cast %swap3A_689 : i32 to index
        %swap3A_691 = arith.index_cast %scan3A_276 : i32 to index
        %swap3A_692 = arith.constant 304 : index
        %swap3A_693 = tpu.vector_load %arg7[%swap3A_690, %swap3A_691, %swap3A_692] {strides = array<i32>} : memref<2x32x768xf32, #tpu.memory_space<vmem>>, vector<1x1x16xf32>,
        %swap3A_694 = vector.shape_cast %swap3A_693 : vector<1x1x16xf32> to vector<16xf32>
        %swap3A_695 = vector.shape_cast %add3A_688 : vector<16xf32> to vector<1x1x16xf32>
        tpu.vector_store %arg7[%swap3A_690, %swap3A_691, %swap3A_692], %swap3A_695 {strides = array<i32>} : memref<2x32x768xf32, #tpu.memory_space<vmem>>, vector<1x1x16xf32>,
        %get3A_696 = arith.constant 1 : i32
        %get3A_697 = arith.index_cast %get3A_696 : i32 to index
        %get3A_698 = arith.index_cast %scan3A_276 : i32 to index
        %get3A_699 = arith.constant 320 : index
        %get3A_700 = tpu.vector_load %arg7[%get3A_697, %get3A_698, %get3A_699] {strides = array<i32>} : memref<2x32x768xf32, #tpu.memory_space<vmem>>, vector<1x1x16xf32>,
        %get3A_701 = vector.shape_cast %get3A_700 : vector<1x1x16xf32> to vector<16xf32>
        %mul3A_702 = arith.constant 27.7128124 : f32
        %mul3A_703 = vector.broadcast %mul3A_702 : f32 to vector<16xf32>
        %mul3A_704 = arith.mulf %get3A_701, %mul3A_703 : vector<16xf32>
        %get3A_705 = arith.index_cast %scan3A_276 : i32 to index
        %get3A_706 = arith.constant 320 : index
        %get3A_707 = tpu.vector_load %arg8[%get3A_705, %get3A_706] {strides = array<i32>} : memref<32x768xf32, #tpu.memory_space<vmem>>, vector<1x16xf32>,
        %get3A_708 = vector.shape_cast %get3A_707 : vector<1x16xf32> to vector<16xf32>
        %add3A_709 = arith.addf %mul3A_704, %get3A_708 : vector<16xf32>
        %swap3A_710 = arith.constant 1 : i32
        %swap3A_711 = arith.index_cast %swap3A_710 : i32 to index
        %swap3A_712 = arith.index_cast %scan3A_276 : i32 to index
        %swap3A_713 = arith.constant 320 : index
        %swap3A_714 = tpu.vector_load %arg7[%swap3A_711, %swap3A_712, %swap3A_713] {strides = array<i32>} : memref<2x32x768xf32, #tpu.memory_space<vmem>>, vector<1x1x16xf32>,
        %swap3A_715 = vector.shape_cast %swap3A_714 : vector<1x1x16xf32> to vector<16xf32>
        %swap3A_716 = vector.shape_cast %add3A_709 : vector<16xf32> to vector<1x1x16xf32>
        tpu.vector_store %arg7[%swap3A_711, %swap3A_712, %swap3A_713], %swap3A_716 {strides = array<i32>} : memref<2x32x768xf32, #tpu.memory_space<vmem>>, vector<1x1x16xf32>,
        %get3A_717 = arith.constant 1 : i32
        %get3A_718 = arith.index_cast %get3A_717 : i32 to index
        %get3A_719 = arith.index_cast %scan3A_276 : i32 to index
        %get3A_720 = arith.constant 336 : index
        %get3A_721 = tpu.vector_load %arg7[%get3A_718, %get3A_719, %get3A_720] {strides = array<i32>} : memref<2x32x768xf32, #tpu.memory_space<vmem>>, vector<1x1x16xf32>,
        %get3A_722 = vector.shape_cast %get3A_721 : vector<1x1x16xf32> to vector<16xf32>
        %mul3A_723 = arith.constant 27.7128124 : f32
        %mul3A_724 = vector.broadcast %mul3A_723 : f32 to vector<16xf32>
        %mul3A_725 = arith.mulf %get3A_722, %mul3A_724 : vector<16xf32>
        %get3A_726 = arith.index_cast %scan3A_276 : i32 to index
        %get3A_727 = arith.constant 336 : index
        %get3A_728 = tpu.vector_load %arg8[%get3A_726, %get3A_727] {strides = array<i32>} : memref<32x768xf32, #tpu.memory_space<vmem>>, vector<1x16xf32>,
        %get3A_729 = vector.shape_cast %get3A_728 : vector<1x16xf32> to vector<16xf32>
        %add3A_730 = arith.addf %mul3A_725, %get3A_729 : vector<16xf32>
        %swap3A_731 = arith.constant 1 : i32
        %swap3A_732 = arith.index_cast %swap3A_731 : i32 to index
        %swap3A_733 = arith.index_cast %scan3A_276 : i32 to index
        %swap3A_734 = arith.constant 336 : index
        %swap3A_735 = tpu.vector_load %arg7[%swap3A_732, %swap3A_733, %swap3A_734] {strides = array<i32>} : memref<2x32x768xf32, #tpu.memory_space<vmem>>, vector<1x1x16xf32>,
        %swap3A_736 = vector.shape_cast %swap3A_735 : vector<1x1x16xf32> to vector<16xf32>
        %swap3A_737 = vector.shape_cast %add3A_730 : vector<16xf32> to vector<1x1x16xf32>
        tpu.vector_store %arg7[%swap3A_732, %swap3A_733, %swap3A_734], %swap3A_737 {strides = array<i32>} : memref<2x32x768xf32, #tpu.memory_space<vmem>>, vector<1x1x16xf32>,
        %get3A_738 = arith.constant 1 : i32
        %get3A_739 = arith.index_cast %get3A_738 : i32 to index
        %get3A_740 = arith.index_cast %scan3A_276 : i32 to index
        %get3A_741 = arith.constant 352 : index
        %get3A_742 = tpu.vector_load %arg7[%get3A_739, %get3A_740, %get3A_741] {strides = array<i32>} : memref<2x32x768xf32, #tpu.memory_space<vmem>>, vector<1x1x16xf32>,
        %get3A_743 = vector.shape_cast %get3A_742 : vector<1x1x16xf32> to vector<16xf32>
        %mul3A_744 = arith.constant 27.7128124 : f32
        %mul3A_745 = vector.broadcast %mul3A_744 : f32 to vector<16xf32>
        %mul3A_746 = arith.mulf %get3A_743, %mul3A_745 : vector<16xf32>
        %get3A_747 = arith.index_cast %scan3A_276 : i32 to index
        %get3A_748 = arith.constant 352 : index
        %get3A_749 = tpu.vector_load %arg8[%get3A_747, %get3A_748] {strides = array<i32>} : memref<32x768xf32, #tpu.memory_space<vmem>>, vector<1x16xf32>,
        %get3A_750 = vector.shape_cast %get3A_749 : vector<1x16xf32> to vector<16xf32>
        %add3A_751 = arith.addf %mul3A_746, %get3A_750 : vector<16xf32>
        %swap3A_752 = arith.constant 1 : i32
        %swap3A_753 = arith.index_cast %swap3A_752 : i32 to index
        %swap3A_754 = arith.index_cast %scan3A_276 : i32 to index
        %swap3A_755 = arith.constant 352 : index
        %swap3A_756 = tpu.vector_load %arg7[%swap3A_753, %swap3A_754, %swap3A_755] {strides = array<i32>} : memref<2x32x768xf32, #tpu.memory_space<vmem>>, vector<1x1x16xf32>,
        %swap3A_757 = vector.shape_cast %swap3A_756 : vector<1x1x16xf32> to vector<16xf32>
        %swap3A_758 = vector.shape_cast %add3A_751 : vector<16xf32> to vector<1x1x16xf32>
        tpu.vector_store %arg7[%swap3A_753, %swap3A_754, %swap3A_755], %swap3A_758 {strides = array<i32>} : memref<2x32x768xf32, #tpu.memory_space<vmem>>, vector<1x1x16xf32>,
        %get3A_759 = arith.constant 1 : i32
        %get3A_760 = arith.index_cast %get3A_759 : i32 to index
        %get3A_761 = arith.index_cast %scan3A_276 : i32 to index
        %get3A_762 = arith.constant 368 : index
        %get3A_763 = tpu.vector_load %arg7[%get3A_760, %get3A_761, %get3A_762] {strides = array<i32>} : memref<2x32x768xf32, #tpu.memory_space<vmem>>, vector<1x1x16xf32>,
        %get3A_764 = vector.shape_cast %get3A_763 : vector<1x1x16xf32> to vector<16xf32>
        %mul3A_765 = arith.constant 27.7128124 : f32
        %mul3A_766 = vector.broadcast %mul3A_765 : f32 to vector<16xf32>
        %mul3A_767 = arith.mulf %get3A_764, %mul3A_766 : vector<16xf32>
        %get3A_768 = arith.index_cast %scan3A_276 : i32 to index
        %get3A_769 = arith.constant 368 : index
        %get3A_770 = tpu.vector_load %arg8[%get3A_768, %get3A_769] {strides = array<i32>} : memref<32x768xf32, #tpu.memory_space<vmem>>, vector<1x16xf32>,
        %get3A_771 = vector.shape_cast %get3A_770 : vector<1x16xf32> to vector<16xf32>
        %add3A_772 = arith.addf %mul3A_767, %get3A_771 : vector<16xf32>
        %swap3A_773 = arith.constant 1 : i32
        %swap3A_774 = arith.index_cast %swap3A_773 : i32 to index
        %swap3A_775 = arith.index_cast %scan3A_276 : i32 to index
        %swap3A_776 = arith.constant 368 : index
        %swap3A_777 = tpu.vector_load %arg7[%swap3A_774, %swap3A_775, %swap3A_776] {strides = array<i32>} : memref<2x32x768xf32, #tpu.memory_space<vmem>>, vector<1x1x16xf32>,
        %swap3A_778 = vector.shape_cast %swap3A_777 : vector<1x1x16xf32> to vector<16xf32>
        %swap3A_779 = vector.shape_cast %add3A_772 : vector<16xf32> to vector<1x1x16xf32>
        tpu.vector_store %arg7[%swap3A_774, %swap3A_775, %swap3A_776], %swap3A_779 {strides = array<i32>} : memref<2x32x768xf32, #tpu.memory_space<vmem>>, vector<1x1x16xf32>,
        %get3A_780 = arith.constant 1 : i32
        %get3A_781 = arith.index_cast %get3A_780 : i32 to index
        %get3A_782 = arith.index_cast %scan3A_276 : i32 to index
        %get3A_783 = arith.constant 384 : index
        %get3A_784 = tpu.vector_load %arg7[%get3A_781, %get3A_782, %get3A_783] {strides = array<i32>} : memref<2x32x768xf32, #tpu.memory_space<vmem>>, vector<1x1x16xf32>,
        %get3A_785 = vector.shape_cast %get3A_784 : vector<1x1x16xf32> to vector<16xf32>
        %mul3A_786 = arith.constant 27.7128124 : f32
        %mul3A_787 = vector.broadcast %mul3A_786 : f32 to vector<16xf32>
        %mul3A_788 = arith.mulf %get3A_785, %mul3A_787 : vector<16xf32>
        %get3A_789 = arith.index_cast %scan3A_276 : i32 to index
        %get3A_790 = arith.constant 384 : index
        %get3A_791 = tpu.vector_load %arg8[%get3A_789, %get3A_790] {strides = array<i32>} : memref<32x768xf32, #tpu.memory_space<vmem>>, vector<1x16xf32>,
        %get3A_792 = vector.shape_cast %get3A_791 : vector<1x16xf32> to vector<16xf32>
        %add3A_793 = arith.addf %mul3A_788, %get3A_792 : vector<16xf32>
        %swap3A_794 = arith.constant 1 : i32
        %swap3A_795 = arith.index_cast %swap3A_794 : i32 to index
        %swap3A_796 = arith.index_cast %scan3A_276 : i32 to index
        %swap3A_797 = arith.constant 384 : index
        %swap3A_798 = tpu.vector_load %arg7[%swap3A_795, %swap3A_796, %swap3A_797] {strides = array<i32>} : memref<2x32x768xf32, #tpu.memory_space<vmem>>, vector<1x1x16xf32>,
        %swap3A_799 = vector.shape_cast %swap3A_798 : vector<1x1x16xf32> to vector<16xf32>
        %swap3A_800 = vector.shape_cast %add3A_793 : vector<16xf32> to vector<1x1x16xf32>
        tpu.vector_store %arg7[%swap3A_795, %swap3A_796, %swap3A_797], %swap3A_800 {strides = array<i32>} : memref<2x32x768xf32, #tpu.memory_space<vmem>>, vector<1x1x16xf32>,
        %get3A_801 = arith.constant 1 : i32
        %get3A_802 = arith.index_cast %get3A_801 : i32 to index
        %get3A_803 = arith.index_cast %scan3A_276 : i32 to index
        %get3A_804 = arith.constant 400 : index
        %get3A_805 = tpu.vector_load %arg7[%get3A_802, %get3A_803, %get3A_804] {strides = array<i32>} : memref<2x32x768xf32, #tpu.memory_space<vmem>>, vector<1x1x16xf32>,
        %get3A_806 = vector.shape_cast %get3A_805 : vector<1x1x16xf32> to vector<16xf32>
        %mul3A_807 = arith.constant 27.7128124 : f32
        %mul3A_808 = vector.broadcast %mul3A_807 : f32 to vector<16xf32>
        %mul3A_809 = arith.mulf %get3A_806, %mul3A_808 : vector<16xf32>
        %get3A_810 = arith.index_cast %scan3A_276 : i32 to index
        %get3A_811 = arith.constant 400 : index
        %get3A_812 = tpu.vector_load %arg8[%get3A_810, %get3A_811] {strides = array<i32>} : memref<32x768xf32, #tpu.memory_space<vmem>>, vector<1x16xf32>,
        %get3A_813 = vector.shape_cast %get3A_812 : vector<1x16xf32> to vector<16xf32>
        %add3A_814 = arith.addf %mul3A_809, %get3A_813 : vector<16xf32>
        %swap3A_815 = arith.constant 1 : i32
        %swap3A_816 = arith.index_cast %swap3A_815 : i32 to index
        %swap3A_817 = arith.index_cast %scan3A_276 : i32 to index
        %swap3A_818 = arith.constant 400 : index
        %swap3A_819 = tpu.vector_load %arg7[%swap3A_816, %swap3A_817, %swap3A_818] {strides = array<i32>} : memref<2x32x768xf32, #tpu.memory_space<vmem>>, vector<1x1x16xf32>,
        %swap3A_820 = vector.shape_cast %swap3A_819 : vector<1x1x16xf32> to vector<16xf32>
        %swap3A_821 = vector.shape_cast %add3A_814 : vector<16xf32> to vector<1x1x16xf32>
        tpu.vector_store %arg7[%swap3A_816, %swap3A_817, %swap3A_818], %swap3A_821 {strides = array<i32>} : memref<2x32x768xf32, #tpu.memory_space<vmem>>, vector<1x1x16xf32>,
        %get3A_822 = arith.constant 1 : i32
        %get3A_823 = arith.index_cast %get3A_822 : i32 to index
        %get3A_824 = arith.index_cast %scan3A_276 : i32 to index
        %get3A_825 = arith.constant 416 : index
        %get3A_826 = tpu.vector_load %arg7[%get3A_823, %get3A_824, %get3A_825] {strides = array<i32>} : memref<2x32x768xf32, #tpu.memory_space<vmem>>, vector<1x1x16xf32>,
        %get3A_827 = vector.shape_cast %get3A_826 : vector<1x1x16xf32> to vector<16xf32>
        %mul3A_828 = arith.constant 27.7128124 : f32
        %mul3A_829 = vector.broadcast %mul3A_828 : f32 to vector<16xf32>
        %mul3A_830 = arith.mulf %get3A_827, %mul3A_829 : vector<16xf32>
        %get3A_831 = arith.index_cast %scan3A_276 : i32 to index
        %get3A_832 = arith.constant 416 : index
        %get3A_833 = tpu.vector_load %arg8[%get3A_831, %get3A_832] {strides = array<i32>} : memref<32x768xf32, #tpu.memory_space<vmem>>, vector<1x16xf32>,
        %get3A_834 = vector.shape_cast %get3A_833 : vector<1x16xf32> to vector<16xf32>
        %add3A_835 = arith.addf %mul3A_830, %get3A_834 : vector<16xf32>
        %swap3A_836 = arith.constant 1 : i32
        %swap3A_837 = arith.index_cast %swap3A_836 : i32 to index
        %swap3A_838 = arith.index_cast %scan3A_276 : i32 to index
        %swap3A_839 = arith.constant 416 : index
        %swap3A_840 = tpu.vector_load %arg7[%swap3A_837, %swap3A_838, %swap3A_839] {strides = array<i32>} : memref<2x32x768xf32, #tpu.memory_space<vmem>>, vector<1x1x16xf32>,
        %swap3A_841 = vector.shape_cast %swap3A_840 : vector<1x1x16xf32> to vector<16xf32>
        %swap3A_842 = vector.shape_cast %add3A_835 : vector<16xf32> to vector<1x1x16xf32>
        tpu.vector_store %arg7[%swap3A_837, %swap3A_838, %swap3A_839], %swap3A_842 {strides = array<i32>} : memref<2x32x768xf32, #tpu.memory_space<vmem>>, vector<1x1x16xf32>,
        %get3A_843 = arith.constant 1 : i32
        %get3A_844 = arith.index_cast %get3A_843 : i32 to index
        %get3A_845 = arith.index_cast %scan3A_276 : i32 to index
        %get3A_846 = arith.constant 432 : index
        %get3A_847 = tpu.vector_load %arg7[%get3A_844, %get3A_845, %get3A_846] {strides = array<i32>} : memref<2x32x768xf32, #tpu.memory_space<vmem>>, vector<1x1x16xf32>,
        %get3A_848 = vector.shape_cast %get3A_847 : vector<1x1x16xf32> to vector<16xf32>
        %mul3A_849 = arith.constant 27.7128124 : f32
        %mul3A_850 = vector.broadcast %mul3A_849 : f32 to vector<16xf32>
        %mul3A_851 = arith.mulf %get3A_848, %mul3A_850 : vector<16xf32>
        %get3A_852 = arith.index_cast %scan3A_276 : i32 to index
        %get3A_853 = arith.constant 432 : index
        %get3A_854 = tpu.vector_load %arg8[%get3A_852, %get3A_853] {strides = array<i32>} : memref<32x768xf32, #tpu.memory_space<vmem>>, vector<1x16xf32>,
        %get3A_855 = vector.shape_cast %get3A_854 : vector<1x16xf32> to vector<16xf32>
        %add3A_856 = arith.addf %mul3A_851, %get3A_855 : vector<16xf32>
        %swap3A_857 = arith.constant 1 : i32
        %swap3A_858 = arith.index_cast %swap3A_857 : i32 to index
        %swap3A_859 = arith.index_cast %scan3A_276 : i32 to index
        %swap3A_860 = arith.constant 432 : index
        %swap3A_861 = tpu.vector_load %arg7[%swap3A_858, %swap3A_859, %swap3A_860] {strides = array<i32>} : memref<2x32x768xf32, #tpu.memory_space<vmem>>, vector<1x1x16xf32>,
        %swap3A_862 = vector.shape_cast %swap3A_861 : vector<1x1x16xf32> to vector<16xf32>
        %swap3A_863 = vector.shape_cast %add3A_856 : vector<16xf32> to vector<1x1x16xf32>
        tpu.vector_store %arg7[%swap3A_858, %swap3A_859, %swap3A_860], %swap3A_863 {strides = array<i32>} : memref<2x32x768xf32, #tpu.memory_space<vmem>>, vector<1x1x16xf32>,
        %get3A_864 = arith.constant 1 : i32
        %get3A_865 = arith.index_cast %get3A_864 : i32 to index
        %get3A_866 = arith.index_cast %scan3A_276 : i32 to index
        %get3A_867 = arith.constant 448 : index
        %get3A_868 = tpu.vector_load %arg7[%get3A_865, %get3A_866, %get3A_867] {strides = array<i32>} : memref<2x32x768xf32, #tpu.memory_space<vmem>>, vector<1x1x16xf32>,
        %get3A_869 = vector.shape_cast %get3A_868 : vector<1x1x16xf32> to vector<16xf32>
        %mul3A_870 = arith.constant 27.7128124 : f32
        %mul3A_871 = vector.broadcast %mul3A_870 : f32 to vector<16xf32>
        %mul3A_872 = arith.mulf %get3A_869, %mul3A_871 : vector<16xf32>
        %get3A_873 = arith.index_cast %scan3A_276 : i32 to index
        %get3A_874 = arith.constant 448 : index
        %get3A_875 = tpu.vector_load %arg8[%get3A_873, %get3A_874] {strides = array<i32>} : memref<32x768xf32, #tpu.memory_space<vmem>>, vector<1x16xf32>,
        %get3A_876 = vector.shape_cast %get3A_875 : vector<1x16xf32> to vector<16xf32>
        %add3A_877 = arith.addf %mul3A_872, %get3A_876 : vector<16xf32>
        %swap3A_878 = arith.constant 1 : i32
        %swap3A_879 = arith.index_cast %swap3A_878 : i32 to index
        %swap3A_880 = arith.index_cast %scan3A_276 : i32 to index
        %swap3A_881 = arith.constant 448 : index
        %swap3A_882 = tpu.vector_load %arg7[%swap3A_879, %swap3A_880, %swap3A_881] {strides = array<i32>} : memref<2x32x768xf32, #tpu.memory_space<vmem>>, vector<1x1x16xf32>,
        %swap3A_883 = vector.shape_cast %swap3A_882 : vector<1x1x16xf32> to vector<16xf32>
        %swap3A_884 = vector.shape_cast %add3A_877 : vector<16xf32> to vector<1x1x16xf32>
        tpu.vector_store %arg7[%swap3A_879, %swap3A_880, %swap3A_881], %swap3A_884 {strides = array<i32>} : memref<2x32x768xf32, #tpu.memory_space<vmem>>, vector<1x1x16xf32>,
        %get3A_885 = arith.constant 1 : i32
        %get3A_886 = arith.index_cast %get3A_885 : i32 to index
        %get3A_887 = arith.index_cast %scan3A_276 : i32 to index
        %get3A_888 = arith.constant 464 : index
        %get3A_889 = tpu.vector_load %arg7[%get3A_886, %get3A_887, %get3A_888] {strides = array<i32>} : memref<2x32x768xf32, #tpu.memory_space<vmem>>, vector<1x1x16xf32>,
        %get3A_890 = vector.shape_cast %get3A_889 : vector<1x1x16xf32> to vector<16xf32>
        %mul3A_891 = arith.constant 27.7128124 : f32
        %mul3A_892 = vector.broadcast %mul3A_891 : f32 to vector<16xf32>
        %mul3A_893 = arith.mulf %get3A_890, %mul3A_892 : vector<16xf32>
        %get3A_894 = arith.index_cast %scan3A_276 : i32 to index
        %get3A_895 = arith.constant 464 : index
        %get3A_896 = tpu.vector_load %arg8[%get3A_894, %get3A_895] {strides = array<i32>} : memref<32x768xf32, #tpu.memory_space<vmem>>, vector<1x16xf32>,
        %get3A_897 = vector.shape_cast %get3A_896 : vector<1x16xf32> to vector<16xf32>
        %add3A_898 = arith.addf %mul3A_893, %get3A_897 : vector<16xf32>
        %swap3A_899 = arith.constant 1 : i32
        %swap3A_900 = arith.index_cast %swap3A_899 : i32 to index
        %swap3A_901 = arith.index_cast %scan3A_276 : i32 to index
        %swap3A_902 = arith.constant 464 : index
        %swap3A_903 = tpu.vector_load %arg7[%swap3A_900, %swap3A_901, %swap3A_902] {strides = array<i32>} : memref<2x32x768xf32, #tpu.memory_space<vmem>>, vector<1x1x16xf32>,
        %swap3A_904 = vector.shape_cast %swap3A_903 : vector<1x1x16xf32> to vector<16xf32>
        %swap3A_905 = vector.shape_cast %add3A_898 : vector<16xf32> to vector<1x1x16xf32>
        tpu.vector_store %arg7[%swap3A_900, %swap3A_901, %swap3A_902], %swap3A_905 {strides = array<i32>} : memref<2x32x768xf32, #tpu.memory_space<vmem>>, vector<1x1x16xf32>,
        %get3A_906 = arith.constant 1 : i32
        %get3A_907 = arith.index_cast %get3A_906 : i32 to index
        %get3A_908 = arith.index_cast %scan3A_276 : i32 to index
        %get3A_909 = arith.constant 480 : index
        %get3A_910 = tpu.vector_load %arg7[%get3A_907, %get3A_908, %get3A_909] {strides = array<i32>} : memref<2x32x768xf32, #tpu.memory_space<vmem>>, vector<1x1x16xf32>,
        %get3A_911 = vector.shape_cast %get3A_910 : vector<1x1x16xf32> to vector<16xf32>
        %mul3A_912 = arith.constant 27.7128124 : f32
        %mul3A_913 = vector.broadcast %mul3A_912 : f32 to vector<16xf32>
        %mul3A_914 = arith.mulf %get3A_911, %mul3A_913 : vector<16xf32>
        %get3A_915 = arith.index_cast %scan3A_276 : i32 to index
        %get3A_916 = arith.constant 480 : index
        %get3A_917 = tpu.vector_load %arg8[%get3A_915, %get3A_916] {strides = array<i32>} : memref<32x768xf32, #tpu.memory_space<vmem>>, vector<1x16xf32>,
        %get3A_918 = vector.shape_cast %get3A_917 : vector<1x16xf32> to vector<16xf32>
        %add3A_919 = arith.addf %mul3A_914, %get3A_918 : vector<16xf32>
        %swap3A_920 = arith.constant 1 : i32
        %swap3A_921 = arith.index_cast %swap3A_920 : i32 to index
        %swap3A_922 = arith.index_cast %scan3A_276 : i32 to index
        %swap3A_923 = arith.constant 480 : index
        %swap3A_924 = tpu.vector_load %arg7[%swap3A_921, %swap3A_922, %swap3A_923] {strides = array<i32>} : memref<2x32x768xf32, #tpu.memory_space<vmem>>, vector<1x1x16xf32>,
        %swap3A_925 = vector.shape_cast %swap3A_924 : vector<1x1x16xf32> to vector<16xf32>
        %swap3A_926 = vector.shape_cast %add3A_919 : vector<16xf32> to vector<1x1x16xf32>
        tpu.vector_store %arg7[%swap3A_921, %swap3A_922, %swap3A_923], %swap3A_926 {strides = array<i32>} : memref<2x32x768xf32, #tpu.memory_space<vmem>>, vector<1x1x16xf32>,
        %get3A_927 = arith.constant 1 : i32
        %get3A_928 = arith.index_cast %get3A_927 : i32 to index
        %get3A_929 = arith.index_cast %scan3A_276 : i32 to index
        %get3A_930 = arith.constant 496 : index
        %get3A_931 = tpu.vector_load %arg7[%get3A_928, %get3A_929, %get3A_930] {strides = array<i32>} : memref<2x32x768xf32, #tpu.memory_space<vmem>>, vector<1x1x16xf32>,
        %get3A_932 = vector.shape_cast %get3A_931 : vector<1x1x16xf32> to vector<16xf32>
        %mul3A_933 = arith.constant 27.7128124 : f32
        %mul3A_934 = vector.broadcast %mul3A_933 : f32 to vector<16xf32>
        %mul3A_935 = arith.mulf %get3A_932, %mul3A_934 : vector<16xf32>
        %get3A_936 = arith.index_cast %scan3A_276 : i32 to index
        %get3A_937 = arith.constant 496 : index
        %get3A_938 = tpu.vector_load %arg8[%get3A_936, %get3A_937] {strides = array<i32>} : memref<32x768xf32, #tpu.memory_space<vmem>>, vector<1x16xf32>,
        %get3A_939 = vector.shape_cast %get3A_938 : vector<1x16xf32> to vector<16xf32>
        %add3A_940 = arith.addf %mul3A_935, %get3A_939 : vector<16xf32>
        %swap3A_941 = arith.constant 1 : i32
        %swap3A_942 = arith.index_cast %swap3A_941 : i32 to index
        %swap3A_943 = arith.index_cast %scan3A_276 : i32 to index
        %swap3A_944 = arith.constant 496 : index
        %swap3A_945 = tpu.vector_load %arg7[%swap3A_942, %swap3A_943, %swap3A_944] {strides = array<i32>} : memref<2x32x768xf32, #tpu.memory_space<vmem>>, vector<1x1x16xf32>,
        %swap3A_946 = vector.shape_cast %swap3A_945 : vector<1x1x16xf32> to vector<16xf32>
        %swap3A_947 = vector.shape_cast %add3A_940 : vector<16xf32> to vector<1x1x16xf32>
        tpu.vector_store %arg7[%swap3A_942, %swap3A_943, %swap3A_944], %swap3A_947 {strides = array<i32>} : memref<2x32x768xf32, #tpu.memory_space<vmem>>, vector<1x1x16xf32>,
        %get3A_948 = arith.constant 1 : i32
        %get3A_949 = arith.index_cast %get3A_948 : i32 to index
        %get3A_950 = arith.index_cast %scan3A_276 : i32 to index
        %get3A_951 = arith.constant 512 : index
        %get3A_952 = tpu.vector_load %arg7[%get3A_949, %get3A_950, %get3A_951] {strides = array<i32>} : memref<2x32x768xf32, #tpu.memory_space<vmem>>, vector<1x1x16xf32>,
        %get3A_953 = vector.shape_cast %get3A_952 : vector<1x1x16xf32> to vector<16xf32>
        %mul3A_954 = arith.constant 27.7128124 : f32
        %mul3A_955 = vector.broadcast %mul3A_954 : f32 to vector<16xf32>
        %mul3A_956 = arith.mulf %get3A_953, %mul3A_955 : vector<16xf32>
        %get3A_957 = arith.index_cast %scan3A_276 : i32 to index
        %get3A_958 = arith.constant 512 : index
        %get3A_959 = tpu.vector_load %arg8[%get3A_957, %get3A_958] {strides = array<i32>} : memref<32x768xf32, #tpu.memory_space<vmem>>, vector<1x16xf32>,
        %get3A_960 = vector.shape_cast %get3A_959 : vector<1x16xf32> to vector<16xf32>
        %add3A_961 = arith.addf %mul3A_956, %get3A_960 : vector<16xf32>
        %swap3A_962 = arith.constant 1 : i32
        %swap3A_963 = arith.index_cast %swap3A_962 : i32 to index
        %swap3A_964 = arith.index_cast %scan3A_276 : i32 to index
        %swap3A_965 = arith.constant 512 : index
        %swap3A_966 = tpu.vector_load %arg7[%swap3A_963, %swap3A_964, %swap3A_965] {strides = array<i32>} : memref<2x32x768xf32, #tpu.memory_space<vmem>>, vector<1x1x16xf32>,
        %swap3A_967 = vector.shape_cast %swap3A_966 : vector<1x1x16xf32> to vector<16xf32>
        %swap3A_968 = vector.shape_cast %add3A_961 : vector<16xf32> to vector<1x1x16xf32>
        tpu.vector_store %arg7[%swap3A_963, %swap3A_964, %swap3A_965], %swap3A_968 {strides = array<i32>} : memref<2x32x768xf32, #tpu.memory_space<vmem>>, vector<1x1x16xf32>,
        %get3A_969 = arith.constant 1 : i32
        %get3A_970 = arith.index_cast %get3A_969 : i32 to index
        %get3A_971 = arith.index_cast %scan3A_276 : i32 to index
        %get3A_972 = arith.constant 528 : index
        %get3A_973 = tpu.vector_load %arg7[%get3A_970, %get3A_971, %get3A_972] {strides = array<i32>} : memref<2x32x768xf32, #tpu.memory_space<vmem>>, vector<1x1x16xf32>,
        %get3A_974 = vector.shape_cast %get3A_973 : vector<1x1x16xf32> to vector<16xf32>
        %mul3A_975 = arith.constant 27.7128124 : f32
        %mul3A_976 = vector.broadcast %mul3A_975 : f32 to vector<16xf32>
        %mul3A_977 = arith.mulf %get3A_974, %mul3A_976 : vector<16xf32>
        %get3A_978 = arith.index_cast %scan3A_276 : i32 to index
        %get3A_979 = arith.constant 528 : index
        %get3A_980 = tpu.vector_load %arg8[%get3A_978, %get3A_979] {strides = array<i32>} : memref<32x768xf32, #tpu.memory_space<vmem>>, vector<1x16xf32>,
        %get3A_981 = vector.shape_cast %get3A_980 : vector<1x16xf32> to vector<16xf32>
        %add3A_982 = arith.addf %mul3A_977, %get3A_981 : vector<16xf32>
        %swap3A_983 = arith.constant 1 : i32
        %swap3A_984 = arith.index_cast %swap3A_983 : i32 to index
        %swap3A_985 = arith.index_cast %scan3A_276 : i32 to index
        %swap3A_986 = arith.constant 528 : index
        %swap3A_987 = tpu.vector_load %arg7[%swap3A_984, %swap3A_985, %swap3A_986] {strides = array<i32>} : memref<2x32x768xf32, #tpu.memory_space<vmem>>, vector<1x1x16xf32>,
        %swap3A_988 = vector.shape_cast %swap3A_987 : vector<1x1x16xf32> to vector<16xf32>
        %swap3A_989 = vector.shape_cast %add3A_982 : vector<16xf32> to vector<1x1x16xf32>
        tpu.vector_store %arg7[%swap3A_984, %swap3A_985, %swap3A_986], %swap3A_989 {strides = array<i32>} : memref<2x32x768xf32, #tpu.memory_space<vmem>>, vector<1x1x16xf32>,
        %get3A_990 = arith.constant 1 : i32
        %get3A_991 = arith.index_cast %get3A_990 : i32 to index
        %get3A_992 = arith.index_cast %scan3A_276 : i32 to index
        %get3A_993 = arith.constant 544 : index
        %get3A_994 = tpu.vector_load %arg7[%get3A_991, %get3A_992, %get3A_993] {strides = array<i32>} : memref<2x32x768xf32, #tpu.memory_space<vmem>>, vector<1x1x16xf32>,
        %get3A_995 = vector.shape_cast %get3A_994 : vector<1x1x16xf32> to vector<16xf32>
        %mul3A_996 = arith.constant 27.7128124 : f32
        %mul3A_997 = vector.broadcast %mul3A_996 : f32 to vector<16xf32>
        %mul3A_998 = arith.mulf %get3A_995, %mul3A_997 : vector<16xf32>
        %get3A_999 = arith.index_cast %scan3A_276 : i32 to index
        %get3A_1000 = arith.constant 544 : index
        %get3A_1001 = tpu.vector_load %arg8[%get3A_999, %get3A_1000] {strides = array<i32>} : memref<32x768xf32, #tpu.memory_space<vmem>>, vector<1x16xf32>,
        %get3A_1002 = vector.shape_cast %get3A_1001 : vector<1x16xf32> to vector<16xf32>
        %add3A_1003 = arith.addf %mul3A_998, %get3A_1002 : vector<16xf32>
        %swap3A_1004 = arith.constant 1 : i32
        %swap3A_1005 = arith.index_cast %swap3A_1004 : i32 to index
        %swap3A_1006 = arith.index_cast %scan3A_276 : i32 to index
        %swap3A_1007 = arith.constant 544 : index
        %swap3A_1008 = tpu.vector_load %arg7[%swap3A_1005, %swap3A_1006, %swap3A_1007] {strides = array<i32>} : memref<2x32x768xf32, #tpu.memory_space<vmem>>, vector<1x1x16xf32>,
        %swap3A_1009 = vector.shape_cast %swap3A_1008 : vector<1x1x16xf32> to vector<16xf32>
        %swap3A_1010 = vector.shape_cast %add3A_1003 : vector<16xf32> to vector<1x1x16xf32>
        tpu.vector_store %arg7[%swap3A_1005, %swap3A_1006, %swap3A_1007], %swap3A_1010 {strides = array<i32>} : memref<2x32x768xf32, #tpu.memory_space<vmem>>, vector<1x1x16xf32>,
        %get3A_1011 = arith.constant 1 : i32
        %get3A_1012 = arith.index_cast %get3A_1011 : i32 to index
        %get3A_1013 = arith.index_cast %scan3A_276 : i32 to index
        %get3A_1014 = arith.constant 560 : index
        %get3A_1015 = tpu.vector_load %arg7[%get3A_1012, %get3A_1013, %get3A_1014] {strides = array<i32>} : memref<2x32x768xf32, #tpu.memory_space<vmem>>, vector<1x1x16xf32>,
        %get3A_1016 = vector.shape_cast %get3A_1015 : vector<1x1x16xf32> to vector<16xf32>
        %mul3A_1017 = arith.constant 27.7128124 : f32
        %mul3A_1018 = vector.broadcast %mul3A_1017 : f32 to vector<16xf32>
        %mul3A_1019 = arith.mulf %get3A_1016, %mul3A_1018 : vector<16xf32>
        %get3A_1020 = arith.index_cast %scan3A_276 : i32 to index
        %get3A_1021 = arith.constant 560 : index
        %get3A_1022 = tpu.vector_load %arg8[%get3A_1020, %get3A_1021] {strides = array<i32>} : memref<32x768xf32, #tpu.memory_space<vmem>>, vector<1x16xf32>,
        %get3A_1023 = vector.shape_cast %get3A_1022 : vector<1x16xf32> to vector<16xf32>
        %add3A_1024 = arith.addf %mul3A_1019, %get3A_1023 : vector<16xf32>
        %swap3A_1025 = arith.constant 1 : i32
        %swap3A_1026 = arith.index_cast %swap3A_1025 : i32 to index
        %swap3A_1027 = arith.index_cast %scan3A_276 : i32 to index
        %swap3A_1028 = arith.constant 560 : index
        %swap3A_1029 = tpu.vector_load %arg7[%swap3A_1026, %swap3A_1027, %swap3A_1028] {strides = array<i32>} : memref<2x32x768xf32, #tpu.memory_space<vmem>>, vector<1x1x16xf32>,
        %swap3A_1030 = vector.shape_cast %swap3A_1029 : vector<1x1x16xf32> to vector<16xf32>
        %swap3A_1031 = vector.shape_cast %add3A_1024 : vector<16xf32> to vector<1x1x16xf32>
        tpu.vector_store %arg7[%swap3A_1026, %swap3A_1027, %swap3A_1028], %swap3A_1031 {strides = array<i32>} : memref<2x32x768xf32, #tpu.memory_space<vmem>>, vector<1x1x16xf32>,
        %get3A_1032 = arith.constant 1 : i32
        %get3A_1033 = arith.index_cast %get3A_1032 : i32 to index
        %get3A_1034 = arith.index_cast %scan3A_276 : i32 to index
        %get3A_1035 = arith.constant 576 : index
        %get3A_1036 = tpu.vector_load %arg7[%get3A_1033, %get3A_1034, %get3A_1035] {strides = array<i32>} : memref<2x32x768xf32, #tpu.memory_space<vmem>>, vector<1x1x16xf32>,
        %get3A_1037 = vector.shape_cast %get3A_1036 : vector<1x1x16xf32> to vector<16xf32>
        %mul3A_1038 = arith.constant 27.7128124 : f32
        %mul3A_1039 = vector.broadcast %mul3A_1038 : f32 to vector<16xf32>
        %mul3A_1040 = arith.mulf %get3A_1037, %mul3A_1039 : vector<16xf32>
        %get3A_1041 = arith.index_cast %scan3A_276 : i32 to index
        %get3A_1042 = arith.constant 576 : index
        %get3A_1043 = tpu.vector_load %arg8[%get3A_1041, %get3A_1042] {strides = array<i32>} : memref<32x768xf32, #tpu.memory_space<vmem>>, vector<1x16xf32>,
        %get3A_1044 = vector.shape_cast %get3A_1043 : vector<1x16xf32> to vector<16xf32>
        %add3A_1045 = arith.addf %mul3A_1040, %get3A_1044 : vector<16xf32>
        %swap3A_1046 = arith.constant 1 : i32
        %swap3A_1047 = arith.index_cast %swap3A_1046 : i32 to index
        %swap3A_1048 = arith.index_cast %scan3A_276 : i32 to index
        %swap3A_1049 = arith.constant 576 : index
        %swap3A_1050 = tpu.vector_load %arg7[%swap3A_1047, %swap3A_1048, %swap3A_1049] {strides = array<i32>} : memref<2x32x768xf32, #tpu.memory_space<vmem>>, vector<1x1x16xf32>,
        %swap3A_1051 = vector.shape_cast %swap3A_1050 : vector<1x1x16xf32> to vector<16xf32>
        %swap3A_1052 = vector.shape_cast %add3A_1045 : vector<16xf32> to vector<1x1x16xf32>
        tpu.vector_store %arg7[%swap3A_1047, %swap3A_1048, %swap3A_1049], %swap3A_1052 {strides = array<i32>} : memref<2x32x768xf32, #tpu.memory_space<vmem>>, vector<1x1x16xf32>,
        %get3A_1053 = arith.constant 1 : i32
        %get3A_1054 = arith.index_cast %get3A_1053 : i32 to index
        %get3A_1055 = arith.index_cast %scan3A_276 : i32 to index
        %get3A_1056 = arith.constant 592 : index
        %get3A_1057 = tpu.vector_load %arg7[%get3A_1054, %get3A_1055, %get3A_1056] {strides = array<i32>} : memref<2x32x768xf32, #tpu.memory_space<vmem>>, vector<1x1x16xf32>,
        %get3A_1058 = vector.shape_cast %get3A_1057 : vector<1x1x16xf32> to vector<16xf32>
        %mul3A_1059 = arith.constant 27.7128124 : f32
        %mul3A_1060 = vector.broadcast %mul3A_1059 : f32 to vector<16xf32>
        %mul3A_1061 = arith.mulf %get3A_1058, %mul3A_1060 : vector<16xf32>
        %get3A_1062 = arith.index_cast %scan3A_276 : i32 to index
        %get3A_1063 = arith.constant 592 : index
        %get3A_1064 = tpu.vector_load %arg8[%get3A_1062, %get3A_1063] {strides = array<i32>} : memref<32x768xf32, #tpu.memory_space<vmem>>, vector<1x16xf32>,
        %get3A_1065 = vector.shape_cast %get3A_1064 : vector<1x16xf32> to vector<16xf32>
        %add3A_1066 = arith.addf %mul3A_1061, %get3A_1065 : vector<16xf32>
        %swap3A_1067 = arith.constant 1 : i32
        %swap3A_1068 = arith.index_cast %swap3A_1067 : i32 to index
        %swap3A_1069 = arith.index_cast %scan3A_276 : i32 to index
        %swap3A_1070 = arith.constant 592 : index
        %swap3A_1071 = tpu.vector_load %arg7[%swap3A_1068, %swap3A_1069, %swap3A_1070] {strides = array<i32>} : memref<2x32x768xf32, #tpu.memory_space<vmem>>, vector<1x1x16xf32>,
        %swap3A_1072 = vector.shape_cast %swap3A_1071 : vector<1x1x16xf32> to vector<16xf32>
        %swap3A_1073 = vector.shape_cast %add3A_1066 : vector<16xf32> to vector<1x1x16xf32>
        tpu.vector_store %arg7[%swap3A_1068, %swap3A_1069, %swap3A_1070], %swap3A_1073 {strides = array<i32>} : memref<2x32x768xf32, #tpu.memory_space<vmem>>, vector<1x1x16xf32>,
        %get3A_1074 = arith.constant 1 : i32
        %get3A_1075 = arith.index_cast %get3A_1074 : i32 to index
        %get3A_1076 = arith.index_cast %scan3A_276 : i32 to index
        %get3A_1077 = arith.constant 608 : index
        %get3A_1078 = tpu.vector_load %arg7[%get3A_1075, %get3A_1076, %get3A_1077] {strides = array<i32>} : memref<2x32x768xf32, #tpu.memory_space<vmem>>, vector<1x1x16xf32>,
        %get3A_1079 = vector.shape_cast %get3A_1078 : vector<1x1x16xf32> to vector<16xf32>
        %mul3A_1080 = arith.constant 27.7128124 : f32
        %mul3A_1081 = vector.broadcast %mul3A_1080 : f32 to vector<16xf32>
        %mul3A_1082 = arith.mulf %get3A_1079, %mul3A_1081 : vector<16xf32>
        %get3A_1083 = arith.index_cast %scan3A_276 : i32 to index
        %get3A_1084 = arith.constant 608 : index
        %get3A_1085 = tpu.vector_load %arg8[%get3A_1083, %get3A_1084] {strides = array<i32>} : memref<32x768xf32, #tpu.memory_space<vmem>>, vector<1x16xf32>,
        %get3A_1086 = vector.shape_cast %get3A_1085 : vector<1x16xf32> to vector<16xf32>
        %add3A_1087 = arith.addf %mul3A_1082, %get3A_1086 : vector<16xf32>
        %swap3A_1088 = arith.constant 1 : i32
        %swap3A_1089 = arith.index_cast %swap3A_1088 : i32 to index
        %swap3A_1090 = arith.index_cast %scan3A_276 : i32 to index
        %swap3A_1091 = arith.constant 608 : index
        %swap3A_1092 = tpu.vector_load %arg7[%swap3A_1089, %swap3A_1090, %swap3A_1091] {strides = array<i32>} : memref<2x32x768xf32, #tpu.memory_space<vmem>>, vector<1x1x16xf32>,
        %swap3A_1093 = vector.shape_cast %swap3A_1092 : vector<1x1x16xf32> to vector<16xf32>
        %swap3A_1094 = vector.shape_cast %add3A_1087 : vector<16xf32> to vector<1x1x16xf32>
        tpu.vector_store %arg7[%swap3A_1089, %swap3A_1090, %swap3A_1091], %swap3A_1094 {strides = array<i32>} : memref<2x32x768xf32, #tpu.memory_space<vmem>>, vector<1x1x16xf32>,
        %get3A_1095 = arith.constant 1 : i32
        %get3A_1096 = arith.index_cast %get3A_1095 : i32 to index
        %get3A_1097 = arith.index_cast %scan3A_276 : i32 to index
        %get3A_1098 = arith.constant 624 : index
        %get3A_1099 = tpu.vector_load %arg7[%get3A_1096, %get3A_1097, %get3A_1098] {strides = array<i32>} : memref<2x32x768xf32, #tpu.memory_space<vmem>>, vector<1x1x16xf32>,
        %get3A_1100 = vector.shape_cast %get3A_1099 : vector<1x1x16xf32> to vector<16xf32>
        %mul3A_1101 = arith.constant 27.7128124 : f32
        %mul3A_1102 = vector.broadcast %mul3A_1101 : f32 to vector<16xf32>
        %mul3A_1103 = arith.mulf %get3A_1100, %mul3A_1102 : vector<16xf32>
        %get3A_1104 = arith.index_cast %scan3A_276 : i32 to index
        %get3A_1105 = arith.constant 624 : index
        %get3A_1106 = tpu.vector_load %arg8[%get3A_1104, %get3A_1105] {strides = array<i32>} : memref<32x768xf32, #tpu.memory_space<vmem>>, vector<1x16xf32>,
        %get3A_1107 = vector.shape_cast %get3A_1106 : vector<1x16xf32> to vector<16xf32>
        %add3A_1108 = arith.addf %mul3A_1103, %get3A_1107 : vector<16xf32>
        %swap3A_1109 = arith.constant 1 : i32
        %swap3A_1110 = arith.index_cast %swap3A_1109 : i32 to index
        %swap3A_1111 = arith.index_cast %scan3A_276 : i32 to index
        %swap3A_1112 = arith.constant 624 : index
        %swap3A_1113 = tpu.vector_load %arg7[%swap3A_1110, %swap3A_1111, %swap3A_1112] {strides = array<i32>} : memref<2x32x768xf32, #tpu.memory_space<vmem>>, vector<1x1x16xf32>,
        %swap3A_1114 = vector.shape_cast %swap3A_1113 : vector<1x1x16xf32> to vector<16xf32>
        %swap3A_1115 = vector.shape_cast %add3A_1108 : vector<16xf32> to vector<1x1x16xf32>
        tpu.vector_store %arg7[%swap3A_1110, %swap3A_1111, %swap3A_1112], %swap3A_1115 {strides = array<i32>} : memref<2x32x768xf32, #tpu.memory_space<vmem>>, vector<1x1x16xf32>,
        %get3A_1116 = arith.constant 1 : i32
        %get3A_1117 = arith.index_cast %get3A_1116 : i32 to index
        %get3A_1118 = arith.index_cast %scan3A_276 : i32 to index
        %get3A_1119 = arith.constant 640 : index
        %get3A_1120 = tpu.vector_load %arg7[%get3A_1117, %get3A_1118, %get3A_1119] {strides = array<i32>} : memref<2x32x768xf32, #tpu.memory_space<vmem>>, vector<1x1x16xf32>,
        %get3A_1121 = vector.shape_cast %get3A_1120 : vector<1x1x16xf32> to vector<16xf32>
        %mul3A_1122 = arith.constant 27.7128124 : f32
        %mul3A_1123 = vector.broadcast %mul3A_1122 : f32 to vector<16xf32>
        %mul3A_1124 = arith.mulf %get3A_1121, %mul3A_1123 : vector<16xf32>
        %get3A_1125 = arith.index_cast %scan3A_276 : i32 to index
        %get3A_1126 = arith.constant 640 : index
        %get3A_1127 = tpu.vector_load %arg8[%get3A_1125, %get3A_1126] {strides = array<i32>} : memref<32x768xf32, #tpu.memory_space<vmem>>, vector<1x16xf32>,
        %get3A_1128 = vector.shape_cast %get3A_1127 : vector<1x16xf32> to vector<16xf32>
        %add3A_1129 = arith.addf %mul3A_1124, %get3A_1128 : vector<16xf32>
        %swap3A_1130 = arith.constant 1 : i32
        %swap3A_1131 = arith.index_cast %swap3A_1130 : i32 to index
        %swap3A_1132 = arith.index_cast %scan3A_276 : i32 to index
        %swap3A_1133 = arith.constant 640 : index
        %swap3A_1134 = tpu.vector_load %arg7[%swap3A_1131, %swap3A_1132, %swap3A_1133] {strides = array<i32>} : memref<2x32x768xf32, #tpu.memory_space<vmem>>, vector<1x1x16xf32>,
        %swap3A_1135 = vector.shape_cast %swap3A_1134 : vector<1x1x16xf32> to vector<16xf32>
        %swap3A_1136 = vector.shape_cast %add3A_1129 : vector<16xf32> to vector<1x1x16xf32>
        tpu.vector_store %arg7[%swap3A_1131, %swap3A_1132, %swap3A_1133], %swap3A_1136 {strides = array<i32>} : memref<2x32x768xf32, #tpu.memory_space<vmem>>, vector<1x1x16xf32>,
        %get3A_1137 = arith.constant 1 : i32
        %get3A_1138 = arith.index_cast %get3A_1137 : i32 to index
        %get3A_1139 = arith.index_cast %scan3A_276 : i32 to index
        %get3A_1140 = arith.constant 656 : index
        %get3A_1141 = tpu.vector_load %arg7[%get3A_1138, %get3A_1139, %get3A_1140] {strides = array<i32>} : memref<2x32x768xf32, #tpu.memory_space<vmem>>, vector<1x1x16xf32>,
        %get3A_1142 = vector.shape_cast %get3A_1141 : vector<1x1x16xf32> to vector<16xf32>
        %mul3A_1143 = arith.constant 27.7128124 : f32
        %mul3A_1144 = vector.broadcast %mul3A_1143 : f32 to vector<16xf32>
        %mul3A_1145 = arith.mulf %get3A_1142, %mul3A_1144 : vector<16xf32>
        %get3A_1146 = arith.index_cast %scan3A_276 : i32 to index
        %get3A_1147 = arith.constant 656 : index
        %get3A_1148 = tpu.vector_load %arg8[%get3A_1146, %get3A_1147] {strides = array<i32>} : memref<32x768xf32, #tpu.memory_space<vmem>>, vector<1x16xf32>,
        %get3A_1149 = vector.shape_cast %get3A_1148 : vector<1x16xf32> to vector<16xf32>
        %add3A_1150 = arith.addf %mul3A_1145, %get3A_1149 : vector<16xf32>
        %swap3A_1151 = arith.constant 1 : i32
        %swap3A_1152 = arith.index_cast %swap3A_1151 : i32 to index
        %swap3A_1153 = arith.index_cast %scan3A_276 : i32 to index
        %swap3A_1154 = arith.constant 656 : index
        %swap3A_1155 = tpu.vector_load %arg7[%swap3A_1152, %swap3A_1153, %swap3A_1154] {strides = array<i32>} : memref<2x32x768xf32, #tpu.memory_space<vmem>>, vector<1x1x16xf32>,
        %swap3A_1156 = vector.shape_cast %swap3A_1155 : vector<1x1x16xf32> to vector<16xf32>
        %swap3A_1157 = vector.shape_cast %add3A_1150 : vector<16xf32> to vector<1x1x16xf32>
        tpu.vector_store %arg7[%swap3A_1152, %swap3A_1153, %swap3A_1154], %swap3A_1157 {strides = array<i32>} : memref<2x32x768xf32, #tpu.memory_space<vmem>>, vector<1x1x16xf32>,
        %get3A_1158 = arith.constant 1 : i32
        %get3A_1159 = arith.index_cast %get3A_1158 : i32 to index
        %get3A_1160 = arith.index_cast %scan3A_276 : i32 to index
        %get3A_1161 = arith.constant 672 : index
        %get3A_1162 = tpu.vector_load %arg7[%get3A_1159, %get3A_1160, %get3A_1161] {strides = array<i32>} : memref<2x32x768xf32, #tpu.memory_space<vmem>>, vector<1x1x16xf32>,
        %get3A_1163 = vector.shape_cast %get3A_1162 : vector<1x1x16xf32> to vector<16xf32>
        %mul3A_1164 = arith.constant 27.7128124 : f32
        %mul3A_1165 = vector.broadcast %mul3A_1164 : f32 to vector<16xf32>
        %mul3A_1166 = arith.mulf %get3A_1163, %mul3A_1165 : vector<16xf32>
        %get3A_1167 = arith.index_cast %scan3A_276 : i32 to index
        %get3A_1168 = arith.constant 672 : index
        %get3A_1169 = tpu.vector_load %arg8[%get3A_1167, %get3A_1168] {strides = array<i32>} : memref<32x768xf32, #tpu.memory_space<vmem>>, vector<1x16xf32>,
        %get3A_1170 = vector.shape_cast %get3A_1169 : vector<1x16xf32> to vector<16xf32>
        %add3A_1171 = arith.addf %mul3A_1166, %get3A_1170 : vector<16xf32>
        %swap3A_1172 = arith.constant 1 : i32
        %swap3A_1173 = arith.index_cast %swap3A_1172 : i32 to index
        %swap3A_1174 = arith.index_cast %scan3A_276 : i32 to index
        %swap3A_1175 = arith.constant 672 : index
        %swap3A_1176 = tpu.vector_load %arg7[%swap3A_1173, %swap3A_1174, %swap3A_1175] {strides = array<i32>} : memref<2x32x768xf32, #tpu.memory_space<vmem>>, vector<1x1x16xf32>,
        %swap3A_1177 = vector.shape_cast %swap3A_1176 : vector<1x1x16xf32> to vector<16xf32>
        %swap3A_1178 = vector.shape_cast %add3A_1171 : vector<16xf32> to vector<1x1x16xf32>
        tpu.vector_store %arg7[%swap3A_1173, %swap3A_1174, %swap3A_1175], %swap3A_1178 {strides = array<i32>} : memref<2x32x768xf32, #tpu.memory_space<vmem>>, vector<1x1x16xf32>,
        %get3A_1179 = arith.constant 1 : i32
        %get3A_1180 = arith.index_cast %get3A_1179 : i32 to index
        %get3A_1181 = arith.index_cast %scan3A_276 : i32 to index
        %get3A_1182 = arith.constant 688 : index
        %get3A_1183 = tpu.vector_load %arg7[%get3A_1180, %get3A_1181, %get3A_1182] {strides = array<i32>} : memref<2x32x768xf32, #tpu.memory_space<vmem>>, vector<1x1x16xf32>,
        %get3A_1184 = vector.shape_cast %get3A_1183 : vector<1x1x16xf32> to vector<16xf32>
        %mul3A_1185 = arith.constant 27.7128124 : f32
        %mul3A_1186 = vector.broadcast %mul3A_1185 : f32 to vector<16xf32>
        %mul3A_1187 = arith.mulf %get3A_1184, %mul3A_1186 : vector<16xf32>
        %get3A_1188 = arith.index_cast %scan3A_276 : i32 to index
        %get3A_1189 = arith.constant 688 : index
        %get3A_1190 = tpu.vector_load %arg8[%get3A_1188, %get3A_1189] {strides = array<i32>} : memref<32x768xf32, #tpu.memory_space<vmem>>, vector<1x16xf32>,
        %get3A_1191 = vector.shape_cast %get3A_1190 : vector<1x16xf32> to vector<16xf32>
        %add3A_1192 = arith.addf %mul3A_1187, %get3A_1191 : vector<16xf32>
        %swap3A_1193 = arith.constant 1 : i32
        %swap3A_1194 = arith.index_cast %swap3A_1193 : i32 to index
        %swap3A_1195 = arith.index_cast %scan3A_276 : i32 to index
        %swap3A_1196 = arith.constant 688 : index
        %swap3A_1197 = tpu.vector_load %arg7[%swap3A_1194, %swap3A_1195, %swap3A_1196] {strides = array<i32>} : memref<2x32x768xf32, #tpu.memory_space<vmem>>, vector<1x1x16xf32>,
        %swap3A_1198 = vector.shape_cast %swap3A_1197 : vector<1x1x16xf32> to vector<16xf32>
        %swap3A_1199 = vector.shape_cast %add3A_1192 : vector<16xf32> to vector<1x1x16xf32>
        tpu.vector_store %arg7[%swap3A_1194, %swap3A_1195, %swap3A_1196], %swap3A_1199 {strides = array<i32>} : memref<2x32x768xf32, #tpu.memory_space<vmem>>, vector<1x1x16xf32>,
        %get3A_1200 = arith.constant 1 : i32
        %get3A_1201 = arith.index_cast %get3A_1200 : i32 to index
        %get3A_1202 = arith.index_cast %scan3A_276 : i32 to index
        %get3A_1203 = arith.constant 704 : index
        %get3A_1204 = tpu.vector_load %arg7[%get3A_1201, %get3A_1202, %get3A_1203] {strides = array<i32>} : memref<2x32x768xf32, #tpu.memory_space<vmem>>, vector<1x1x16xf32>,
        %get3A_1205 = vector.shape_cast %get3A_1204 : vector<1x1x16xf32> to vector<16xf32>
        %mul3A_1206 = arith.constant 27.7128124 : f32
        %mul3A_1207 = vector.broadcast %mul3A_1206 : f32 to vector<16xf32>
        %mul3A_1208 = arith.mulf %get3A_1205, %mul3A_1207 : vector<16xf32>
        %get3A_1209 = arith.index_cast %scan3A_276 : i32 to index
        %get3A_1210 = arith.constant 704 : index
        %get3A_1211 = tpu.vector_load %arg8[%get3A_1209, %get3A_1210] {strides = array<i32>} : memref<32x768xf32, #tpu.memory_space<vmem>>, vector<1x16xf32>,
        %get3A_1212 = vector.shape_cast %get3A_1211 : vector<1x16xf32> to vector<16xf32>
        %add3A_1213 = arith.addf %mul3A_1208, %get3A_1212 : vector<16xf32>
        %swap3A_1214 = arith.constant 1 : i32
        %swap3A_1215 = arith.index_cast %swap3A_1214 : i32 to index
        %swap3A_1216 = arith.index_cast %scan3A_276 : i32 to index
        %swap3A_1217 = arith.constant 704 : index
        %swap3A_1218 = tpu.vector_load %arg7[%swap3A_1215, %swap3A_1216, %swap3A_1217] {strides = array<i32>} : memref<2x32x768xf32, #tpu.memory_space<vmem>>, vector<1x1x16xf32>,
        %swap3A_1219 = vector.shape_cast %swap3A_1218 : vector<1x1x16xf32> to vector<16xf32>
        %swap3A_1220 = vector.shape_cast %add3A_1213 : vector<16xf32> to vector<1x1x16xf32>
        tpu.vector_store %arg7[%swap3A_1215, %swap3A_1216, %swap3A_1217], %swap3A_1220 {strides = array<i32>} : memref<2x32x768xf32, #tpu.memory_space<vmem>>, vector<1x1x16xf32>,
        %get3A_1221 = arith.constant 1 : i32
        %get3A_1222 = arith.index_cast %get3A_1221 : i32 to index
        %get3A_1223 = arith.index_cast %scan3A_276 : i32 to index
        %get3A_1224 = arith.constant 720 : index
        %get3A_1225 = tpu.vector_load %arg7[%get3A_1222, %get3A_1223, %get3A_1224] {strides = array<i32>} : memref<2x32x768xf32, #tpu.memory_space<vmem>>, vector<1x1x16xf32>,
        %get3A_1226 = vector.shape_cast %get3A_1225 : vector<1x1x16xf32> to vector<16xf32>
        %mul3A_1227 = arith.constant 27.7128124 : f32
        %mul3A_1228 = vector.broadcast %mul3A_1227 : f32 to vector<16xf32>
        %mul3A_1229 = arith.mulf %get3A_1226, %mul3A_1228 : vector<16xf32>
        %get3A_1230 = arith.index_cast %scan3A_276 : i32 to index
        %get3A_1231 = arith.constant 720 : index
        %get3A_1232 = tpu.vector_load %arg8[%get3A_1230, %get3A_1231] {strides = array<i32>} : memref<32x768xf32, #tpu.memory_space<vmem>>, vector<1x16xf32>,
        %get3A_1233 = vector.shape_cast %get3A_1232 : vector<1x16xf32> to vector<16xf32>
        %add3A_1234 = arith.addf %mul3A_1229, %get3A_1233 : vector<16xf32>
        %swap3A_1235 = arith.constant 1 : i32
        %swap3A_1236 = arith.index_cast %swap3A_1235 : i32 to index
        %swap3A_1237 = arith.index_cast %scan3A_276 : i32 to index
        %swap3A_1238 = arith.constant 720 : index
        %swap3A_1239 = tpu.vector_load %arg7[%swap3A_1236, %swap3A_1237, %swap3A_1238] {strides = array<i32>} : memref<2x32x768xf32, #tpu.memory_space<vmem>>, vector<1x1x16xf32>,
        %swap3A_1240 = vector.shape_cast %swap3A_1239 : vector<1x1x16xf32> to vector<16xf32>
        %swap3A_1241 = vector.shape_cast %add3A_1234 : vector<16xf32> to vector<1x1x16xf32>
        tpu.vector_store %arg7[%swap3A_1236, %swap3A_1237, %swap3A_1238], %swap3A_1241 {strides = array<i32>} : memref<2x32x768xf32, #tpu.memory_space<vmem>>, vector<1x1x16xf32>,
        %get3A_1242 = arith.constant 1 : i32
        %get3A_1243 = arith.index_cast %get3A_1242 : i32 to index
        %get3A_1244 = arith.index_cast %scan3A_276 : i32 to index
        %get3A_1245 = arith.constant 736 : index
        %get3A_1246 = tpu.vector_load %arg7[%get3A_1243, %get3A_1244, %get3A_1245] {strides = array<i32>} : memref<2x32x768xf32, #tpu.memory_space<vmem>>, vector<1x1x16xf32>,
        %get3A_1247 = vector.shape_cast %get3A_1246 : vector<1x1x16xf32> to vector<16xf32>
        %mul3A_1248 = arith.constant 27.7128124 : f32
        %mul3A_1249 = vector.broadcast %mul3A_1248 : f32 to vector<16xf32>
        %mul3A_1250 = arith.mulf %get3A_1247, %mul3A_1249 : vector<16xf32>
        %get3A_1251 = arith.index_cast %scan3A_276 : i32 to index
        %get3A_1252 = arith.constant 736 : index
        %get3A_1253 = tpu.vector_load %arg8[%get3A_1251, %get3A_1252] {strides = array<i32>} : memref<32x768xf32, #tpu.memory_space<vmem>>, vector<1x16xf32>,
        %get3A_1254 = vector.shape_cast %get3A_1253 : vector<1x16xf32> to vector<16xf32>
        %add3A_1255 = arith.addf %mul3A_1250, %get3A_1254 : vector<16xf32>
        %swap3A_1256 = arith.constant 1 : i32
        %swap3A_1257 = arith.index_cast %swap3A_1256 : i32 to index
        %swap3A_1258 = arith.index_cast %scan3A_276 : i32 to index
        %swap3A_1259 = arith.constant 736 : index
        %swap3A_1260 = tpu.vector_load %arg7[%swap3A_1257, %swap3A_1258, %swap3A_1259] {strides = array<i32>} : memref<2x32x768xf32, #tpu.memory_space<vmem>>, vector<1x1x16xf32>,
        %swap3A_1261 = vector.shape_cast %swap3A_1260 : vector<1x1x16xf32> to vector<16xf32>
        %swap3A_1262 = vector.shape_cast %add3A_1255 : vector<16xf32> to vector<1x1x16xf32>
        tpu.vector_store %arg7[%swap3A_1257, %swap3A_1258, %swap3A_1259], %swap3A_1262 {strides = array<i32>} : memref<2x32x768xf32, #tpu.memory_space<vmem>>, vector<1x1x16xf32>,
        %get3A_1263 = arith.constant 1 : i32
        %get3A_1264 = arith.index_cast %get3A_1263 : i32 to index
        %get3A_1265 = arith.index_cast %scan3A_276 : i32 to index
        %get3A_1266 = arith.constant 752 : index
        %get3A_1267 = tpu.vector_load %arg7[%get3A_1264, %get3A_1265, %get3A_1266] {strides = array<i32>} : memref<2x32x768xf32, #tpu.memory_space<vmem>>, vector<1x1x16xf32>,
        %get3A_1268 = vector.shape_cast %get3A_1267 : vector<1x1x16xf32> to vector<16xf32>
        %mul3A_1269 = arith.constant 27.7128124 : f32
        %mul3A_1270 = vector.broadcast %mul3A_1269 : f32 to vector<16xf32>
        %mul3A_1271 = arith.mulf %get3A_1268, %mul3A_1270 : vector<16xf32>
        %get3A_1272 = arith.index_cast %scan3A_276 : i32 to index
        %get3A_1273 = arith.constant 752 : index
        %get3A_1274 = tpu.vector_load %arg8[%get3A_1272, %get3A_1273] {strides = array<i32>} : memref<32x768xf32, #tpu.memory_space<vmem>>, vector<1x16xf32>,
        %get3A_1275 = vector.shape_cast %get3A_1274 : vector<1x16xf32> to vector<16xf32>
        %add3A_1276 = arith.addf %mul3A_1271, %get3A_1275 : vector<16xf32>
        %swap3A_1277 = arith.constant 1 : i32
        %swap3A_1278 = arith.index_cast %swap3A_1277 : i32 to index
        %swap3A_1279 = arith.index_cast %scan3A_276 : i32 to index
        %swap3A_1280 = arith.constant 752 : index
        %swap3A_1281 = tpu.vector_load %arg7[%swap3A_1278, %swap3A_1279, %swap3A_1280] {strides = array<i32>} : memref<2x32x768xf32, #tpu.memory_space<vmem>>, vector<1x1x16xf32>,
        %swap3A_1282 = vector.shape_cast %swap3A_1281 : vector<1x1x16xf32> to vector<16xf32>
        %swap3A_1283 = vector.shape_cast %add3A_1276 : vector<16xf32> to vector<1x1x16xf32>
        tpu.vector_store %arg7[%swap3A_1278, %swap3A_1279, %swap3A_1280], %swap3A_1283 {strides = array<i32>} : memref<2x32x768xf32, #tpu.memory_space<vmem>>, vector<1x1x16xf32>,
        %scan3A_1284 = arith.constant 0 : i32
        scf.yield %scan3A_1284 : i32
      }
      %scan3A_256 = arith.constant 32 : i32
      %add3A_257 = arith.constant 12288 : i32
      %add3A_258 = arith.addi %add3A_257, %mul3A_2 : i32
      %mul3A_259 = arith.constant 32 : i32
      %mul3A_260 = arith.muli %scan3A_46, %mul3A_259 : i32
      %add3A_261 = arith.addi %add3A_258, %mul3A_260 : i32
      %dma_start3A_262 = arith.constant 1 : i32
      %dma_start3A_263 = arith.constant 0 : i32
      %dma_start3A_264 = arith.constant 0 : i32
      %dma_start3A_265 = tpu.memref_slice %arg7[%dma_start3A_262, %dma_start3A_263, %dma_start3A_264] : memref<2x32x768xf32, #tpu.memory_space<vmem>> -> memref<1x32x768xf32, #tpu.memory_space<vmem>>
      %dma_start3A_266 = tpu.memref_squeeze %dma_start3A_265 : memref<1x32x768xf32, #tpu.memory_space<vmem>> -> memref<32x768xf32, #tpu.memory_space<vmem>>
      %dma_start3A_267 = arith.constant 0 : i32
      %dma_start3A_268 = tpu.memref_slice %arg5[%add3A_261, %dma_start3A_267] : memref<16384x768xf32, #tpu.memory_space<hbm>> -> memref<32x768xf32, #tpu.memory_space<hbm>>
      %dma_start3A_269 = arith.constant 0 : i32
      %dma_start3A_270 = tpu.memref_slice %arg5[%add3A_261, %dma_start3A_269] : memref<16384x768xf32, #tpu.memory_space<hbm>> -> memref<32x768xf32, #tpu.memory_space<hbm>>
      %dma_start3A_271 = arith.constant 0 : i32
      %dma_start3A_272 = arith.constant 0 : i32
      %dma_start3A_273 = tpu.memref_slice %arg7[%dma_start3A_262, %dma_start3A_271, %dma_start3A_272] : memref<2x32x768xf32, #tpu.memory_space<vmem>> -> memref<1x32x768xf32, #tpu.memory_space<vmem>>
      %dma_start3A_274 = tpu.memref_squeeze %dma_start3A_273 : memref<1x32x768xf32, #tpu.memory_space<vmem>> -> memref<32x768xf32, #tpu.memory_space<vmem>>
      tpu.enqueue_dma source(%dma_start3A_274 : memref<32x768xf32, #tpu.memory_space<vmem>>) target(%dma_start3A_270 : memref<32x768xf32, #tpu.memory_space<hbm>>) target_semaphore(%arg11 : memref<!tpu.dma_semaphore, #tpu.memory_space<semaphore_mem>>)
      %scan3A_275 = arith.constant 0 : i32
      scf.yield %scan3A_275 : i32
    }
    %scan3A_16 = arith.constant 4 : i32
    %dma_wait3A = arith.constant 0 : i32
    %dma_wait3A_17 = arith.constant 0 : i32
    %dma_wait3A_18 = arith.constant 0 : i32
    %dma_wait3A_19 = tpu.memref_slice %arg7[%dma_wait3A, %dma_wait3A_17, %dma_wait3A_18] : memref<2x32x768xf32, #tpu.memory_space<vmem>> -> memref<1x32x768xf32, #tpu.memory_space<vmem>>
    %dma_wait3A_20 = tpu.memref_squeeze %dma_wait3A_19 : memref<1x32x768xf32, #tpu.memory_space<vmem>> -> memref<32x768xf32, #tpu.memory_space<vmem>>
    %dma_wait3A_21 = arith.constant 0 : i32
    %dma_wait3A_22 = arith.constant 0 : i32
    %dma_wait3A_23 = tpu.memref_slice %arg5[%dma_wait3A_21, %dma_wait3A_22] : memref<16384x768xf32, #tpu.memory_space<hbm>> -> memref<32x768xf32, #tpu.memory_space<hbm>>
    %dma_wait3A_24 = arith.constant 0 : i32
    %dma_wait3A_25 = arith.constant 0 : i32
    %dma_wait3A_26 = tpu.memref_slice %arg5[%dma_wait3A_24, %dma_wait3A_25] : memref<16384x768xf32, #tpu.memory_space<hbm>> -> memref<32x768xf32, #tpu.memory_space<hbm>>
    %dma_wait3A_27 = arith.constant 0 : i32
    %dma_wait3A_28 = arith.constant 0 : i32
    %dma_wait3A_29 = tpu.memref_slice %arg7[%dma_wait3A, %dma_wait3A_27, %dma_wait3A_28] : memref<2x32x768xf32, #tpu.memory_space<vmem>> -> memref<1x32x768xf32, #tpu.memory_space<vmem>>
    %dma_wait3A_30 = tpu.memref_squeeze %dma_wait3A_29 : memref<1x32x768xf32, #tpu.memory_space<vmem>> -> memref<32x768xf32, #tpu.memory_space<vmem>>
    tpu.wait_dma2 semaphore(%arg10 : memref<!tpu.dma_semaphore, #tpu.memory_space<semaphore_mem>>) src(%dma_wait3A_30 : memref<32x768xf32, #tpu.memory_space<vmem>>) dst(%dma_wait3A_26 : memref<32x768xf32, #tpu.memory_space<hbm>>)
    %dma_wait3A_31 = arith.constant 1 : i32
    %dma_wait3A_32 = arith.constant 0 : i32
    %dma_wait3A_33 = arith.constant 0 : i32
    %dma_wait3A_34 = tpu.memref_slice %arg7[%dma_wait3A_31, %dma_wait3A_32, %dma_wait3A_33] : memref<2x32x768xf32, #tpu.memory_space<vmem>> -> memref<1x32x768xf32, #tpu.memory_space<vmem>>
    %dma_wait3A_35 = tpu.memref_squeeze %dma_wait3A_34 : memref<1x32x768xf32, #tpu.memory_space<vmem>> -> memref<32x768xf32, #tpu.memory_space<vmem>>
    %dma_wait3A_36 = arith.constant 0 : i32
    %dma_wait3A_37 = arith.constant 0 : i32
    %dma_wait3A_38 = tpu.memref_slice %arg5[%dma_wait3A_36, %dma_wait3A_37] : memref<16384x768xf32, #tpu.memory_space<hbm>> -> memref<32x768xf32, #tpu.memory_space<hbm>>
    %dma_wait3A_39 = arith.constant 0 : i32
    %dma_wait3A_40 = arith.constant 0 : i32
    %dma_wait3A_41 = tpu.memref_slice %arg5[%dma_wait3A_39, %dma_wait3A_40] : memref<16384x768xf32, #tpu.memory_space<hbm>> -> memref<32x768xf32, #tpu.memory_space<hbm>>
    %dma_wait3A_42 = arith.constant 0 : i32
    %dma_wait3A_43 = arith.constant 0 : i32
    %dma_wait3A_44 = tpu.memref_slice %arg7[%dma_wait3A_31, %dma_wait3A_42, %dma_wait3A_43] : memref<2x32x768xf32, #tpu.memory_space<vmem>> -> memref<1x32x768xf32, #tpu.memory_space<vmem>>
    %dma_wait3A_45 = tpu.memref_squeeze %dma_wait3A_44 : memref<1x32x768xf32, #tpu.memory_space<vmem>> -> memref<32x768xf32, #tpu.memory_space<vmem>>
    tpu.wait_dma2 semaphore(%arg11 : memref<!tpu.dma_semaphore, #tpu.memory_space<semaphore_mem>>) src(%dma_wait3A_45 : memref<32x768xf32, #tpu.memory_space<vmem>>) dst(%dma_wait3A_41 : memref<32x768xf32, #tpu.memory_space<hbm>>)
    return
  }
}

</mosaic_0001>

<sc_bundles>
// kernel: kernel.3.cloned.1.call-start
scs
__scs_entry_jumppad:
0x0: {  	(pc) =	sbr.rel $0x88, $3  }
0x1: {  	(tag) =	ssettag $0x0;
	lr =	simm.s32 $0x1  }
0x2: {  	[smem:$0x3F9E] =	sst lr;
	_ =	strace $0xD0000000  }
0x3: {  	_ = 	snop  }
0x4: {  	_ = 	snop  }
0x5: {  	_ = 	snop  }
0x6: {  	_ = 	snop  }
0x7: {  	_ = 	snop  }
__scs_overlays_trampoline_lowered:
0x8: {  	[smem:$0x3FAD] =	sst s0  }
0x9: {  	[smem:$0x3FAE] =	sst s1  }
0xa: {  	[smem:$0x3FAF] =	sst s2  }
0xb: {  	[smem:$0x3FB0] =	sst s3  }
0xc: {  	[smem:$0x3FB1] =	sst s4  }
0xd: {  	[smem:$0x3FB2] =	sst s5  }
0xe: {  	[smem:$0x3FB3] =	sst s6  }
0xf: {  	[smem:$0x3FB4] =	sst s7  }
0x10: {  	[smem:$0x3FB5] =	sst s8  }
0x11: {  	[smem:$0x3FB6] =	sst s9;
	s0 =	simm.s32 @!p0 $0x0  }
0x12: {  	s1 =	sld [smem:$0x3F9C];
	s0 =	simm.s32 @p0 $0x1  }
0x13: {  	[smem:$0x3FB7] =	sst s0;
	s0 =	simm.s32 @!p1 $0x0  }
0x14: {  	s2 =	sld [smem:$0x3F9B];
	s0 =	simm.s32 @p1 $0x1  }
0x15: {  	[smem:$0x3FB8] =	sst s0;
	s0 =	simm.s32 @!p2 $0x0  }
0x16: {  	s3 =	sld [smem:$0x3FDB];
	s0 =	simm.s32 @p2 $0x1  }
0x17: {  	s4 =	simm.s32 $0x1BF5;
	[smem:$0x3FBA] =	sst s0  }
0x18: {  	s0 =	sld [smem:$0x3F9D];
	_ =	swait.ge [sflag:s4], $0x0  }
0x19: {  	s7 =	sld [smem:$0x3F9E]  }
0x1a: {  	s8 =	sadd.s32 $0xFFFFE003, lr  }
0x1b: {  	s9 =	sadd.s32 $0xFFFFFEF7, lr;
	s5 =	simm.s32 $0xFFFFFFFF;
	p2 =	slt.u32 s8, $0xFFFFF086  }
0x1c: {  	p1 =	slt.u32 s9, $0xF7A;
	s5 =	simm.s32 @!p2 $0x0  }
0x1d: {  	s5 =	simm.s32 @p1 $0x1;
	p0 =	seq.s32 s7, s2  }
0x1e: {  	s7 =	smul.u32 @!p0 $0xF7A, s2;
	p2 =	seq.s32 @!p0 s5, $0x0  }
0x1f: {  	s9 =	smul.u32 $0xF7A, s1;
	s8 =	simm.s32 @!p0 $0x1BF5;
	p2 =	por !p2, p0  }
0x20: {  	[sflag:s8] =	ssyncset.s32 @!p0 $0xFFFFF086;
	s6 =	sadd.s32 @!p0 s3, s7;
	s7 =	simm.s32 @!p0 $0x108  }
0x21: {  	s3 =	sadd.s32 s3, s9;
	s6 =	sadd.s32 @!p0 $0x88, s6;
	s7 =	simm.s32 @p2 $0x1082  }
0x22: {  	[simem:s7], [sflag:s8] =	dma.local @!p0 [hbm:s6], $0xF7A  }
0x23: {  	s9 =	sor.u32 $0xD0000000, s2;
	s6 =	simm.s32 $0x108;
	_ =	swait.ge @!p0 [sflag:s8], $0x0  }
0x24: {  	s3 =	sadd.s32 $0x88, s3;
	s6 =	simm.s32 @!p1 $0x1082;
	[sflag:s4] =	ssyncset.s32 $0xFFFFF086  }
0x25: {  	[simem:s6], [sflag:s4] =	dma.local [hbm:s3], $0xF7A  }
0x26: {  	[smem:$0x3F9E] =	sst s1;
	(tag) =	ssettag s2;
	_ =	strace s9  }
0x27: {  	s1 =	sld [smem:$0x3FAE]  }
0x28: {  	s2 =	sld [smem:$0x3FAF]  }
0x29: {  	s4 =	sld [smem:$0x3FB1]  }
0x2a: {  	p0 =	seq.s32 s5, $0x0;
	s5 =	sld [smem:$0x3FB2]  }
0x2b: {  	s6 =	sld [smem:$0x3FB3]  }
0x2c: {  	s7 =	sld [smem:$0x3FB4]  }
0x2d: {  	s3 =	simm.s32 $0x108;
	s8 =	sld [smem:$0x3FB5]  }
0x2e: {  	s3 =	simm.s32 @!p0 $0x1082;
	s9 =	sld [smem:$0x3FB6]  }
0x2f: {  	lr =	sadd.s32 s0, s3;
	s0 =	sld [smem:$0x3FAD]  }
0x30: {  	s3 =	sld [smem:$0x3FB0]  }
0x31: {  	[smem:$0x3FB9] =	sst s10  }
0x32: {  	s10 =	sld [smem:$0x3FB7];
	_ =	sdelay $0x3  }
0x33: {  	p0 =	seq.s32 s10, $0x1;
	s10 =	sld [smem:$0x3FB9];
	_ =	sdelay $0x3  }
0x34: {  	[smem:$0x3FB9] =	sst s10  }
0x35: {  	s10 =	sld [smem:$0x3FB8];
	_ =	sdelay $0x3  }
0x36: {  	p1 =	seq.s32 s10, $0x1;
	s10 =	sld [smem:$0x3FB9];
	_ =	sdelay $0x3  }
0x37: {  	[smem:$0x3FB9] =	sst s10  }
0x38: {  	s10 =	sld [smem:$0x3FBA]  }
0x39: {  	_ = 	snop;
	(pc) =	sbr.ind lr, $3  }
0x3a: {  	_ = 	snop  }
0x3b: {  	_ = 	snop  }
0x3c: {  	p2 =	seq.s32 s10, $0x1;
	s10 =	sld [smem:$0x3FB9]  }
0x3d: {  	_ =	shalt  }
0x3e: {  	_ =	shalt  }
0x3f: {  	_ =	shalt  }
0x40: {  	_ =	shalt  }
0x41: {  	_ =	shalt  }
0x42: {  	_ =	shalt  }
0x43: {  	_ =	shalt  }
0x44: {  	_ =	shalt  }
0x45: {  	_ =	shalt  }
0x46: {  	_ =	shalt  }
0x47: {  	_ =	shalt  }
0x48: {  	_ =	shalt  }
0x49: {  	_ =	shalt  }
0x4a: {  	_ =	shalt  }
0x4b: {  	_ =	shalt  }
0x4c: {  	_ =	shalt  }
0x4d: {  	_ =	shalt  }
0x4e: {  	_ =	shalt  }
0x4f: {  	_ =	shalt  }
0x50: {  	_ =	shalt  }
0x51: {  	_ =	shalt  }
0x52: {  	_ =	shalt  }
0x53: {  	_ =	shalt  }
0x54: {  	_ =	shalt  }
0x55: {  	_ =	shalt  }
0x56: {  	_ =	shalt  }
0x57: {  	_ =	shalt  }
0x58: {  	_ =	shalt  }
0x59: {  	_ =	shalt  }
0x5a: {  	_ =	shalt  }
0x5b: {  	_ =	shalt  }
0x5c: {  	_ =	shalt  }
0x5d: {  	_ =	shalt  }
0x5e: {  	_ =	shalt  }
0x5f: {  	_ =	shalt  }
0x60: {  	_ =	shalt  }
0x61: {  	_ =	shalt  }
0x62: {  	_ =	shalt  }
0x63: {  	_ =	shalt  }
0x64: {  	_ =	shalt  }
0x65: {  	_ =	shalt  }
0x66: {  	_ =	shalt  }
0x67: {  	_ =	shalt  }
0x68: {  	_ =	shalt  }
0x69: {  	_ =	shalt  }
0x6a: {  	_ =	shalt  }
0x6b: {  	_ =	shalt  }
0x6c: {  	_ =	shalt  }
0x6d: {  	_ =	shalt  }
0x6e: {  	_ =	shalt  }
0x6f: {  	_ =	shalt  }
0x70: {  	_ =	shalt  }
0x71: {  	_ =	shalt  }
0x72: {  	_ =	shalt  }
0x73: {  	_ =	shalt  }
0x74: {  	_ =	shalt  }
0x75: {  	_ =	shalt  }
0x76: {  	_ =	shalt  }
0x77: {  	_ =	shalt  }
0x78: {  	_ =	shalt  }
0x79: {  	_ =	shalt  }
0x7a: {  	_ =	shalt  }
0x7b: {  	_ =	shalt  }
0x7c: {  	_ =	shalt  }
0x7d: {  	_ =	shalt  }
0x7e: {  	_ =	shalt  }
0x7f: {  	_ =	shalt  }
0x80: {  	_ =	shalt  }
0x81: {  	_ =	shalt  }
0x82: {  	_ =	shalt  }
0x83: {  	_ =	shalt  }
0x84: {  	_ =	shalt  }
0x85: {  	_ =	shalt  }
0x86: {  	_ =	shalt  }
0x87: {  	_ =	shalt  }
.Lfunc_end0:
.L_simem_size_0:
called_computation_lowered:
.L_overlay_start_0:
0x88: {  	s2 =	sld [smem:$0x3FD9]  }
0x89: {  	s3 =	sld [smem:$0x3FFE];
	_ =	sdelay $0x1  }
0x8a: {  	s1 =	srdreg.scid  }
0x8b: {  	s0 =	sand.u32 $0x1, s1  }
0x8c: {  	s17 =	sshll.u32 s0, $0xA;
	s2 =	sadd.s32 s3, s2  }
0x8d: {  	s2 =	sadd.s32 s2, s17  }
0x8e: {  	[smem:$0x3FC5] =	sst s2  }
0x8f: {  	_ = 	snop  }
0x90: {  	s2 =	sld [smem:$0x3FC8]  }
0x91: {  	s18 =	sld [smem:$0x3FD0];
	(tm) =	ssettm $0x1  }
0x92: {  	s4 =	sld [smem:$0x3FFB];
	_ =	sdelay $0x3  }
0x93: {  	_ =	strace s4  }
0x94: {  	s4 =	sld [smem:$0x3FFC];
	_ =	sdelay $0x3  }
0x95: {  	_ =	strace s4  }
0x96: {  	s4 =	sld [smem:$0x3FFD];
	_ =	sdelay $0x3  }
0x97: {  	_ =	strace s4  }
0x98: {  	_ =	strace $0x8FFFFFFF  }
0x99: {  	s19 =	sld [smem:$0x3FDB];
	_ =	sdelay $0x1  }
0x9a: {  	s5 =	simm.s32 $_scs_section_size  }
0x9b: {  	s6 =	simm.s32 $_size__tile_overlayer_lowered;
	s7 =	simm.s32 $_tile_overlayer_lowered  }
0x9c: {  	s22 =	simm.s32 $0x1BFF;
	s21 =	sshll.u32 s7, $0x1;
	s4 =	sadd.s32 s5, s19  }
0x9d: {  	s8 =	simm.s32 $0x0;
	s20 =	sshll.u32 s6, $0x1;
	s6 =	sadd.s32 s21, s4  }
0x9e: {  	[timem:s8], [sflag:s22] =	dma.local [hbm:s6], s20  }
0x9f: {  	_ =	swait.ge [sflag:s22], s20  }
0xa0: {  	s5 =	ssub.s32 $0x0, s20;
	[sflag:s22] =	ssyncset.done $0x0  }
0xa1: {  	[sflag:s22] =	ssyncadd.s32 s5;
	_ =	sdelay $0x1  }
0xa2: {  	s23 =	simm.s32 $0x1B8B  }
0xa3: {  	_ =	swait.ge [sflag:s23], $0x1  }
0xa4: {  	[sflag:s23] =	ssyncset.done $0x0  }
0xa5: {  	s25 =	simm.s32 $0x1B8E;
	s24 =	sld [smem:$0x3FFE];
	[sflag:s23] =	ssyncadd.s32 $0xFFFFFFFF  }
0xa6: {  	s26 =	simm.s32 $execute0_lowered;
	[smem:$0x3FD2] =	sst s25  }
0xa7: {  	s6 =	sshll.u32 s26, $0x1;
	_ =	strace $0x80000046;
	[dreg:$0x1] =	wrdreg $0xFFFFFFFF  }
0xa8: {  	s28 =	simm.s32 $_size_execute0_lowered;
	s4 =	sadd.s32 s4, s6;
	[dreg:$0x0] =	wrdreg $0x0  }
0xa9: {  	s6 =	sshll.u32 s28, $0x1;
	[dreg:$0x2] =	wrdreg s4  }
0xaa: {  	[dreg:$0x3] =	wrdreg s6  }
0xab: {  	[dreg:$0x4] =	wrdreg $0xC0  }
0xac: {  	_ =	task [dreg:s8], $0x5FFFF  }
0xad: {  	[dreg:$0x1] =	wrdreg $0xFFFFFFFF  }
0xae: {  	[dreg:$0x0] =	wrdreg $0x60  }
0xaf: {  	[dreg:$0x2] =	wrdreg s24  }
0xb0: {  	[dreg:$0x3] =	wrdreg s2  }
0xb1: {  	[dreg:$0x4] =	wrdreg s18  }
0xb2: {  	[dreg:$0x5] =	wrdreg $0x9  }
0xb3: {  	_ =	task.clear_ibuf [dreg:s8], $0x6FFFF;
	_ =	strace $0x90000046  }
0xb4: {  	s29 =	simm.s32 $0x9;
	_ =	strace $0x80000048  }
0xb5: {  	_ =	swait.ge [sflag:s29], $0x1  }
0xb6: {  	[sflag:s29] =	ssyncadd.s32 $0xFFFFFFFF  }
0xb7: {  	_ =	strace $0x90000048  }
0xb8: {  	_ =	sfence  }
0xb9: {  	s30 =	sld [smem:$0x0];
	_ =	sdelay $0x2  }
0xba: {  	s31 =	sshll.u32 s1, $0xD;
	s1 =	sshrl.u32 s1, $0x2  }
0xbb: {  	s3 =	sand.u32 $0x4000, s31;
	s1 =	sadd.s32 s1, s30  }
0xbc: {  	s0 =	sor.u32 s3, s0;
	s1 =	sshll.u32 s1, $0x11  }
0xbd: {  	s0 =	sor.u32 s1, s0  }
0xbe: {  	s0 =	sadd.s32 $0x8F2B, s0  }
0xbf: {  	[sflag:s0] =	ssyncadd.remote.s32 $0x1  }
0xc0: {  	_ =	sfence.sel $0xFFFF  }
0xc1: {  	[dreg:$0x0] =	wrdreg $0xFFFFFFFF;
	(pc) =	sbr.abs _section_cstart, $3  }
0xc2: {  	[dreg:$0x1] =	wrdreg $0xFFFFFFFF  }
0xc3: {  	_ =	task.clear_ibuf [dreg:s8], $0x2FFFF;
	_ =	strace $0x9FFFFFFF  }
0xc4: {  	(tm) =	ssettm $0x7FFFFFFF  }
0xc5: {  	_ =	shalt  }
tec
execute0_lowered:
.L_overlay_start_1:
0x0: {  	(tag) =	ssettag $0x1  }
0x1: {  	s0 =	rddreg [dreg:$0x0]  }
0x2: {  	s1 =	rddreg [dreg:$0x1]  }
0x3: {  	s3 =	rddreg [dreg:$0x2];
	s2 =	srdreg.scid;
	s4 =	simm.s32 $0x0  }
0x4: {  	s5 =	stileid.u32;
	s17 =	simm.s32 $0x4;
	s31 =	simm.s32 $0xA00  }
0x5: {  	s19 =	simm.s32 $0x1;
	s20 =	simm.s32 $0x6200;
	s11 =	simm.s32 $0x7200  }
0x6: {  	s12 =	simm.s32 $0x7A00;
	s13 =	simm.s32 $0x8200;
	s16 =	simm.s32 $0x8A00  }
0x7: {  	s21 =	simm.s32 $0x9200;
	s9 =	simm.s32 $0xB200;
	s10 =	simm.s32 $0xBA00  }
0x8: {  	s2 =	sand.u32 $0x1, s2;
	[smem:$0x7FF] =	sst s4;
	s5 =	sshll.u32 s5, $0x8  }
0x9: {  	s22 =	sadd.s32 $0x400, s0;
	s0 =	sadd.s32 $0xC00, s0;
	s14 =	sadd.s32 $0x100, s1  }
0xa: {  	s15 =	sadd.s32 $0x200, s1;
	s6 =	sshll.u32 s2, $0x7;
	_ =	strace $0x80000047  }
0xb: {  	s2 =	ssub.s32 $0x2, s2;
	[dreg:$0x4] =	wrdreg s0;
	s8 =	sor.u32 s6, s5  }
0xc: {  	s23 =	sshrl.u32 s2, $0x1;
	s5 =	simm.s32 $0xAA00;
	s7 =	sshrl.u32 s8, $0x3  }
0xd: {  	s24 =	ssub.s32 s2, s23;
	s26 =	sor.u32 $0x1000, s8;
	s28 =	sor.u32 $0x2000, s8  }
0xe: {  	[dreg:$0x6] =	wrdreg s8;
	s8 =	sor.u32 $0x3000, s8;
	s23 =	simm.s32 $0x2  }
0xf: {  	s25 =	sadd.s32 s22, s7;
	[dreg:$0x7] =	wrdreg s26;
	s2 =	sshrl.u32 s26, $0x3  }
0x10: {  	s18 =	smov.u32 s28;
	s6 =	sshrl.u32 s28, $0x3;
	s7 =	smov.u32 s8  }
0x11: {  	s8 =	sshrl.u32 s8, $0x3;
	s0 =	smax.u32 s24, $0x1;
	[dreg:$0x5] =	wrdreg s25  }
0x12: {  	s24 =	simm.s32 $0x3;
	s2 =	sadd.s32 s22, s2;
	[dreg:$0xb] =	wrdreg s0  }
0x13: {  	v2 =	vlaneseq.u32;
	s29 =	sadd.s32 s22, s6;
	s30 =	sadd.s32 s22, s8;
	[dreg:$0x8] =	wrdreg s2  }
0x14: {  	vm0 =	vmmov $0xffff;
	v1 =	vshrl.u32 v2, $0x3;
	s22 =	simm.s32 $0x200;
	s6 =	simm.s32 $0x9A00;
	[dreg:$0x9] =	wrdreg s29  }
0x15: {  	v0 =	vand.u32 $0x7, v2;
	v2 =	vor.u32 $0x8, v2;
	v1 =	vmul.u32 $0x8, v1;
	s8 =	simm.s32 $0xA200;
	[dreg:$0xa] =	wrdreg s30;
	s2 =	simm.s32 $0x0  }
.LBB2_1:
0x16: {  	[dreg:$0xc] =	wrdreg s2  }
0x17: {  	s0 =	rddreg [dreg:$0x5]  }
0x18: {  	[tilespmem:s4], [sflag:$0x4] =	stream.linear.gather [hbm4b:s0+s4], $0x80, $0x38;
	[tilespmem:$0x12200] =	vst v63  }
0x19: {  	_ =	swait.ge [sflag:s17], $0x80  }
0x1a: {  	[sflag:s17] =	ssyncset.done $0x0  }
0x1b: {  	s25 =	simm.s32 $0x80;
	s2 =	rddreg [dreg:$0x8];
	[sflag:s17] =	ssyncadd.s32 $0xFFFFFF80  }
0x1c: {  	[tilespmem:s25], [sflag:$0x4] =	stream.linear.gather [hbm4b:s2+s4], $0x80, $0x38;
	[tilespmem:$0x12200] =	vst v63  }
0x1d: {  	_ =	swait.ge [sflag:s17], $0x80  }
0x1e: {  	[sflag:s17] =	ssyncset.done $0x0  }
0x1f: {  	s28 =	simm.s32 $0x100;
	s26 =	rddreg [dreg:$0x9];
	[sflag:s17] =	ssyncadd.s32 $0xFFFFFF80  }
0x20: {  	[tilespmem:s28], [sflag:$0x4] =	stream.linear.gather [hbm4b:s26+s4], $0x80, $0x38;
	[tilespmem:$0x12200] =	vst v63  }
0x21: {  	_ =	swait.ge [sflag:s17], $0x80  }
0x22: {  	[sflag:s17] =	ssyncset.done $0x0  }
0x23: {  	s30 =	simm.s32 $0x180;
	s29 =	rddreg [dreg:$0xa];
	[sflag:s17] =	ssyncadd.s32 $0xFFFFFF80  }
0x24: {  	[tilespmem:s30], [sflag:$0x4] =	stream.linear.gather [hbm4b:s29+s4], $0x80, $0x38;
	[tilespmem:$0x12200] =	vst v63  }
0x25: {  	_ =	swait.ge [sflag:s17], $0x80  }
0x26: {  	[sflag:s17] =	ssyncset.done $0x0  }
0x27: {  	s25 =	simm.s32 $0x0;
	[sflag:s17] =	ssyncadd.s32 $0xFFFFFF80  }
.LBB2_2:
0x28: {  	s26 =	sshll.u32 s25, $0x5;
	s0 =	rddreg [dreg:$0x6]  }
0x29: {  	s28 =	sor.u32 s0, s26  }
0x2a: {  	s28 =	sshrl.u32 s28, $0x3  }
0x2b: {  	s28 =	smul.u32 $0x300, s28  }
0x2c: {  	s2 =	rddreg [dreg:$0x4]  }
0x2d: {  	s29 =	sadd.s32 s2, s28;
	s2 =	simm.s32 $0xC200  }
0x2e: {  	[tilespmem:s2], [sflag:$0x4] =	stream.linear.gather [hbm4b:s29+s4], $0x6000, $0x38;
	[tilespmem:$0x12200] =	vst v63  }
0x2f: {  	_ =	swait.ge [sflag:s17], $0x6000  }
0x30: {  	p0 =	seq.s32 s25, $0x0;
	[sflag:s17] =	ssyncset.done $0x0  }
0x31: {  	s29 =	simm.s32 @!p0 $0x2;
	[sflag:s17] =	ssyncadd.s32 $0xFFFFA000  }
0x32: {  	_ =	swait.ge @!p0 [sflag:s29], $0x6000  }
0x33: {  	[sflag:s29] =	ssyncset.done @!p0 $0x0  }
0x34: {  	[sflag:s29] =	ssyncadd.s32 @!p0 $0xFFFFA000  }
0x35: {  	v3 =	vld [tilespmem:s26+$0x0];
	_ =	sdelay $0x4  }
0x36: {  	v4 =	vshrl.u32 v3, $0x3  }
0x37: {  	v4 =	vmul.u32 $0x30, v4  }
0x38: {  	v3 =	vand.u32 $0x7, v3  }
0x39: {  	v3 =	vor.u32 v3, v4  }
0x3a: {  	v4 =	vperm.xlane v3, v0;
	_ =	sdelay $0x1  }
0x3b: {  	v4 =	vadd.s32 v1, v4;
	_ =	sdelay $0x3  }
0x3c: {  	s30 =	simm.s32 $0x0;
	v3 =	vperm.xlane v3, v2  }
0x3d: {  	[tilespmem:s22], [sflag:$0x1] =	stream.indirect_vreg.gather [hbm4b:s1+s30], $0x80, v4, vm0, $0xb8;
	[tilespmem:$0x12200] =	vst v63  }
0x3e: {  	v3 =	vadd.s32 v1, v3  }
0x3f: {  	[tilespmem:s31], [sflag:$0x1] =	stream.indirect_vreg.gather [hbm4b:s14+s30], $0x80, v4, vm0, $0xb8;
	[tilespmem:$0x12200] =	vst v63  }
0x40: {  	s2 =	simm.s32 $0x1200  }
0x41: {  	[tilespmem:s2], [sflag:$0x1] =	stream.indirect_vreg.gather [hbm4b:s15+s30], $0x80, v4, vm0, $0xb8;
	[tilespmem:$0x12200] =	vst v63  }
0x42: {  	s2 =	simm.s32 $0x1A00  }
0x43: {  	[tilespmem:s2], [sflag:$0x1] =	stream.indirect_vreg.gather [hbm4b:s1+s30], $0x80, v3, vm0, $0xb8;
	[tilespmem:$0x12200] =	vst v63  }
0x44: {  	s2 =	simm.s32 $0x2200  }
0x45: {  	[tilespmem:s2], [sflag:$0x1] =	stream.indirect_vreg.gather [hbm4b:s14+s30], $0x80, v3, vm0, $0xb8;
	[tilespmem:$0x12200] =	vst v63  }
0x46: {  	s2 =	simm.s32 $0x2A00  }
0x47: {  	[tilespmem:s2], [sflag:$0x1] =	stream.indirect_vreg.gather [hbm4b:s15+s30], $0x80, v3, vm0, $0xb8;
	[tilespmem:$0x12200] =	vst v63  }
0x48: {  	v3 =	vld [tilespmem:s26+$0x10];
	_ =	sdelay $0x4  }
0x49: {  	v4 =	vshrl.u32 v3, $0x3  }
0x4a: {  	v4 =	vmul.u32 $0x30, v4  }
0x4b: {  	v3 =	vand.u32 $0x7, v3  }
0x4c: {  	v3 =	vor.u32 v3, v4  }
0x4d: {  	v4 =	vperm.xlane v3, v0;
	_ =	sdelay $0x1  }
0x4e: {  	v4 =	vadd.s32 v1, v4;
	_ =	sdelay $0x3  }
0x4f: {  	s2 =	simm.s32 $0x3200;
	v3 =	vperm.xlane v3, v2  }
0x50: {  	[tilespmem:s2], [sflag:$0x1] =	stream.indirect_vreg.gather [hbm4b:s1+s30], $0x80, v4, vm0, $0xb8;
	[tilespmem:$0x12200] =	vst v63  }
0x51: {  	v3 =	vadd.s32 v1, v3;
	s2 =	simm.s32 $0x3A00  }
0x52: {  	[tilespmem:s2], [sflag:$0x1] =	stream.indirect_vreg.gather [hbm4b:s14+s30], $0x80, v4, vm0, $0xb8;
	[tilespmem:$0x12200] =	vst v63  }
0x53: {  	s2 =	simm.s32 $0x4200  }
0x54: {  	[tilespmem:s2], [sflag:$0x1] =	stream.indirect_vreg.gather [hbm4b:s15+s30], $0x80, v4, vm0, $0xb8;
	[tilespmem:$0x12200] =	vst v63  }
0x55: {  	s2 =	simm.s32 $0x4A00  }
0x56: {  	[tilespmem:s2], [sflag:$0x1] =	stream.indirect_vreg.gather [hbm4b:s1+s30], $0x80, v3, vm0, $0xb8;
	[tilespmem:$0x12200] =	vst v63  }
0x57: {  	s2 =	simm.s32 $0x5200  }
0x58: {  	[tilespmem:s2], [sflag:$0x1] =	stream.indirect_vreg.gather [hbm4b:s14+s30], $0x80, v3, vm0, $0xb8;
	[tilespmem:$0x12200] =	vst v63  }
0x59: {  	s29 =	simm.s32 $0x0;
	s2 =	simm.s32 $0x5A00  }
0x5a: {  	[tilespmem:s2], [sflag:$0x1] =	stream.indirect_vreg.gather [hbm4b:s15+s30], $0x80, v3, vm0, $0xb8;
	[tilespmem:$0x12200] =	vst v63  }
0x5b: {  	s29 =	smul.u32 $0x1800, s29;
	_ =	swait.ge [sflag:s19], $0x6000  }
0x5c: {  	s31 =	sand.u32 $0x380, s30;
	[sflag:s19] =	ssyncset.done $0x0  }
0x5d: {  	s29 =	sor.u32 s31, s29;
	[sflag:s19] =	ssyncadd.s32 $0xFFFFA000  }
0x5e: {  	v5 =	vld [tilespmem:s29+$0xC200]  }
0x5f: {  	v24 =	vld [tilespmem:s29+$0xC210]  }
0x60: {  	v25 =	vld [tilespmem:s29+$0xC220]  }
0x61: {  	v26 =	vld [tilespmem:s29+$0xC230]  }
0x62: {  	v27 =	vld [tilespmem:s29+$0xC240]  }
0x63: {  	v28 =	vld [tilespmem:s29+$0xC250]  }
0x64: {  	v29 =	vld [tilespmem:s29+$0xC260]  }
0x65: {  	v30 =	vld [tilespmem:s29+$0xC270]  }
0x66: {  	v31 =	vld [tilespmem:s29+$0xC600]  }
0x67: {  	v32 =	vld [tilespmem:s29+$0xC610]  }
0x68: {  	v33 =	vld [tilespmem:s29+$0xC620]  }
0x69: {  	v34 =	vld [tilespmem:s29+$0xC630]  }
0x6a: {  	v35 =	vld [tilespmem:s29+$0xC640]  }
0x6b: {  	v36 =	vld [tilespmem:s29+$0xC650]  }
0x6c: {  	v37 =	vld [tilespmem:s29+$0xC660]  }
0x6d: {  	v38 =	vld [tilespmem:s29+$0xC670]  }
0x6e: {  	v39 =	vld [tilespmem:s29+$0xCA00]  }
0x6f: {  	v40 =	vld [tilespmem:s29+$0xCA10]  }
0x70: {  	v41 =	vld [tilespmem:s29+$0xCA20]  }
0x71: {  	v42 =	vld [tilespmem:s29+$0xCA30]  }
0x72: {  	v43 =	vld [tilespmem:s29+$0xCA40]  }
0x73: {  	v44 =	vld [tilespmem:s29+$0xCA50]  }
0x74: {  	v45 =	vld [tilespmem:s29+$0xCA60]  }
0x75: {  	v46 =	vld [tilespmem:s29+$0xCA70]  }
0x76: {  	v47 =	vld [tilespmem:s29+$0xCE00]  }
0x77: {  	v23 =	vld [tilespmem:s29+$0xCE10]  }
0x78: {  	v22 =	vld [tilespmem:s29+$0xCE20]  }
0x79: {  	v21 =	vld [tilespmem:s29+$0xCE30]  }
0x7a: {  	v20 =	vld [tilespmem:s29+$0xCE40]  }
0x7b: {  	v19 =	vld [tilespmem:s29+$0xCE50]  }
0x7c: {  	v18 =	vld [tilespmem:s29+$0xCE60]  }
0x7d: {  	v17 =	vld [tilespmem:s29+$0xCE70]  }
0x7e: {  	v16 =	vld [tilespmem:s29+$0xD200]  }
0x7f: {  	v15 =	vld [tilespmem:s29+$0xD210]  }
0x80: {  	v14 =	vld [tilespmem:s29+$0xD220]  }
0x81: {  	v13 =	vld [tilespmem:s29+$0xD230]  }
0x82: {  	v12 =	vld [tilespmem:s29+$0xD240]  }
0x83: {  	v11 =	vld [tilespmem:s29+$0xD250]  }
0x84: {  	v10 =	vld [tilespmem:s29+$0xD260]  }
0x85: {  	v9 =	vld [tilespmem:s29+$0xD270]  }
0x86: {  	v8 =	vld [tilespmem:s29+$0xD600]  }
0x87: {  	v7 =	vld [tilespmem:s29+$0xD610]  }
0x88: {  	v6 =	vld [tilespmem:s29+$0xD620]  }
0x89: {  	v4 =	vld [tilespmem:s29+$0xD630]  }
0x8a: {  	v3 =	vld [tilespmem:s29+$0xD640]  }
0x8b: {  	v48 =	vld [tilespmem:s29+$0x200]  }
0x8c: {  	v49 =	vld [tilespmem:s29+$0x210]  }
0x8d: {  	v50 =	vld [tilespmem:s29+$0x220]  }
0x8e: {  	v51 =	vld [tilespmem:s29+$0x230]  }
0x8f: {  	v52 =	vld [tilespmem:s29+$0x240]  }
0x90: {  	v53 =	vld [tilespmem:s29+$0x250]  }
0x91: {  	v54 =	vld [tilespmem:s29+$0x260];
	v48 =	vmul.f32 $2.771281240e+01, v48  }
0x92: {  	v55 =	vld [tilespmem:s29+$0x270];
	v49 =	vmul.f32 $2.771281240e+01, v49  }
0x93: {  	v59 =	vld [tilespmem:s29+$0x610];
	v50 =	vmul.f32 $2.771281240e+01, v50;
	v48 =	vadd.f32 v5, v48  }
0x94: {  	v63 =	vmul.f32 $2.771281240e+01, v51;
	v51 =	vld [tilespmem:s29+$0x600];
	v24 =	vadd.f32 v24, v49  }
0x95: {  	v56 =	vmul.f32 $2.771281240e+01, v52;
	v58 =	vmul.f32 $2.771281240e+01, v53;
	v53 =	vld [tilespmem:s29+$0x630];
	v25 =	vadd.f32 v25, v50;
	[tilespmem:s29+$0x200] =	vst v48  }
0x96: {  	v61 =	vmul.f32 $2.771281240e+01, v54;
	v54 =	vld [tilespmem:s29+$0x640];
	v57 =	vadd.f32 v26, v63;
	[tilespmem:s29+$0x210] =	vst v24  }
0x97: {  	v5 =	vld [tilespmem:s29+$0xD650];
	v60 =	vadd.f32 v27, v56;
	[tilespmem:s29+$0x220] =	vst v25  }
0x98: {  	v62 =	vadd.f32 v28, v58;
	v63 =	vmul.f32 $2.771281240e+01, v55;
	v55 =	vmul.f32 $2.771281240e+01, v59;
	v59 =	vld [tilespmem:s29+$0x660];
	[tilespmem:s29+$0x230] =	vst v57  }
0x99: {  	v50 =	vadd.f32 v29, v61;
	v61 =	vld [tilespmem:s29+$0x670];
	[tilespmem:s29+$0x240] =	vst v60  }
0x9a: {  	v56 =	vld [tilespmem:s29+$0xA00];
	[tilespmem:s29+$0x250] =	vst v62;
	v52 =	vadd.f32 v30, v63;
	v51 =	vmul.f32 $2.771281240e+01, v51  }
0x9b: {  	v48 =	vld [tilespmem:s29+$0x620];
	[tilespmem:s29+$0x260] =	vst v50;
	v29 =	vadd.f32 v32, v55;
	v26 =	vmul.f32 $2.771281240e+01, v53  }
0x9c: {  	v57 =	vld [tilespmem:s29+$0x650];
	v25 =	vmul.f32 $2.771281240e+01, v54;
	[tilespmem:s29+$0x270] =	vst v52;
	v27 =	vadd.f32 v31, v51  }
0x9d: {  	v58 =	vld [tilespmem:s29+$0xA10];
	[tilespmem:s29+$0x610] =	vst v29;
	v26 =	vadd.f32 v34, v26;
	v31 =	vmul.f32 $2.771281240e+01, v59  }
0x9e: {  	v60 =	vld [tilespmem:s29+$0xA20];
	v25 =	vadd.f32 v35, v25;
	v32 =	vmul.f32 $2.771281240e+01, v61;
	[tilespmem:s29+$0x600] =	vst v27  }
0x9f: {  	v63 =	vld [tilespmem:s29+$0xA40];
	v24 =	vmul.f32 $2.771281240e+01, v56;
	[tilespmem:s29+$0x630] =	vst v26;
	v31 =	vadd.f32 v37, v31  }
0xa0: {  	v55 =	vld [tilespmem:s29+$0xE40];
	v28 =	vmul.f32 $2.771281240e+01, v48;
	[tilespmem:s29+$0x640] =	vst v25;
	v32 =	vadd.f32 v38, v32  }
0xa1: {  	v50 =	vld [tilespmem:s29+$0xA70];
	v30 =	vmul.f32 $2.771281240e+01, v57;
	v24 =	vadd.f32 v39, v24;
	[tilespmem:s29+$0x660] =	vst v31  }
0xa2: {  	v52 =	vld [tilespmem:s29+$0xE10];
	v27 =	vmul.f32 $2.771281240e+01, v58;
	v28 =	vadd.f32 v33, v28;
	[tilespmem:s29+$0x670] =	vst v32  }
0xa3: {  	v51 =	vld [tilespmem:s29+$0xE00];
	v29 =	vmul.f32 $2.771281240e+01, v60;
	v30 =	vadd.f32 v36, v30;
	[tilespmem:s29+$0xA00] =	vst v24  }
0xa4: {  	v53 =	vld [tilespmem:s29+$0xE20];
	v26 =	vmul.f32 $2.771281240e+01, v63;
	v27 =	vadd.f32 v40, v27;
	[tilespmem:s29+$0x620] =	vst v28  }
0xa5: {  	v48 =	vld [tilespmem:s29+$0xA50];
	v61 =	vmul.f32 $2.771281240e+01, v55;
	v29 =	vadd.f32 v41, v29;
	[tilespmem:s29+$0x650] =	vst v30  }
0xa6: {  	v54 =	vld [tilespmem:s29+$0xE30];
	v26 =	vadd.f32 v43, v26;
	v31 =	vmul.f32 $2.771281240e+01, v50;
	[tilespmem:s29+$0xA10] =	vst v27  }
0xa7: {  	v56 =	vld [tilespmem:s29+$0xE50];
	v24 =	vmul.f32 $2.771281240e+01, v52;
	v20 =	vadd.f32 v20, v61;
	[tilespmem:s29+$0xA20] =	vst v29  }
0xa8: {  	v62 =	vld [tilespmem:s29+$0xA30];
	v32 =	vmul.f32 $2.771281240e+01, v51;
	[tilespmem:s29+$0xA40] =	vst v26;
	v31 =	vadd.f32 v46, v31  }
0xa9: {  	v57 =	vld [tilespmem:s29+$0xE60];
	v27 =	vmul.f32 $2.771281240e+01, v53;
	v23 =	vadd.f32 v23, v24;
	[tilespmem:s29+$0xE40] =	vst v20  }
0xaa: {  	v49 =	vld [tilespmem:s29+$0xA60];
	v25 =	vmul.f32 $2.771281240e+01, v48;
	v32 =	vadd.f32 v47, v32;
	[tilespmem:s29+$0xA70] =	vst v31  }
0xab: {  	v59 =	vld [tilespmem:s29+$0x1200];
	v29 =	vmul.f32 $2.771281240e+01, v54;
	v22 =	vadd.f32 v22, v27;
	[tilespmem:s29+$0xE10] =	vst v23  }
0xac: {  	v58 =	vld [tilespmem:s29+$0xE70];
	v26 =	vmul.f32 $2.771281240e+01, v56;
	v25 =	vadd.f32 v44, v25;
	[tilespmem:s29+$0xE00] =	vst v32  }
0xad: {  	v60 =	vld [tilespmem:s29+$0x1210];
	v28 =	vmul.f32 $2.771281240e+01, v62;
	v21 =	vadd.f32 v21, v29;
	[tilespmem:s29+$0xE20] =	vst v22  }
0xae: {  	v23 =	vld [tilespmem:s29+$0x1220];
	v19 =	vadd.f32 v19, v26;
	[tilespmem:s29+$0xA50] =	vst v25;
	v25 =	vmul.f32 $2.771281240e+01, v57  }
0xaf: {  	v30 =	vmul.f32 $2.771281240e+01, v49;
	v28 =	vadd.f32 v42, v28;
	v22 =	vld [tilespmem:s29+$0x1230];
	[tilespmem:s29+$0xE30] =	vst v21  }
0xb0: {  	v21 =	vld [tilespmem:s29+$0x1240];
	[tilespmem:s29+$0xE50] =	vst v19;
	v19 =	vmul.f32 $2.771281240e+01, v59;
	v18 =	vadd.f32 v18, v25  }
0xb1: {  	v20 =	vld [tilespmem:s29+$0x1250];
	v62 =	vmul.f32 $2.771281240e+01, v58;
	v30 =	vadd.f32 v45, v30;
	[tilespmem:s29+$0xA30] =	vst v28  }
0xb2: {  	v63 =	vld [tilespmem:s29+$0x1260];
	v19 =	vadd.f32 v16, v19;
	[tilespmem:s29+$0xE60] =	vst v18;
	v18 =	vmul.f32 $2.771281240e+01, v60  }
0xb3: {  	v26 =	vadd.f32 v17, v62;
	v17 =	vld [tilespmem:s29+$0x1270];
	[tilespmem:s29+$0xA60] =	vst v30;
	v23 =	vmul.f32 $2.771281240e+01, v23  }
0xb4: {  	v16 =	vld [tilespmem:s29+$0x1600];
	[tilespmem:s29+$0x1200] =	vst v19;
	v19 =	vmul.f32 $2.771281240e+01, v22;
	v18 =	vadd.f32 v15, v18  }
0xb5: {  	[tilespmem:s29+$0xE70] =	vst v26;
	v22 =	vadd.f32 v14, v23;
	v21 =	vmul.f32 $2.771281240e+01, v21;
	v15 =	vld [tilespmem:s29+$0x1610]  }
0xb6: {  	v14 =	vld [tilespmem:s29+$0x1620];
	[tilespmem:s29+$0x1210] =	vst v18;
	v18 =	vadd.f32 v13, v19;
	v19 =	vmul.f32 $2.771281240e+01, v20  }
0xb7: {  	s31 =	simm.s32 $0x1;
	[tilespmem:s29+$0x1220] =	vst v22;
	v20 =	vadd.f32 v12, v21;
	v13 =	vmul.f32 $2.771281240e+01, v63;
	v12 =	vld [tilespmem:s29+$0x1630]  }
.LBB2_3:
0xb8: {  	p1 =	sne.s32 s31, $0x1F;
	[tilespmem:s29+$0x1230] =	vst v18;
	v11 =	vadd.f32 v11, v19;
	v17 =	vmul.f32 $2.771281240e+01, v17;
	v18 =	vld [tilespmem:s29+$0x1640]  }
0xb9: {  	[tilespmem:s29+$0x1240] =	vst v20;
	v10 =	vadd.f32 v10, v13;
	v13 =	vmul.f32 $2.771281240e+01, v16;
	v16 =	vld [tilespmem:s29+$0x1650]  }
0xba: {  	s0 =	sshrl.u32 s31, $0x3;
	[tilespmem:s29+$0x1250] =	vst v11;
	v9 =	vadd.f32 v9, v17;
	v11 =	vmul.f32 $2.771281240e+01, v15;
	v15 =	vld [tilespmem:s29+$0x1660]  }
0xbb: {  	s30 =	sadd.s32 $0x80, s30;
	s0 =	smul.u32 $0x1800, s0;
	[tilespmem:s29+$0x1260] =	vst v10;
	v8 =	vadd.f32 v8, v13;
	v10 =	vmul.f32 $2.771281240e+01, v14;
	v13 =	vld [tilespmem:s29+$0x1670]  }
0xbc: {  	s2 =	sand.u32 $0x380, s30;
	[tilespmem:s29+$0x1270] =	vst v9;
	v7 =	vadd.f32 v7, v11;
	v9 =	vmul.f32 $2.771281240e+01, v12;
	v11 =	vld [tilespmem:s29+$0xD660]  }
0xbd: {  	s0 =	sor.u32 s2, s0;
	[tilespmem:s29+$0x1600] =	vst v8;
	v6 =	vadd.f32 v6, v10;
	v8 =	vmul.f32 $2.771281240e+01, v18;
	v10 =	vld [tilespmem:s29+$0xD670]  }
0xbe: {  	v41 =	vld [tilespmem:s0+$0xC200];
	[tilespmem:s29+$0x1610] =	vst v7;
	v4 =	vadd.f32 v4, v9;
	v7 =	vmul.f32 $2.771281240e+01, v16  }
0xbf: {  	v42 =	vld [tilespmem:s0+$0xC210];
	[tilespmem:s29+$0x1620] =	vst v6;
	v3 =	vadd.f32 v3, v8;
	v6 =	vmul.f32 $2.771281240e+01, v15  }
0xc0: {  	v43 =	vld [tilespmem:s0+$0xC220];
	[tilespmem:s29+$0x1630] =	vst v4;
	v4 =	vadd.f32 v5, v7;
	v5 =	vmul.f32 $2.771281240e+01, v13  }
0xc1: {  	v44 =	vld [tilespmem:s0+$0xC230];
	[tilespmem:s29+$0x1640] =	vst v3;
	v3 =	vadd.f32 v11, v6  }
0xc2: {  	v45 =	vld [tilespmem:s0+$0xC240];
	[tilespmem:s29+$0x1650] =	vst v4;
	v4 =	vadd.f32 v10, v5  }
0xc3: {  	v46 =	vld [tilespmem:s0+$0xC250];
	[tilespmem:s29+$0x1660] =	vst v3  }
0xc4: {  	v47 =	vld [tilespmem:s0+$0xC260];
	[tilespmem:s29+$0x1670] =	vst v4;
	s29 =	smov.u32 s0  }
0xc5: {  	v48 =	vld [tilespmem:s29+$0xC270]  }
0xc6: {  	v40 =	vld [tilespmem:s29+$0xC600]  }
0xc7: {  	v39 =	vld [tilespmem:s29+$0xC610]  }
0xc8: {  	v38 =	vld [tilespmem:s29+$0xC620]  }
0xc9: {  	v37 =	vld [tilespmem:s29+$0xC630]  }
0xca: {  	v36 =	vld [tilespmem:s29+$0xC640]  }
0xcb: {  	v35 =	vld [tilespmem:s29+$0xC650]  }
0xcc: {  	v34 =	vld [tilespmem:s29+$0xC660]  }
0xcd: {  	v33 =	vld [tilespmem:s29+$0xC670]  }
0xce: {  	v32 =	vld [tilespmem:s29+$0xCA00]  }
0xcf: {  	v31 =	vld [tilespmem:s29+$0xCA10]  }
0xd0: {  	v30 =	vld [tilespmem:s29+$0xCA20]  }
0xd1: {  	v29 =	vld [tilespmem:s29+$0xCA30]  }
0xd2: {  	v28 =	vld [tilespmem:s29+$0xCA40]  }
0xd3: {  	v27 =	vld [tilespmem:s29+$0xCA50]  }
0xd4: {  	v26 =	vld [tilespmem:s29+$0xCA60]  }
0xd5: {  	v25 =	vld [tilespmem:s29+$0xCA70]  }
0xd6: {  	v24 =	vld [tilespmem:s29+$0xCE00]  }
0xd7: {  	v23 =	vld [tilespmem:s29+$0xCE10]  }
0xd8: {  	v22 =	vld [tilespmem:s29+$0xCE20]  }
0xd9: {  	v21 =	vld [tilespmem:s29+$0xCE30]  }
0xda: {  	v20 =	vld [tilespmem:s29+$0xCE40]  }
0xdb: {  	v19 =	vld [tilespmem:s29+$0xCE50]  }
0xdc: {  	v18 =	vld [tilespmem:s29+$0xCE60]  }
0xdd: {  	v17 =	vld [tilespmem:s29+$0xCE70]  }
0xde: {  	v16 =	vld [tilespmem:s29+$0xD200]  }
0xdf: {  	v15 =	vld [tilespmem:s29+$0xD210]  }
0xe0: {  	v14 =	vld [tilespmem:s29+$0xD220]  }
0xe1: {  	v13 =	vld [tilespmem:s29+$0xD230]  }
0xe2: {  	v12 =	vld [tilespmem:s29+$0xD240]  }
0xe3: {  	v11 =	vld [tilespmem:s29+$0xD250]  }
0xe4: {  	v10 =	vld [tilespmem:s29+$0xD260]  }
0xe5: {  	v9 =	vld [tilespmem:s29+$0xD270]  }
0xe6: {  	v8 =	vld [tilespmem:s29+$0xD600]  }
0xe7: {  	v7 =	vld [tilespmem:s29+$0xD610]  }
0xe8: {  	v6 =	vld [tilespmem:s29+$0xD620]  }
0xe9: {  	v4 =	vld [tilespmem:s29+$0xD630]  }
0xea: {  	v3 =	vld [tilespmem:s29+$0xD640]  }
0xeb: {  	v5 =	vld [tilespmem:s29+$0xD650]  }
0xec: {  	v49 =	vld [tilespmem:s29+$0x200]  }
0xed: {  	v50 =	vld [tilespmem:s29+$0x210]  }
0xee: {  	v51 =	vld [tilespmem:s29+$0x220]  }
0xef: {  	v52 =	vld [tilespmem:s29+$0x230]  }
0xf0: {  	v53 =	vld [tilespmem:s29+$0x240]  }
0xf1: {  	v49 =	vmul.f32 $2.771281240e+01, v49;
	v54 =	vld [tilespmem:s29+$0x250]  }
0xf2: {  	v50 =	vmul.f32 $2.771281240e+01, v50;
	v55 =	vld [tilespmem:s29+$0x260]  }
0xf3: {  	v41 =	vadd.f32 v41, v49;
	v49 =	vmul.f32 $2.771281240e+01, v51;
	v51 =	vld [tilespmem:s29+$0x270]  }
0xf4: {  	v42 =	vadd.f32 v42, v50;
	v50 =	vmul.f32 $2.771281240e+01, v52;
	v52 =	vld [tilespmem:s29+$0x600]  }
0xf5: {  	[tilespmem:s29+$0x200] =	vst v41;
	v41 =	vadd.f32 v43, v49;
	v43 =	vmul.f32 $2.771281240e+01, v53;
	v49 =	vld [tilespmem:s29+$0x610]  }
0xf6: {  	[tilespmem:s29+$0x210] =	vst v42;
	v42 =	vadd.f32 v44, v50;
	v44 =	vmul.f32 $2.771281240e+01, v54;
	v50 =	vld [tilespmem:s29+$0x620]  }
0xf7: {  	[tilespmem:s29+$0x220] =	vst v41;
	v41 =	vadd.f32 v45, v43;
	v43 =	vmul.f32 $2.771281240e+01, v55;
	v45 =	vld [tilespmem:s29+$0x630]  }
0xf8: {  	[tilespmem:s29+$0x230] =	vst v42;
	v42 =	vadd.f32 v46, v44;
	v44 =	vmul.f32 $2.771281240e+01, v51;
	v46 =	vld [tilespmem:s29+$0x640]  }
0xf9: {  	[tilespmem:s29+$0x240] =	vst v41;
	v41 =	vadd.f32 v47, v43;
	v43 =	vmul.f32 $2.771281240e+01, v52;
	v47 =	vld [tilespmem:s29+$0x650]  }
0xfa: {  	[tilespmem:s29+$0x250] =	vst v42;
	v42 =	vadd.f32 v48, v44;
	v44 =	vmul.f32 $2.771281240e+01, v49;
	v48 =	vld [tilespmem:s29+$0x660]  }
0xfb: {  	[tilespmem:s29+$0x260] =	vst v41;
	v40 =	vadd.f32 v40, v43;
	v41 =	vmul.f32 $2.771281240e+01, v50;
	v43 =	vld [tilespmem:s29+$0x670]  }
0xfc: {  	[tilespmem:s29+$0x270] =	vst v42;
	v39 =	vadd.f32 v39, v44;
	v42 =	vmul.f32 $2.771281240e+01, v45;
	v44 =	vld [tilespmem:s29+$0xA00]  }
0xfd: {  	[tilespmem:s29+$0x600] =	vst v40;
	v38 =	vadd.f32 v38, v41;
	v40 =	vmul.f32 $2.771281240e+01, v46;
	v41 =	vld [tilespmem:s29+$0xA10]  }
0xfe: {  	[tilespmem:s29+$0x610] =	vst v39;
	v37 =	vadd.f32 v37, v42;
	v39 =	vmul.f32 $2.771281240e+01, v47;
	v42 =	vld [tilespmem:s29+$0xA20]  }
0xff: {  	[tilespmem:s29+$0x620] =	vst v38;
	v36 =	vadd.f32 v36, v40;
	v38 =	vmul.f32 $2.771281240e+01, v48;
	v40 =	vld [tilespmem:s29+$0xA30]  }
0x100: {  	[tilespmem:s29+$0x630] =	vst v37;
	v35 =	vadd.f32 v35, v39;
	v37 =	vmul.f32 $2.771281240e+01, v43;
	v39 =	vld [tilespmem:s29+$0xA40]  }
0x101: {  	[tilespmem:s29+$0x640] =	vst v36;
	v34 =	vadd.f32 v34, v38;
	v36 =	vmul.f32 $2.771281240e+01, v44;
	v38 =	vld [tilespmem:s29+$0xA50]  }
0x102: {  	[tilespmem:s29+$0x650] =	vst v35;
	v33 =	vadd.f32 v33, v37;
	v35 =	vmul.f32 $2.771281240e+01, v41;
	v37 =	vld [tilespmem:s29+$0xA60]  }
0x103: {  	[tilespmem:s29+$0x660] =	vst v34;
	v32 =	vadd.f32 v32, v36;
	v34 =	vmul.f32 $2.771281240e+01, v42;
	v36 =	vld [tilespmem:s29+$0xA70]  }
0x104: {  	[tilespmem:s29+$0x670] =	vst v33;
	v31 =	vadd.f32 v31, v35;
	v33 =	vmul.f32 $2.771281240e+01, v40;
	v35 =	vld [tilespmem:s29+$0xE00]  }
0x105: {  	[tilespmem:s29+$0xA00] =	vst v32;
	v30 =	vadd.f32 v30, v34;
	v32 =	vmul.f32 $2.771281240e+01, v39;
	v34 =	vld [tilespmem:s29+$0xE10]  }
0x106: {  	[tilespmem:s29+$0xA10] =	vst v31;
	v29 =	vadd.f32 v29, v33;
	v31 =	vmul.f32 $2.771281240e+01, v38;
	v33 =	vld [tilespmem:s29+$0xE20]  }
0x107: {  	[tilespmem:s29+$0xA20] =	vst v30;
	v28 =	vadd.f32 v28, v32;
	v30 =	vmul.f32 $2.771281240e+01, v37;
	v32 =	vld [tilespmem:s29+$0xE30]  }
0x108: {  	[tilespmem:s29+$0xA30] =	vst v29;
	v27 =	vadd.f32 v27, v31;
	v29 =	vmul.f32 $2.771281240e+01, v36;
	v31 =	vld [tilespmem:s29+$0xE40]  }
0x109: {  	[tilespmem:s29+$0xA40] =	vst v28;
	v26 =	vadd.f32 v26, v30;
	v28 =	vmul.f32 $2.771281240e+01, v35;
	v30 =	vld [tilespmem:s29+$0xE50]  }
0x10a: {  	[tilespmem:s29+$0xA50] =	vst v27;
	v25 =	vadd.f32 v25, v29;
	v27 =	vmul.f32 $2.771281240e+01, v34;
	v29 =	vld [tilespmem:s29+$0xE60]  }
0x10b: {  	[tilespmem:s29+$0xA60] =	vst v26;
	v24 =	vadd.f32 v24, v28;
	v26 =	vmul.f32 $2.771281240e+01, v33;
	v28 =	vld [tilespmem:s29+$0xE70]  }
0x10c: {  	[tilespmem:s29+$0xA70] =	vst v25;
	v23 =	vadd.f32 v23, v27;
	v25 =	vmul.f32 $2.771281240e+01, v32;
	v27 =	vld [tilespmem:s29+$0x1200]  }
0x10d: {  	[tilespmem:s29+$0xE00] =	vst v24;
	v22 =	vadd.f32 v22, v26;
	v24 =	vmul.f32 $2.771281240e+01, v31;
	v26 =	vld [tilespmem:s29+$0x1210]  }
0x10e: {  	[tilespmem:s29+$0xE10] =	vst v23;
	v21 =	vadd.f32 v21, v25;
	v23 =	vmul.f32 $2.771281240e+01, v30;
	v25 =	vld [tilespmem:s29+$0x1220]  }
0x10f: {  	[tilespmem:s29+$0xE20] =	vst v22;
	v20 =	vadd.f32 v20, v24;
	v22 =	vmul.f32 $2.771281240e+01, v29;
	v24 =	vld [tilespmem:s29+$0x1230]  }
0x110: {  	[tilespmem:s29+$0xE30] =	vst v21;
	v19 =	vadd.f32 v19, v23;
	v21 =	vmul.f32 $2.771281240e+01, v28;
	v23 =	vld [tilespmem:s29+$0x1240]  }
0x111: {  	[tilespmem:s29+$0xE40] =	vst v20;
	v18 =	vadd.f32 v18, v22;
	v20 =	vmul.f32 $2.771281240e+01, v27;
	v22 =	vld [tilespmem:s29+$0x1250]  }
0x112: {  	[tilespmem:s29+$0xE50] =	vst v19;
	v19 =	vadd.f32 v17, v21;
	v21 =	vmul.f32 $2.771281240e+01, v26;
	v26 =	vld [tilespmem:s29+$0x1260]  }
.Ltmp0:
0x113: {  	[tilespmem:s29+$0xE60] =	vst v18;
	v18 =	vadd.f32 v16, v20;
	v20 =	vmul.f32 $2.771281240e+01, v25;
	v17 =	vld [tilespmem:s29+$0x1270];
	(pc) =	sbr.rel @p1 .LBB2_3-.Ltmp0, $4  }
0x114: {  	[tilespmem:s29+$0xE70] =	vst v19;
	v19 =	vadd.f32 v15, v21;
	v21 =	vmul.f32 $2.771281240e+01, v24;
	v16 =	vld [tilespmem:s29+$0x1600]  }
0x115: {  	[tilespmem:s29+$0x1200] =	vst v18;
	v20 =	vadd.f32 v14, v20;
	v23 =	vmul.f32 $2.771281240e+01, v23;
	v15 =	vld [tilespmem:s29+$0x1610]  }
0x116: {  	[tilespmem:s29+$0x1210] =	vst v19;
	v18 =	vadd.f32 v13, v21;
	v19 =	vmul.f32 $2.771281240e+01, v22;
	v14 =	vld [tilespmem:s29+$0x1620]  }
0x117: {  	s31 =	sadd.s32 $0x1, s31;
	[tilespmem:s29+$0x1220] =	vst v20;
	v20 =	vadd.f32 v12, v23;
	v13 =	vmul.f32 $2.771281240e+01, v26;
	v12 =	vld [tilespmem:s29+$0x1630]  }
0x118: {  	v11 =	vadd.f32 v11, v19;
	v17 =	vmul.f32 $2.771281240e+01, v17  }
0x119: {  	[tilespmem:s29+$0x1230] =	vst v18;
	v18 =	vld [tilespmem:s29+$0x1640];
	v10 =	vadd.f32 v10, v13  }
0x11a: {  	v19 =	vld [tilespmem:s29+$0x1650];
	v13 =	vmul.f32 $2.771281240e+01, v16;
	[tilespmem:s29+$0x1250] =	vst v11;
	v9 =	vadd.f32 v9, v17  }
0x11b: {  	v11 =	vld [tilespmem:s29+$0x1660];
	v15 =	vmul.f32 $2.771281240e+01, v15;
	[tilespmem:s29+$0x1260] =	vst v10  }
0x11c: {  	v10 =	vld [tilespmem:s29+$0x1670];
	v8 =	vadd.f32 v8, v13;
	[tilespmem:s29+$0x1270] =	vst v9;
	v9 =	vmul.f32 $2.771281240e+01, v14  }
0x11d: {  	[tilespmem:s29+$0x1240] =	vst v20;
	v13 =	vld [tilespmem:s29+$0xD660];
	v7 =	vadd.f32 v7, v15;
	v12 =	vmul.f32 $2.771281240e+01, v12  }
0x11e: {  	[tilespmem:s29+$0x1600] =	vst v8;
	v8 =	vmul.f32 $2.771281240e+01, v18;
	v6 =	vadd.f32 v6, v9;
	v9 =	vld [tilespmem:s29+$0xD670]  }
0x11f: {  	[tilespmem:s29+$0x1610] =	vst v7;
	v4 =	vadd.f32 v4, v12;
	v7 =	vmul.f32 $2.771281240e+01, v19  }
0x120: {  	v3 =	vadd.f32 v3, v8;
	[tilespmem:s29+$0x1620] =	vst v6;
	v6 =	vmul.f32 $2.771281240e+01, v11  }
0x121: {  	[tilespmem:s29+$0x1630] =	vst v4;
	v4 =	vadd.f32 v5, v7;
	v5 =	vmul.f32 $2.771281240e+01, v10  }
0x122: {  	[tilespmem:s29+$0x1640] =	vst v3;
	v3 =	vadd.f32 v13, v6  }
0x123: {  	[tilespmem:s29+$0x1650] =	vst v4;
	v4 =	vadd.f32 v9, v5  }
0x124: {  	[tilespmem:s29+$0x1660] =	vst v3  }
0x125: {  	s0 =	sadd.s32 s3, s28;
	[tilespmem:s29+$0x1670] =	vst v4  }
0x126: {  	[hbm4b:s0+s4] =	stream.linear.scatter [tilespmem:s22], [sflag:$0x2], $0x6000, $0x38;
	[tilespmem:$0x12200] =	vst v63  }
0x127: {  	s0 =	simm.s32 @!p0 $0x3  }
0x128: {  	_ =	swait.ge @!p0 [sflag:s0], $0x6000  }
0x129: {  	[sflag:s0] =	ssyncset.done @!p0 $0x0  }
0x12a: {  	[sflag:s0] =	ssyncadd.s32 @!p0 $0xFFFFA000  }
0x12b: {  	v3 =	vld [tilespmem:s26+$0x80];
	_ =	sdelay $0x4  }
0x12c: {  	v4 =	vshrl.u32 v3, $0x3  }
0x12d: {  	v4 =	vmul.u32 $0x30, v4  }
0x12e: {  	v3 =	vand.u32 $0x7, v3  }
0x12f: {  	v3 =	vor.u32 v3, v4  }
0x130: {  	v4 =	vperm.xlane v3, v0;
	_ =	sdelay $0x1  }
0x131: {  	v4 =	vadd.s32 v1, v4;
	_ =	sdelay $0x3  }
0x132: {  	s29 =	simm.s32 $0x0;
	v3 =	vperm.xlane v3, v2  }
0x133: {  	[tilespmem:s20], [sflag:$0x1] =	stream.indirect_vreg.gather [hbm4b:s1+s29], $0x80, v4, vm0, $0xb8;
	[tilespmem:$0x12200] =	vst v63  }
0x134: {  	s2 =	simm.s32 $0x6A00;
	v3 =	vadd.s32 v1, v3  }
0x135: {  	[tilespmem:s2], [sflag:$0x1] =	stream.indirect_vreg.gather [hbm4b:s14+s29], $0x80, v4, vm0, $0xb8;
	[tilespmem:$0x12200] =	vst v63  }
0x136: {  	_ = 	snop  }
0x137: {  	[tilespmem:s11], [sflag:$0x1] =	stream.indirect_vreg.gather [hbm4b:s15+s29], $0x80, v4, vm0, $0xb8;
	[tilespmem:$0x12200] =	vst v63  }
0x138: {  	_ = 	snop  }
0x139: {  	[tilespmem:s12], [sflag:$0x1] =	stream.indirect_vreg.gather [hbm4b:s1+s29], $0x80, v3, vm0, $0xb8;
	[tilespmem:$0x12200] =	vst v63  }
0x13a: {  	_ = 	snop  }
0x13b: {  	[tilespmem:s13], [sflag:$0x1] =	stream.indirect_vreg.gather [hbm4b:s14+s29], $0x80, v3, vm0, $0xb8;
	[tilespmem:$0x12200] =	vst v63  }
0x13c: {  	_ = 	snop  }
0x13d: {  	[tilespmem:s16], [sflag:$0x1] =	stream.indirect_vreg.gather [hbm4b:s15+s29], $0x80, v3, vm0, $0xb8;
	[tilespmem:$0x12200] =	vst v63  }
0x13e: {  	v3 =	vld [tilespmem:s26+$0x90];
	_ =	sdelay $0x4  }
0x13f: {  	v4 =	vshrl.u32 v3, $0x3  }
0x140: {  	v4 =	vmul.u32 $0x30, v4  }
0x141: {  	v3 =	vand.u32 $0x7, v3  }
0x142: {  	v3 =	vor.u32 v3, v4  }
0x143: {  	v4 =	vperm.xlane v3, v0;
	_ =	sdelay $0x1  }
0x144: {  	v4 =	vadd.s32 v1, v4;
	_ =	sdelay $0x3  }
0x145: {  	v3 =	vperm.xlane v3, v2  }
0x146: {  	[tilespmem:s21], [sflag:$0x1] =	stream.indirect_vreg.gather [hbm4b:s1+s29], $0x80, v4, vm0, $0xb8;
	[tilespmem:$0x12200] =	vst v63  }
0x147: {  	v3 =	vadd.s32 v1, v3  }
0x148: {  	[tilespmem:s6], [sflag:$0x1] =	stream.indirect_vreg.gather [hbm4b:s14+s29], $0x80, v4, vm0, $0xb8;
	[tilespmem:$0x12200] =	vst v63  }
0x149: {  	_ = 	snop  }
0x14a: {  	[tilespmem:s8], [sflag:$0x1] =	stream.indirect_vreg.gather [hbm4b:s15+s29], $0x80, v4, vm0, $0xb8;
	[tilespmem:$0x12200] =	vst v63  }
0x14b: {  	_ = 	snop  }
0x14c: {  	[tilespmem:s5], [sflag:$0x1] =	stream.indirect_vreg.gather [hbm4b:s1+s29], $0x80, v3, vm0, $0xb8;
	[tilespmem:$0x12200] =	vst v63  }
0x14d: {  	_ = 	snop  }
0x14e: {  	[tilespmem:s9], [sflag:$0x1] =	stream.indirect_vreg.gather [hbm4b:s14+s29], $0x80, v3, vm0, $0xb8;
	[tilespmem:$0x12200] =	vst v63  }
0x14f: {  	s31 =	simm.s32 $0x0  }
0x150: {  	[tilespmem:s10], [sflag:$0x1] =	stream.indirect_vreg.gather [hbm4b:s15+s29], $0x80, v3, vm0, $0xb8;
	[tilespmem:$0x12200] =	vst v63  }
0x151: {  	s0 =	smul.u32 $0x1800, s31;
	_ =	swait.ge [sflag:s19], $0x6000  }
0x152: {  	s2 =	sand.u32 $0x380, s29;
	[sflag:s19] =	ssyncset.done $0x0  }
0x153: {  	s28 =	sor.u32 s2, s0;
	[sflag:s19] =	ssyncadd.s32 $0xFFFFA000  }
0x154: {  	v24 =	vld [tilespmem:s28+$0xC200]  }
0x155: {  	v25 =	vld [tilespmem:s28+$0xC210]  }
0x156: {  	v26 =	vld [tilespmem:s28+$0xC220]  }
0x157: {  	v27 =	vld [tilespmem:s28+$0xC230]  }
0x158: {  	v28 =	vld [tilespmem:s28+$0xC240]  }
0x159: {  	v29 =	vld [tilespmem:s28+$0xC250]  }
0x15a: {  	v30 =	vld [tilespmem:s28+$0xC260]  }
0x15b: {  	v31 =	vld [tilespmem:s28+$0xC270]  }
0x15c: {  	v32 =	vld [tilespmem:s28+$0xC600]  }
0x15d: {  	v33 =	vld [tilespmem:s28+$0xC610]  }
0x15e: {  	v34 =	vld [tilespmem:s28+$0xC620]  }
0x15f: {  	v35 =	vld [tilespmem:s28+$0xC630]  }
0x160: {  	v36 =	vld [tilespmem:s28+$0xC640]  }
0x161: {  	v37 =	vld [tilespmem:s28+$0xC650]  }
0x162: {  	v38 =	vld [tilespmem:s28+$0xC660]  }
0x163: {  	v39 =	vld [tilespmem:s28+$0xC670]  }
0x164: {  	v40 =	vld [tilespmem:s28+$0xCA00]  }
0x165: {  	v41 =	vld [tilespmem:s28+$0xCA10]  }
0x166: {  	v42 =	vld [tilespmem:s28+$0xCA20]  }
0x167: {  	v43 =	vld [tilespmem:s28+$0xCA30]  }
0x168: {  	v44 =	vld [tilespmem:s28+$0xCA40]  }
0x169: {  	v45 =	vld [tilespmem:s28+$0xCA50]  }
0x16a: {  	v46 =	vld [tilespmem:s28+$0xCA60]  }
0x16b: {  	v47 =	vld [tilespmem:s28+$0xCA70]  }
0x16c: {  	v48 =	vld [tilespmem:s28+$0xCE00]  }
0x16d: {  	v23 =	vld [tilespmem:s28+$0xCE10]  }
0x16e: {  	v22 =	vld [tilespmem:s28+$0xCE20]  }
0x16f: {  	v21 =	vld [tilespmem:s28+$0xCE30]  }
0x170: {  	v20 =	vld [tilespmem:s28+$0xCE40]  }
0x171: {  	v19 =	vld [tilespmem:s28+$0xCE50]  }
0x172: {  	v18 =	vld [tilespmem:s28+$0xCE60]  }
0x173: {  	v17 =	vld [tilespmem:s28+$0xCE70]  }
0x174: {  	v16 =	vld [tilespmem:s28+$0xD200]  }
0x175: {  	v15 =	vld [tilespmem:s28+$0xD210]  }
0x176: {  	v14 =	vld [tilespmem:s28+$0xD220]  }
0x177: {  	v13 =	vld [tilespmem:s28+$0xD230]  }
0x178: {  	v12 =	vld [tilespmem:s28+$0xD240]  }
0x179: {  	v11 =	vld [tilespmem:s28+$0xD250]  }
0x17a: {  	v10 =	vld [tilespmem:s28+$0xD260]  }
0x17b: {  	v9 =	vld [tilespmem:s28+$0xD270]  }
0x17c: {  	v8 =	vld [tilespmem:s28+$0xD600]  }
0x17d: {  	v7 =	vld [tilespmem:s28+$0xD610]  }
0x17e: {  	v6 =	vld [tilespmem:s28+$0xD620]  }
0x17f: {  	v49 =	vld [tilespmem:s28+$0x6200]  }
0x180: {  	v5 =	vld [tilespmem:s28+$0xD630]  }
0x181: {  	v50 =	vld [tilespmem:s28+$0x6210]  }
0x182: {  	v4 =	vld [tilespmem:s28+$0xD640]  }
0x183: {  	v51 =	vld [tilespmem:s28+$0x6220]  }
0x184: {  	v52 =	vld [tilespmem:s28+$0x6230]  }
0x185: {  	v53 =	vld [tilespmem:s28+$0x6240]  }
0x186: {  	v59 =	vld [tilespmem:s28+$0x6600]  }
0x187: {  	v54 =	vld [tilespmem:s28+$0x6250];
	v49 =	vmul.f32 $2.771281240e+01, v49  }
0x188: {  	v60 =	vld [tilespmem:s28+$0x6260];
	v50 =	vmul.f32 $2.771281240e+01, v50  }
0x189: {  	v61 =	vld [tilespmem:s28+$0x6270];
	v51 =	vmul.f32 $2.771281240e+01, v51;
	v24 =	vadd.f32 v24, v49  }
0x18a: {  	v62 =	vld [tilespmem:s28+$0x6630];
	v52 =	vmul.f32 $2.771281240e+01, v52;
	v25 =	vadd.f32 v25, v50  }
0x18b: {  	v56 =	vld [tilespmem:s28+$0x6640];
	v53 =	vmul.f32 $2.771281240e+01, v53;
	v26 =	vadd.f32 v26, v51;
	[tilespmem:s28+$0x6200] =	vst v24  }
0x18c: {  	v57 =	vld [tilespmem:s28+$0x6650];
	v63 =	vmul.f32 $2.771281240e+01, v54;
	v27 =	vadd.f32 v27, v52;
	[tilespmem:s28+$0x6210] =	vst v25  }
0x18d: {  	v58 =	vld [tilespmem:s28+$0x6660];
	v28 =	vadd.f32 v28, v53;
	v50 =	vmul.f32 $2.771281240e+01, v60;
	[tilespmem:s28+$0x6220] =	vst v26  }
0x18e: {  	v55 =	vld [tilespmem:s28+$0x6E50];
	v29 =	vadd.f32 v29, v63;
	v51 =	vmul.f32 $2.771281240e+01, v61;
	[tilespmem:s28+$0x6230] =	vst v27  }
0x18f: {  	v49 =	vmul.f32 $2.771281240e+01, v59;
	v59 =	vld [tilespmem:s28+$0x6670];
	[tilespmem:s28+$0x6240] =	vst v28;
	v30 =	vadd.f32 v30, v50  }
0x190: {  	v60 =	vld [tilespmem:s28+$0x6A00];
	[tilespmem:s28+$0x6250] =	vst v29;
	v31 =	vadd.f32 v31, v51;
	v26 =	vmul.f32 $2.771281240e+01, v62  }
0x191: {  	v61 =	vld [tilespmem:s28+$0x6A10];
	v32 =	vadd.f32 v32, v49;
	v27 =	vmul.f32 $2.771281240e+01, v56;
	[tilespmem:s28+$0x6260] =	vst v30  }
0x192: {  	v54 =	vld [tilespmem:s28+$0x6E40];
	v28 =	vmul.f32 $2.771281240e+01, v57;
	[tilespmem:s28+$0x6270] =	vst v31;
	v26 =	vadd.f32 v35, v26  }
0x193: {  	v24 =	vld [tilespmem:s28+$0x6610];
	v29 =	vmul.f32 $2.771281240e+01, v58;
	[tilespmem:s28+$0x6600] =	vst v32;
	v27 =	vadd.f32 v36, v27  }
0x194: {  	v25 =	vld [tilespmem:s28+$0x6620];
	v28 =	vadd.f32 v37, v28;
	v30 =	vmul.f32 $2.771281240e+01, v59;
	[tilespmem:s28+$0x6630] =	vst v26  }
0x195: {  	v49 =	vld [tilespmem:s28+$0x6A70];
	v29 =	vadd.f32 v38, v29;
	v31 =	vmul.f32 $2.771281240e+01, v60;
	[tilespmem:s28+$0x6640] =	vst v27  }
0x196: {  	v56 =	vld [tilespmem:s28+$0x6E60];
	v32 =	vmul.f32 $2.771281240e+01, v61;
	[tilespmem:s28+$0x6650] =	vst v28;
	v30 =	vadd.f32 v39, v30  }
0x197: {  	v36 =	vld [tilespmem:s28+$0x6A40];
	v60 =	vmul.f32 $2.771281240e+01, v55;
	[tilespmem:s28+$0x6660] =	vst v29;
	v31 =	vadd.f32 v40, v31  }
0x198: {  	v37 =	vld [tilespmem:s28+$0x6A50];
	v24 =	vmul.f32 $2.771281240e+01, v24;
	v32 =	vadd.f32 v41, v32;
	[tilespmem:s28+$0x6670] =	vst v30  }
0x199: {  	v62 =	vld [tilespmem:s28+$0x6A20];
	v25 =	vmul.f32 $2.771281240e+01, v25;
	v19 =	vadd.f32 v19, v60;
	[tilespmem:s28+$0x6A00] =	vst v31  }
0x19a: {  	v63 =	vld [tilespmem:s28+$0x6A30];
	v29 =	vmul.f32 $2.771281240e+01, v49;
	v24 =	vadd.f32 v33, v24;
	[tilespmem:s28+$0x6A10] =	vst v32  }
0x19b: {  	v51 =	vld [tilespmem:s28+$0x6E10];
	v61 =	vmul.f32 $2.771281240e+01, v56;
	v25 =	vadd.f32 v34, v25;
	[tilespmem:s28+$0x6E50] =	vst v19  }
0x19c: {  	v52 =	vld [tilespmem:s28+$0x6E20];
	v26 =	vmul.f32 $2.771281240e+01, v36;
	v29 =	vadd.f32 v47, v29;
	[tilespmem:s28+$0x6610] =	vst v24  }
0x19d: {  	v53 =	vld [tilespmem:s28+$0x6E30];
	v27 =	vmul.f32 $2.771281240e+01, v37;
	v18 =	vadd.f32 v18, v61;
	[tilespmem:s28+$0x6620] =	vst v25  }
0x19e: {  	v50 =	vld [tilespmem:s28+$0x6E00];
	v24 =	vmul.f32 $2.771281240e+01, v62;
	v26 =	vadd.f32 v44, v26;
	[tilespmem:s28+$0x6A70] =	vst v29  }
0x19f: {  	v38 =	vld [tilespmem:s28+$0x6A60];
	v25 =	vmul.f32 $2.771281240e+01, v63;
	v27 =	vadd.f32 v45, v27;
	[tilespmem:s28+$0x6E60] =	vst v18  }
0x1a0: {  	v57 =	vld [tilespmem:s28+$0x6E70];
	v31 =	vmul.f32 $2.771281240e+01, v51;
	v24 =	vadd.f32 v42, v24;
	[tilespmem:s28+$0x6A40] =	vst v26  }
0x1a1: {  	v58 =	vld [tilespmem:s28+$0x7200];
	v32 =	vmul.f32 $2.771281240e+01, v52;
	v25 =	vadd.f32 v43, v25;
	[tilespmem:s28+$0x6A50] =	vst v27  }
0x1a2: {  	v59 =	vld [tilespmem:s28+$0x7210];
	v23 =	vadd.f32 v23, v31;
	[tilespmem:s28+$0x6A20] =	vst v24;
	v24 =	vmul.f32 $2.771281240e+01, v53  }
0x1a3: {  	v3 =	vld [tilespmem:s28+$0xD650];
	v22 =	vadd.f32 v22, v32;
	[tilespmem:s28+$0x6A30] =	vst v25;
	v25 =	vmul.f32 $2.771281240e+01, v54  }
0x1a4: {  	v28 =	vmul.f32 $2.771281240e+01, v38;
	[tilespmem:s28+$0x6E10] =	vst v23;
	v23 =	vld [tilespmem:s28+$0x7220];
	v21 =	vadd.f32 v21, v24  }
0x1a5: {  	v30 =	vmul.f32 $2.771281240e+01, v50;
	[tilespmem:s28+$0x6E20] =	vst v22;
	v22 =	vld [tilespmem:s28+$0x7230];
	v20 =	vadd.f32 v20, v25  }
0x1a6: {  	v19 =	vmul.f32 $2.771281240e+01, v58;
	v28 =	vadd.f32 v46, v28;
	[tilespmem:s28+$0x6E30] =	vst v21;
	v21 =	vld [tilespmem:s28+$0x7240]  }
0x1a7: {  	v30 =	vadd.f32 v48, v30;
	v62 =	vmul.f32 $2.771281240e+01, v57;
	v18 =	vmul.f32 $2.771281240e+01, v59;
	[tilespmem:s28+$0x6E40] =	vst v20;
	v20 =	vld [tilespmem:s28+$0x7250]  }
0x1a8: {  	v63 =	vld [tilespmem:s28+$0x7260];
	v19 =	vadd.f32 v16, v19;
	[tilespmem:s28+$0x6A60] =	vst v28  }
0x1a9: {  	[tilespmem:s28+$0x6E00] =	vst v30;
	v18 =	vadd.f32 v15, v18;
	v24 =	vadd.f32 v17, v62;
	v17 =	vld [tilespmem:s28+$0x7270];
	v23 =	vmul.f32 $2.771281240e+01, v23  }
0x1aa: {  	v16 =	vld [tilespmem:s28+$0x7600];
	[tilespmem:s28+$0x7200] =	vst v19;
	v19 =	vmul.f32 $2.771281240e+01, v22  }
0x1ab: {  	v15 =	vld [tilespmem:s28+$0x7610];
	[tilespmem:s28+$0x7210] =	vst v18;
	v22 =	vadd.f32 v14, v23;
	v21 =	vmul.f32 $2.771281240e+01, v21  }
0x1ac: {  	[tilespmem:s28+$0x6E70] =	vst v24;
	v14 =	vld [tilespmem:s28+$0x7620];
	v18 =	vadd.f32 v13, v19;
	v19 =	vmul.f32 $2.771281240e+01, v20  }
0x1ad: {  	s30 =	simm.s32 $0x1;
	v13 =	vmul.f32 $2.771281240e+01, v63;
	[tilespmem:s28+$0x7220] =	vst v22;
	v20 =	vadd.f32 v12, v21;
	v12 =	vld [tilespmem:s28+$0x7630]  }
.LBB2_5:
0x1ae: {  	p0 =	sne.s32 s30, $0x1F;
	[tilespmem:s28+$0x7230] =	vst v18;
	v11 =	vadd.f32 v11, v19;
	v17 =	vmul.f32 $2.771281240e+01, v17;
	v18 =	vld [tilespmem:s28+$0x7640]  }
0x1af: {  	[tilespmem:s28+$0x7240] =	vst v20;
	v10 =	vadd.f32 v10, v13;
	v13 =	vmul.f32 $2.771281240e+01, v16;
	v16 =	vld [tilespmem:s28+$0x7650]  }
0x1b0: {  	s0 =	sshrl.u32 s30, $0x3;
	[tilespmem:s28+$0x7250] =	vst v11;
	v9 =	vadd.f32 v9, v17;
	v11 =	vmul.f32 $2.771281240e+01, v15;
	v15 =	vld [tilespmem:s28+$0x7660]  }
0x1b1: {  	s29 =	sadd.s32 $0x80, s29;
	s0 =	smul.u32 $0x1800, s0;
	[tilespmem:s28+$0x7260] =	vst v10;
	v8 =	vadd.f32 v8, v13;
	v10 =	vmul.f32 $2.771281240e+01, v14;
	v13 =	vld [tilespmem:s28+$0x7670]  }
0x1b2: {  	s2 =	sand.u32 $0x380, s29;
	[tilespmem:s28+$0x7270] =	vst v9;
	v7 =	vadd.f32 v7, v11;
	v9 =	vmul.f32 $2.771281240e+01, v12;
	v11 =	vld [tilespmem:s28+$0xD660]  }
0x1b3: {  	s0 =	sor.u32 s2, s0;
	[tilespmem:s28+$0x7600] =	vst v8;
	v6 =	vadd.f32 v6, v10;
	v8 =	vmul.f32 $2.771281240e+01, v18;
	v10 =	vld [tilespmem:s28+$0xD670]  }
0x1b4: {  	v41 =	vld [tilespmem:s0+$0xC200];
	[tilespmem:s28+$0x7610] =	vst v7;
	v5 =	vadd.f32 v5, v9;
	v7 =	vmul.f32 $2.771281240e+01, v16  }
0x1b5: {  	v42 =	vld [tilespmem:s0+$0xC210];
	[tilespmem:s28+$0x7620] =	vst v6;
	v4 =	vadd.f32 v4, v8;
	v6 =	vmul.f32 $2.771281240e+01, v15  }
0x1b6: {  	v43 =	vld [tilespmem:s0+$0xC220];
	[tilespmem:s28+$0x7630] =	vst v5;
	v3 =	vadd.f32 v3, v7;
	v5 =	vmul.f32 $2.771281240e+01, v13  }
0x1b7: {  	v44 =	vld [tilespmem:s0+$0xC230];
	[tilespmem:s28+$0x7640] =	vst v4;
	v4 =	vadd.f32 v11, v6  }
0x1b8: {  	v45 =	vld [tilespmem:s0+$0xC240];
	[tilespmem:s28+$0x7650] =	vst v3;
	v3 =	vadd.f32 v10, v5  }
0x1b9: {  	v46 =	vld [tilespmem:s0+$0xC250];
	[tilespmem:s28+$0x7660] =	vst v4  }
0x1ba: {  	v47 =	vld [tilespmem:s0+$0xC260];
	[tilespmem:s28+$0x7670] =	vst v3;
	s28 =	smov.u32 s0  }
0x1bb: {  	v48 =	vld [tilespmem:s28+$0xC270]  }
0x1bc: {  	v40 =	vld [tilespmem:s28+$0xC600]  }
0x1bd: {  	v39 =	vld [tilespmem:s28+$0xC610]  }
0x1be: {  	v38 =	vld [tilespmem:s28+$0xC620]  }
0x1bf: {  	v37 =	vld [tilespmem:s28+$0xC630]  }
0x1c0: {  	v36 =	vld [tilespmem:s28+$0xC640]  }
0x1c1: {  	v35 =	vld [tilespmem:s28+$0xC650]  }
0x1c2: {  	v34 =	vld [tilespmem:s28+$0xC660]  }
0x1c3: {  	v33 =	vld [tilespmem:s28+$0xC670]  }
0x1c4: {  	v32 =	vld [tilespmem:s28+$0xCA00]  }
0x1c5: {  	v31 =	vld [tilespmem:s28+$0xCA10]  }
0x1c6: {  	v30 =	vld [tilespmem:s28+$0xCA20]  }
0x1c7: {  	v29 =	vld [tilespmem:s28+$0xCA30]  }
0x1c8: {  	v28 =	vld [tilespmem:s28+$0xCA40]  }
0x1c9: {  	v27 =	vld [tilespmem:s28+$0xCA50]  }
0x1ca: {  	v26 =	vld [tilespmem:s28+$0xCA60]  }
0x1cb: {  	v25 =	vld [tilespmem:s28+$0xCA70]  }
0x1cc: {  	v24 =	vld [tilespmem:s28+$0xCE00]  }
0x1cd: {  	v23 =	vld [tilespmem:s28+$0xCE10]  }
0x1ce: {  	v22 =	vld [tilespmem:s28+$0xCE20]  }
0x1cf: {  	v21 =	vld [tilespmem:s28+$0xCE30]  }
0x1d0: {  	v20 =	vld [tilespmem:s28+$0xCE40]  }
0x1d1: {  	v19 =	vld [tilespmem:s28+$0xCE50]  }
0x1d2: {  	v18 =	vld [tilespmem:s28+$0xCE60]  }
0x1d3: {  	v17 =	vld [tilespmem:s28+$0xCE70]  }
0x1d4: {  	v16 =	vld [tilespmem:s28+$0xD200]  }
0x1d5: {  	v15 =	vld [tilespmem:s28+$0xD210]  }
0x1d6: {  	v14 =	vld [tilespmem:s28+$0xD220]  }
0x1d7: {  	v13 =	vld [tilespmem:s28+$0xD230]  }
0x1d8: {  	v12 =	vld [tilespmem:s28+$0xD240]  }
0x1d9: {  	v11 =	vld [tilespmem:s28+$0xD250]  }
0x1da: {  	v10 =	vld [tilespmem:s28+$0xD260]  }
0x1db: {  	v9 =	vld [tilespmem:s28+$0xD270]  }
0x1dc: {  	v8 =	vld [tilespmem:s28+$0xD600]  }
0x1dd: {  	v7 =	vld [tilespmem:s28+$0xD610]  }
0x1de: {  	v6 =	vld [tilespmem:s28+$0xD620]  }
0x1df: {  	v5 =	vld [tilespmem:s28+$0xD630]  }
0x1e0: {  	v4 =	vld [tilespmem:s28+$0xD640]  }
0x1e1: {  	v3 =	vld [tilespmem:s28+$0xD650]  }
0x1e2: {  	v49 =	vld [tilespmem:s28+$0x6200]  }
0x1e3: {  	v50 =	vld [tilespmem:s28+$0x6210]  }
0x1e4: {  	v51 =	vld [tilespmem:s28+$0x6220]  }
0x1e5: {  	v52 =	vld [tilespmem:s28+$0x6230]  }
0x1e6: {  	v53 =	vld [tilespmem:s28+$0x6240]  }
0x1e7: {  	v49 =	vmul.f32 $2.771281240e+01, v49;
	v54 =	vld [tilespmem:s28+$0x6250]  }
0x1e8: {  	v50 =	vmul.f32 $2.771281240e+01, v50;
	v55 =	vld [tilespmem:s28+$0x6260]  }
0x1e9: {  	v41 =	vadd.f32 v41, v49;
	v49 =	vmul.f32 $2.771281240e+01, v51;
	v51 =	vld [tilespmem:s28+$0x6270]  }
0x1ea: {  	v42 =	vadd.f32 v42, v50;
	v50 =	vmul.f32 $2.771281240e+01, v52;
	v52 =	vld [tilespmem:s28+$0x6600]  }
0x1eb: {  	[tilespmem:s28+$0x6200] =	vst v41;
	v41 =	vadd.f32 v43, v49;
	v43 =	vmul.f32 $2.771281240e+01, v53;
	v49 =	vld [tilespmem:s28+$0x6610]  }
0x1ec: {  	[tilespmem:s28+$0x6210] =	vst v42;
	v42 =	vadd.f32 v44, v50;
	v44 =	vmul.f32 $2.771281240e+01, v54;
	v50 =	vld [tilespmem:s28+$0x6620]  }
0x1ed: {  	[tilespmem:s28+$0x6220] =	vst v41;
	v41 =	vadd.f32 v45, v43;
	v43 =	vmul.f32 $2.771281240e+01, v55;
	v45 =	vld [tilespmem:s28+$0x6630]  }
0x1ee: {  	[tilespmem:s28+$0x6230] =	vst v42;
	v42 =	vadd.f32 v46, v44;
	v44 =	vmul.f32 $2.771281240e+01, v51;
	v46 =	vld [tilespmem:s28+$0x6640]  }
0x1ef: {  	[tilespmem:s28+$0x6240] =	vst v41;
	v41 =	vadd.f32 v47, v43;
	v43 =	vmul.f32 $2.771281240e+01, v52;
	v47 =	vld [tilespmem:s28+$0x6650]  }
0x1f0: {  	[tilespmem:s28+$0x6250] =	vst v42;
	v42 =	vadd.f32 v48, v44;
	v44 =	vmul.f32 $2.771281240e+01, v49;
	v48 =	vld [tilespmem:s28+$0x6660]  }
0x1f1: {  	[tilespmem:s28+$0x6260] =	vst v41;
	v40 =	vadd.f32 v40, v43;
	v41 =	vmul.f32 $2.771281240e+01, v50;
	v43 =	vld [tilespmem:s28+$0x6670]  }
0x1f2: {  	[tilespmem:s28+$0x6270] =	vst v42;
	v39 =	vadd.f32 v39, v44;
	v42 =	vmul.f32 $2.771281240e+01, v45;
	v44 =	vld [tilespmem:s28+$0x6A00]  }
0x1f3: {  	[tilespmem:s28+$0x6600] =	vst v40;
	v38 =	vadd.f32 v38, v41;
	v40 =	vmul.f32 $2.771281240e+01, v46;
	v41 =	vld [tilespmem:s28+$0x6A10]  }
0x1f4: {  	[tilespmem:s28+$0x6610] =	vst v39;
	v37 =	vadd.f32 v37, v42;
	v39 =	vmul.f32 $2.771281240e+01, v47;
	v42 =	vld [tilespmem:s28+$0x6A20]  }
0x1f5: {  	[tilespmem:s28+$0x6620] =	vst v38;
	v36 =	vadd.f32 v36, v40;
	v38 =	vmul.f32 $2.771281240e+01, v48;
	v40 =	vld [tilespmem:s28+$0x6A30]  }
0x1f6: {  	[tilespmem:s28+$0x6630] =	vst v37;
	v35 =	vadd.f32 v35, v39;
	v37 =	vmul.f32 $2.771281240e+01, v43;
	v39 =	vld [tilespmem:s28+$0x6A40]  }
0x1f7: {  	[tilespmem:s28+$0x6640] =	vst v36;
	v34 =	vadd.f32 v34, v38;
	v36 =	vmul.f32 $2.771281240e+01, v44;
	v38 =	vld [tilespmem:s28+$0x6A50]  }
0x1f8: {  	[tilespmem:s28+$0x6650] =	vst v35;
	v33 =	vadd.f32 v33, v37;
	v35 =	vmul.f32 $2.771281240e+01, v41;
	v37 =	vld [tilespmem:s28+$0x6A60]  }
0x1f9: {  	[tilespmem:s28+$0x6660] =	vst v34;
	v32 =	vadd.f32 v32, v36;
	v34 =	vmul.f32 $2.771281240e+01, v42;
	v36 =	vld [tilespmem:s28+$0x6A70]  }
0x1fa: {  	[tilespmem:s28+$0x6670] =	vst v33;
	v31 =	vadd.f32 v31, v35;
	v33 =	vmul.f32 $2.771281240e+01, v40;
	v35 =	vld [tilespmem:s28+$0x6E00]  }
0x1fb: {  	[tilespmem:s28+$0x6A00] =	vst v32;
	v30 =	vadd.f32 v30, v34;
	v32 =	vmul.f32 $2.771281240e+01, v39;
	v34 =	vld [tilespmem:s28+$0x6E10]  }
0x1fc: {  	[tilespmem:s28+$0x6A10] =	vst v31;
	v29 =	vadd.f32 v29, v33;
	v31 =	vmul.f32 $2.771281240e+01, v38;
	v33 =	vld [tilespmem:s28+$0x6E20]  }
0x1fd: {  	[tilespmem:s28+$0x6A20] =	vst v30;
	v28 =	vadd.f32 v28, v32;
	v30 =	vmul.f32 $2.771281240e+01, v37;
	v32 =	vld [tilespmem:s28+$0x6E30]  }
0x1fe: {  	[tilespmem:s28+$0x6A30] =	vst v29;
	v27 =	vadd.f32 v27, v31;
	v29 =	vmul.f32 $2.771281240e+01, v36;
	v31 =	vld [tilespmem:s28+$0x6E40]  }
0x1ff: {  	[tilespmem:s28+$0x6A40] =	vst v28;
	v26 =	vadd.f32 v26, v30;
	v28 =	vmul.f32 $2.771281240e+01, v35;
	v30 =	vld [tilespmem:s28+$0x6E50]  }
0x200: {  	[tilespmem:s28+$0x6A50] =	vst v27;
	v25 =	vadd.f32 v25, v29;
	v27 =	vmul.f32 $2.771281240e+01, v34;
	v29 =	vld [tilespmem:s28+$0x6E60]  }
0x201: {  	[tilespmem:s28+$0x6A60] =	vst v26;
	v24 =	vadd.f32 v24, v28;
	v26 =	vmul.f32 $2.771281240e+01, v33;
	v28 =	vld [tilespmem:s28+$0x6E70]  }
0x202: {  	[tilespmem:s28+$0x6A70] =	vst v25;
	v23 =	vadd.f32 v23, v27;
	v25 =	vmul.f32 $2.771281240e+01, v32;
	v27 =	vld [tilespmem:s28+$0x7200]  }
0x203: {  	[tilespmem:s28+$0x6E00] =	vst v24;
	v22 =	vadd.f32 v22, v26;
	v24 =	vmul.f32 $2.771281240e+01, v31;
	v26 =	vld [tilespmem:s28+$0x7210]  }
0x204: {  	[tilespmem:s28+$0x6E10] =	vst v23;
	v21 =	vadd.f32 v21, v25;
	v23 =	vmul.f32 $2.771281240e+01, v30;
	v25 =	vld [tilespmem:s28+$0x7220]  }
0x205: {  	[tilespmem:s28+$0x6E20] =	vst v22;
	v20 =	vadd.f32 v20, v24;
	v22 =	vmul.f32 $2.771281240e+01, v29;
	v24 =	vld [tilespmem:s28+$0x7230]  }
0x206: {  	[tilespmem:s28+$0x6E30] =	vst v21;
	v19 =	vadd.f32 v19, v23;
	v21 =	vmul.f32 $2.771281240e+01, v28;
	v23 =	vld [tilespmem:s28+$0x7240]  }
0x207: {  	[tilespmem:s28+$0x6E40] =	vst v20;
	v18 =	vadd.f32 v18, v22;
	v20 =	vmul.f32 $2.771281240e+01, v27;
	v22 =	vld [tilespmem:s28+$0x7250]  }
0x208: {  	[tilespmem:s28+$0x6E50] =	vst v19;
	v19 =	vadd.f32 v17, v21;
	v21 =	vmul.f32 $2.771281240e+01, v26;
	v26 =	vld [tilespmem:s28+$0x7260]  }
.Ltmp1:
0x209: {  	[tilespmem:s28+$0x6E60] =	vst v18;
	v18 =	vadd.f32 v16, v20;
	v20 =	vmul.f32 $2.771281240e+01, v25;
	v17 =	vld [tilespmem:s28+$0x7270];
	(pc) =	sbr.rel @p0 .LBB2_5-.Ltmp1, $4  }
0x20a: {  	[tilespmem:s28+$0x6E70] =	vst v19;
	v19 =	vadd.f32 v15, v21;
	v21 =	vmul.f32 $2.771281240e+01, v24;
	v16 =	vld [tilespmem:s28+$0x7600]  }
0x20b: {  	[tilespmem:s28+$0x7200] =	vst v18;
	v20 =	vadd.f32 v14, v20;
	v23 =	vmul.f32 $2.771281240e+01, v23;
	v15 =	vld [tilespmem:s28+$0x7610]  }
0x20c: {  	[tilespmem:s28+$0x7210] =	vst v19;
	v18 =	vadd.f32 v13, v21;
	v19 =	vmul.f32 $2.771281240e+01, v22;
	v14 =	vld [tilespmem:s28+$0x7620]  }
0x20d: {  	s30 =	sadd.s32 $0x1, s30;
	[tilespmem:s28+$0x7220] =	vst v20;
	v20 =	vadd.f32 v12, v23;
	v13 =	vmul.f32 $2.771281240e+01, v26;
	v12 =	vld [tilespmem:s28+$0x7630]  }
0x20e: {  	v11 =	vadd.f32 v11, v19;
	v17 =	vmul.f32 $2.771281240e+01, v17  }
0x20f: {  	[tilespmem:s28+$0x7230] =	vst v18;
	v18 =	vld [tilespmem:s28+$0x7640];
	v10 =	vadd.f32 v10, v13  }
0x210: {  	v19 =	vld [tilespmem:s28+$0x7650];
	v13 =	vmul.f32 $2.771281240e+01, v16;
	[tilespmem:s28+$0x7250] =	vst v11;
	v9 =	vadd.f32 v9, v17  }
0x211: {  	v11 =	vld [tilespmem:s28+$0x7660];
	v15 =	vmul.f32 $2.771281240e+01, v15;
	[tilespmem:s28+$0x7260] =	vst v10  }
0x212: {  	v10 =	vld [tilespmem:s28+$0x7670];
	v8 =	vadd.f32 v8, v13;
	[tilespmem:s28+$0x7270] =	vst v9;
	v9 =	vmul.f32 $2.771281240e+01, v14  }
0x213: {  	[tilespmem:s28+$0x7240] =	vst v20;
	v13 =	vld [tilespmem:s28+$0xD660];
	v7 =	vadd.f32 v7, v15;
	v12 =	vmul.f32 $2.771281240e+01, v12  }
0x214: {  	[tilespmem:s28+$0x7600] =	vst v8;
	v8 =	vmul.f32 $2.771281240e+01, v18;
	v6 =	vadd.f32 v6, v9;
	v9 =	vld [tilespmem:s28+$0xD670]  }
0x215: {  	[tilespmem:s28+$0x7610] =	vst v7;
	v5 =	vadd.f32 v5, v12;
	v7 =	vmul.f32 $2.771281240e+01, v19  }
0x216: {  	s0 =	rddreg [dreg:$0x7];
	v4 =	vadd.f32 v4, v8;
	[tilespmem:s28+$0x7620] =	vst v6;
	v6 =	vmul.f32 $2.771281240e+01, v11  }
0x217: {  	s0 =	sor.u32 s0, s26;
	[tilespmem:s28+$0x7630] =	vst v5;
	v3 =	vadd.f32 v3, v7;
	v5 =	vmul.f32 $2.771281240e+01, v10  }
0x218: {  	s0 =	sshrl.u32 s0, $0x3;
	[tilespmem:s28+$0x7640] =	vst v4;
	v4 =	vadd.f32 v13, v6  }
0x219: {  	s0 =	smul.u32 $0x300, s0;
	[tilespmem:s28+$0x7650] =	vst v3;
	v3 =	vadd.f32 v9, v5  }
0x21a: {  	[tilespmem:s28+$0x7660] =	vst v4  }
0x21b: {  	s29 =	simm.s32 $0x0;
	s0 =	sadd.s32 s3, s0;
	[tilespmem:s28+$0x7670] =	vst v3  }
0x21c: {  	[hbm4b:s0+s29] =	stream.linear.scatter [tilespmem:s20], [sflag:$0x3], $0x6000, $0x38;
	[tilespmem:$0x12200] =	vst v63  }
0x21d: {  	_ =	swait.ge [sflag:s23], $0x6000  }
0x21e: {  	[sflag:s23] =	ssyncset.done $0x0  }
0x21f: {  	[sflag:s23] =	ssyncadd.s32 $0xFFFFA000  }
0x220: {  	v3 =	vld [tilespmem:s26+$0x100];
	_ =	sdelay $0x4  }
0x221: {  	v4 =	vshrl.u32 v3, $0x3  }
0x222: {  	v4 =	vmul.u32 $0x30, v4  }
0x223: {  	v3 =	vand.u32 $0x7, v3  }
0x224: {  	v3 =	vor.u32 v3, v4  }
0x225: {  	v4 =	vperm.xlane v3, v0;
	_ =	sdelay $0x1  }
0x226: {  	v4 =	vadd.s32 v1, v4;
	_ =	sdelay $0x3  }
0x227: {  	v3 =	vperm.xlane v3, v2  }
0x228: {  	[tilespmem:s22], [sflag:$0x1] =	stream.indirect_vreg.gather [hbm4b:s1+s29], $0x80, v4, vm0, $0xb8;
	[tilespmem:$0x12200] =	vst v63  }
0x229: {  	s31 =	simm.s32 $0xA00;
	v3 =	vadd.s32 v1, v3  }
0x22a: {  	[tilespmem:s31], [sflag:$0x1] =	stream.indirect_vreg.gather [hbm4b:s14+s29], $0x80, v4, vm0, $0xb8;
	[tilespmem:$0x12200] =	vst v63  }
0x22b: {  	s2 =	simm.s32 $0x1200  }
0x22c: {  	[tilespmem:s2], [sflag:$0x1] =	stream.indirect_vreg.gather [hbm4b:s15+s29], $0x80, v4, vm0, $0xb8;
	[tilespmem:$0x12200] =	vst v63  }
0x22d: {  	s2 =	simm.s32 $0x1A00  }
0x22e: {  	[tilespmem:s2], [sflag:$0x1] =	stream.indirect_vreg.gather [hbm4b:s1+s29], $0x80, v3, vm0, $0xb8;
	[tilespmem:$0x12200] =	vst v63  }
0x22f: {  	s2 =	simm.s32 $0x2200  }
0x230: {  	[tilespmem:s2], [sflag:$0x1] =	stream.indirect_vreg.gather [hbm4b:s14+s29], $0x80, v3, vm0, $0xb8;
	[tilespmem:$0x12200] =	vst v63  }
0x231: {  	s2 =	simm.s32 $0x2A00  }
0x232: {  	[tilespmem:s2], [sflag:$0x1] =	stream.indirect_vreg.gather [hbm4b:s15+s29], $0x80, v3, vm0, $0xb8;
	[tilespmem:$0x12200] =	vst v63  }
0x233: {  	v3 =	vld [tilespmem:s26+$0x110];
	_ =	sdelay $0x4  }
0x234: {  	v4 =	vshrl.u32 v3, $0x3  }
0x235: {  	v4 =	vmul.u32 $0x30, v4  }
0x236: {  	v3 =	vand.u32 $0x7, v3  }
0x237: {  	v3 =	vor.u32 v3, v4  }
0x238: {  	v4 =	vperm.xlane v3, v0;
	_ =	sdelay $0x1  }
0x239: {  	v4 =	vadd.s32 v1, v4;
	_ =	sdelay $0x3  }
0x23a: {  	s2 =	simm.s32 $0x3200;
	v3 =	vperm.xlane v3, v2  }
0x23b: {  	[tilespmem:s2], [sflag:$0x1] =	stream.indirect_vreg.gather [hbm4b:s1+s29], $0x80, v4, vm0, $0xb8;
	[tilespmem:$0x12200] =	vst v63  }
0x23c: {  	v3 =	vadd.s32 v1, v3;
	s2 =	simm.s32 $0x3A00  }
0x23d: {  	[tilespmem:s2], [sflag:$0x1] =	stream.indirect_vreg.gather [hbm4b:s14+s29], $0x80, v4, vm0, $0xb8;
	[tilespmem:$0x12200] =	vst v63  }
0x23e: {  	s2 =	simm.s32 $0x4200  }
0x23f: {  	[tilespmem:s2], [sflag:$0x1] =	stream.indirect_vreg.gather [hbm4b:s15+s29], $0x80, v4, vm0, $0xb8;
	[tilespmem:$0x12200] =	vst v63  }
0x240: {  	s2 =	simm.s32 $0x4A00  }
0x241: {  	[tilespmem:s2], [sflag:$0x1] =	stream.indirect_vreg.gather [hbm4b:s1+s29], $0x80, v3, vm0, $0xb8;
	[tilespmem:$0x12200] =	vst v63  }
0x242: {  	s2 =	simm.s32 $0x5200  }
0x243: {  	[tilespmem:s2], [sflag:$0x1] =	stream.indirect_vreg.gather [hbm4b:s14+s29], $0x80, v3, vm0, $0xb8;
	[tilespmem:$0x12200] =	vst v63  }
0x244: {  	s2 =	simm.s32 $0x5A00  }
0x245: {  	[tilespmem:s2], [sflag:$0x1] =	stream.indirect_vreg.gather [hbm4b:s15+s29], $0x80, v3, vm0, $0xb8;
	[tilespmem:$0x12200] =	vst v63  }
0x246: {  	s2 =	simm.s32 $0x0  }
0x247: {  	_ =	swait.ge [sflag:s19], $0x6000;
	s0 =	smul.u32 $0x1800, s2  }
0x248: {  	s2 =	sand.u32 $0x380, s29;
	[sflag:s19] =	ssyncset.done $0x0  }
0x249: {  	[sflag:s19] =	ssyncadd.s32 $0xFFFFA000;
	s28 =	sor.u32 s2, s0  }
0x24a: {  	v5 =	vld [tilespmem:s28+$0xC200]  }
0x24b: {  	v24 =	vld [tilespmem:s28+$0xC210]  }
0x24c: {  	v25 =	vld [tilespmem:s28+$0xC220]  }
0x24d: {  	v26 =	vld [tilespmem:s28+$0xC230]  }
0x24e: {  	v27 =	vld [tilespmem:s28+$0xC240]  }
0x24f: {  	v28 =	vld [tilespmem:s28+$0xC250]  }
0x250: {  	v29 =	vld [tilespmem:s28+$0xC260]  }
0x251: {  	v30 =	vld [tilespmem:s28+$0xC270]  }
0x252: {  	v31 =	vld [tilespmem:s28+$0xC600]  }
0x253: {  	v32 =	vld [tilespmem:s28+$0xC610]  }
0x254: {  	v33 =	vld [tilespmem:s28+$0xC620]  }
0x255: {  	v34 =	vld [tilespmem:s28+$0xC630]  }
0x256: {  	v35 =	vld [tilespmem:s28+$0xC640]  }
0x257: {  	v36 =	vld [tilespmem:s28+$0xC650]  }
0x258: {  	v37 =	vld [tilespmem:s28+$0xC660]  }
0x259: {  	v38 =	vld [tilespmem:s28+$0xC670]  }
0x25a: {  	v39 =	vld [tilespmem:s28+$0xCA00]  }
0x25b: {  	v40 =	vld [tilespmem:s28+$0xCA10]  }
0x25c: {  	v41 =	vld [tilespmem:s28+$0xCA20]  }
0x25d: {  	v42 =	vld [tilespmem:s28+$0xCA30]  }
0x25e: {  	v43 =	vld [tilespmem:s28+$0xCA40]  }
0x25f: {  	v44 =	vld [tilespmem:s28+$0xCA50]  }
0x260: {  	v45 =	vld [tilespmem:s28+$0xCA60]  }
0x261: {  	v46 =	vld [tilespmem:s28+$0xCA70]  }
0x262: {  	v47 =	vld [tilespmem:s28+$0xCE00]  }
0x263: {  	v23 =	vld [tilespmem:s28+$0xCE10]  }
0x264: {  	v22 =	vld [tilespmem:s28+$0xCE20]  }
0x265: {  	v21 =	vld [tilespmem:s28+$0xCE30]  }
0x266: {  	v20 =	vld [tilespmem:s28+$0xCE40]  }
0x267: {  	v19 =	vld [tilespmem:s28+$0xCE50]  }
0x268: {  	v18 =	vld [tilespmem:s28+$0xCE60]  }
0x269: {  	v17 =	vld [tilespmem:s28+$0xCE70]  }
0x26a: {  	v16 =	vld [tilespmem:s28+$0xD200]  }
0x26b: {  	v15 =	vld [tilespmem:s28+$0xD210]  }
0x26c: {  	v14 =	vld [tilespmem:s28+$0xD220]  }
0x26d: {  	v13 =	vld [tilespmem:s28+$0xD230]  }
0x26e: {  	v12 =	vld [tilespmem:s28+$0xD240]  }
0x26f: {  	v11 =	vld [tilespmem:s28+$0xD250]  }
0x270: {  	v10 =	vld [tilespmem:s28+$0xD260]  }
0x271: {  	v9 =	vld [tilespmem:s28+$0xD270]  }
0x272: {  	v8 =	vld [tilespmem:s28+$0xD600]  }
0x273: {  	v7 =	vld [tilespmem:s28+$0xD610]  }
0x274: {  	v6 =	vld [tilespmem:s28+$0xD620]  }
0x275: {  	v4 =	vld [tilespmem:s28+$0xD630]  }
0x276: {  	v3 =	vld [tilespmem:s28+$0xD640]  }
0x277: {  	v48 =	vld [tilespmem:s28+$0x200]  }
0x278: {  	v49 =	vld [tilespmem:s28+$0x210]  }
0x279: {  	v50 =	vld [tilespmem:s28+$0x220]  }
0x27a: {  	v51 =	vld [tilespmem:s28+$0x230]  }
0x27b: {  	v52 =	vld [tilespmem:s28+$0x240]  }
0x27c: {  	v53 =	vld [tilespmem:s28+$0x250]  }
0x27d: {  	v54 =	vld [tilespmem:s28+$0x260];
	v48 =	vmul.f32 $2.771281240e+01, v48  }
0x27e: {  	v55 =	vld [tilespmem:s28+$0x270];
	v49 =	vmul.f32 $2.771281240e+01, v49  }
0x27f: {  	v59 =	vld [tilespmem:s28+$0x610];
	v50 =	vmul.f32 $2.771281240e+01, v50;
	v48 =	vadd.f32 v5, v48  }
0x280: {  	v63 =	vmul.f32 $2.771281240e+01, v51;
	v51 =	vld [tilespmem:s28+$0x600];
	v24 =	vadd.f32 v24, v49  }
0x281: {  	v56 =	vmul.f32 $2.771281240e+01, v52;
	v58 =	vmul.f32 $2.771281240e+01, v53;
	v53 =	vld [tilespmem:s28+$0x630];
	v25 =	vadd.f32 v25, v50;
	[tilespmem:s28+$0x200] =	vst v48  }
0x282: {  	v61 =	vmul.f32 $2.771281240e+01, v54;
	v54 =	vld [tilespmem:s28+$0x640];
	v57 =	vadd.f32 v26, v63;
	[tilespmem:s28+$0x210] =	vst v24  }
0x283: {  	v5 =	vld [tilespmem:s28+$0xD650];
	v60 =	vadd.f32 v27, v56;
	[tilespmem:s28+$0x220] =	vst v25  }
0x284: {  	v62 =	vadd.f32 v28, v58;
	v63 =	vmul.f32 $2.771281240e+01, v55;
	v55 =	vmul.f32 $2.771281240e+01, v59;
	v59 =	vld [tilespmem:s28+$0x660];
	[tilespmem:s28+$0x230] =	vst v57  }
0x285: {  	v50 =	vadd.f32 v29, v61;
	v61 =	vld [tilespmem:s28+$0x670];
	[tilespmem:s28+$0x240] =	vst v60  }
0x286: {  	v56 =	vld [tilespmem:s28+$0xA00];
	[tilespmem:s28+$0x250] =	vst v62;
	v52 =	vadd.f32 v30, v63;
	v51 =	vmul.f32 $2.771281240e+01, v51  }
0x287: {  	v48 =	vld [tilespmem:s28+$0x620];
	[tilespmem:s28+$0x260] =	vst v50;
	v29 =	vadd.f32 v32, v55;
	v26 =	vmul.f32 $2.771281240e+01, v53  }
0x288: {  	v57 =	vld [tilespmem:s28+$0x650];
	v25 =	vmul.f32 $2.771281240e+01, v54;
	[tilespmem:s28+$0x270] =	vst v52;
	v27 =	vadd.f32 v31, v51  }
0x289: {  	v58 =	vld [tilespmem:s28+$0xA10];
	[tilespmem:s28+$0x610] =	vst v29;
	v26 =	vadd.f32 v34, v26;
	v31 =	vmul.f32 $2.771281240e+01, v59  }
0x28a: {  	v60 =	vld [tilespmem:s28+$0xA20];
	v25 =	vadd.f32 v35, v25;
	v32 =	vmul.f32 $2.771281240e+01, v61;
	[tilespmem:s28+$0x600] =	vst v27  }
0x28b: {  	v63 =	vld [tilespmem:s28+$0xA40];
	v24 =	vmul.f32 $2.771281240e+01, v56;
	[tilespmem:s28+$0x630] =	vst v26;
	v31 =	vadd.f32 v37, v31  }
0x28c: {  	v55 =	vld [tilespmem:s28+$0xE40];
	v28 =	vmul.f32 $2.771281240e+01, v48;
	[tilespmem:s28+$0x640] =	vst v25;
	v32 =	vadd.f32 v38, v32  }
0x28d: {  	v50 =	vld [tilespmem:s28+$0xA70];
	v30 =	vmul.f32 $2.771281240e+01, v57;
	v24 =	vadd.f32 v39, v24;
	[tilespmem:s28+$0x660] =	vst v31  }
0x28e: {  	v52 =	vld [tilespmem:s28+$0xE10];
	v27 =	vmul.f32 $2.771281240e+01, v58;
	v28 =	vadd.f32 v33, v28;
	[tilespmem:s28+$0x670] =	vst v32  }
0x28f: {  	v51 =	vld [tilespmem:s28+$0xE00];
	v29 =	vmul.f32 $2.771281240e+01, v60;
	v30 =	vadd.f32 v36, v30;
	[tilespmem:s28+$0xA00] =	vst v24  }
0x290: {  	v53 =	vld [tilespmem:s28+$0xE20];
	v26 =	vmul.f32 $2.771281240e+01, v63;
	v27 =	vadd.f32 v40, v27;
	[tilespmem:s28+$0x620] =	vst v28  }
0x291: {  	v48 =	vld [tilespmem:s28+$0xA50];
	v61 =	vmul.f32 $2.771281240e+01, v55;
	v29 =	vadd.f32 v41, v29;
	[tilespmem:s28+$0x650] =	vst v30  }
0x292: {  	v54 =	vld [tilespmem:s28+$0xE30];
	v26 =	vadd.f32 v43, v26;
	v31 =	vmul.f32 $2.771281240e+01, v50;
	[tilespmem:s28+$0xA10] =	vst v27  }
0x293: {  	v56 =	vld [tilespmem:s28+$0xE50];
	v24 =	vmul.f32 $2.771281240e+01, v52;
	v20 =	vadd.f32 v20, v61;
	[tilespmem:s28+$0xA20] =	vst v29  }
0x294: {  	v62 =	vld [tilespmem:s28+$0xA30];
	v32 =	vmul.f32 $2.771281240e+01, v51;
	[tilespmem:s28+$0xA40] =	vst v26;
	v31 =	vadd.f32 v46, v31  }
0x295: {  	v57 =	vld [tilespmem:s28+$0xE60];
	v27 =	vmul.f32 $2.771281240e+01, v53;
	v23 =	vadd.f32 v23, v24;
	[tilespmem:s28+$0xE40] =	vst v20  }
0x296: {  	v49 =	vld [tilespmem:s28+$0xA60];
	v25 =	vmul.f32 $2.771281240e+01, v48;
	v32 =	vadd.f32 v47, v32;
	[tilespmem:s28+$0xA70] =	vst v31  }
0x297: {  	v59 =	vld [tilespmem:s28+$0x1200];
	v29 =	vmul.f32 $2.771281240e+01, v54;
	v22 =	vadd.f32 v22, v27;
	[tilespmem:s28+$0xE10] =	vst v23  }
0x298: {  	v58 =	vld [tilespmem:s28+$0xE70];
	v26 =	vmul.f32 $2.771281240e+01, v56;
	v25 =	vadd.f32 v44, v25;
	[tilespmem:s28+$0xE00] =	vst v32  }
0x299: {  	v60 =	vld [tilespmem:s28+$0x1210];
	v28 =	vmul.f32 $2.771281240e+01, v62;
	v21 =	vadd.f32 v21, v29;
	[tilespmem:s28+$0xE20] =	vst v22  }
0x29a: {  	v23 =	vld [tilespmem:s28+$0x1220];
	v19 =	vadd.f32 v19, v26;
	[tilespmem:s28+$0xA50] =	vst v25;
	v25 =	vmul.f32 $2.771281240e+01, v57  }
0x29b: {  	v30 =	vmul.f32 $2.771281240e+01, v49;
	v28 =	vadd.f32 v42, v28;
	v22 =	vld [tilespmem:s28+$0x1230];
	[tilespmem:s28+$0xE30] =	vst v21  }
0x29c: {  	v21 =	vld [tilespmem:s28+$0x1240];
	[tilespmem:s28+$0xE50] =	vst v19;
	v19 =	vmul.f32 $2.771281240e+01, v59;
	v18 =	vadd.f32 v18, v25  }
0x29d: {  	v20 =	vld [tilespmem:s28+$0x1250];
	v62 =	vmul.f32 $2.771281240e+01, v58;
	v30 =	vadd.f32 v45, v30;
	[tilespmem:s28+$0xA30] =	vst v28  }
0x29e: {  	v63 =	vld [tilespmem:s28+$0x1260];
	v19 =	vadd.f32 v16, v19;
	[tilespmem:s28+$0xE60] =	vst v18;
	v18 =	vmul.f32 $2.771281240e+01, v60  }
0x29f: {  	v26 =	vadd.f32 v17, v62;
	v17 =	vld [tilespmem:s28+$0x1270];
	[tilespmem:s28+$0xA60] =	vst v30;
	v23 =	vmul.f32 $2.771281240e+01, v23  }
0x2a0: {  	v16 =	vld [tilespmem:s28+$0x1600];
	[tilespmem:s28+$0x1200] =	vst v19;
	v19 =	vmul.f32 $2.771281240e+01, v22;
	v18 =	vadd.f32 v15, v18  }
0x2a1: {  	[tilespmem:s28+$0xE70] =	vst v26;
	v22 =	vadd.f32 v14, v23;
	v21 =	vmul.f32 $2.771281240e+01, v21;
	v15 =	vld [tilespmem:s28+$0x1610]  }
0x2a2: {  	v14 =	vld [tilespmem:s28+$0x1620];
	[tilespmem:s28+$0x1210] =	vst v18;
	v18 =	vadd.f32 v13, v19;
	v19 =	vmul.f32 $2.771281240e+01, v20  }
0x2a3: {  	s30 =	simm.s32 $0x1;
	[tilespmem:s28+$0x1220] =	vst v22;
	v20 =	vadd.f32 v12, v21;
	v13 =	vmul.f32 $2.771281240e+01, v63;
	v12 =	vld [tilespmem:s28+$0x1630]  }
.LBB2_7:
0x2a4: {  	p0 =	sne.s32 s30, $0x1F;
	[tilespmem:s28+$0x1230] =	vst v18;
	v11 =	vadd.f32 v11, v19;
	v17 =	vmul.f32 $2.771281240e+01, v17;
	v18 =	vld [tilespmem:s28+$0x1640]  }
0x2a5: {  	[tilespmem:s28+$0x1240] =	vst v20;
	v10 =	vadd.f32 v10, v13;
	v13 =	vmul.f32 $2.771281240e+01, v16;
	v16 =	vld [tilespmem:s28+$0x1650]  }
0x2a6: {  	s0 =	sshrl.u32 s30, $0x3;
	[tilespmem:s28+$0x1250] =	vst v11;
	v9 =	vadd.f32 v9, v17;
	v11 =	vmul.f32 $2.771281240e+01, v15;
	v15 =	vld [tilespmem:s28+$0x1660]  }
0x2a7: {  	s29 =	sadd.s32 $0x80, s29;
	s0 =	smul.u32 $0x1800, s0;
	[tilespmem:s28+$0x1260] =	vst v10;
	v8 =	vadd.f32 v8, v13;
	v10 =	vmul.f32 $2.771281240e+01, v14;
	v13 =	vld [tilespmem:s28+$0x1670]  }
0x2a8: {  	s2 =	sand.u32 $0x380, s29;
	[tilespmem:s28+$0x1270] =	vst v9;
	v7 =	vadd.f32 v7, v11;
	v9 =	vmul.f32 $2.771281240e+01, v12;
	v11 =	vld [tilespmem:s28+$0xD660]  }
0x2a9: {  	s0 =	sor.u32 s2, s0;
	[tilespmem:s28+$0x1600] =	vst v8;
	v6 =	vadd.f32 v6, v10;
	v8 =	vmul.f32 $2.771281240e+01, v18;
	v10 =	vld [tilespmem:s28+$0xD670]  }
0x2aa: {  	v41 =	vld [tilespmem:s0+$0xC200];
	[tilespmem:s28+$0x1610] =	vst v7;
	v4 =	vadd.f32 v4, v9;
	v7 =	vmul.f32 $2.771281240e+01, v16  }
0x2ab: {  	v42 =	vld [tilespmem:s0+$0xC210];
	[tilespmem:s28+$0x1620] =	vst v6;
	v3 =	vadd.f32 v3, v8;
	v6 =	vmul.f32 $2.771281240e+01, v15  }
0x2ac: {  	v43 =	vld [tilespmem:s0+$0xC220];
	[tilespmem:s28+$0x1630] =	vst v4;
	v4 =	vadd.f32 v5, v7;
	v5 =	vmul.f32 $2.771281240e+01, v13  }
0x2ad: {  	v44 =	vld [tilespmem:s0+$0xC230];
	[tilespmem:s28+$0x1640] =	vst v3;
	v3 =	vadd.f32 v11, v6  }
0x2ae: {  	v45 =	vld [tilespmem:s0+$0xC240];
	[tilespmem:s28+$0x1650] =	vst v4;
	v4 =	vadd.f32 v10, v5  }
0x2af: {  	v46 =	vld [tilespmem:s0+$0xC250];
	[tilespmem:s28+$0x1660] =	vst v3  }
0x2b0: {  	v47 =	vld [tilespmem:s0+$0xC260];
	[tilespmem:s28+$0x1670] =	vst v4;
	s28 =	smov.u32 s0  }
0x2b1: {  	v48 =	vld [tilespmem:s28+$0xC270]  }
0x2b2: {  	v40 =	vld [tilespmem:s28+$0xC600]  }
0x2b3: {  	v39 =	vld [tilespmem:s28+$0xC610]  }
0x2b4: {  	v38 =	vld [tilespmem:s28+$0xC620]  }
0x2b5: {  	v37 =	vld [tilespmem:s28+$0xC630]  }
0x2b6: {  	v36 =	vld [tilespmem:s28+$0xC640]  }
0x2b7: {  	v35 =	vld [tilespmem:s28+$0xC650]  }
0x2b8: {  	v34 =	vld [tilespmem:s28+$0xC660]  }
0x2b9: {  	v33 =	vld [tilespmem:s28+$0xC670]  }
0x2ba: {  	v32 =	vld [tilespmem:s28+$0xCA00]  }
0x2bb: {  	v31 =	vld [tilespmem:s28+$0xCA10]  }
0x2bc: {  	v30 =	vld [tilespmem:s28+$0xCA20]  }
0x2bd: {  	v29 =	vld [tilespmem:s28+$0xCA30]  }
0x2be: {  	v28 =	vld [tilespmem:s28+$0xCA40]  }
0x2bf: {  	v27 =	vld [tilespmem:s28+$0xCA50]  }
0x2c0: {  	v26 =	vld [tilespmem:s28+$0xCA60]  }
0x2c1: {  	v25 =	vld [tilespmem:s28+$0xCA70]  }
0x2c2: {  	v24 =	vld [tilespmem:s28+$0xCE00]  }
0x2c3: {  	v23 =	vld [tilespmem:s28+$0xCE10]  }
0x2c4: {  	v22 =	vld [tilespmem:s28+$0xCE20]  }
0x2c5: {  	v21 =	vld [tilespmem:s28+$0xCE30]  }
0x2c6: {  	v20 =	vld [tilespmem:s28+$0xCE40]  }
0x2c7: {  	v19 =	vld [tilespmem:s28+$0xCE50]  }
0x2c8: {  	v18 =	vld [tilespmem:s28+$0xCE60]  }
0x2c9: {  	v17 =	vld [tilespmem:s28+$0xCE70]  }
0x2ca: {  	v16 =	vld [tilespmem:s28+$0xD200]  }
0x2cb: {  	v15 =	vld [tilespmem:s28+$0xD210]  }
0x2cc: {  	v14 =	vld [tilespmem:s28+$0xD220]  }
0x2cd: {  	v13 =	vld [tilespmem:s28+$0xD230]  }
0x2ce: {  	v12 =	vld [tilespmem:s28+$0xD240]  }
0x2cf: {  	v11 =	vld [tilespmem:s28+$0xD250]  }
0x2d0: {  	v10 =	vld [tilespmem:s28+$0xD260]  }
0x2d1: {  	v9 =	vld [tilespmem:s28+$0xD270]  }
0x2d2: {  	v8 =	vld [tilespmem:s28+$0xD600]  }
0x2d3: {  	v7 =	vld [tilespmem:s28+$0xD610]  }
0x2d4: {  	v6 =	vld [tilespmem:s28+$0xD620]  }
0x2d5: {  	v4 =	vld [tilespmem:s28+$0xD630]  }
0x2d6: {  	v3 =	vld [tilespmem:s28+$0xD640]  }
0x2d7: {  	v5 =	vld [tilespmem:s28+$0xD650]  }
0x2d8: {  	v49 =	vld [tilespmem:s28+$0x200]  }
0x2d9: {  	v50 =	vld [tilespmem:s28+$0x210]  }
0x2da: {  	v51 =	vld [tilespmem:s28+$0x220]  }
0x2db: {  	v52 =	vld [tilespmem:s28+$0x230]  }
0x2dc: {  	v53 =	vld [tilespmem:s28+$0x240]  }
0x2dd: {  	v49 =	vmul.f32 $2.771281240e+01, v49;
	v54 =	vld [tilespmem:s28+$0x250]  }
0x2de: {  	v50 =	vmul.f32 $2.771281240e+01, v50;
	v55 =	vld [tilespmem:s28+$0x260]  }
0x2df: {  	v41 =	vadd.f32 v41, v49;
	v49 =	vmul.f32 $2.771281240e+01, v51;
	v51 =	vld [tilespmem:s28+$0x270]  }
0x2e0: {  	v42 =	vadd.f32 v42, v50;
	v50 =	vmul.f32 $2.771281240e+01, v52;
	v52 =	vld [tilespmem:s28+$0x600]  }
0x2e1: {  	[tilespmem:s28+$0x200] =	vst v41;
	v41 =	vadd.f32 v43, v49;
	v43 =	vmul.f32 $2.771281240e+01, v53;
	v49 =	vld [tilespmem:s28+$0x610]  }
0x2e2: {  	[tilespmem:s28+$0x210] =	vst v42;
	v42 =	vadd.f32 v44, v50;
	v44 =	vmul.f32 $2.771281240e+01, v54;
	v50 =	vld [tilespmem:s28+$0x620]  }
0x2e3: {  	[tilespmem:s28+$0x220] =	vst v41;
	v41 =	vadd.f32 v45, v43;
	v43 =	vmul.f32 $2.771281240e+01, v55;
	v45 =	vld [tilespmem:s28+$0x630]  }
0x2e4: {  	[tilespmem:s28+$0x230] =	vst v42;
	v42 =	vadd.f32 v46, v44;
	v44 =	vmul.f32 $2.771281240e+01, v51;
	v46 =	vld [tilespmem:s28+$0x640]  }
0x2e5: {  	[tilespmem:s28+$0x240] =	vst v41;
	v41 =	vadd.f32 v47, v43;
	v43 =	vmul.f32 $2.771281240e+01, v52;
	v47 =	vld [tilespmem:s28+$0x650]  }
0x2e6: {  	[tilespmem:s28+$0x250] =	vst v42;
	v42 =	vadd.f32 v48, v44;
	v44 =	vmul.f32 $2.771281240e+01, v49;
	v48 =	vld [tilespmem:s28+$0x660]  }
0x2e7: {  	[tilespmem:s28+$0x260] =	vst v41;
	v40 =	vadd.f32 v40, v43;
	v41 =	vmul.f32 $2.771281240e+01, v50;
	v43 =	vld [tilespmem:s28+$0x670]  }
0x2e8: {  	[tilespmem:s28+$0x270] =	vst v42;
	v39 =	vadd.f32 v39, v44;
	v42 =	vmul.f32 $2.771281240e+01, v45;
	v44 =	vld [tilespmem:s28+$0xA00]  }
0x2e9: {  	[tilespmem:s28+$0x600] =	vst v40;
	v38 =	vadd.f32 v38, v41;
	v40 =	vmul.f32 $2.771281240e+01, v46;
	v41 =	vld [tilespmem:s28+$0xA10]  }
0x2ea: {  	[tilespmem:s28+$0x610] =	vst v39;
	v37 =	vadd.f32 v37, v42;
	v39 =	vmul.f32 $2.771281240e+01, v47;
	v42 =	vld [tilespmem:s28+$0xA20]  }
0x2eb: {  	[tilespmem:s28+$0x620] =	vst v38;
	v36 =	vadd.f32 v36, v40;
	v38 =	vmul.f32 $2.771281240e+01, v48;
	v40 =	vld [tilespmem:s28+$0xA30]  }
0x2ec: {  	[tilespmem:s28+$0x630] =	vst v37;
	v35 =	vadd.f32 v35, v39;
	v37 =	vmul.f32 $2.771281240e+01, v43;
	v39 =	vld [tilespmem:s28+$0xA40]  }
0x2ed: {  	[tilespmem:s28+$0x640] =	vst v36;
	v34 =	vadd.f32 v34, v38;
	v36 =	vmul.f32 $2.771281240e+01, v44;
	v38 =	vld [tilespmem:s28+$0xA50]  }
0x2ee: {  	[tilespmem:s28+$0x650] =	vst v35;
	v33 =	vadd.f32 v33, v37;
	v35 =	vmul.f32 $2.771281240e+01, v41;
	v37 =	vld [tilespmem:s28+$0xA60]  }
0x2ef: {  	[tilespmem:s28+$0x660] =	vst v34;
	v32 =	vadd.f32 v32, v36;
	v34 =	vmul.f32 $2.771281240e+01, v42;
	v36 =	vld [tilespmem:s28+$0xA70]  }
0x2f0: {  	[tilespmem:s28+$0x670] =	vst v33;
	v31 =	vadd.f32 v31, v35;
	v33 =	vmul.f32 $2.771281240e+01, v40;
	v35 =	vld [tilespmem:s28+$0xE00]  }
0x2f1: {  	[tilespmem:s28+$0xA00] =	vst v32;
	v30 =	vadd.f32 v30, v34;
	v32 =	vmul.f32 $2.771281240e+01, v39;
	v34 =	vld [tilespmem:s28+$0xE10]  }
0x2f2: {  	[tilespmem:s28+$0xA10] =	vst v31;
	v29 =	vadd.f32 v29, v33;
	v31 =	vmul.f32 $2.771281240e+01, v38;
	v33 =	vld [tilespmem:s28+$0xE20]  }
0x2f3: {  	[tilespmem:s28+$0xA20] =	vst v30;
	v28 =	vadd.f32 v28, v32;
	v30 =	vmul.f32 $2.771281240e+01, v37;
	v32 =	vld [tilespmem:s28+$0xE30]  }
0x2f4: {  	[tilespmem:s28+$0xA30] =	vst v29;
	v27 =	vadd.f32 v27, v31;
	v29 =	vmul.f32 $2.771281240e+01, v36;
	v31 =	vld [tilespmem:s28+$0xE40]  }
0x2f5: {  	[tilespmem:s28+$0xA40] =	vst v28;
	v26 =	vadd.f32 v26, v30;
	v28 =	vmul.f32 $2.771281240e+01, v35;
	v30 =	vld [tilespmem:s28+$0xE50]  }
0x2f6: {  	[tilespmem:s28+$0xA50] =	vst v27;
	v25 =	vadd.f32 v25, v29;
	v27 =	vmul.f32 $2.771281240e+01, v34;
	v29 =	vld [tilespmem:s28+$0xE60]  }
0x2f7: {  	[tilespmem:s28+$0xA60] =	vst v26;
	v24 =	vadd.f32 v24, v28;
	v26 =	vmul.f32 $2.771281240e+01, v33;
	v28 =	vld [tilespmem:s28+$0xE70]  }
0x2f8: {  	[tilespmem:s28+$0xA70] =	vst v25;
	v23 =	vadd.f32 v23, v27;
	v25 =	vmul.f32 $2.771281240e+01, v32;
	v27 =	vld [tilespmem:s28+$0x1200]  }
0x2f9: {  	[tilespmem:s28+$0xE00] =	vst v24;
	v22 =	vadd.f32 v22, v26;
	v24 =	vmul.f32 $2.771281240e+01, v31;
	v26 =	vld [tilespmem:s28+$0x1210]  }
0x2fa: {  	[tilespmem:s28+$0xE10] =	vst v23;
	v21 =	vadd.f32 v21, v25;
	v23 =	vmul.f32 $2.771281240e+01, v30;
	v25 =	vld [tilespmem:s28+$0x1220]  }
0x2fb: {  	[tilespmem:s28+$0xE20] =	vst v22;
	v20 =	vadd.f32 v20, v24;
	v22 =	vmul.f32 $2.771281240e+01, v29;
	v24 =	vld [tilespmem:s28+$0x1230]  }
0x2fc: {  	[tilespmem:s28+$0xE30] =	vst v21;
	v19 =	vadd.f32 v19, v23;
	v21 =	vmul.f32 $2.771281240e+01, v28;
	v23 =	vld [tilespmem:s28+$0x1240]  }
0x2fd: {  	[tilespmem:s28+$0xE40] =	vst v20;
	v18 =	vadd.f32 v18, v22;
	v20 =	vmul.f32 $2.771281240e+01, v27;
	v22 =	vld [tilespmem:s28+$0x1250]  }
0x2fe: {  	[tilespmem:s28+$0xE50] =	vst v19;
	v19 =	vadd.f32 v17, v21;
	v21 =	vmul.f32 $2.771281240e+01, v26;
	v26 =	vld [tilespmem:s28+$0x1260]  }
.Ltmp2:
0x2ff: {  	[tilespmem:s28+$0xE60] =	vst v18;
	v18 =	vadd.f32 v16, v20;
	v20 =	vmul.f32 $2.771281240e+01, v25;
	v17 =	vld [tilespmem:s28+$0x1270];
	(pc) =	sbr.rel @p0 .LBB2_7-.Ltmp2, $4  }
0x300: {  	[tilespmem:s28+$0xE70] =	vst v19;
	v19 =	vadd.f32 v15, v21;
	v21 =	vmul.f32 $2.771281240e+01, v24;
	v16 =	vld [tilespmem:s28+$0x1600]  }
0x301: {  	[tilespmem:s28+$0x1200] =	vst v18;
	v20 =	vadd.f32 v14, v20;
	v23 =	vmul.f32 $2.771281240e+01, v23;
	v15 =	vld [tilespmem:s28+$0x1610]  }
0x302: {  	[tilespmem:s28+$0x1210] =	vst v19;
	v18 =	vadd.f32 v13, v21;
	v19 =	vmul.f32 $2.771281240e+01, v22;
	v14 =	vld [tilespmem:s28+$0x1620]  }
0x303: {  	s30 =	sadd.s32 $0x1, s30;
	[tilespmem:s28+$0x1220] =	vst v20;
	v20 =	vadd.f32 v12, v23;
	v13 =	vmul.f32 $2.771281240e+01, v26;
	v12 =	vld [tilespmem:s28+$0x1630]  }
0x304: {  	v11 =	vadd.f32 v11, v19;
	v17 =	vmul.f32 $2.771281240e+01, v17  }
0x305: {  	[tilespmem:s28+$0x1230] =	vst v18;
	v18 =	vld [tilespmem:s28+$0x1640];
	v10 =	vadd.f32 v10, v13  }
0x306: {  	v19 =	vld [tilespmem:s28+$0x1650];
	v13 =	vmul.f32 $2.771281240e+01, v16;
	[tilespmem:s28+$0x1250] =	vst v11;
	v9 =	vadd.f32 v9, v17  }
0x307: {  	v11 =	vld [tilespmem:s28+$0x1660];
	v15 =	vmul.f32 $2.771281240e+01, v15;
	[tilespmem:s28+$0x1260] =	vst v10  }
0x308: {  	v10 =	vld [tilespmem:s28+$0x1670];
	v8 =	vadd.f32 v8, v13;
	[tilespmem:s28+$0x1270] =	vst v9;
	v9 =	vmul.f32 $2.771281240e+01, v14  }
0x309: {  	[tilespmem:s28+$0x1240] =	vst v20;
	v13 =	vld [tilespmem:s28+$0xD660];
	v7 =	vadd.f32 v7, v15;
	v12 =	vmul.f32 $2.771281240e+01, v12  }
0x30a: {  	[tilespmem:s28+$0x1600] =	vst v8;
	v8 =	vmul.f32 $2.771281240e+01, v18;
	v6 =	vadd.f32 v6, v9;
	v9 =	vld [tilespmem:s28+$0xD670]  }
0x30b: {  	[tilespmem:s28+$0x1610] =	vst v7;
	v4 =	vadd.f32 v4, v12;
	v7 =	vmul.f32 $2.771281240e+01, v19  }
0x30c: {  	v3 =	vadd.f32 v3, v8;
	[tilespmem:s28+$0x1620] =	vst v6;
	v6 =	vmul.f32 $2.771281240e+01, v11  }
0x30d: {  	s0 =	sor.u32 s18, s26;
	[tilespmem:s28+$0x1630] =	vst v4;
	v4 =	vadd.f32 v5, v7;
	v5 =	vmul.f32 $2.771281240e+01, v10  }
0x30e: {  	s0 =	sshrl.u32 s0, $0x3;
	[tilespmem:s28+$0x1640] =	vst v3;
	v3 =	vadd.f32 v13, v6  }
0x30f: {  	s0 =	smul.u32 $0x300, s0;
	[tilespmem:s28+$0x1650] =	vst v4;
	v4 =	vadd.f32 v9, v5  }
0x310: {  	[tilespmem:s28+$0x1660] =	vst v3  }
0x311: {  	s29 =	simm.s32 $0x0;
	s0 =	sadd.s32 s3, s0;
	[tilespmem:s28+$0x1670] =	vst v4  }
0x312: {  	[hbm4b:s0+s29] =	stream.linear.scatter [tilespmem:s22], [sflag:$0x2], $0x6000, $0x38;
	[tilespmem:$0x12200] =	vst v63  }
0x313: {  	_ =	swait.ge [sflag:s24], $0x6000  }
0x314: {  	[sflag:s24] =	ssyncset.done $0x0  }
0x315: {  	[sflag:s24] =	ssyncadd.s32 $0xFFFFA000  }
0x316: {  	v3 =	vld [tilespmem:s26+$0x180];
	_ =	sdelay $0x4  }
0x317: {  	v4 =	vshrl.u32 v3, $0x3  }
0x318: {  	v4 =	vmul.u32 $0x30, v4  }
0x319: {  	v3 =	vand.u32 $0x7, v3  }
0x31a: {  	v3 =	vor.u32 v3, v4  }
0x31b: {  	v4 =	vperm.xlane v3, v0;
	_ =	sdelay $0x1  }
0x31c: {  	v4 =	vadd.s32 v1, v4;
	_ =	sdelay $0x3  }
0x31d: {  	v3 =	vperm.xlane v3, v2  }
0x31e: {  	[tilespmem:s20], [sflag:$0x1] =	stream.indirect_vreg.gather [hbm4b:s1+s29], $0x80, v4, vm0, $0xb8;
	[tilespmem:$0x12200] =	vst v63  }
0x31f: {  	s2 =	simm.s32 $0x6A00;
	v3 =	vadd.s32 v1, v3  }
0x320: {  	[tilespmem:s2], [sflag:$0x1] =	stream.indirect_vreg.gather [hbm4b:s14+s29], $0x80, v4, vm0, $0xb8;
	[tilespmem:$0x12200] =	vst v63  }
0x321: {  	_ = 	snop  }
0x322: {  	[tilespmem:s11], [sflag:$0x1] =	stream.indirect_vreg.gather [hbm4b:s15+s29], $0x80, v4, vm0, $0xb8;
	[tilespmem:$0x12200] =	vst v63  }
0x323: {  	_ = 	snop  }
0x324: {  	[tilespmem:s12], [sflag:$0x1] =	stream.indirect_vreg.gather [hbm4b:s1+s29], $0x80, v3, vm0, $0xb8;
	[tilespmem:$0x12200] =	vst v63  }
0x325: {  	_ = 	snop  }
0x326: {  	[tilespmem:s13], [sflag:$0x1] =	stream.indirect_vreg.gather [hbm4b:s14+s29], $0x80, v3, vm0, $0xb8;
	[tilespmem:$0x12200] =	vst v63  }
0x327: {  	_ = 	snop  }
0x328: {  	[tilespmem:s16], [sflag:$0x1] =	stream.indirect_vreg.gather [hbm4b:s15+s29], $0x80, v3, vm0, $0xb8;
	[tilespmem:$0x12200] =	vst v63  }
0x329: {  	v3 =	vld [tilespmem:s26+$0x190];
	_ =	sdelay $0x4  }
0x32a: {  	v4 =	vshrl.u32 v3, $0x3  }
0x32b: {  	v4 =	vmul.u32 $0x30, v4  }
0x32c: {  	v3 =	vand.u32 $0x7, v3  }
0x32d: {  	v3 =	vor.u32 v3, v4  }
0x32e: {  	v4 =	vperm.xlane v3, v0;
	_ =	sdelay $0x1  }
0x32f: {  	v4 =	vadd.s32 v1, v4;
	_ =	sdelay $0x3  }
0x330: {  	v3 =	vperm.xlane v3, v2  }
0x331: {  	[tilespmem:s21], [sflag:$0x1] =	stream.indirect_vreg.gather [hbm4b:s1+s29], $0x80, v4, vm0, $0xb8;
	[tilespmem:$0x12200] =	vst v63  }
0x332: {  	v3 =	vadd.s32 v1, v3  }
0x333: {  	[tilespmem:s6], [sflag:$0x1] =	stream.indirect_vreg.gather [hbm4b:s14+s29], $0x80, v4, vm0, $0xb8;
	[tilespmem:$0x12200] =	vst v63  }
0x334: {  	_ = 	snop  }
0x335: {  	[tilespmem:s8], [sflag:$0x1] =	stream.indirect_vreg.gather [hbm4b:s15+s29], $0x80, v4, vm0, $0xb8;
	[tilespmem:$0x12200] =	vst v63  }
0x336: {  	_ = 	snop  }
0x337: {  	[tilespmem:s5], [sflag:$0x1] =	stream.indirect_vreg.gather [hbm4b:s1+s29], $0x80, v3, vm0, $0xb8;
	[tilespmem:$0x12200] =	vst v63  }
0x338: {  	_ = 	snop  }
0x339: {  	[tilespmem:s9], [sflag:$0x1] =	stream.indirect_vreg.gather [hbm4b:s14+s29], $0x80, v3, vm0, $0xb8;
	[tilespmem:$0x12200] =	vst v63  }
0x33a: {  	s2 =	simm.s32 $0x0  }
0x33b: {  	[tilespmem:s10], [sflag:$0x1] =	stream.indirect_vreg.gather [hbm4b:s15+s29], $0x80, v3, vm0, $0xb8;
	[tilespmem:$0x12200] =	vst v63  }
0x33c: {  	s0 =	smul.u32 $0x1800, s2;
	_ =	swait.ge [sflag:s19], $0x6000  }
0x33d: {  	s2 =	sand.u32 $0x380, s29;
	[sflag:s19] =	ssyncset.done $0x0  }
0x33e: {  	s28 =	sor.u32 s2, s0;
	[sflag:s19] =	ssyncadd.s32 $0xFFFFA000  }
0x33f: {  	v24 =	vld [tilespmem:s28+$0xC200]  }
0x340: {  	v25 =	vld [tilespmem:s28+$0xC210]  }
0x341: {  	v26 =	vld [tilespmem:s28+$0xC220]  }
0x342: {  	v27 =	vld [tilespmem:s28+$0xC230]  }
0x343: {  	v28 =	vld [tilespmem:s28+$0xC240]  }
0x344: {  	v29 =	vld [tilespmem:s28+$0xC250]  }
0x345: {  	v30 =	vld [tilespmem:s28+$0xC260]  }
0x346: {  	v31 =	vld [tilespmem:s28+$0xC270]  }
0x347: {  	v32 =	vld [tilespmem:s28+$0xC600]  }
0x348: {  	v33 =	vld [tilespmem:s28+$0xC610]  }
0x349: {  	v34 =	vld [tilespmem:s28+$0xC620]  }
0x34a: {  	v35 =	vld [tilespmem:s28+$0xC630]  }
0x34b: {  	v36 =	vld [tilespmem:s28+$0xC640]  }
0x34c: {  	v37 =	vld [tilespmem:s28+$0xC650]  }
0x34d: {  	v38 =	vld [tilespmem:s28+$0xC660]  }
0x34e: {  	v39 =	vld [tilespmem:s28+$0xC670]  }
0x34f: {  	v40 =	vld [tilespmem:s28+$0xCA00]  }
0x350: {  	v41 =	vld [tilespmem:s28+$0xCA10]  }
0x351: {  	v42 =	vld [tilespmem:s28+$0xCA20]  }
0x352: {  	v43 =	vld [tilespmem:s28+$0xCA30]  }
0x353: {  	v44 =	vld [tilespmem:s28+$0xCA40]  }
0x354: {  	v45 =	vld [tilespmem:s28+$0xCA50]  }
0x355: {  	v46 =	vld [tilespmem:s28+$0xCA60]  }
0x356: {  	v47 =	vld [tilespmem:s28+$0xCA70]  }
0x357: {  	v48 =	vld [tilespmem:s28+$0xCE00]  }
0x358: {  	v23 =	vld [tilespmem:s28+$0xCE10]  }
0x359: {  	v22 =	vld [tilespmem:s28+$0xCE20]  }
0x35a: {  	v21 =	vld [tilespmem:s28+$0xCE30]  }
0x35b: {  	v20 =	vld [tilespmem:s28+$0xCE40]  }
0x35c: {  	v19 =	vld [tilespmem:s28+$0xCE50]  }
0x35d: {  	v18 =	vld [tilespmem:s28+$0xCE60]  }
0x35e: {  	v17 =	vld [tilespmem:s28+$0xCE70]  }
0x35f: {  	v16 =	vld [tilespmem:s28+$0xD200]  }
0x360: {  	v15 =	vld [tilespmem:s28+$0xD210]  }
0x361: {  	v14 =	vld [tilespmem:s28+$0xD220]  }
0x362: {  	v13 =	vld [tilespmem:s28+$0xD230]  }
0x363: {  	v12 =	vld [tilespmem:s28+$0xD240]  }
0x364: {  	v11 =	vld [tilespmem:s28+$0xD250]  }
0x365: {  	v10 =	vld [tilespmem:s28+$0xD260]  }
0x366: {  	v9 =	vld [tilespmem:s28+$0xD270]  }
0x367: {  	v8 =	vld [tilespmem:s28+$0xD600]  }
0x368: {  	v7 =	vld [tilespmem:s28+$0xD610]  }
0x369: {  	v6 =	vld [tilespmem:s28+$0xD620]  }
0x36a: {  	v49 =	vld [tilespmem:s28+$0x6200]  }
0x36b: {  	v5 =	vld [tilespmem:s28+$0xD630]  }
0x36c: {  	v50 =	vld [tilespmem:s28+$0x6210]  }
0x36d: {  	v4 =	vld [tilespmem:s28+$0xD640]  }
0x36e: {  	v51 =	vld [tilespmem:s28+$0x6220]  }
0x36f: {  	v52 =	vld [tilespmem:s28+$0x6230]  }
0x370: {  	v53 =	vld [tilespmem:s28+$0x6240]  }
0x371: {  	v59 =	vld [tilespmem:s28+$0x6600]  }
0x372: {  	v54 =	vld [tilespmem:s28+$0x6250];
	v49 =	vmul.f32 $2.771281240e+01, v49  }
0x373: {  	v60 =	vld [tilespmem:s28+$0x6260];
	v50 =	vmul.f32 $2.771281240e+01, v50  }
0x374: {  	v61 =	vld [tilespmem:s28+$0x6270];
	v51 =	vmul.f32 $2.771281240e+01, v51;
	v24 =	vadd.f32 v24, v49  }
0x375: {  	v62 =	vld [tilespmem:s28+$0x6630];
	v52 =	vmul.f32 $2.771281240e+01, v52;
	v25 =	vadd.f32 v25, v50  }
0x376: {  	v56 =	vld [tilespmem:s28+$0x6640];
	v53 =	vmul.f32 $2.771281240e+01, v53;
	v26 =	vadd.f32 v26, v51;
	[tilespmem:s28+$0x6200] =	vst v24  }
0x377: {  	v57 =	vld [tilespmem:s28+$0x6650];
	v63 =	vmul.f32 $2.771281240e+01, v54;
	v27 =	vadd.f32 v27, v52;
	[tilespmem:s28+$0x6210] =	vst v25  }
0x378: {  	v58 =	vld [tilespmem:s28+$0x6660];
	v28 =	vadd.f32 v28, v53;
	v50 =	vmul.f32 $2.771281240e+01, v60;
	[tilespmem:s28+$0x6220] =	vst v26  }
0x379: {  	v55 =	vld [tilespmem:s28+$0x6E50];
	v29 =	vadd.f32 v29, v63;
	v51 =	vmul.f32 $2.771281240e+01, v61;
	[tilespmem:s28+$0x6230] =	vst v27  }
0x37a: {  	v49 =	vmul.f32 $2.771281240e+01, v59;
	v59 =	vld [tilespmem:s28+$0x6670];
	[tilespmem:s28+$0x6240] =	vst v28;
	v30 =	vadd.f32 v30, v50  }
0x37b: {  	v60 =	vld [tilespmem:s28+$0x6A00];
	[tilespmem:s28+$0x6250] =	vst v29;
	v31 =	vadd.f32 v31, v51;
	v26 =	vmul.f32 $2.771281240e+01, v62  }
0x37c: {  	v61 =	vld [tilespmem:s28+$0x6A10];
	v32 =	vadd.f32 v32, v49;
	v27 =	vmul.f32 $2.771281240e+01, v56;
	[tilespmem:s28+$0x6260] =	vst v30  }
0x37d: {  	v54 =	vld [tilespmem:s28+$0x6E40];
	v28 =	vmul.f32 $2.771281240e+01, v57;
	[tilespmem:s28+$0x6270] =	vst v31;
	v26 =	vadd.f32 v35, v26  }
0x37e: {  	v24 =	vld [tilespmem:s28+$0x6610];
	v29 =	vmul.f32 $2.771281240e+01, v58;
	[tilespmem:s28+$0x6600] =	vst v32;
	v27 =	vadd.f32 v36, v27  }
0x37f: {  	v25 =	vld [tilespmem:s28+$0x6620];
	v28 =	vadd.f32 v37, v28;
	v30 =	vmul.f32 $2.771281240e+01, v59;
	[tilespmem:s28+$0x6630] =	vst v26  }
0x380: {  	v49 =	vld [tilespmem:s28+$0x6A70];
	v29 =	vadd.f32 v38, v29;
	v31 =	vmul.f32 $2.771281240e+01, v60;
	[tilespmem:s28+$0x6640] =	vst v27  }
0x381: {  	v56 =	vld [tilespmem:s28+$0x6E60];
	v32 =	vmul.f32 $2.771281240e+01, v61;
	[tilespmem:s28+$0x6650] =	vst v28;
	v30 =	vadd.f32 v39, v30  }
0x382: {  	v36 =	vld [tilespmem:s28+$0x6A40];
	v60 =	vmul.f32 $2.771281240e+01, v55;
	[tilespmem:s28+$0x6660] =	vst v29;
	v31 =	vadd.f32 v40, v31  }
0x383: {  	v37 =	vld [tilespmem:s28+$0x6A50];
	v24 =	vmul.f32 $2.771281240e+01, v24;
	v32 =	vadd.f32 v41, v32;
	[tilespmem:s28+$0x6670] =	vst v30  }
0x384: {  	v62 =	vld [tilespmem:s28+$0x6A20];
	v25 =	vmul.f32 $2.771281240e+01, v25;
	v19 =	vadd.f32 v19, v60;
	[tilespmem:s28+$0x6A00] =	vst v31  }
0x385: {  	v63 =	vld [tilespmem:s28+$0x6A30];
	v29 =	vmul.f32 $2.771281240e+01, v49;
	v24 =	vadd.f32 v33, v24;
	[tilespmem:s28+$0x6A10] =	vst v32  }
0x386: {  	v51 =	vld [tilespmem:s28+$0x6E10];
	v61 =	vmul.f32 $2.771281240e+01, v56;
	v25 =	vadd.f32 v34, v25;
	[tilespmem:s28+$0x6E50] =	vst v19  }
0x387: {  	v52 =	vld [tilespmem:s28+$0x6E20];
	v26 =	vmul.f32 $2.771281240e+01, v36;
	v29 =	vadd.f32 v47, v29;
	[tilespmem:s28+$0x6610] =	vst v24  }
0x388: {  	v53 =	vld [tilespmem:s28+$0x6E30];
	v27 =	vmul.f32 $2.771281240e+01, v37;
	v18 =	vadd.f32 v18, v61;
	[tilespmem:s28+$0x6620] =	vst v25  }
0x389: {  	v50 =	vld [tilespmem:s28+$0x6E00];
	v24 =	vmul.f32 $2.771281240e+01, v62;
	v26 =	vadd.f32 v44, v26;
	[tilespmem:s28+$0x6A70] =	vst v29  }
0x38a: {  	v38 =	vld [tilespmem:s28+$0x6A60];
	v25 =	vmul.f32 $2.771281240e+01, v63;
	v27 =	vadd.f32 v45, v27;
	[tilespmem:s28+$0x6E60] =	vst v18  }
0x38b: {  	v57 =	vld [tilespmem:s28+$0x6E70];
	v31 =	vmul.f32 $2.771281240e+01, v51;
	v24 =	vadd.f32 v42, v24;
	[tilespmem:s28+$0x6A40] =	vst v26  }
0x38c: {  	v58 =	vld [tilespmem:s28+$0x7200];
	v32 =	vmul.f32 $2.771281240e+01, v52;
	v25 =	vadd.f32 v43, v25;
	[tilespmem:s28+$0x6A50] =	vst v27  }
0x38d: {  	v59 =	vld [tilespmem:s28+$0x7210];
	v23 =	vadd.f32 v23, v31;
	[tilespmem:s28+$0x6A20] =	vst v24;
	v24 =	vmul.f32 $2.771281240e+01, v53  }
0x38e: {  	v3 =	vld [tilespmem:s28+$0xD650];
	v22 =	vadd.f32 v22, v32;
	[tilespmem:s28+$0x6A30] =	vst v25;
	v25 =	vmul.f32 $2.771281240e+01, v54  }
0x38f: {  	v28 =	vmul.f32 $2.771281240e+01, v38;
	[tilespmem:s28+$0x6E10] =	vst v23;
	v23 =	vld [tilespmem:s28+$0x7220];
	v21 =	vadd.f32 v21, v24  }
0x390: {  	v30 =	vmul.f32 $2.771281240e+01, v50;
	[tilespmem:s28+$0x6E20] =	vst v22;
	v22 =	vld [tilespmem:s28+$0x7230];
	v20 =	vadd.f32 v20, v25  }
0x391: {  	v19 =	vmul.f32 $2.771281240e+01, v58;
	v28 =	vadd.f32 v46, v28;
	[tilespmem:s28+$0x6E30] =	vst v21;
	v21 =	vld [tilespmem:s28+$0x7240]  }
0x392: {  	v30 =	vadd.f32 v48, v30;
	v62 =	vmul.f32 $2.771281240e+01, v57;
	v18 =	vmul.f32 $2.771281240e+01, v59;
	[tilespmem:s28+$0x6E40] =	vst v20;
	v20 =	vld [tilespmem:s28+$0x7250]  }
0x393: {  	v63 =	vld [tilespmem:s28+$0x7260];
	v19 =	vadd.f32 v16, v19;
	[tilespmem:s28+$0x6A60] =	vst v28  }
0x394: {  	[tilespmem:s28+$0x6E00] =	vst v30;
	v18 =	vadd.f32 v15, v18;
	v24 =	vadd.f32 v17, v62;
	v17 =	vld [tilespmem:s28+$0x7270];
	v23 =	vmul.f32 $2.771281240e+01, v23  }
0x395: {  	v16 =	vld [tilespmem:s28+$0x7600];
	[tilespmem:s28+$0x7200] =	vst v19;
	v19 =	vmul.f32 $2.771281240e+01, v22  }
0x396: {  	v15 =	vld [tilespmem:s28+$0x7610];
	[tilespmem:s28+$0x7210] =	vst v18;
	v22 =	vadd.f32 v14, v23;
	v21 =	vmul.f32 $2.771281240e+01, v21  }
0x397: {  	[tilespmem:s28+$0x6E70] =	vst v24;
	v14 =	vld [tilespmem:s28+$0x7620];
	v18 =	vadd.f32 v13, v19;
	v19 =	vmul.f32 $2.771281240e+01, v20  }
0x398: {  	s30 =	simm.s32 $0x1;
	v13 =	vmul.f32 $2.771281240e+01, v63;
	[tilespmem:s28+$0x7220] =	vst v22;
	v20 =	vadd.f32 v12, v21;
	v12 =	vld [tilespmem:s28+$0x7630]  }
.LBB2_9:
0x399: {  	p0 =	sne.s32 s30, $0x1F;
	[tilespmem:s28+$0x7230] =	vst v18;
	v11 =	vadd.f32 v11, v19;
	v17 =	vmul.f32 $2.771281240e+01, v17;
	v18 =	vld [tilespmem:s28+$0x7640]  }
0x39a: {  	[tilespmem:s28+$0x7240] =	vst v20;
	v10 =	vadd.f32 v10, v13;
	v13 =	vmul.f32 $2.771281240e+01, v16;
	v16 =	vld [tilespmem:s28+$0x7650]  }
0x39b: {  	s0 =	sshrl.u32 s30, $0x3;
	[tilespmem:s28+$0x7250] =	vst v11;
	v9 =	vadd.f32 v9, v17;
	v11 =	vmul.f32 $2.771281240e+01, v15;
	v15 =	vld [tilespmem:s28+$0x7660]  }
0x39c: {  	s29 =	sadd.s32 $0x80, s29;
	s0 =	smul.u32 $0x1800, s0;
	[tilespmem:s28+$0x7260] =	vst v10;
	v8 =	vadd.f32 v8, v13;
	v10 =	vmul.f32 $2.771281240e+01, v14;
	v13 =	vld [tilespmem:s28+$0x7670]  }
0x39d: {  	s2 =	sand.u32 $0x380, s29;
	[tilespmem:s28+$0x7270] =	vst v9;
	v7 =	vadd.f32 v7, v11;
	v9 =	vmul.f32 $2.771281240e+01, v12;
	v11 =	vld [tilespmem:s28+$0xD660]  }
0x39e: {  	s0 =	sor.u32 s2, s0;
	[tilespmem:s28+$0x7600] =	vst v8;
	v6 =	vadd.f32 v6, v10;
	v8 =	vmul.f32 $2.771281240e+01, v18;
	v10 =	vld [tilespmem:s28+$0xD670]  }
0x39f: {  	v41 =	vld [tilespmem:s0+$0xC200];
	[tilespmem:s28+$0x7610] =	vst v7;
	v5 =	vadd.f32 v5, v9;
	v7 =	vmul.f32 $2.771281240e+01, v16  }
0x3a0: {  	v42 =	vld [tilespmem:s0+$0xC210];
	[tilespmem:s28+$0x7620] =	vst v6;
	v4 =	vadd.f32 v4, v8;
	v6 =	vmul.f32 $2.771281240e+01, v15  }
0x3a1: {  	v43 =	vld [tilespmem:s0+$0xC220];
	[tilespmem:s28+$0x7630] =	vst v5;
	v3 =	vadd.f32 v3, v7;
	v5 =	vmul.f32 $2.771281240e+01, v13  }
0x3a2: {  	v44 =	vld [tilespmem:s0+$0xC230];
	[tilespmem:s28+$0x7640] =	vst v4;
	v4 =	vadd.f32 v11, v6  }
0x3a3: {  	v45 =	vld [tilespmem:s0+$0xC240];
	[tilespmem:s28+$0x7650] =	vst v3;
	v3 =	vadd.f32 v10, v5  }
0x3a4: {  	v46 =	vld [tilespmem:s0+$0xC250];
	[tilespmem:s28+$0x7660] =	vst v4  }
0x3a5: {  	v47 =	vld [tilespmem:s0+$0xC260];
	[tilespmem:s28+$0x7670] =	vst v3;
	s28 =	smov.u32 s0  }
0x3a6: {  	v48 =	vld [tilespmem:s28+$0xC270]  }
0x3a7: {  	v40 =	vld [tilespmem:s28+$0xC600]  }
0x3a8: {  	v39 =	vld [tilespmem:s28+$0xC610]  }
0x3a9: {  	v38 =	vld [tilespmem:s28+$0xC620]  }
0x3aa: {  	v37 =	vld [tilespmem:s28+$0xC630]  }
0x3ab: {  	v36 =	vld [tilespmem:s28+$0xC640]  }
0x3ac: {  	v35 =	vld [tilespmem:s28+$0xC650]  }
0x3ad: {  	v34 =	vld [tilespmem:s28+$0xC660]  }
0x3ae: {  	v33 =	vld [tilespmem:s28+$0xC670]  }
0x3af: {  	v32 =	vld [tilespmem:s28+$0xCA00]  }
0x3b0: {  	v31 =	vld [tilespmem:s28+$0xCA10]  }
0x3b1: {  	v30 =	vld [tilespmem:s28+$0xCA20]  }
0x3b2: {  	v29 =	vld [tilespmem:s28+$0xCA30]  }
0x3b3: {  	v28 =	vld [tilespmem:s28+$0xCA40]  }
0x3b4: {  	v27 =	vld [tilespmem:s28+$0xCA50]  }
0x3b5: {  	v26 =	vld [tilespmem:s28+$0xCA60]  }
0x3b6: {  	v25 =	vld [tilespmem:s28+$0xCA70]  }
0x3b7: {  	v24 =	vld [tilespmem:s28+$0xCE00]  }
0x3b8: {  	v23 =	vld [tilespmem:s28+$0xCE10]  }
0x3b9: {  	v22 =	vld [tilespmem:s28+$0xCE20]  }
0x3ba: {  	v21 =	vld [tilespmem:s28+$0xCE30]  }
0x3bb: {  	v20 =	vld [tilespmem:s28+$0xCE40]  }
0x3bc: {  	v19 =	vld [tilespmem:s28+$0xCE50]  }
0x3bd: {  	v18 =	vld [tilespmem:s28+$0xCE60]  }
0x3be: {  	v17 =	vld [tilespmem:s28+$0xCE70]  }
0x3bf: {  	v16 =	vld [tilespmem:s28+$0xD200]  }
0x3c0: {  	v15 =	vld [tilespmem:s28+$0xD210]  }
0x3c1: {  	v14 =	vld [tilespmem:s28+$0xD220]  }
0x3c2: {  	v13 =	vld [tilespmem:s28+$0xD230]  }
0x3c3: {  	v12 =	vld [tilespmem:s28+$0xD240]  }
0x3c4: {  	v11 =	vld [tilespmem:s28+$0xD250]  }
0x3c5: {  	v10 =	vld [tilespmem:s28+$0xD260]  }
0x3c6: {  	v9 =	vld [tilespmem:s28+$0xD270]  }
0x3c7: {  	v8 =	vld [tilespmem:s28+$0xD600]  }
0x3c8: {  	v7 =	vld [tilespmem:s28+$0xD610]  }
0x3c9: {  	v6 =	vld [tilespmem:s28+$0xD620]  }
0x3ca: {  	v5 =	vld [tilespmem:s28+$0xD630]  }
0x3cb: {  	v4 =	vld [tilespmem:s28+$0xD640]  }
0x3cc: {  	v3 =	vld [tilespmem:s28+$0xD650]  }
0x3cd: {  	v49 =	vld [tilespmem:s28+$0x6200]  }
0x3ce: {  	v50 =	vld [tilespmem:s28+$0x6210]  }
0x3cf: {  	v51 =	vld [tilespmem:s28+$0x6220]  }
0x3d0: {  	v52 =	vld [tilespmem:s28+$0x6230]  }
0x3d1: {  	v53 =	vld [tilespmem:s28+$0x6240]  }
0x3d2: {  	v49 =	vmul.f32 $2.771281240e+01, v49;
	v54 =	vld [tilespmem:s28+$0x6250]  }
0x3d3: {  	v50 =	vmul.f32 $2.771281240e+01, v50;
	v55 =	vld [tilespmem:s28+$0x6260]  }
0x3d4: {  	v41 =	vadd.f32 v41, v49;
	v49 =	vmul.f32 $2.771281240e+01, v51;
	v51 =	vld [tilespmem:s28+$0x6270]  }
0x3d5: {  	v42 =	vadd.f32 v42, v50;
	v50 =	vmul.f32 $2.771281240e+01, v52;
	v52 =	vld [tilespmem:s28+$0x6600]  }
0x3d6: {  	[tilespmem:s28+$0x6200] =	vst v41;
	v41 =	vadd.f32 v43, v49;
	v43 =	vmul.f32 $2.771281240e+01, v53;
	v49 =	vld [tilespmem:s28+$0x6610]  }
0x3d7: {  	[tilespmem:s28+$0x6210] =	vst v42;
	v42 =	vadd.f32 v44, v50;
	v44 =	vmul.f32 $2.771281240e+01, v54;
	v50 =	vld [tilespmem:s28+$0x6620]  }
0x3d8: {  	[tilespmem:s28+$0x6220] =	vst v41;
	v41 =	vadd.f32 v45, v43;
	v43 =	vmul.f32 $2.771281240e+01, v55;
	v45 =	vld [tilespmem:s28+$0x6630]  }
0x3d9: {  	[tilespmem:s28+$0x6230] =	vst v42;
	v42 =	vadd.f32 v46, v44;
	v44 =	vmul.f32 $2.771281240e+01, v51;
	v46 =	vld [tilespmem:s28+$0x6640]  }
0x3da: {  	[tilespmem:s28+$0x6240] =	vst v41;
	v41 =	vadd.f32 v47, v43;
	v43 =	vmul.f32 $2.771281240e+01, v52;
	v47 =	vld [tilespmem:s28+$0x6650]  }
0x3db: {  	[tilespmem:s28+$0x6250] =	vst v42;
	v42 =	vadd.f32 v48, v44;
	v44 =	vmul.f32 $2.771281240e+01, v49;
	v48 =	vld [tilespmem:s28+$0x6660]  }
0x3dc: {  	[tilespmem:s28+$0x6260] =	vst v41;
	v40 =	vadd.f32 v40, v43;
	v41 =	vmul.f32 $2.771281240e+01, v50;
	v43 =	vld [tilespmem:s28+$0x6670]  }
0x3dd: {  	[tilespmem:s28+$0x6270] =	vst v42;
	v39 =	vadd.f32 v39, v44;
	v42 =	vmul.f32 $2.771281240e+01, v45;
	v44 =	vld [tilespmem:s28+$0x6A00]  }
0x3de: {  	[tilespmem:s28+$0x6600] =	vst v40;
	v38 =	vadd.f32 v38, v41;
	v40 =	vmul.f32 $2.771281240e+01, v46;
	v41 =	vld [tilespmem:s28+$0x6A10]  }
0x3df: {  	[tilespmem:s28+$0x6610] =	vst v39;
	v37 =	vadd.f32 v37, v42;
	v39 =	vmul.f32 $2.771281240e+01, v47;
	v42 =	vld [tilespmem:s28+$0x6A20]  }
0x3e0: {  	[tilespmem:s28+$0x6620] =	vst v38;
	v36 =	vadd.f32 v36, v40;
	v38 =	vmul.f32 $2.771281240e+01, v48;
	v40 =	vld [tilespmem:s28+$0x6A30]  }
0x3e1: {  	[tilespmem:s28+$0x6630] =	vst v37;
	v35 =	vadd.f32 v35, v39;
	v37 =	vmul.f32 $2.771281240e+01, v43;
	v39 =	vld [tilespmem:s28+$0x6A40]  }
0x3e2: {  	[tilespmem:s28+$0x6640] =	vst v36;
	v34 =	vadd.f32 v34, v38;
	v36 =	vmul.f32 $2.771281240e+01, v44;
	v38 =	vld [tilespmem:s28+$0x6A50]  }
0x3e3: {  	[tilespmem:s28+$0x6650] =	vst v35;
	v33 =	vadd.f32 v33, v37;
	v35 =	vmul.f32 $2.771281240e+01, v41;
	v37 =	vld [tilespmem:s28+$0x6A60]  }
0x3e4: {  	[tilespmem:s28+$0x6660] =	vst v34;
	v32 =	vadd.f32 v32, v36;
	v34 =	vmul.f32 $2.771281240e+01, v42;
	v36 =	vld [tilespmem:s28+$0x6A70]  }
0x3e5: {  	[tilespmem:s28+$0x6670] =	vst v33;
	v31 =	vadd.f32 v31, v35;
	v33 =	vmul.f32 $2.771281240e+01, v40;
	v35 =	vld [tilespmem:s28+$0x6E00]  }
0x3e6: {  	[tilespmem:s28+$0x6A00] =	vst v32;
	v30 =	vadd.f32 v30, v34;
	v32 =	vmul.f32 $2.771281240e+01, v39;
	v34 =	vld [tilespmem:s28+$0x6E10]  }
0x3e7: {  	[tilespmem:s28+$0x6A10] =	vst v31;
	v29 =	vadd.f32 v29, v33;
	v31 =	vmul.f32 $2.771281240e+01, v38;
	v33 =	vld [tilespmem:s28+$0x6E20]  }
0x3e8: {  	[tilespmem:s28+$0x6A20] =	vst v30;
	v28 =	vadd.f32 v28, v32;
	v30 =	vmul.f32 $2.771281240e+01, v37;
	v32 =	vld [tilespmem:s28+$0x6E30]  }
0x3e9: {  	[tilespmem:s28+$0x6A30] =	vst v29;
	v27 =	vadd.f32 v27, v31;
	v29 =	vmul.f32 $2.771281240e+01, v36;
	v31 =	vld [tilespmem:s28+$0x6E40]  }
0x3ea: {  	[tilespmem:s28+$0x6A40] =	vst v28;
	v26 =	vadd.f32 v26, v30;
	v28 =	vmul.f32 $2.771281240e+01, v35;
	v30 =	vld [tilespmem:s28+$0x6E50]  }
0x3eb: {  	[tilespmem:s28+$0x6A50] =	vst v27;
	v25 =	vadd.f32 v25, v29;
	v27 =	vmul.f32 $2.771281240e+01, v34;
	v29 =	vld [tilespmem:s28+$0x6E60]  }
0x3ec: {  	[tilespmem:s28+$0x6A60] =	vst v26;
	v24 =	vadd.f32 v24, v28;
	v26 =	vmul.f32 $2.771281240e+01, v33;
	v28 =	vld [tilespmem:s28+$0x6E70]  }
0x3ed: {  	[tilespmem:s28+$0x6A70] =	vst v25;
	v23 =	vadd.f32 v23, v27;
	v25 =	vmul.f32 $2.771281240e+01, v32;
	v27 =	vld [tilespmem:s28+$0x7200]  }
0x3ee: {  	[tilespmem:s28+$0x6E00] =	vst v24;
	v22 =	vadd.f32 v22, v26;
	v24 =	vmul.f32 $2.771281240e+01, v31;
	v26 =	vld [tilespmem:s28+$0x7210]  }
0x3ef: {  	[tilespmem:s28+$0x6E10] =	vst v23;
	v21 =	vadd.f32 v21, v25;
	v23 =	vmul.f32 $2.771281240e+01, v30;
	v25 =	vld [tilespmem:s28+$0x7220]  }
0x3f0: {  	[tilespmem:s28+$0x6E20] =	vst v22;
	v20 =	vadd.f32 v20, v24;
	v22 =	vmul.f32 $2.771281240e+01, v29;
	v24 =	vld [tilespmem:s28+$0x7230]  }
0x3f1: {  	[tilespmem:s28+$0x6E30] =	vst v21;
	v19 =	vadd.f32 v19, v23;
	v21 =	vmul.f32 $2.771281240e+01, v28;
	v23 =	vld [tilespmem:s28+$0x7240]  }
0x3f2: {  	[tilespmem:s28+$0x6E40] =	vst v20;
	v18 =	vadd.f32 v18, v22;
	v20 =	vmul.f32 $2.771281240e+01, v27;
	v22 =	vld [tilespmem:s28+$0x7250]  }
0x3f3: {  	[tilespmem:s28+$0x6E50] =	vst v19;
	v19 =	vadd.f32 v17, v21;
	v21 =	vmul.f32 $2.771281240e+01, v26;
	v26 =	vld [tilespmem:s28+$0x7260]  }
.Ltmp3:
0x3f4: {  	[tilespmem:s28+$0x6E60] =	vst v18;
	v18 =	vadd.f32 v16, v20;
	v20 =	vmul.f32 $2.771281240e+01, v25;
	v17 =	vld [tilespmem:s28+$0x7270];
	(pc) =	sbr.rel @p0 .LBB2_9-.Ltmp3, $4  }
0x3f5: {  	[tilespmem:s28+$0x6E70] =	vst v19;
	v19 =	vadd.f32 v15, v21;
	v21 =	vmul.f32 $2.771281240e+01, v24;
	v16 =	vld [tilespmem:s28+$0x7600]  }
0x3f6: {  	[tilespmem:s28+$0x7200] =	vst v18;
	v20 =	vadd.f32 v14, v20;
	v23 =	vmul.f32 $2.771281240e+01, v23;
	v15 =	vld [tilespmem:s28+$0x7610]  }
0x3f7: {  	[tilespmem:s28+$0x7210] =	vst v19;
	v18 =	vadd.f32 v13, v21;
	v19 =	vmul.f32 $2.771281240e+01, v22;
	v14 =	vld [tilespmem:s28+$0x7620]  }
0x3f8: {  	s30 =	sadd.s32 $0x1, s30;
	[tilespmem:s28+$0x7220] =	vst v20;
	v20 =	vadd.f32 v12, v23;
	v13 =	vmul.f32 $2.771281240e+01, v26;
	v12 =	vld [tilespmem:s28+$0x7630]  }
0x3f9: {  	[tilespmem:s28+$0x7230] =	vst v18;
	v51 =	vld [tilespmem:s28+$0x7640];
	v11 =	vadd.f32 v11, v19;
	v17 =	vmul.f32 $2.771281240e+01, v17  }
0x3fa: {  	v52 =	vld [tilespmem:s28+$0x7650];
	[tilespmem:s28+$0x7240] =	vst v20;
	v10 =	vadd.f32 v10, v13;
	v54 =	vmul.f32 $2.771281240e+01, v16  }
0x3fb: {  	v53 =	vld [tilespmem:s28+$0x7660];
	[tilespmem:s28+$0x7250] =	vst v11;
	v9 =	vadd.f32 v9, v17;
	v15 =	vmul.f32 $2.771281240e+01, v15  }
0x3fc: {  	v55 =	vld [tilespmem:s28+$0x7670];
	[tilespmem:s28+$0x7260] =	vst v10;
	v8 =	vadd.f32 v8, v54;
	v56 =	vmul.f32 $2.771281240e+01, v14  }
0x3fd: {  	v57 =	vld [tilespmem:s28+$0xD660];
	[tilespmem:s28+$0x7270] =	vst v9;
	v7 =	vadd.f32 v7, v15;
	v12 =	vmul.f32 $2.771281240e+01, v12  }
0x3fe: {  	v59 =	vld [tilespmem:s28+$0xD670];
	[tilespmem:s28+$0x7600] =	vst v8;
	v6 =	vadd.f32 v6, v56;
	v58 =	vmul.f32 $2.771281240e+01, v51  }
0x3ff: {  	v60 =	vmul.f32 $2.771281240e+01, v52;
	[tilespmem:s28+$0x7610] =	vst v7;
	v5 =	vadd.f32 v5, v12  }
0x400: {  	s25 =	sadd.s32 $0x1, s25;
	v61 =	vmul.f32 $2.771281240e+01, v53;
	[tilespmem:s28+$0x7620] =	vst v6;
	v4 =	vadd.f32 v4, v58  }
0x401: {  	s0 =	sor.u32 s7, s26;
	p0 =	sne.s32 s25, $0x4;
	v62 =	vmul.f32 $2.771281240e+01, v55;
	v3 =	vadd.f32 v3, v60;
	[tilespmem:s28+$0x7630] =	vst v5  }
.Ltmp4:
0x402: {  	s0 =	sshrl.u32 s0, $0x3;
	v63 =	vadd.f32 v57, v61;
	[tilespmem:s28+$0x7640] =	vst v4;
	(pc) =	sbr.rel @p0 .LBB2_2-.Ltmp4, $4  }
0x403: {  	s0 =	smul.u32 $0x300, s0;
	[tilespmem:s28+$0x7650] =	vst v3;
	v3 =	vadd.f32 v59, v62  }
0x404: {  	[tilespmem:s28+$0x7660] =	vst v63  }
0x405: {  	s0 =	sadd.s32 s3, s0;
	[tilespmem:s28+$0x7670] =	vst v3  }
0x406: {  	[hbm4b:s0+s4] =	stream.linear.scatter [tilespmem:s20], [sflag:$0x3], $0x6000, $0x38;
	[tilespmem:$0x12200] =	vst v63  }
0x407: {  	_ =	swait.ge [sflag:s23], $0x6000  }
0x408: {  	[sflag:s23] =	ssyncset.done $0x0  }
0x409: {  	[sflag:s23] =	ssyncadd.s32 $0xFFFFA000  }
0x40a: {  	_ =	swait.ge [sflag:s24], $0x6000  }
0x40b: {  	s2 =	rddreg [dreg:$0xc]  }
0x40c: {  	s0 =	rddreg [dreg:$0xb];
	s2 =	sadd.s32 $0x1, s2  }
0x40d: {  	p0 =	sne.s32 s2, s0  }
.Ltmp5:
0x40e: {  	_ = 	snop;
	(pc) =	sbr.rel @p0 .LBB2_1-.Ltmp5, $3  }
0x40f: {  	_ =	sdelay $0x1  }
0x410: {  	[sflag:s24] =	ssyncset.done $0x0  }
0x411: {  	[sflag:s24] =	ssyncadd.s32 $0xFFFFA000  }
0x412: {  	_ =	sfence.sel $0x180000  }
0x413: {  	[bflag:$0x0] =	sbarrier.arrive $0xFFFF  }
0x414: {  	_ =	strace $0x90000047  }
0x415: {  	s0 =	stileid.u32;
	[bflag:$0x2] =	sbarrier.arrive $0xFFFF  }
0x416: {  	p0 =	sne.s32 s0, $0x0;
	s0 =	rddreg [dreg:$0x3]  }
0x417: {  	s0 =	sadd.s32 @!p0 $0x100000, s0  }
0x418: {  	[sflag:s0] =	ssyncadd.tile.s32 @!p0 $0x1;
	_ =	shalt  }
.Lfunc_end2:
_tile_overlayer_lowered:
.L_overlay_start_2:
0x419: {  	(tag) =	ssettag $0x2  }
0x41a: {  	s0 =	rddreg [dreg:$0x0];
	s2 =	stileid.u32  }
0x41b: {  	s1 =	rddreg [dreg:$0x1];
	p0 =	sne.s32 s2, $0x0  }
0x41c: {  	s3 =	rddreg [dreg:$0x2];
	[bflag:$0x3] =	sbarrier.arrive $0xFFFF;
	s2 =	simm.s32 @!p0 $0x1C04  }
0x41d: {  	[timem:s3], [sflag:s2] =	dma.local @!p0 [hbm:s0], s1  }
0x41e: {  	s0 =	simm.s32 @!p0 $0x4  }
0x41f: {  	_ =	swait.ge @!p0 [sflag:s0], s1  }
0x420: {  	s1 =	ssub.s32 @!p0 $0x0, s1;
	[sflag:s0] =	ssyncset.done @!p0 $0x0  }
0x421: {  	[sflag:s0] =	ssyncadd.s32 @!p0 s1  }
0x422: {  	[bflag:$0x3] =	sbarrier.arrive $0xFFFF  }
0x423: {  	_ =	shalt  }

</sc_bundles>
